<compile_context>
chip_gen: v7x
topology: tpu7x:2x2x1
jax: 0.10.2.dev20260603
libtpu: 0.0.44.dev20260713+nightly
codegen_flags: <defaults>
</compile_context>

<pallas_src>
import functools
import math

import jax
import jax.numpy as jnp
from jax import lax
from jax.experimental import pallas as pl
from jax.experimental.pallas import tpu as pltpu
from jax.experimental.pallas import tpu_sc as plsc

_SPARSITY = 0.9
_NC = 2
_NS = 16
_NW = _NC * _NS
_LANES = 16
_ABS_MASK = 0x7FFFFFFF


def _make(n_rows, row_len, r_chunk, unroll=16, interpret=False):
  assert n_rows % (_NW * r_chunk) == 0
  assert row_len % (2 * _LANES * unroll) == 0
  rows_per_w = n_rows // _NW
  n_chunks = rows_per_w // r_chunk
  n_sparse = math.floor((1.0 - _SPARSITY) * row_len)
  k_rank = row_len - n_sparse - 1
  vregs_per_row = row_len // _LANES
  hvregs_per_row = row_len // (2 * _LANES)
  chunk_elems = r_chunk * row_len

  mesh = plsc.VectorSubcoreMesh(
      core_axis_name="c", subcore_axis_name="s",
      num_cores=_NC, num_subcores=_NS)

  @functools.partial(
      pl.kernel,
      out_type=jax.ShapeDtypeStruct((n_rows,), jnp.int32),
      mesh=mesh,
      scratch_types=[
          pltpu.VMEM((chunk_elems,), jnp.float32),
          pltpu.VMEM((chunk_elems,), jnp.float32),
          pltpu.VMEM((chunk_elems // 2,), jnp.int32),
          pltpu.VMEM((r_chunk + _LANES,), jnp.int32),
          pltpu.SemaphoreType.DMA,
          pltpu.SemaphoreType.DMA,
      ],
      compiler_params=pltpu.CompilerParams(needs_layout_passes=False),
      interpret=interpret,
  )
  def sc_kernel(x_hbm, t_hbm, xbuf0, xbuf1, hbuf, thrbuf, sem0, sem1):
    wid = lax.axis_index("s") * _NC + lax.axis_index("c")
    wbase = wid * rows_per_w * row_len
    kv = jnp.full((_LANES,), k_rank, jnp.int32)
    ones_v = jnp.full((_LANES,), 1, jnp.int32)
    lane0 = lax.iota(jnp.int32, _LANES) == 0
    xbufs = (xbuf0, xbuf1)
    sems = (sem0, sem1)

    def in_slice(ci):
      return x_hbm.at[pl.ds(wbase + ci * chunk_elems, chunk_elems)]

    pltpu.async_copy(in_slice(0), xbufs[0], sems[0])
    pltpu.async_copy(in_slice(1), xbufs[1], sems[1])

    def process_chunk(ci, xbuf):
      def pk_body(j, _):
        for u in range(unroll // 2):
          o2 = (j * (unroll // 2) + u) * 2 * _LANES
          a0 = (plsc.bitcast(xbuf[pl.ds(o2, _LANES)], jnp.int32)
                & _ABS_MASK) >> 16
          a1 = (plsc.bitcast(xbuf[pl.ds(o2 + _LANES, _LANES)], jnp.int32)
                & _ABS_MASK) >> 16
          packed = plsc.pack(
              a0, a1, format=plsc.PackFormat.INTERLEAVED,
              preferred_element_type=jnp.int16)
          hbuf[pl.ds(o2 // 2, _LANES)] = plsc.bitcast(packed, jnp.int32)
        return 0
      lax.fori_loop(0, chunk_elems // (_LANES * unroll), pk_body, 0,
                    unroll=False)

      def row_body(r, _):
        rbase = r * row_len

        def hcount(cand_v):
          c16 = plsc.pack(cand_v, cand_v,
                          format=plsc.PackFormat.INTERLEAVED,
                          preferred_element_type=jnp.int16)

          def cnt_body(j, acc):
            for u in range(unroll):
              v = hbuf[pl.ds(rbase // 2 + (j * unroll + u) * _LANES,
                             _LANES)]
              m = plsc.bitcast(v, jnp.int16) < c16
              acc = acc + plsc.all_reduce_population_count(m, reduce=2)
            return acc
          return lax.fori_loop(0, hvregs_per_row // unroll, cnt_body,
                               jnp.zeros((_LANES,), jnp.int32),
                               unroll=False)

        def hbit_body(i, res_h):
          cand = res_h | jnp.left_shift(ones_v, 14 - i)
          return jnp.where(hcount(cand) <= kv, cand, res_h)
        res_h = lax.fori_loop(0, 15, hbit_body,
                              jnp.zeros((_LANES,), jnp.int32),
                              unroll=False)

        hv = res_h

        def lp_body(j, c0acc):
          for u in range(unroll // 2):
            o2 = rbase + (j * (unroll // 2) + u) * 2 * _LANES

            def masked_lo(a):
              hi = a >> 16
              lo = (a & 0xFFFF) ^ 0x8000
              return hi, jnp.where(hi == hv, lo, 0x7FFF)
            hi0, lo0 = masked_lo(
                plsc.bitcast(xbuf[pl.ds(o2, _LANES)], jnp.int32)
                & _ABS_MASK)
            hi1, lo1 = masked_lo(
                plsc.bitcast(xbuf[pl.ds(o2 + _LANES, _LANES)], jnp.int32)
                & _ABS_MASK)
            c0acc = c0acc + plsc.all_reduce_population_count(hi0 < hv)
            c0acc = c0acc + plsc.all_reduce_population_count(hi1 < hv)
            packed = plsc.pack(lo0, lo1,
                               format=plsc.PackFormat.INTERLEAVED,
                               preferred_element_type=jnp.int16)
            hbuf[pl.ds(o2 // 2, _LANES)] = plsc.bitcast(packed, jnp.int32)
          return c0acc
        c0v = lax.fori_loop(0, vregs_per_row // unroll, lp_body,
                            jnp.zeros((_LANES,), jnp.int32),
                            unroll=False)

        def lbit_body(i, res):
          cand = res | jnp.left_shift(ones_v, 15 - i)
          cnt = hcount((cand ^ 0x8000) & 0xFFFF)
          return jnp.where(c0v + cnt <= kv, cand, res)
        res_l = lax.fori_loop(0, 16, lbit_body,
                              jnp.zeros((_LANES,), jnp.int32),
                              unroll=False)
        res = (hv << 16) | res_l

        plsc.store_compressed(thrbuf.at[pl.ds(r, _LANES)], res,
                              mask=lane0)
        return 0

      lax.fori_loop(0, r_chunk, row_body, 0, unroll=False)
      trow = wid * rows_per_w + ci * r_chunk
      pltpu.sync_copy(thrbuf.at[pl.ds(0, r_chunk)],
                      t_hbm.at[pl.ds(trow, r_chunk)])

    def chunk_pair(cp, _):
      for b in range(2):
        ci = cp * 2 + b
        pltpu.make_async_copy(in_slice(ci), xbufs[b], sems[b]).wait()
        process_chunk(ci, xbufs[b])
        ci2 = jnp.minimum(ci + 2, n_chunks - 1)
        pltpu.async_copy(in_slice(ci2), xbufs[b], sems[b])
      return 0

    lax.fori_loop(0, n_chunks // 2, chunk_pair, 0, unroll=False)
    for b in range(2):
      pltpu.make_async_copy(in_slice(0), xbufs[b], sems[b]).wait()

  return sc_kernel


def _tc_mask_kernel(x_ref, t_ref, o_ref):
  xv = x_ref[...]
  xb = lax.bitcast_convert_type(xv, jnp.int32)
  o_ref[...] = jnp.where((xb & _ABS_MASK) >= t_ref[...], xv,
                         jnp.float32(0))


def kernel(x):
  shape = x.shape
  row_len = shape[-1]
  n_rows = x.size // row_len
  sc_kernel = _make(n_rows, row_len, r_chunk=16)
  thr_bits = sc_kernel(x.reshape(-1))
  b, s = shape[0], shape[1]
  rb = 512
  out = pl.pallas_call(
      _tc_mask_kernel,
      out_shape=jax.ShapeDtypeStruct(shape, jnp.float32),
      grid=(b, s // rb),
      in_specs=[
          pl.BlockSpec((1, rb, row_len), lambda i, j: (i, j, 0)),
          pl.BlockSpec((1, rb, 1), lambda i, j: (i, j, 0)),
      ],
      out_specs=pl.BlockSpec((1, rb, row_len), lambda i, j: (i, j, 0)),
  )(x, thr_bits.reshape(b, s, 1))
  return out

# --- scband reference (transcript-rebuilt; emitter-appended) ---
"""Pipeline reference for scband-sparsifier-70944269795385 (READ-ONLY COPY).

The authoritative reference and input builder live on the scoring server;
editing this copy changes nothing except your own understanding.
"""

import math
import jax, jax.numpy as jnp
import numpy as np

SPARSITY = 0.9
DIM = (2,)
TWO_TAILED = True


def setup_inputs(seed: int = 0) -> dict:
    key = jax.random.key(seed)
    x = jax.random.normal(key, (4, 2048, 2048), dtype=jnp.float32)
    return {"x": x}


def reference(x):
    shape = x.shape
    # _compute_dims: length of sparsify dims, and sorted_shape
    length = 1
    for d in DIM:
        length *= shape[d]
    sorted_shape = tuple(s for i, s in enumerate(shape) if i not in DIM) + (length,)
    t = x
    if sorted_shape != shape:
        t = x.reshape(sorted_shape)
    # sort along last dim (ascending), two-tailed uses abs
    if TWO_TAILED:
        sorted_t = jnp.sort(jnp.abs(t), axis=-1)
    else:
        sorted_t = jnp.sort(t, axis=-1)
    n_sparse = math.floor((1.0 - SPARSITY) * length)
    index = sorted_t.shape[-1] - n_sparse - 1
    values = sorted_t[..., index]
    # unsqueeze until values has same ndim as x
    while values.ndim < x.ndim:
        values = values[..., None]
    if TWO_TAILED:
        mask = (jnp.abs(x) >= values).astype(x.dtype)
    else:
        mask = (x >= values).astype(x.dtype)
    return x * mask

if __name__ == "__main__":
    import jax
    _d = setup_inputs()
    print(jax.jit(kernel)(*tuple(_d.values())))

</pallas_src>

<mosaic_0001>
#map = affine_map<(d0, d1) -> (0)>
module attributes {stable_mosaic.version = 14 : i64} {
  func.func @sc_kernel(%arg0: i32, %arg1: i32, %arg2: memref<16777216xf32, #tpu.memory_space<hbm>>, %arg3: memref<8192xi32, #tpu.memory_space<hbm>>, %arg4: memref<32768xf32, #tpu.memory_space<vmem>>, %arg5: memref<32768xf32, #tpu.memory_space<vmem>>, %arg6: memref<16384xi32, #tpu.memory_space<vmem>>, %arg7: memref<32xi32, #tpu.memory_space<vmem>>, %arg8: memref<!tpu.dma_semaphore, #tpu.memory_space<semaphore_mem>>, %arg9: memref<!tpu.dma_semaphore, #tpu.memory_space<semaphore_mem>>) attributes {dimension_semantics = [#tpu.dimension_semantics<core_parallel>, #tpu.dimension_semantics<subcore_parallel>], iteration_bounds = array<i64: 2, 16>, scalar_prefetch = 0 : i64, scratch_operands = 6 : i64, tpu.core_type = #tpu.core_type<sc_vector_subcore>, window_params = [{transform_indices = #map}, {transform_indices = #map}]} {
    %mul3A = arith.constant 2 : i32
    %mul3A_0 = arith.muli %arg1, %mul3A : i32
    %add3A = arith.addi %mul3A_0, %arg0 : i32
    %mul3A_1 = arith.constant 256 : i32
    %mul3A_2 = arith.muli %add3A, %mul3A_1 : i32
    %mul3A_3 = arith.constant 2048 : i32
    %mul3A_4 = arith.muli %mul3A_2, %mul3A_3 : i32
    %broadcast_in_dim3A = arith.constant 1843 : i32
    %broadcast_in_dim3A_5 = vector.broadcast %broadcast_in_dim3A : i32 to vector<16xi32>
    %broadcast_in_dim3A_6 = arith.constant 1 : i32
    %broadcast_in_dim3A_7 = vector.broadcast %broadcast_in_dim3A_6 : i32 to vector<16xi32>
    %iota3A = tpu.iota {dimensions = array<i32: 0>} : vector<16xi32>
    %eq3A = arith.constant 0 : i32
    %eq3A_8 = vector.broadcast %eq3A : i32 to vector<16xi32>
    %eq3A_9 = arith.cmpi eq, %iota3A, %eq3A_8 : vector<16xi32>
    %add3A_10 = arith.constant 0 : i32
    %add3A_11 = arith.addi %mul3A_4, %add3A_10 : i32
    %dma_start3A = tpu.memref_slice %arg2[%add3A_11] : memref<16777216xf32, #tpu.memory_space<hbm>> -> memref<32768xf32, #tpu.memory_space<hbm>>
    %dma_start3A_12 = tpu.memref_slice %arg2[%add3A_11] : memref<16777216xf32, #tpu.memory_space<hbm>> -> memref<32768xf32, #tpu.memory_space<hbm>>
    tpu.enqueue_dma source(%dma_start3A_12 : memref<32768xf32, #tpu.memory_space<hbm>>) target(%arg4 : memref<32768xf32, #tpu.memory_space<vmem>>) target_semaphore(%arg8 : memref<!tpu.dma_semaphore, #tpu.memory_space<semaphore_mem>>)
    %add3A_13 = arith.constant 32768 : i32
    %add3A_14 = arith.addi %mul3A_4, %add3A_13 : i32
    %dma_start3A_15 = tpu.memref_slice %arg2[%add3A_14] : memref<16777216xf32, #tpu.memory_space<hbm>> -> memref<32768xf32, #tpu.memory_space<hbm>>
    %dma_start3A_16 = tpu.memref_slice %arg2[%add3A_14] : memref<16777216xf32, #tpu.memory_space<hbm>> -> memref<32768xf32, #tpu.memory_space<hbm>>
    tpu.enqueue_dma source(%dma_start3A_16 : memref<32768xf32, #tpu.memory_space<hbm>>) target(%arg5 : memref<32768xf32, #tpu.memory_space<vmem>>) target_semaphore(%arg9 : memref<!tpu.dma_semaphore, #tpu.memory_space<semaphore_mem>>)
    %scan3A = arith.constant 0 : i32
    %scan3A_17 = arith.constant 0 : i32
    %scan3A_18 = arith.constant 8 : i32
    %scan3A_19 = arith.addi %scan3A_17, %scan3A_18 : i32
    %scan3A_20 = arith.constant 1 : i32
    %scan3A_21 = scf.for %scan3A_30 = %scan3A_17 to %scan3A_19 step %scan3A_20 iter_args(%scan3A_31 = %scan3A) -> (i32)  : i32 {
      %mul3A_32 = arith.constant 2 : i32
      %mul3A_33 = arith.muli %scan3A_30, %mul3A_32 : i32
      %add3A_34 = arith.constant 0 : i32
      %add3A_35 = arith.addi %mul3A_33, %add3A_34 : i32
      %mul3A_36 = arith.constant 32768 : i32
      %mul3A_37 = arith.muli %add3A_35, %mul3A_36 : i32
      %add3A_38 = arith.addi %mul3A_4, %mul3A_37 : i32
      %dma_wait3A_39 = tpu.memref_slice %arg2[%add3A_38] : memref<16777216xf32, #tpu.memory_space<hbm>> -> memref<32768xf32, #tpu.memory_space<hbm>>
      %dma_wait3A_40 = tpu.memref_slice %arg2[%add3A_38] : memref<16777216xf32, #tpu.memory_space<hbm>> -> memref<32768xf32, #tpu.memory_space<hbm>>
      tpu.wait_dma2 semaphore(%arg8 : memref<!tpu.dma_semaphore, #tpu.memory_space<semaphore_mem>>) src(%dma_wait3A_40 : memref<32768xf32, #tpu.memory_space<hbm>>) dst(%arg4 : memref<32768xf32, #tpu.memory_space<vmem>>)
      %scan3A_41 = arith.constant 0 : i32
      %scan3A_42 = arith.constant 0 : i32
      %scan3A_43 = arith.constant 128 : i32
      %scan3A_44 = arith.addi %scan3A_42, %scan3A_43 : i32
      %scan3A_45 = arith.constant 1 : i32
      %scan3A_46 = scf.for %scan3A_106 = %scan3A_42 to %scan3A_44 step %scan3A_45 iter_args(%scan3A_107 = %scan3A_41) -> (i32)  : i32 {
        %mul3A_108 = arith.constant 8 : i32
        %mul3A_109 = arith.muli %scan3A_106, %mul3A_108 : i32
        %add3A_110 = arith.constant 0 : i32
        %add3A_111 = arith.addi %mul3A_109, %add3A_110 : i32
        %mul3A_112 = arith.constant 2 : i32
        %mul3A_113 = arith.muli %add3A_111, %mul3A_112 : i32
        %mul3A_114 = arith.constant 16 : i32
        %mul3A_115 = arith.muli %mul3A_113, %mul3A_114 : i32
        %get3A = arith.index_cast %mul3A_115 : i32 to index
        %get3A_116 = tpu.vector_load %arg4[%get3A] {strides = array<i32>} : memref<32768xf32, #tpu.memory_space<vmem>>, vector<16xf32>,
        %bitcast3A = vector.bitcast %get3A_116 : vector<16xf32> to vector<16xi32>
        %and3A = arith.constant 2147483647 : i32
        %and3A_117 = vector.broadcast %and3A : i32 to vector<16xi32>
        %and3A_118 = arith.andi %bitcast3A, %and3A_117 : vector<16xi32>
        %shift_right_arithmetic3A = arith.constant 16 : i32
        %shift_right_arithmetic3A_119 = vector.broadcast %shift_right_arithmetic3A : i32 to vector<16xi32>
        %shift_right_arithmetic3A_120 = arith.shrsi %and3A_118, %shift_right_arithmetic3A_119 : vector<16xi32>
        %add3A_121 = arith.constant 16 : i32
        %add3A_122 = arith.addi %mul3A_115, %add3A_121 : i32
        %get3A_123 = arith.index_cast %add3A_122 : i32 to index
        %get3A_124 = tpu.vector_load %arg4[%get3A_123] {strides = array<i32>} : memref<32768xf32, #tpu.memory_space<vmem>>, vector<16xf32>,
        %bitcast3A_125 = vector.bitcast %get3A_124 : vector<16xf32> to vector<16xi32>
        %and3A_126 = arith.constant 2147483647 : i32
        %and3A_127 = vector.broadcast %and3A_126 : i32 to vector<16xi32>
        %and3A_128 = arith.andi %bitcast3A_125, %and3A_127 : vector<16xi32>
        %shift_right_arithmetic3A_129 = arith.constant 16 : i32
        %shift_right_arithmetic3A_130 = vector.broadcast %shift_right_arithmetic3A_129 : i32 to vector<16xi32>
        %shift_right_arithmetic3A_131 = arith.shrsi %and3A_128, %shift_right_arithmetic3A_130 : vector<16xi32>
        %pack3A = tpu.pack_subelements %shift_right_arithmetic3A_120, %shift_right_arithmetic3A_131 {pack_format = #tpu.pack_format<interleaved>, positions = array<i32: 0, 1>} : vector<16xi32>, vector<16xi32> -> vector<32xi16>
        %bitcast3A_132 = vector.bitcast %pack3A : vector<32xi16> to vector<16xi32>
        %jit3A = arith.constant 2 : i32
        %div3A = arith.divsi %mul3A_115, %jit3A : i32
        %sign3A = arith.constant 0 : i32
        %sign3A_133 = arith.cmpi sgt, %mul3A_115, %sign3A : i32
        %sign3A_134 = arith.extui %sign3A_133 : i1 to i32
        %sign3A_135 = arith.constant 0 : i32
        %sign3A_136 = arith.cmpi slt, %mul3A_115, %sign3A_135 : i32
        %sign3A_137 = arith.extui %sign3A_136 : i1 to i32
        %sign3A_138 = arith.subi %sign3A_134, %sign3A_137 : i32
        %sign3A_139 = arith.constant 0 : i32
        %sign3A_140 = arith.cmpi sgt, %jit3A, %sign3A_139 : i32
        %sign3A_141 = arith.extui %sign3A_140 : i1 to i32
        %sign3A_142 = arith.constant 0 : i32
        %sign3A_143 = arith.cmpi slt, %jit3A, %sign3A_142 : i32
        %sign3A_144 = arith.extui %sign3A_143 : i1 to i32
        %sign3A_145 = arith.subi %sign3A_141, %sign3A_144 : i32
        %ne3A = arith.cmpi ne, %sign3A_138, %sign3A_145 : i32
        %rem3A = arith.remsi %mul3A_115, %jit3A : i32
        %ne3A_146 = arith.constant 0 : i32
        %ne3A_147 = arith.cmpi ne, %rem3A, %ne3A_146 : i32
        %and3A_148 = arith.andi %ne3A, %ne3A_147 : i1
        %sub3A = arith.constant 1 : i32
        %sub3A_149 = arith.subi %div3A, %sub3A : i32
        %select_n3A = arith.select %and3A_148, %sub3A_149, %div3A : i32
        %swap3A = arith.index_cast %select_n3A : i32 to index
        %swap3A_150 = tpu.vector_load %arg6[%swap3A] {strides = array<i32>} : memref<16384xi32, #tpu.memory_space<vmem>>, vector<16xi32>,
        tpu.vector_store %arg6[%swap3A], %bitcast3A_132 {strides = array<i32>} : memref<16384xi32, #tpu.memory_space<vmem>>, vector<16xi32>,
        %mul3A_151 = arith.constant 8 : i32
        %mul3A_152 = arith.muli %scan3A_106, %mul3A_151 : i32
        %add3A_153 = arith.constant 1 : i32
        %add3A_154 = arith.addi %mul3A_152, %add3A_153 : i32
        %mul3A_155 = arith.constant 2 : i32
        %mul3A_156 = arith.muli %add3A_154, %mul3A_155 : i32
        %mul3A_157 = arith.constant 16 : i32
        %mul3A_158 = arith.muli %mul3A_156, %mul3A_157 : i32
        %get3A_159 = arith.index_cast %mul3A_158 : i32 to index
        %get3A_160 = tpu.vector_load %arg4[%get3A_159] {strides = array<i32>} : memref<32768xf32, #tpu.memory_space<vmem>>, vector<16xf32>,
        %bitcast3A_161 = vector.bitcast %get3A_160 : vector<16xf32> to vector<16xi32>
        %and3A_162 = arith.constant 2147483647 : i32
        %and3A_163 = vector.broadcast %and3A_162 : i32 to vector<16xi32>
        %and3A_164 = arith.andi %bitcast3A_161, %and3A_163 : vector<16xi32>
        %shift_right_arithmetic3A_165 = arith.constant 16 : i32
        %shift_right_arithmetic3A_166 = vector.broadcast %shift_right_arithmetic3A_165 : i32 to vector<16xi32>
        %shift_right_arithmetic3A_167 = arith.shrsi %and3A_164, %shift_right_arithmetic3A_166 : vector<16xi32>
        %add3A_168 = arith.constant 16 : i32
        %add3A_169 = arith.addi %mul3A_158, %add3A_168 : i32
        %get3A_170 = arith.index_cast %add3A_169 : i32 to index
        %get3A_171 = tpu.vector_load %arg4[%get3A_170] {strides = array<i32>} : memref<32768xf32, #tpu.memory_space<vmem>>, vector<16xf32>,
        %bitcast3A_172 = vector.bitcast %get3A_171 : vector<16xf32> to vector<16xi32>
        %and3A_173 = arith.constant 2147483647 : i32
        %and3A_174 = vector.broadcast %and3A_173 : i32 to vector<16xi32>
        %and3A_175 = arith.andi %bitcast3A_172, %and3A_174 : vector<16xi32>
        %shift_right_arithmetic3A_176 = arith.constant 16 : i32
        %shift_right_arithmetic3A_177 = vector.broadcast %shift_right_arithmetic3A_176 : i32 to vector<16xi32>
        %shift_right_arithmetic3A_178 = arith.shrsi %and3A_175, %shift_right_arithmetic3A_177 : vector<16xi32>
        %pack3A_179 = tpu.pack_subelements %shift_right_arithmetic3A_167, %shift_right_arithmetic3A_178 {pack_format = #tpu.pack_format<interleaved>, positions = array<i32: 0, 1>} : vector<16xi32>, vector<16xi32> -> vector<32xi16>
        %bitcast3A_180 = vector.bitcast %pack3A_179 : vector<32xi16> to vector<16xi32>
        %jit3A_181 = arith.constant 2 : i32
        %div3A_182 = arith.divsi %mul3A_158, %jit3A_181 : i32
        %sign3A_183 = arith.constant 0 : i32
        %sign3A_184 = arith.cmpi sgt, %mul3A_158, %sign3A_183 : i32
        %sign3A_185 = arith.extui %sign3A_184 : i1 to i32
        %sign3A_186 = arith.constant 0 : i32
        %sign3A_187 = arith.cmpi slt, %mul3A_158, %sign3A_186 : i32
        %sign3A_188 = arith.extui %sign3A_187 : i1 to i32
        %sign3A_189 = arith.subi %sign3A_185, %sign3A_188 : i32
        %sign3A_190 = arith.constant 0 : i32
        %sign3A_191 = arith.cmpi sgt, %jit3A_181, %sign3A_190 : i32
        %sign3A_192 = arith.extui %sign3A_191 : i1 to i32
        %sign3A_193 = arith.constant 0 : i32
        %sign3A_194 = arith.cmpi slt, %jit3A_181, %sign3A_193 : i32
        %sign3A_195 = arith.extui %sign3A_194 : i1 to i32
        %sign3A_196 = arith.subi %sign3A_192, %sign3A_195 : i32
        %ne3A_197 = arith.cmpi ne, %sign3A_189, %sign3A_196 : i32
        %rem3A_198 = arith.remsi %mul3A_158, %jit3A_181 : i32
        %ne3A_199 = arith.constant 0 : i32
        %ne3A_200 = arith.cmpi ne, %rem3A_198, %ne3A_199 : i32
        %and3A_201 = arith.andi %ne3A_197, %ne3A_200 : i1
        %sub3A_202 = arith.constant 1 : i32
        %sub3A_203 = arith.subi %div3A_182, %sub3A_202 : i32
        %select_n3A_204 = arith.select %and3A_201, %sub3A_203, %div3A_182 : i32
        %swap3A_205 = arith.index_cast %select_n3A_204 : i32 to index
        %swap3A_206 = tpu.vector_load %arg6[%swap3A_205] {strides = array<i32>} : memref<16384xi32, #tpu.memory_space<vmem>>, vector<16xi32>,
        tpu.vector_store %arg6[%swap3A_205], %bitcast3A_180 {strides = array<i32>} : memref<16384xi32, #tpu.memory_space<vmem>>, vector<16xi32>,
        %mul3A_207 = arith.constant 8 : i32
        %mul3A_208 = arith.muli %scan3A_106, %mul3A_207 : i32
        %add3A_209 = arith.constant 2 : i32
        %add3A_210 = arith.addi %mul3A_208, %add3A_209 : i32
        %mul3A_211 = arith.constant 2 : i32
        %mul3A_212 = arith.muli %add3A_210, %mul3A_211 : i32
        %mul3A_213 = arith.constant 16 : i32
        %mul3A_214 = arith.muli %mul3A_212, %mul3A_213 : i32
        %get3A_215 = arith.index_cast %mul3A_214 : i32 to index
        %get3A_216 = tpu.vector_load %arg4[%get3A_215] {strides = array<i32>} : memref<32768xf32, #tpu.memory_space<vmem>>, vector<16xf32>,
        %bitcast3A_217 = vector.bitcast %get3A_216 : vector<16xf32> to vector<16xi32>
        %and3A_218 = arith.constant 2147483647 : i32
        %and3A_219 = vector.broadcast %and3A_218 : i32 to vector<16xi32>
        %and3A_220 = arith.andi %bitcast3A_217, %and3A_219 : vector<16xi32>
        %shift_right_arithmetic3A_221 = arith.constant 16 : i32
        %shift_right_arithmetic3A_222 = vector.broadcast %shift_right_arithmetic3A_221 : i32 to vector<16xi32>
        %shift_right_arithmetic3A_223 = arith.shrsi %and3A_220, %shift_right_arithmetic3A_222 : vector<16xi32>
        %add3A_224 = arith.constant 16 : i32
        %add3A_225 = arith.addi %mul3A_214, %add3A_224 : i32
        %get3A_226 = arith.index_cast %add3A_225 : i32 to index
        %get3A_227 = tpu.vector_load %arg4[%get3A_226] {strides = array<i32>} : memref<32768xf32, #tpu.memory_space<vmem>>, vector<16xf32>,
        %bitcast3A_228 = vector.bitcast %get3A_227 : vector<16xf32> to vector<16xi32>
        %and3A_229 = arith.constant 2147483647 : i32
        %and3A_230 = vector.broadcast %and3A_229 : i32 to vector<16xi32>
        %and3A_231 = arith.andi %bitcast3A_228, %and3A_230 : vector<16xi32>
        %shift_right_arithmetic3A_232 = arith.constant 16 : i32
        %shift_right_arithmetic3A_233 = vector.broadcast %shift_right_arithmetic3A_232 : i32 to vector<16xi32>
        %shift_right_arithmetic3A_234 = arith.shrsi %and3A_231, %shift_right_arithmetic3A_233 : vector<16xi32>
        %pack3A_235 = tpu.pack_subelements %shift_right_arithmetic3A_223, %shift_right_arithmetic3A_234 {pack_format = #tpu.pack_format<interleaved>, positions = array<i32: 0, 1>} : vector<16xi32>, vector<16xi32> -> vector<32xi16>
        %bitcast3A_236 = vector.bitcast %pack3A_235 : vector<32xi16> to vector<16xi32>
        %jit3A_237 = arith.constant 2 : i32
        %div3A_238 = arith.divsi %mul3A_214, %jit3A_237 : i32
        %sign3A_239 = arith.constant 0 : i32
        %sign3A_240 = arith.cmpi sgt, %mul3A_214, %sign3A_239 : i32
        %sign3A_241 = arith.extui %sign3A_240 : i1 to i32
        %sign3A_242 = arith.constant 0 : i32
        %sign3A_243 = arith.cmpi slt, %mul3A_214, %sign3A_242 : i32
        %sign3A_244 = arith.extui %sign3A_243 : i1 to i32
        %sign3A_245 = arith.subi %sign3A_241, %sign3A_244 : i32
        %sign3A_246 = arith.constant 0 : i32
        %sign3A_247 = arith.cmpi sgt, %jit3A_237, %sign3A_246 : i32
        %sign3A_248 = arith.extui %sign3A_247 : i1 to i32
        %sign3A_249 = arith.constant 0 : i32
        %sign3A_250 = arith.cmpi slt, %jit3A_237, %sign3A_249 : i32
        %sign3A_251 = arith.extui %sign3A_250 : i1 to i32
        %sign3A_252 = arith.subi %sign3A_248, %sign3A_251 : i32
        %ne3A_253 = arith.cmpi ne, %sign3A_245, %sign3A_252 : i32
        %rem3A_254 = arith.remsi %mul3A_214, %jit3A_237 : i32
        %ne3A_255 = arith.constant 0 : i32
        %ne3A_256 = arith.cmpi ne, %rem3A_254, %ne3A_255 : i32
        %and3A_257 = arith.andi %ne3A_253, %ne3A_256 : i1
        %sub3A_258 = arith.constant 1 : i32
        %sub3A_259 = arith.subi %div3A_238, %sub3A_258 : i32
        %select_n3A_260 = arith.select %and3A_257, %sub3A_259, %div3A_238 : i32
        %swap3A_261 = arith.index_cast %select_n3A_260 : i32 to index
        %swap3A_262 = tpu.vector_load %arg6[%swap3A_261] {strides = array<i32>} : memref<16384xi32, #tpu.memory_space<vmem>>, vector<16xi32>,
        tpu.vector_store %arg6[%swap3A_261], %bitcast3A_236 {strides = array<i32>} : memref<16384xi32, #tpu.memory_space<vmem>>, vector<16xi32>,
        %mul3A_263 = arith.constant 8 : i32
        %mul3A_264 = arith.muli %scan3A_106, %mul3A_263 : i32
        %add3A_265 = arith.constant 3 : i32
        %add3A_266 = arith.addi %mul3A_264, %add3A_265 : i32
        %mul3A_267 = arith.constant 2 : i32
        %mul3A_268 = arith.muli %add3A_266, %mul3A_267 : i32
        %mul3A_269 = arith.constant 16 : i32
        %mul3A_270 = arith.muli %mul3A_268, %mul3A_269 : i32
        %get3A_271 = arith.index_cast %mul3A_270 : i32 to index
        %get3A_272 = tpu.vector_load %arg4[%get3A_271] {strides = array<i32>} : memref<32768xf32, #tpu.memory_space<vmem>>, vector<16xf32>,
        %bitcast3A_273 = vector.bitcast %get3A_272 : vector<16xf32> to vector<16xi32>
        %and3A_274 = arith.constant 2147483647 : i32
        %and3A_275 = vector.broadcast %and3A_274 : i32 to vector<16xi32>
        %and3A_276 = arith.andi %bitcast3A_273, %and3A_275 : vector<16xi32>
        %shift_right_arithmetic3A_277 = arith.constant 16 : i32
        %shift_right_arithmetic3A_278 = vector.broadcast %shift_right_arithmetic3A_277 : i32 to vector<16xi32>
        %shift_right_arithmetic3A_279 = arith.shrsi %and3A_276, %shift_right_arithmetic3A_278 : vector<16xi32>
        %add3A_280 = arith.constant 16 : i32
        %add3A_281 = arith.addi %mul3A_270, %add3A_280 : i32
        %get3A_282 = arith.index_cast %add3A_281 : i32 to index
        %get3A_283 = tpu.vector_load %arg4[%get3A_282] {strides = array<i32>} : memref<32768xf32, #tpu.memory_space<vmem>>, vector<16xf32>,
        %bitcast3A_284 = vector.bitcast %get3A_283 : vector<16xf32> to vector<16xi32>
        %and3A_285 = arith.constant 2147483647 : i32
        %and3A_286 = vector.broadcast %and3A_285 : i32 to vector<16xi32>
        %and3A_287 = arith.andi %bitcast3A_284, %and3A_286 : vector<16xi32>
        %shift_right_arithmetic3A_288 = arith.constant 16 : i32
        %shift_right_arithmetic3A_289 = vector.broadcast %shift_right_arithmetic3A_288 : i32 to vector<16xi32>
        %shift_right_arithmetic3A_290 = arith.shrsi %and3A_287, %shift_right_arithmetic3A_289 : vector<16xi32>
        %pack3A_291 = tpu.pack_subelements %shift_right_arithmetic3A_279, %shift_right_arithmetic3A_290 {pack_format = #tpu.pack_format<interleaved>, positions = array<i32: 0, 1>} : vector<16xi32>, vector<16xi32> -> vector<32xi16>
        %bitcast3A_292 = vector.bitcast %pack3A_291 : vector<32xi16> to vector<16xi32>
        %jit3A_293 = arith.constant 2 : i32
        %div3A_294 = arith.divsi %mul3A_270, %jit3A_293 : i32
        %sign3A_295 = arith.constant 0 : i32
        %sign3A_296 = arith.cmpi sgt, %mul3A_270, %sign3A_295 : i32
        %sign3A_297 = arith.extui %sign3A_296 : i1 to i32
        %sign3A_298 = arith.constant 0 : i32
        %sign3A_299 = arith.cmpi slt, %mul3A_270, %sign3A_298 : i32
        %sign3A_300 = arith.extui %sign3A_299 : i1 to i32
        %sign3A_301 = arith.subi %sign3A_297, %sign3A_300 : i32
        %sign3A_302 = arith.constant 0 : i32
        %sign3A_303 = arith.cmpi sgt, %jit3A_293, %sign3A_302 : i32
        %sign3A_304 = arith.extui %sign3A_303 : i1 to i32
        %sign3A_305 = arith.constant 0 : i32
        %sign3A_306 = arith.cmpi slt, %jit3A_293, %sign3A_305 : i32
        %sign3A_307 = arith.extui %sign3A_306 : i1 to i32
        %sign3A_308 = arith.subi %sign3A_304, %sign3A_307 : i32
        %ne3A_309 = arith.cmpi ne, %sign3A_301, %sign3A_308 : i32
        %rem3A_310 = arith.remsi %mul3A_270, %jit3A_293 : i32
        %ne3A_311 = arith.constant 0 : i32
        %ne3A_312 = arith.cmpi ne, %rem3A_310, %ne3A_311 : i32
        %and3A_313 = arith.andi %ne3A_309, %ne3A_312 : i1
        %sub3A_314 = arith.constant 1 : i32
        %sub3A_315 = arith.subi %div3A_294, %sub3A_314 : i32
        %select_n3A_316 = arith.select %and3A_313, %sub3A_315, %div3A_294 : i32
        %swap3A_317 = arith.index_cast %select_n3A_316 : i32 to index
        %swap3A_318 = tpu.vector_load %arg6[%swap3A_317] {strides = array<i32>} : memref<16384xi32, #tpu.memory_space<vmem>>, vector<16xi32>,
        tpu.vector_store %arg6[%swap3A_317], %bitcast3A_292 {strides = array<i32>} : memref<16384xi32, #tpu.memory_space<vmem>>, vector<16xi32>,
        %mul3A_319 = arith.constant 8 : i32
        %mul3A_320 = arith.muli %scan3A_106, %mul3A_319 : i32
        %add3A_321 = arith.constant 4 : i32
        %add3A_322 = arith.addi %mul3A_320, %add3A_321 : i32
        %mul3A_323 = arith.constant 2 : i32
        %mul3A_324 = arith.muli %add3A_322, %mul3A_323 : i32
        %mul3A_325 = arith.constant 16 : i32
        %mul3A_326 = arith.muli %mul3A_324, %mul3A_325 : i32
        %get3A_327 = arith.index_cast %mul3A_326 : i32 to index
        %get3A_328 = tpu.vector_load %arg4[%get3A_327] {strides = array<i32>} : memref<32768xf32, #tpu.memory_space<vmem>>, vector<16xf32>,
        %bitcast3A_329 = vector.bitcast %get3A_328 : vector<16xf32> to vector<16xi32>
        %and3A_330 = arith.constant 2147483647 : i32
        %and3A_331 = vector.broadcast %and3A_330 : i32 to vector<16xi32>
        %and3A_332 = arith.andi %bitcast3A_329, %and3A_331 : vector<16xi32>
        %shift_right_arithmetic3A_333 = arith.constant 16 : i32
        %shift_right_arithmetic3A_334 = vector.broadcast %shift_right_arithmetic3A_333 : i32 to vector<16xi32>
        %shift_right_arithmetic3A_335 = arith.shrsi %and3A_332, %shift_right_arithmetic3A_334 : vector<16xi32>
        %add3A_336 = arith.constant 16 : i32
        %add3A_337 = arith.addi %mul3A_326, %add3A_336 : i32
        %get3A_338 = arith.index_cast %add3A_337 : i32 to index
        %get3A_339 = tpu.vector_load %arg4[%get3A_338] {strides = array<i32>} : memref<32768xf32, #tpu.memory_space<vmem>>, vector<16xf32>,
        %bitcast3A_340 = vector.bitcast %get3A_339 : vector<16xf32> to vector<16xi32>
        %and3A_341 = arith.constant 2147483647 : i32
        %and3A_342 = vector.broadcast %and3A_341 : i32 to vector<16xi32>
        %and3A_343 = arith.andi %bitcast3A_340, %and3A_342 : vector<16xi32>
        %shift_right_arithmetic3A_344 = arith.constant 16 : i32
        %shift_right_arithmetic3A_345 = vector.broadcast %shift_right_arithmetic3A_344 : i32 to vector<16xi32>
        %shift_right_arithmetic3A_346 = arith.shrsi %and3A_343, %shift_right_arithmetic3A_345 : vector<16xi32>
        %pack3A_347 = tpu.pack_subelements %shift_right_arithmetic3A_335, %shift_right_arithmetic3A_346 {pack_format = #tpu.pack_format<interleaved>, positions = array<i32: 0, 1>} : vector<16xi32>, vector<16xi32> -> vector<32xi16>
        %bitcast3A_348 = vector.bitcast %pack3A_347 : vector<32xi16> to vector<16xi32>
        %jit3A_349 = arith.constant 2 : i32
        %div3A_350 = arith.divsi %mul3A_326, %jit3A_349 : i32
        %sign3A_351 = arith.constant 0 : i32
        %sign3A_352 = arith.cmpi sgt, %mul3A_326, %sign3A_351 : i32
        %sign3A_353 = arith.extui %sign3A_352 : i1 to i32
        %sign3A_354 = arith.constant 0 : i32
        %sign3A_355 = arith.cmpi slt, %mul3A_326, %sign3A_354 : i32
        %sign3A_356 = arith.extui %sign3A_355 : i1 to i32
        %sign3A_357 = arith.subi %sign3A_353, %sign3A_356 : i32
        %sign3A_358 = arith.constant 0 : i32
        %sign3A_359 = arith.cmpi sgt, %jit3A_349, %sign3A_358 : i32
        %sign3A_360 = arith.extui %sign3A_359 : i1 to i32
        %sign3A_361 = arith.constant 0 : i32
        %sign3A_362 = arith.cmpi slt, %jit3A_349, %sign3A_361 : i32
        %sign3A_363 = arith.extui %sign3A_362 : i1 to i32
        %sign3A_364 = arith.subi %sign3A_360, %sign3A_363 : i32
        %ne3A_365 = arith.cmpi ne, %sign3A_357, %sign3A_364 : i32
        %rem3A_366 = arith.remsi %mul3A_326, %jit3A_349 : i32
        %ne3A_367 = arith.constant 0 : i32
        %ne3A_368 = arith.cmpi ne, %rem3A_366, %ne3A_367 : i32
        %and3A_369 = arith.andi %ne3A_365, %ne3A_368 : i1
        %sub3A_370 = arith.constant 1 : i32
        %sub3A_371 = arith.subi %div3A_350, %sub3A_370 : i32
        %select_n3A_372 = arith.select %and3A_369, %sub3A_371, %div3A_350 : i32
        %swap3A_373 = arith.index_cast %select_n3A_372 : i32 to index
        %swap3A_374 = tpu.vector_load %arg6[%swap3A_373] {strides = array<i32>} : memref<16384xi32, #tpu.memory_space<vmem>>, vector<16xi32>,
        tpu.vector_store %arg6[%swap3A_373], %bitcast3A_348 {strides = array<i32>} : memref<16384xi32, #tpu.memory_space<vmem>>, vector<16xi32>,
        %mul3A_375 = arith.constant 8 : i32
        %mul3A_376 = arith.muli %scan3A_106, %mul3A_375 : i32
        %add3A_377 = arith.constant 5 : i32
        %add3A_378 = arith.addi %mul3A_376, %add3A_377 : i32
        %mul3A_379 = arith.constant 2 : i32
        %mul3A_380 = arith.muli %add3A_378, %mul3A_379 : i32
        %mul3A_381 = arith.constant 16 : i32
        %mul3A_382 = arith.muli %mul3A_380, %mul3A_381 : i32
        %get3A_383 = arith.index_cast %mul3A_382 : i32 to index
        %get3A_384 = tpu.vector_load %arg4[%get3A_383] {strides = array<i32>} : memref<32768xf32, #tpu.memory_space<vmem>>, vector<16xf32>,
        %bitcast3A_385 = vector.bitcast %get3A_384 : vector<16xf32> to vector<16xi32>
        %and3A_386 = arith.constant 2147483647 : i32
        %and3A_387 = vector.broadcast %and3A_386 : i32 to vector<16xi32>
        %and3A_388 = arith.andi %bitcast3A_385, %and3A_387 : vector<16xi32>
        %shift_right_arithmetic3A_389 = arith.constant 16 : i32
        %shift_right_arithmetic3A_390 = vector.broadcast %shift_right_arithmetic3A_389 : i32 to vector<16xi32>
        %shift_right_arithmetic3A_391 = arith.shrsi %and3A_388, %shift_right_arithmetic3A_390 : vector<16xi32>
        %add3A_392 = arith.constant 16 : i32
        %add3A_393 = arith.addi %mul3A_382, %add3A_392 : i32
        %get3A_394 = arith.index_cast %add3A_393 : i32 to index
        %get3A_395 = tpu.vector_load %arg4[%get3A_394] {strides = array<i32>} : memref<32768xf32, #tpu.memory_space<vmem>>, vector<16xf32>,
        %bitcast3A_396 = vector.bitcast %get3A_395 : vector<16xf32> to vector<16xi32>
        %and3A_397 = arith.constant 2147483647 : i32
        %and3A_398 = vector.broadcast %and3A_397 : i32 to vector<16xi32>
        %and3A_399 = arith.andi %bitcast3A_396, %and3A_398 : vector<16xi32>
        %shift_right_arithmetic3A_400 = arith.constant 16 : i32
        %shift_right_arithmetic3A_401 = vector.broadcast %shift_right_arithmetic3A_400 : i32 to vector<16xi32>
        %shift_right_arithmetic3A_402 = arith.shrsi %and3A_399, %shift_right_arithmetic3A_401 : vector<16xi32>
        %pack3A_403 = tpu.pack_subelements %shift_right_arithmetic3A_391, %shift_right_arithmetic3A_402 {pack_format = #tpu.pack_format<interleaved>, positions = array<i32: 0, 1>} : vector<16xi32>, vector<16xi32> -> vector<32xi16>
        %bitcast3A_404 = vector.bitcast %pack3A_403 : vector<32xi16> to vector<16xi32>
        %jit3A_405 = arith.constant 2 : i32
        %div3A_406 = arith.divsi %mul3A_382, %jit3A_405 : i32
        %sign3A_407 = arith.constant 0 : i32
        %sign3A_408 = arith.cmpi sgt, %mul3A_382, %sign3A_407 : i32
        %sign3A_409 = arith.extui %sign3A_408 : i1 to i32
        %sign3A_410 = arith.constant 0 : i32
        %sign3A_411 = arith.cmpi slt, %mul3A_382, %sign3A_410 : i32
        %sign3A_412 = arith.extui %sign3A_411 : i1 to i32
        %sign3A_413 = arith.subi %sign3A_409, %sign3A_412 : i32
        %sign3A_414 = arith.constant 0 : i32
        %sign3A_415 = arith.cmpi sgt, %jit3A_405, %sign3A_414 : i32
        %sign3A_416 = arith.extui %sign3A_415 : i1 to i32
        %sign3A_417 = arith.constant 0 : i32
        %sign3A_418 = arith.cmpi slt, %jit3A_405, %sign3A_417 : i32
        %sign3A_419 = arith.extui %sign3A_418 : i1 to i32
        %sign3A_420 = arith.subi %sign3A_416, %sign3A_419 : i32
        %ne3A_421 = arith.cmpi ne, %sign3A_413, %sign3A_420 : i32
        %rem3A_422 = arith.remsi %mul3A_382, %jit3A_405 : i32
        %ne3A_423 = arith.constant 0 : i32
        %ne3A_424 = arith.cmpi ne, %rem3A_422, %ne3A_423 : i32
        %and3A_425 = arith.andi %ne3A_421, %ne3A_424 : i1
        %sub3A_426 = arith.constant 1 : i32
        %sub3A_427 = arith.subi %div3A_406, %sub3A_426 : i32
        %select_n3A_428 = arith.select %and3A_425, %sub3A_427, %div3A_406 : i32
        %swap3A_429 = arith.index_cast %select_n3A_428 : i32 to index
        %swap3A_430 = tpu.vector_load %arg6[%swap3A_429] {strides = array<i32>} : memref<16384xi32, #tpu.memory_space<vmem>>, vector<16xi32>,
        tpu.vector_store %arg6[%swap3A_429], %bitcast3A_404 {strides = array<i32>} : memref<16384xi32, #tpu.memory_space<vmem>>, vector<16xi32>,
        %mul3A_431 = arith.constant 8 : i32
        %mul3A_432 = arith.muli %scan3A_106, %mul3A_431 : i32
        %add3A_433 = arith.constant 6 : i32
        %add3A_434 = arith.addi %mul3A_432, %add3A_433 : i32
        %mul3A_435 = arith.constant 2 : i32
        %mul3A_436 = arith.muli %add3A_434, %mul3A_435 : i32
        %mul3A_437 = arith.constant 16 : i32
        %mul3A_438 = arith.muli %mul3A_436, %mul3A_437 : i32
        %get3A_439 = arith.index_cast %mul3A_438 : i32 to index
        %get3A_440 = tpu.vector_load %arg4[%get3A_439] {strides = array<i32>} : memref<32768xf32, #tpu.memory_space<vmem>>, vector<16xf32>,
        %bitcast3A_441 = vector.bitcast %get3A_440 : vector<16xf32> to vector<16xi32>
        %and3A_442 = arith.constant 2147483647 : i32
        %and3A_443 = vector.broadcast %and3A_442 : i32 to vector<16xi32>
        %and3A_444 = arith.andi %bitcast3A_441, %and3A_443 : vector<16xi32>
        %shift_right_arithmetic3A_445 = arith.constant 16 : i32
        %shift_right_arithmetic3A_446 = vector.broadcast %shift_right_arithmetic3A_445 : i32 to vector<16xi32>
        %shift_right_arithmetic3A_447 = arith.shrsi %and3A_444, %shift_right_arithmetic3A_446 : vector<16xi32>
        %add3A_448 = arith.constant 16 : i32
        %add3A_449 = arith.addi %mul3A_438, %add3A_448 : i32
        %get3A_450 = arith.index_cast %add3A_449 : i32 to index
        %get3A_451 = tpu.vector_load %arg4[%get3A_450] {strides = array<i32>} : memref<32768xf32, #tpu.memory_space<vmem>>, vector<16xf32>,
        %bitcast3A_452 = vector.bitcast %get3A_451 : vector<16xf32> to vector<16xi32>
        %and3A_453 = arith.constant 2147483647 : i32
        %and3A_454 = vector.broadcast %and3A_453 : i32 to vector<16xi32>
        %and3A_455 = arith.andi %bitcast3A_452, %and3A_454 : vector<16xi32>
        %shift_right_arithmetic3A_456 = arith.constant 16 : i32
        %shift_right_arithmetic3A_457 = vector.broadcast %shift_right_arithmetic3A_456 : i32 to vector<16xi32>
        %shift_right_arithmetic3A_458 = arith.shrsi %and3A_455, %shift_right_arithmetic3A_457 : vector<16xi32>
        %pack3A_459 = tpu.pack_subelements %shift_right_arithmetic3A_447, %shift_right_arithmetic3A_458 {pack_format = #tpu.pack_format<interleaved>, positions = array<i32: 0, 1>} : vector<16xi32>, vector<16xi32> -> vector<32xi16>
        %bitcast3A_460 = vector.bitcast %pack3A_459 : vector<32xi16> to vector<16xi32>
        %jit3A_461 = arith.constant 2 : i32
        %div3A_462 = arith.divsi %mul3A_438, %jit3A_461 : i32
        %sign3A_463 = arith.constant 0 : i32
        %sign3A_464 = arith.cmpi sgt, %mul3A_438, %sign3A_463 : i32
        %sign3A_465 = arith.extui %sign3A_464 : i1 to i32
        %sign3A_466 = arith.constant 0 : i32
        %sign3A_467 = arith.cmpi slt, %mul3A_438, %sign3A_466 : i32
        %sign3A_468 = arith.extui %sign3A_467 : i1 to i32
        %sign3A_469 = arith.subi %sign3A_465, %sign3A_468 : i32
        %sign3A_470 = arith.constant 0 : i32
        %sign3A_471 = arith.cmpi sgt, %jit3A_461, %sign3A_470 : i32
        %sign3A_472 = arith.extui %sign3A_471 : i1 to i32
        %sign3A_473 = arith.constant 0 : i32
        %sign3A_474 = arith.cmpi slt, %jit3A_461, %sign3A_473 : i32
        %sign3A_475 = arith.extui %sign3A_474 : i1 to i32
        %sign3A_476 = arith.subi %sign3A_472, %sign3A_475 : i32
        %ne3A_477 = arith.cmpi ne, %sign3A_469, %sign3A_476 : i32
        %rem3A_478 = arith.remsi %mul3A_438, %jit3A_461 : i32
        %ne3A_479 = arith.constant 0 : i32
        %ne3A_480 = arith.cmpi ne, %rem3A_478, %ne3A_479 : i32
        %and3A_481 = arith.andi %ne3A_477, %ne3A_480 : i1
        %sub3A_482 = arith.constant 1 : i32
        %sub3A_483 = arith.subi %div3A_462, %sub3A_482 : i32
        %select_n3A_484 = arith.select %and3A_481, %sub3A_483, %div3A_462 : i32
        %swap3A_485 = arith.index_cast %select_n3A_484 : i32 to index
        %swap3A_486 = tpu.vector_load %arg6[%swap3A_485] {strides = array<i32>} : memref<16384xi32, #tpu.memory_space<vmem>>, vector<16xi32>,
        tpu.vector_store %arg6[%swap3A_485], %bitcast3A_460 {strides = array<i32>} : memref<16384xi32, #tpu.memory_space<vmem>>, vector<16xi32>,
        %mul3A_487 = arith.constant 8 : i32
        %mul3A_488 = arith.muli %scan3A_106, %mul3A_487 : i32
        %add3A_489 = arith.constant 7 : i32
        %add3A_490 = arith.addi %mul3A_488, %add3A_489 : i32
        %mul3A_491 = arith.constant 2 : i32
        %mul3A_492 = arith.muli %add3A_490, %mul3A_491 : i32
        %mul3A_493 = arith.constant 16 : i32
        %mul3A_494 = arith.muli %mul3A_492, %mul3A_493 : i32
        %get3A_495 = arith.index_cast %mul3A_494 : i32 to index
        %get3A_496 = tpu.vector_load %arg4[%get3A_495] {strides = array<i32>} : memref<32768xf32, #tpu.memory_space<vmem>>, vector<16xf32>,
        %bitcast3A_497 = vector.bitcast %get3A_496 : vector<16xf32> to vector<16xi32>
        %and3A_498 = arith.constant 2147483647 : i32
        %and3A_499 = vector.broadcast %and3A_498 : i32 to vector<16xi32>
        %and3A_500 = arith.andi %bitcast3A_497, %and3A_499 : vector<16xi32>
        %shift_right_arithmetic3A_501 = arith.constant 16 : i32
        %shift_right_arithmetic3A_502 = vector.broadcast %shift_right_arithmetic3A_501 : i32 to vector<16xi32>
        %shift_right_arithmetic3A_503 = arith.shrsi %and3A_500, %shift_right_arithmetic3A_502 : vector<16xi32>
        %add3A_504 = arith.constant 16 : i32
        %add3A_505 = arith.addi %mul3A_494, %add3A_504 : i32
        %get3A_506 = arith.index_cast %add3A_505 : i32 to index
        %get3A_507 = tpu.vector_load %arg4[%get3A_506] {strides = array<i32>} : memref<32768xf32, #tpu.memory_space<vmem>>, vector<16xf32>,
        %bitcast3A_508 = vector.bitcast %get3A_507 : vector<16xf32> to vector<16xi32>
        %and3A_509 = arith.constant 2147483647 : i32
        %and3A_510 = vector.broadcast %and3A_509 : i32 to vector<16xi32>
        %and3A_511 = arith.andi %bitcast3A_508, %and3A_510 : vector<16xi32>
        %shift_right_arithmetic3A_512 = arith.constant 16 : i32
        %shift_right_arithmetic3A_513 = vector.broadcast %shift_right_arithmetic3A_512 : i32 to vector<16xi32>
        %shift_right_arithmetic3A_514 = arith.shrsi %and3A_511, %shift_right_arithmetic3A_513 : vector<16xi32>
        %pack3A_515 = tpu.pack_subelements %shift_right_arithmetic3A_503, %shift_right_arithmetic3A_514 {pack_format = #tpu.pack_format<interleaved>, positions = array<i32: 0, 1>} : vector<16xi32>, vector<16xi32> -> vector<32xi16>
        %bitcast3A_516 = vector.bitcast %pack3A_515 : vector<32xi16> to vector<16xi32>
        %jit3A_517 = arith.constant 2 : i32
        %div3A_518 = arith.divsi %mul3A_494, %jit3A_517 : i32
        %sign3A_519 = arith.constant 0 : i32
        %sign3A_520 = arith.cmpi sgt, %mul3A_494, %sign3A_519 : i32
        %sign3A_521 = arith.extui %sign3A_520 : i1 to i32
        %sign3A_522 = arith.constant 0 : i32
        %sign3A_523 = arith.cmpi slt, %mul3A_494, %sign3A_522 : i32
        %sign3A_524 = arith.extui %sign3A_523 : i1 to i32
        %sign3A_525 = arith.subi %sign3A_521, %sign3A_524 : i32
        %sign3A_526 = arith.constant 0 : i32
        %sign3A_527 = arith.cmpi sgt, %jit3A_517, %sign3A_526 : i32
        %sign3A_528 = arith.extui %sign3A_527 : i1 to i32
        %sign3A_529 = arith.constant 0 : i32
        %sign3A_530 = arith.cmpi slt, %jit3A_517, %sign3A_529 : i32
        %sign3A_531 = arith.extui %sign3A_530 : i1 to i32
        %sign3A_532 = arith.subi %sign3A_528, %sign3A_531 : i32
        %ne3A_533 = arith.cmpi ne, %sign3A_525, %sign3A_532 : i32
        %rem3A_534 = arith.remsi %mul3A_494, %jit3A_517 : i32
        %ne3A_535 = arith.constant 0 : i32
        %ne3A_536 = arith.cmpi ne, %rem3A_534, %ne3A_535 : i32
        %and3A_537 = arith.andi %ne3A_533, %ne3A_536 : i1
        %sub3A_538 = arith.constant 1 : i32
        %sub3A_539 = arith.subi %div3A_518, %sub3A_538 : i32
        %select_n3A_540 = arith.select %and3A_537, %sub3A_539, %div3A_518 : i32
        %swap3A_541 = arith.index_cast %select_n3A_540 : i32 to index
        %swap3A_542 = tpu.vector_load %arg6[%swap3A_541] {strides = array<i32>} : memref<16384xi32, #tpu.memory_space<vmem>>, vector<16xi32>,
        tpu.vector_store %arg6[%swap3A_541], %bitcast3A_516 {strides = array<i32>} : memref<16384xi32, #tpu.memory_space<vmem>>, vector<16xi32>,
        %scan3A_543 = arith.constant 0 : i32
        scf.yield %scan3A_543 : i32
      }
      %scan3A_47 = arith.constant 128 : i32
      %scan3A_48 = arith.constant 0 : i32
      %scan3A_49 = arith.constant 0 : i32
      %scan3A_50 = arith.constant 16 : i32
      %scan3A_51 = arith.addi %scan3A_49, %scan3A_50 : i32
      %scan3A_52 = arith.constant 1 : i32
      %scan3A_53 = scf.for %scan3A_106 = %scan3A_49 to %scan3A_51 step %scan3A_52 iter_args(%scan3A_107 = %scan3A_48) -> (i32)  : i32 {
        %mul3A_108 = arith.constant 2048 : i32
        %mul3A_109 = arith.muli %scan3A_106, %mul3A_108 : i32
        %broadcast_in_dim3A_110 = arith.constant 0 : i32
        %broadcast_in_dim3A_111 = vector.broadcast %broadcast_in_dim3A_110 : i32 to vector<16xi32>
        %scan3A_112 = arith.constant 0 : i32
        %scan3A_113 = arith.constant 15 : i32
        %scan3A_114 = arith.addi %scan3A_112, %scan3A_113 : i32
        %scan3A_115 = arith.constant 1 : i32
        %scan3A_116 = scf.for %scan3A_138 = %scan3A_112 to %scan3A_114 step %scan3A_115 iter_args(%scan3A_139 = %broadcast_in_dim3A_111) -> (vector<16xi32>)  : i32 {
          %sub3A = arith.constant 14 : i32
          %sub3A_140 = arith.subi %sub3A, %scan3A_138 : i32
          %shift_left3A_141 = vector.broadcast %sub3A_140 : i32 to vector<16xi32>
          %shift_left3A_142 = arith.shli %broadcast_in_dim3A_7, %shift_left3A_141 : vector<16xi32>
          %or3A_143 = arith.ori %scan3A_139, %shift_left3A_142 : vector<16xi32>
          %pack3A = tpu.pack_subelements %or3A_143, %or3A_143 {pack_format = #tpu.pack_format<interleaved>, positions = array<i32: 0, 1>} : vector<16xi32>, vector<16xi32> -> vector<32xi16>
          %broadcast_in_dim3A_144 = arith.constant 0 : i32
          %broadcast_in_dim3A_145 = vector.broadcast %broadcast_in_dim3A_144 : i32 to vector<16xi32>
          %scan3A_146 = arith.constant 0 : i32
          %scan3A_147 = arith.constant 4 : i32
          %scan3A_148 = arith.addi %scan3A_146, %scan3A_147 : i32
          %scan3A_149 = arith.constant 1 : i32
          %scan3A_150 = scf.for %scan3A_152 = %scan3A_146 to %scan3A_148 step %scan3A_149 iter_args(%scan3A_153 = %broadcast_in_dim3A_145) -> (vector<16xi32>)  : i32 {
            %jit3A = arith.constant 2 : i32
            %div3A = arith.divsi %mul3A_109, %jit3A : i32
            %sign3A = arith.constant 0 : i32
            %sign3A_154 = arith.cmpi sgt, %mul3A_109, %sign3A : i32
            %sign3A_155 = arith.extui %sign3A_154 : i1 to i32
            %sign3A_156 = arith.constant 0 : i32
            %sign3A_157 = arith.cmpi slt, %mul3A_109, %sign3A_156 : i32
            %sign3A_158 = arith.extui %sign3A_157 : i1 to i32
            %sign3A_159 = arith.subi %sign3A_155, %sign3A_158 : i32
            %sign3A_160 = arith.constant 0 : i32
            %sign3A_161 = arith.cmpi sgt, %jit3A, %sign3A_160 : i32
            %sign3A_162 = arith.extui %sign3A_161 : i1 to i32
            %sign3A_163 = arith.constant 0 : i32
            %sign3A_164 = arith.cmpi slt, %jit3A, %sign3A_163 : i32
            %sign3A_165 = arith.extui %sign3A_164 : i1 to i32
            %sign3A_166 = arith.subi %sign3A_162, %sign3A_165 : i32
            %ne3A = arith.cmpi ne, %sign3A_159, %sign3A_166 : i32
            %rem3A = arith.remsi %mul3A_109, %jit3A : i32
            %ne3A_167 = arith.constant 0 : i32
            %ne3A_168 = arith.cmpi ne, %rem3A, %ne3A_167 : i32
            %and3A = arith.andi %ne3A, %ne3A_168 : i1
            %sub3A_169 = arith.constant 1 : i32
            %sub3A_170 = arith.subi %div3A, %sub3A_169 : i32
            %select_n3A_171 = arith.select %and3A, %sub3A_170, %div3A : i32
            %mul3A_172 = arith.constant 16 : i32
            %mul3A_173 = arith.muli %scan3A_152, %mul3A_172 : i32
            %add3A_174 = arith.constant 0 : i32
            %add3A_175 = arith.addi %mul3A_173, %add3A_174 : i32
            %mul3A_176 = arith.constant 16 : i32
            %mul3A_177 = arith.muli %add3A_175, %mul3A_176 : i32
            %add3A_178 = arith.addi %select_n3A_171, %mul3A_177 : i32
            %get3A = arith.index_cast %add3A_178 : i32 to index
            %get3A_179 = tpu.vector_load %arg6[%get3A] {strides = array<i32>} : memref<16384xi32, #tpu.memory_space<vmem>>, vector<16xi32>,
            %bitcast3A = vector.bitcast %get3A_179 : vector<16xi32> to vector<32xi16>
            %lt3A = arith.cmpi slt, %bitcast3A, %pack3A : vector<32xi16>
            %all_reduce_population_count3A = tpu.all_reduce %lt3A {dim = 0 : i64, kind = #tpu.reduction_kind<sum>} : vector<32xi1> -> vector<16xi32>
            %add3A_180 = arith.addi %scan3A_153, %all_reduce_population_count3A : vector<16xi32>
            %jit3A_181 = arith.constant 2 : i32
            %div3A_182 = arith.divsi %mul3A_109, %jit3A_181 : i32
            %sign3A_183 = arith.constant 0 : i32
            %sign3A_184 = arith.cmpi sgt, %mul3A_109, %sign3A_183 : i32
            %sign3A_185 = arith.extui %sign3A_184 : i1 to i32
            %sign3A_186 = arith.constant 0 : i32
            %sign3A_187 = arith.cmpi slt, %mul3A_109, %sign3A_186 : i32
            %sign3A_188 = arith.extui %sign3A_187 : i1 to i32
            %sign3A_189 = arith.subi %sign3A_185, %sign3A_188 : i32
            %sign3A_190 = arith.constant 0 : i32
            %sign3A_191 = arith.cmpi sgt, %jit3A_181, %sign3A_190 : i32
            %sign3A_192 = arith.extui %sign3A_191 : i1 to i32
            %sign3A_193 = arith.constant 0 : i32
            %sign3A_194 = arith.cmpi slt, %jit3A_181, %sign3A_193 : i32
            %sign3A_195 = arith.extui %sign3A_194 : i1 to i32
            %sign3A_196 = arith.subi %sign3A_192, %sign3A_195 : i32
            %ne3A_197 = arith.cmpi ne, %sign3A_189, %sign3A_196 : i32
            %rem3A_198 = arith.remsi %mul3A_109, %jit3A_181 : i32
            %ne3A_199 = arith.constant 0 : i32
            %ne3A_200 = arith.cmpi ne, %rem3A_198, %ne3A_199 : i32
            %and3A_201 = arith.andi %ne3A_197, %ne3A_200 : i1
            %sub3A_202 = arith.constant 1 : i32
            %sub3A_203 = arith.subi %div3A_182, %sub3A_202 : i32
            %select_n3A_204 = arith.select %and3A_201, %sub3A_203, %div3A_182 : i32
            %mul3A_205 = arith.constant 16 : i32
            %mul3A_206 = arith.muli %scan3A_152, %mul3A_205 : i32
            %add3A_207 = arith.constant 1 : i32
            %add3A_208 = arith.addi %mul3A_206, %add3A_207 : i32
            %mul3A_209 = arith.constant 16 : i32
            %mul3A_210 = arith.muli %add3A_208, %mul3A_209 : i32
            %add3A_211 = arith.addi %select_n3A_204, %mul3A_210 : i32
            %get3A_212 = arith.index_cast %add3A_211 : i32 to index
            %get3A_213 = tpu.vector_load %arg6[%get3A_212] {strides = array<i32>} : memref<16384xi32, #tpu.memory_space<vmem>>, vector<16xi32>,
            %bitcast3A_214 = vector.bitcast %get3A_213 : vector<16xi32> to vector<32xi16>
            %lt3A_215 = arith.cmpi slt, %bitcast3A_214, %pack3A : vector<32xi16>
            %all_reduce_population_count3A_216 = tpu.all_reduce %lt3A_215 {dim = 0 : i64, kind = #tpu.reduction_kind<sum>} : vector<32xi1> -> vector<16xi32>
            %add3A_217 = arith.addi %add3A_180, %all_reduce_population_count3A_216 : vector<16xi32>
            %jit3A_218 = arith.constant 2 : i32
            %div3A_219 = arith.divsi %mul3A_109, %jit3A_218 : i32
            %sign3A_220 = arith.constant 0 : i32
            %sign3A_221 = arith.cmpi sgt, %mul3A_109, %sign3A_220 : i32
            %sign3A_222 = arith.extui %sign3A_221 : i1 to i32
            %sign3A_223 = arith.constant 0 : i32
            %sign3A_224 = arith.cmpi slt, %mul3A_109, %sign3A_223 : i32
            %sign3A_225 = arith.extui %sign3A_224 : i1 to i32
            %sign3A_226 = arith.subi %sign3A_222, %sign3A_225 : i32
            %sign3A_227 = arith.constant 0 : i32
            %sign3A_228 = arith.cmpi sgt, %jit3A_218, %sign3A_227 : i32
            %sign3A_229 = arith.extui %sign3A_228 : i1 to i32
            %sign3A_230 = arith.constant 0 : i32
            %sign3A_231 = arith.cmpi slt, %jit3A_218, %sign3A_230 : i32
            %sign3A_232 = arith.extui %sign3A_231 : i1 to i32
            %sign3A_233 = arith.subi %sign3A_229, %sign3A_232 : i32
            %ne3A_234 = arith.cmpi ne, %sign3A_226, %sign3A_233 : i32
            %rem3A_235 = arith.remsi %mul3A_109, %jit3A_218 : i32
            %ne3A_236 = arith.constant 0 : i32
            %ne3A_237 = arith.cmpi ne, %rem3A_235, %ne3A_236 : i32
            %and3A_238 = arith.andi %ne3A_234, %ne3A_237 : i1
            %sub3A_239 = arith.constant 1 : i32
            %sub3A_240 = arith.subi %div3A_219, %sub3A_239 : i32
            %select_n3A_241 = arith.select %and3A_238, %sub3A_240, %div3A_219 : i32
            %mul3A_242 = arith.constant 16 : i32
            %mul3A_243 = arith.muli %scan3A_152, %mul3A_242 : i32
            %add3A_244 = arith.constant 2 : i32
            %add3A_245 = arith.addi %mul3A_243, %add3A_244 : i32
            %mul3A_246 = arith.constant 16 : i32
            %mul3A_247 = arith.muli %add3A_245, %mul3A_246 : i32
            %add3A_248 = arith.addi %select_n3A_241, %mul3A_247 : i32
            %get3A_249 = arith.index_cast %add3A_248 : i32 to index
            %get3A_250 = tpu.vector_load %arg6[%get3A_249] {strides = array<i32>} : memref<16384xi32, #tpu.memory_space<vmem>>, vector<16xi32>,
            %bitcast3A_251 = vector.bitcast %get3A_250 : vector<16xi32> to vector<32xi16>
            %lt3A_252 = arith.cmpi slt, %bitcast3A_251, %pack3A : vector<32xi16>
            %all_reduce_population_count3A_253 = tpu.all_reduce %lt3A_252 {dim = 0 : i64, kind = #tpu.reduction_kind<sum>} : vector<32xi1> -> vector<16xi32>
            %add3A_254 = arith.addi %add3A_217, %all_reduce_population_count3A_253 : vector<16xi32>
            %jit3A_255 = arith.constant 2 : i32
            %div3A_256 = arith.divsi %mul3A_109, %jit3A_255 : i32
            %sign3A_257 = arith.constant 0 : i32
            %sign3A_258 = arith.cmpi sgt, %mul3A_109, %sign3A_257 : i32
            %sign3A_259 = arith.extui %sign3A_258 : i1 to i32
            %sign3A_260 = arith.constant 0 : i32
            %sign3A_261 = arith.cmpi slt, %mul3A_109, %sign3A_260 : i32
            %sign3A_262 = arith.extui %sign3A_261 : i1 to i32
            %sign3A_263 = arith.subi %sign3A_259, %sign3A_262 : i32
            %sign3A_264 = arith.constant 0 : i32
            %sign3A_265 = arith.cmpi sgt, %jit3A_255, %sign3A_264 : i32
            %sign3A_266 = arith.extui %sign3A_265 : i1 to i32
            %sign3A_267 = arith.constant 0 : i32
            %sign3A_268 = arith.cmpi slt, %jit3A_255, %sign3A_267 : i32
            %sign3A_269 = arith.extui %sign3A_268 : i1 to i32
            %sign3A_270 = arith.subi %sign3A_266, %sign3A_269 : i32
            %ne3A_271 = arith.cmpi ne, %sign3A_263, %sign3A_270 : i32
            %rem3A_272 = arith.remsi %mul3A_109, %jit3A_255 : i32
            %ne3A_273 = arith.constant 0 : i32
            %ne3A_274 = arith.cmpi ne, %rem3A_272, %ne3A_273 : i32
            %and3A_275 = arith.andi %ne3A_271, %ne3A_274 : i1
            %sub3A_276 = arith.constant 1 : i32
            %sub3A_277 = arith.subi %div3A_256, %sub3A_276 : i32
            %select_n3A_278 = arith.select %and3A_275, %sub3A_277, %div3A_256 : i32
            %mul3A_279 = arith.constant 16 : i32
            %mul3A_280 = arith.muli %scan3A_152, %mul3A_279 : i32
            %add3A_281 = arith.constant 3 : i32
            %add3A_282 = arith.addi %mul3A_280, %add3A_281 : i32
            %mul3A_283 = arith.constant 16 : i32
            %mul3A_284 = arith.muli %add3A_282, %mul3A_283 : i32
            %add3A_285 = arith.addi %select_n3A_278, %mul3A_284 : i32
            %get3A_286 = arith.index_cast %add3A_285 : i32 to index
            %get3A_287 = tpu.vector_load %arg6[%get3A_286] {strides = array<i32>} : memref<16384xi32, #tpu.memory_space<vmem>>, vector<16xi32>,
            %bitcast3A_288 = vector.bitcast %get3A_287 : vector<16xi32> to vector<32xi16>
            %lt3A_289 = arith.cmpi slt, %bitcast3A_288, %pack3A : vector<32xi16>
            %all_reduce_population_count3A_290 = tpu.all_reduce %lt3A_289 {dim = 0 : i64, kind = #tpu.reduction_kind<sum>} : vector<32xi1> -> vector<16xi32>
            %add3A_291 = arith.addi %add3A_254, %all_reduce_population_count3A_290 : vector<16xi32>
            %jit3A_292 = arith.constant 2 : i32
            %div3A_293 = arith.divsi %mul3A_109, %jit3A_292 : i32
            %sign3A_294 = arith.constant 0 : i32
            %sign3A_295 = arith.cmpi sgt, %mul3A_109, %sign3A_294 : i32
            %sign3A_296 = arith.extui %sign3A_295 : i1 to i32
            %sign3A_297 = arith.constant 0 : i32
            %sign3A_298 = arith.cmpi slt, %mul3A_109, %sign3A_297 : i32
            %sign3A_299 = arith.extui %sign3A_298 : i1 to i32
            %sign3A_300 = arith.subi %sign3A_296, %sign3A_299 : i32
            %sign3A_301 = arith.constant 0 : i32
            %sign3A_302 = arith.cmpi sgt, %jit3A_292, %sign3A_301 : i32
            %sign3A_303 = arith.extui %sign3A_302 : i1 to i32
            %sign3A_304 = arith.constant 0 : i32
            %sign3A_305 = arith.cmpi slt, %jit3A_292, %sign3A_304 : i32
            %sign3A_306 = arith.extui %sign3A_305 : i1 to i32
            %sign3A_307 = arith.subi %sign3A_303, %sign3A_306 : i32
            %ne3A_308 = arith.cmpi ne, %sign3A_300, %sign3A_307 : i32
            %rem3A_309 = arith.remsi %mul3A_109, %jit3A_292 : i32
            %ne3A_310 = arith.constant 0 : i32
            %ne3A_311 = arith.cmpi ne, %rem3A_309, %ne3A_310 : i32
            %and3A_312 = arith.andi %ne3A_308, %ne3A_311 : i1
            %sub3A_313 = arith.constant 1 : i32
            %sub3A_314 = arith.subi %div3A_293, %sub3A_313 : i32
            %select_n3A_315 = arith.select %and3A_312, %sub3A_314, %div3A_293 : i32
            %mul3A_316 = arith.constant 16 : i32
            %mul3A_317 = arith.muli %scan3A_152, %mul3A_316 : i32
            %add3A_318 = arith.constant 4 : i32
            %add3A_319 = arith.addi %mul3A_317, %add3A_318 : i32
            %mul3A_320 = arith.constant 16 : i32
            %mul3A_321 = arith.muli %add3A_319, %mul3A_320 : i32
            %add3A_322 = arith.addi %select_n3A_315, %mul3A_321 : i32
            %get3A_323 = arith.index_cast %add3A_322 : i32 to index
            %get3A_324 = tpu.vector_load %arg6[%get3A_323] {strides = array<i32>} : memref<16384xi32, #tpu.memory_space<vmem>>, vector<16xi32>,
            %bitcast3A_325 = vector.bitcast %get3A_324 : vector<16xi32> to vector<32xi16>
            %lt3A_326 = arith.cmpi slt, %bitcast3A_325, %pack3A : vector<32xi16>
            %all_reduce_population_count3A_327 = tpu.all_reduce %lt3A_326 {dim = 0 : i64, kind = #tpu.reduction_kind<sum>} : vector<32xi1> -> vector<16xi32>
            %add3A_328 = arith.addi %add3A_291, %all_reduce_population_count3A_327 : vector<16xi32>
            %jit3A_329 = arith.constant 2 : i32
            %div3A_330 = arith.divsi %mul3A_109, %jit3A_329 : i32
            %sign3A_331 = arith.constant 0 : i32
            %sign3A_332 = arith.cmpi sgt, %mul3A_109, %sign3A_331 : i32
            %sign3A_333 = arith.extui %sign3A_332 : i1 to i32
            %sign3A_334 = arith.constant 0 : i32
            %sign3A_335 = arith.cmpi slt, %mul3A_109, %sign3A_334 : i32
            %sign3A_336 = arith.extui %sign3A_335 : i1 to i32
            %sign3A_337 = arith.subi %sign3A_333, %sign3A_336 : i32
            %sign3A_338 = arith.constant 0 : i32
            %sign3A_339 = arith.cmpi sgt, %jit3A_329, %sign3A_338 : i32
            %sign3A_340 = arith.extui %sign3A_339 : i1 to i32
            %sign3A_341 = arith.constant 0 : i32
            %sign3A_342 = arith.cmpi slt, %jit3A_329, %sign3A_341 : i32
            %sign3A_343 = arith.extui %sign3A_342 : i1 to i32
            %sign3A_344 = arith.subi %sign3A_340, %sign3A_343 : i32
            %ne3A_345 = arith.cmpi ne, %sign3A_337, %sign3A_344 : i32
            %rem3A_346 = arith.remsi %mul3A_109, %jit3A_329 : i32
            %ne3A_347 = arith.constant 0 : i32
            %ne3A_348 = arith.cmpi ne, %rem3A_346, %ne3A_347 : i32
            %and3A_349 = arith.andi %ne3A_345, %ne3A_348 : i1
            %sub3A_350 = arith.constant 1 : i32
            %sub3A_351 = arith.subi %div3A_330, %sub3A_350 : i32
            %select_n3A_352 = arith.select %and3A_349, %sub3A_351, %div3A_330 : i32
            %mul3A_353 = arith.constant 16 : i32
            %mul3A_354 = arith.muli %scan3A_152, %mul3A_353 : i32
            %add3A_355 = arith.constant 5 : i32
            %add3A_356 = arith.addi %mul3A_354, %add3A_355 : i32
            %mul3A_357 = arith.constant 16 : i32
            %mul3A_358 = arith.muli %add3A_356, %mul3A_357 : i32
            %add3A_359 = arith.addi %select_n3A_352, %mul3A_358 : i32
            %get3A_360 = arith.index_cast %add3A_359 : i32 to index
            %get3A_361 = tpu.vector_load %arg6[%get3A_360] {strides = array<i32>} : memref<16384xi32, #tpu.memory_space<vmem>>, vector<16xi32>,
            %bitcast3A_362 = vector.bitcast %get3A_361 : vector<16xi32> to vector<32xi16>
            %lt3A_363 = arith.cmpi slt, %bitcast3A_362, %pack3A : vector<32xi16>
            %all_reduce_population_count3A_364 = tpu.all_reduce %lt3A_363 {dim = 0 : i64, kind = #tpu.reduction_kind<sum>} : vector<32xi1> -> vector<16xi32>
            %add3A_365 = arith.addi %add3A_328, %all_reduce_population_count3A_364 : vector<16xi32>
            %jit3A_366 = arith.constant 2 : i32
            %div3A_367 = arith.divsi %mul3A_109, %jit3A_366 : i32
            %sign3A_368 = arith.constant 0 : i32
            %sign3A_369 = arith.cmpi sgt, %mul3A_109, %sign3A_368 : i32
            %sign3A_370 = arith.extui %sign3A_369 : i1 to i32
            %sign3A_371 = arith.constant 0 : i32
            %sign3A_372 = arith.cmpi slt, %mul3A_109, %sign3A_371 : i32
            %sign3A_373 = arith.extui %sign3A_372 : i1 to i32
            %sign3A_374 = arith.subi %sign3A_370, %sign3A_373 : i32
            %sign3A_375 = arith.constant 0 : i32
            %sign3A_376 = arith.cmpi sgt, %jit3A_366, %sign3A_375 : i32
            %sign3A_377 = arith.extui %sign3A_376 : i1 to i32
            %sign3A_378 = arith.constant 0 : i32
            %sign3A_379 = arith.cmpi slt, %jit3A_366, %sign3A_378 : i32
            %sign3A_380 = arith.extui %sign3A_379 : i1 to i32
            %sign3A_381 = arith.subi %sign3A_377, %sign3A_380 : i32
            %ne3A_382 = arith.cmpi ne, %sign3A_374, %sign3A_381 : i32
            %rem3A_383 = arith.remsi %mul3A_109, %jit3A_366 : i32
            %ne3A_384 = arith.constant 0 : i32
            %ne3A_385 = arith.cmpi ne, %rem3A_383, %ne3A_384 : i32
            %and3A_386 = arith.andi %ne3A_382, %ne3A_385 : i1
            %sub3A_387 = arith.constant 1 : i32
            %sub3A_388 = arith.subi %div3A_367, %sub3A_387 : i32
            %select_n3A_389 = arith.select %and3A_386, %sub3A_388, %div3A_367 : i32
            %mul3A_390 = arith.constant 16 : i32
            %mul3A_391 = arith.muli %scan3A_152, %mul3A_390 : i32
            %add3A_392 = arith.constant 6 : i32
            %add3A_393 = arith.addi %mul3A_391, %add3A_392 : i32
            %mul3A_394 = arith.constant 16 : i32
            %mul3A_395 = arith.muli %add3A_393, %mul3A_394 : i32
            %add3A_396 = arith.addi %select_n3A_389, %mul3A_395 : i32
            %get3A_397 = arith.index_cast %add3A_396 : i32 to index
            %get3A_398 = tpu.vector_load %arg6[%get3A_397] {strides = array<i32>} : memref<16384xi32, #tpu.memory_space<vmem>>, vector<16xi32>,
            %bitcast3A_399 = vector.bitcast %get3A_398 : vector<16xi32> to vector<32xi16>
            %lt3A_400 = arith.cmpi slt, %bitcast3A_399, %pack3A : vector<32xi16>
            %all_reduce_population_count3A_401 = tpu.all_reduce %lt3A_400 {dim = 0 : i64, kind = #tpu.reduction_kind<sum>} : vector<32xi1> -> vector<16xi32>
            %add3A_402 = arith.addi %add3A_365, %all_reduce_population_count3A_401 : vector<16xi32>
            %jit3A_403 = arith.constant 2 : i32
            %div3A_404 = arith.divsi %mul3A_109, %jit3A_403 : i32
            %sign3A_405 = arith.constant 0 : i32
            %sign3A_406 = arith.cmpi sgt, %mul3A_109, %sign3A_405 : i32
            %sign3A_407 = arith.extui %sign3A_406 : i1 to i32
            %sign3A_408 = arith.constant 0 : i32
            %sign3A_409 = arith.cmpi slt, %mul3A_109, %sign3A_408 : i32
            %sign3A_410 = arith.extui %sign3A_409 : i1 to i32
            %sign3A_411 = arith.subi %sign3A_407, %sign3A_410 : i32
            %sign3A_412 = arith.constant 0 : i32
            %sign3A_413 = arith.cmpi sgt, %jit3A_403, %sign3A_412 : i32
            %sign3A_414 = arith.extui %sign3A_413 : i1 to i32
            %sign3A_415 = arith.constant 0 : i32
            %sign3A_416 = arith.cmpi slt, %jit3A_403, %sign3A_415 : i32
            %sign3A_417 = arith.extui %sign3A_416 : i1 to i32
            %sign3A_418 = arith.subi %sign3A_414, %sign3A_417 : i32
            %ne3A_419 = arith.cmpi ne, %sign3A_411, %sign3A_418 : i32
            %rem3A_420 = arith.remsi %mul3A_109, %jit3A_403 : i32
            %ne3A_421 = arith.constant 0 : i32
            %ne3A_422 = arith.cmpi ne, %rem3A_420, %ne3A_421 : i32
            %and3A_423 = arith.andi %ne3A_419, %ne3A_422 : i1
            %sub3A_424 = arith.constant 1 : i32
            %sub3A_425 = arith.subi %div3A_404, %sub3A_424 : i32
            %select_n3A_426 = arith.select %and3A_423, %sub3A_425, %div3A_404 : i32
            %mul3A_427 = arith.constant 16 : i32
            %mul3A_428 = arith.muli %scan3A_152, %mul3A_427 : i32
            %add3A_429 = arith.constant 7 : i32
            %add3A_430 = arith.addi %mul3A_428, %add3A_429 : i32
            %mul3A_431 = arith.constant 16 : i32
            %mul3A_432 = arith.muli %add3A_430, %mul3A_431 : i32
            %add3A_433 = arith.addi %select_n3A_426, %mul3A_432 : i32
            %get3A_434 = arith.index_cast %add3A_433 : i32 to index
            %get3A_435 = tpu.vector_load %arg6[%get3A_434] {strides = array<i32>} : memref<16384xi32, #tpu.memory_space<vmem>>, vector<16xi32>,
            %bitcast3A_436 = vector.bitcast %get3A_435 : vector<16xi32> to vector<32xi16>
            %lt3A_437 = arith.cmpi slt, %bitcast3A_436, %pack3A : vector<32xi16>
            %all_reduce_population_count3A_438 = tpu.all_reduce %lt3A_437 {dim = 0 : i64, kind = #tpu.reduction_kind<sum>} : vector<32xi1> -> vector<16xi32>
            %add3A_439 = arith.addi %add3A_402, %all_reduce_population_count3A_438 : vector<16xi32>
            %jit3A_440 = arith.constant 2 : i32
            %div3A_441 = arith.divsi %mul3A_109, %jit3A_440 : i32
            %sign3A_442 = arith.constant 0 : i32
            %sign3A_443 = arith.cmpi sgt, %mul3A_109, %sign3A_442 : i32
            %sign3A_444 = arith.extui %sign3A_443 : i1 to i32
            %sign3A_445 = arith.constant 0 : i32
            %sign3A_446 = arith.cmpi slt, %mul3A_109, %sign3A_445 : i32
            %sign3A_447 = arith.extui %sign3A_446 : i1 to i32
            %sign3A_448 = arith.subi %sign3A_444, %sign3A_447 : i32
            %sign3A_449 = arith.constant 0 : i32
            %sign3A_450 = arith.cmpi sgt, %jit3A_440, %sign3A_449 : i32
            %sign3A_451 = arith.extui %sign3A_450 : i1 to i32
            %sign3A_452 = arith.constant 0 : i32
            %sign3A_453 = arith.cmpi slt, %jit3A_440, %sign3A_452 : i32
            %sign3A_454 = arith.extui %sign3A_453 : i1 to i32
            %sign3A_455 = arith.subi %sign3A_451, %sign3A_454 : i32
            %ne3A_456 = arith.cmpi ne, %sign3A_448, %sign3A_455 : i32
            %rem3A_457 = arith.remsi %mul3A_109, %jit3A_440 : i32
            %ne3A_458 = arith.constant 0 : i32
            %ne3A_459 = arith.cmpi ne, %rem3A_457, %ne3A_458 : i32
            %and3A_460 = arith.andi %ne3A_456, %ne3A_459 : i1
            %sub3A_461 = arith.constant 1 : i32
            %sub3A_462 = arith.subi %div3A_441, %sub3A_461 : i32
            %select_n3A_463 = arith.select %and3A_460, %sub3A_462, %div3A_441 : i32
            %mul3A_464 = arith.constant 16 : i32
            %mul3A_465 = arith.muli %scan3A_152, %mul3A_464 : i32
            %add3A_466 = arith.constant 8 : i32
            %add3A_467 = arith.addi %mul3A_465, %add3A_466 : i32
            %mul3A_468 = arith.constant 16 : i32
            %mul3A_469 = arith.muli %add3A_467, %mul3A_468 : i32
            %add3A_470 = arith.addi %select_n3A_463, %mul3A_469 : i32
            %get3A_471 = arith.index_cast %add3A_470 : i32 to index
            %get3A_472 = tpu.vector_load %arg6[%get3A_471] {strides = array<i32>} : memref<16384xi32, #tpu.memory_space<vmem>>, vector<16xi32>,
            %bitcast3A_473 = vector.bitcast %get3A_472 : vector<16xi32> to vector<32xi16>
            %lt3A_474 = arith.cmpi slt, %bitcast3A_473, %pack3A : vector<32xi16>
            %all_reduce_population_count3A_475 = tpu.all_reduce %lt3A_474 {dim = 0 : i64, kind = #tpu.reduction_kind<sum>} : vector<32xi1> -> vector<16xi32>
            %add3A_476 = arith.addi %add3A_439, %all_reduce_population_count3A_475 : vector<16xi32>
            %jit3A_477 = arith.constant 2 : i32
            %div3A_478 = arith.divsi %mul3A_109, %jit3A_477 : i32
            %sign3A_479 = arith.constant 0 : i32
            %sign3A_480 = arith.cmpi sgt, %mul3A_109, %sign3A_479 : i32
            %sign3A_481 = arith.extui %sign3A_480 : i1 to i32
            %sign3A_482 = arith.constant 0 : i32
            %sign3A_483 = arith.cmpi slt, %mul3A_109, %sign3A_482 : i32
            %sign3A_484 = arith.extui %sign3A_483 : i1 to i32
            %sign3A_485 = arith.subi %sign3A_481, %sign3A_484 : i32
            %sign3A_486 = arith.constant 0 : i32
            %sign3A_487 = arith.cmpi sgt, %jit3A_477, %sign3A_486 : i32
            %sign3A_488 = arith.extui %sign3A_487 : i1 to i32
            %sign3A_489 = arith.constant 0 : i32
            %sign3A_490 = arith.cmpi slt, %jit3A_477, %sign3A_489 : i32
            %sign3A_491 = arith.extui %sign3A_490 : i1 to i32
            %sign3A_492 = arith.subi %sign3A_488, %sign3A_491 : i32
            %ne3A_493 = arith.cmpi ne, %sign3A_485, %sign3A_492 : i32
            %rem3A_494 = arith.remsi %mul3A_109, %jit3A_477 : i32
            %ne3A_495 = arith.constant 0 : i32
            %ne3A_496 = arith.cmpi ne, %rem3A_494, %ne3A_495 : i32
            %and3A_497 = arith.andi %ne3A_493, %ne3A_496 : i1
            %sub3A_498 = arith.constant 1 : i32
            %sub3A_499 = arith.subi %div3A_478, %sub3A_498 : i32
            %select_n3A_500 = arith.select %and3A_497, %sub3A_499, %div3A_478 : i32
            %mul3A_501 = arith.constant 16 : i32
            %mul3A_502 = arith.muli %scan3A_152, %mul3A_501 : i32
            %add3A_503 = arith.constant 9 : i32
            %add3A_504 = arith.addi %mul3A_502, %add3A_503 : i32
            %mul3A_505 = arith.constant 16 : i32
            %mul3A_506 = arith.muli %add3A_504, %mul3A_505 : i32
            %add3A_507 = arith.addi %select_n3A_500, %mul3A_506 : i32
            %get3A_508 = arith.index_cast %add3A_507 : i32 to index
            %get3A_509 = tpu.vector_load %arg6[%get3A_508] {strides = array<i32>} : memref<16384xi32, #tpu.memory_space<vmem>>, vector<16xi32>,
            %bitcast3A_510 = vector.bitcast %get3A_509 : vector<16xi32> to vector<32xi16>
            %lt3A_511 = arith.cmpi slt, %bitcast3A_510, %pack3A : vector<32xi16>
            %all_reduce_population_count3A_512 = tpu.all_reduce %lt3A_511 {dim = 0 : i64, kind = #tpu.reduction_kind<sum>} : vector<32xi1> -> vector<16xi32>
            %add3A_513 = arith.addi %add3A_476, %all_reduce_population_count3A_512 : vector<16xi32>
            %jit3A_514 = arith.constant 2 : i32
            %div3A_515 = arith.divsi %mul3A_109, %jit3A_514 : i32
            %sign3A_516 = arith.constant 0 : i32
            %sign3A_517 = arith.cmpi sgt, %mul3A_109, %sign3A_516 : i32
            %sign3A_518 = arith.extui %sign3A_517 : i1 to i32
            %sign3A_519 = arith.constant 0 : i32
            %sign3A_520 = arith.cmpi slt, %mul3A_109, %sign3A_519 : i32
            %sign3A_521 = arith.extui %sign3A_520 : i1 to i32
            %sign3A_522 = arith.subi %sign3A_518, %sign3A_521 : i32
            %sign3A_523 = arith.constant 0 : i32
            %sign3A_524 = arith.cmpi sgt, %jit3A_514, %sign3A_523 : i32
            %sign3A_525 = arith.extui %sign3A_524 : i1 to i32
            %sign3A_526 = arith.constant 0 : i32
            %sign3A_527 = arith.cmpi slt, %jit3A_514, %sign3A_526 : i32
            %sign3A_528 = arith.extui %sign3A_527 : i1 to i32
            %sign3A_529 = arith.subi %sign3A_525, %sign3A_528 : i32
            %ne3A_530 = arith.cmpi ne, %sign3A_522, %sign3A_529 : i32
            %rem3A_531 = arith.remsi %mul3A_109, %jit3A_514 : i32
            %ne3A_532 = arith.constant 0 : i32
            %ne3A_533 = arith.cmpi ne, %rem3A_531, %ne3A_532 : i32
            %and3A_534 = arith.andi %ne3A_530, %ne3A_533 : i1
            %sub3A_535 = arith.constant 1 : i32
            %sub3A_536 = arith.subi %div3A_515, %sub3A_535 : i32
            %select_n3A_537 = arith.select %and3A_534, %sub3A_536, %div3A_515 : i32
            %mul3A_538 = arith.constant 16 : i32
            %mul3A_539 = arith.muli %scan3A_152, %mul3A_538 : i32
            %add3A_540 = arith.constant 10 : i32
            %add3A_541 = arith.addi %mul3A_539, %add3A_540 : i32
            %mul3A_542 = arith.constant 16 : i32
            %mul3A_543 = arith.muli %add3A_541, %mul3A_542 : i32
            %add3A_544 = arith.addi %select_n3A_537, %mul3A_543 : i32
            %get3A_545 = arith.index_cast %add3A_544 : i32 to index
            %get3A_546 = tpu.vector_load %arg6[%get3A_545] {strides = array<i32>} : memref<16384xi32, #tpu.memory_space<vmem>>, vector<16xi32>,
            %bitcast3A_547 = vector.bitcast %get3A_546 : vector<16xi32> to vector<32xi16>
            %lt3A_548 = arith.cmpi slt, %bitcast3A_547, %pack3A : vector<32xi16>
            %all_reduce_population_count3A_549 = tpu.all_reduce %lt3A_548 {dim = 0 : i64, kind = #tpu.reduction_kind<sum>} : vector<32xi1> -> vector<16xi32>
            %add3A_550 = arith.addi %add3A_513, %all_reduce_population_count3A_549 : vector<16xi32>
            %jit3A_551 = arith.constant 2 : i32
            %div3A_552 = arith.divsi %mul3A_109, %jit3A_551 : i32
            %sign3A_553 = arith.constant 0 : i32
            %sign3A_554 = arith.cmpi sgt, %mul3A_109, %sign3A_553 : i32
            %sign3A_555 = arith.extui %sign3A_554 : i1 to i32
            %sign3A_556 = arith.constant 0 : i32
            %sign3A_557 = arith.cmpi slt, %mul3A_109, %sign3A_556 : i32
            %sign3A_558 = arith.extui %sign3A_557 : i1 to i32
            %sign3A_559 = arith.subi %sign3A_555, %sign3A_558 : i32
            %sign3A_560 = arith.constant 0 : i32
            %sign3A_561 = arith.cmpi sgt, %jit3A_551, %sign3A_560 : i32
            %sign3A_562 = arith.extui %sign3A_561 : i1 to i32
            %sign3A_563 = arith.constant 0 : i32
            %sign3A_564 = arith.cmpi slt, %jit3A_551, %sign3A_563 : i32
            %sign3A_565 = arith.extui %sign3A_564 : i1 to i32
            %sign3A_566 = arith.subi %sign3A_562, %sign3A_565 : i32
            %ne3A_567 = arith.cmpi ne, %sign3A_559, %sign3A_566 : i32
            %rem3A_568 = arith.remsi %mul3A_109, %jit3A_551 : i32
            %ne3A_569 = arith.constant 0 : i32
            %ne3A_570 = arith.cmpi ne, %rem3A_568, %ne3A_569 : i32
            %and3A_571 = arith.andi %ne3A_567, %ne3A_570 : i1
            %sub3A_572 = arith.constant 1 : i32
            %sub3A_573 = arith.subi %div3A_552, %sub3A_572 : i32
            %select_n3A_574 = arith.select %and3A_571, %sub3A_573, %div3A_552 : i32
            %mul3A_575 = arith.constant 16 : i32
            %mul3A_576 = arith.muli %scan3A_152, %mul3A_575 : i32
            %add3A_577 = arith.constant 11 : i32
            %add3A_578 = arith.addi %mul3A_576, %add3A_577 : i32
            %mul3A_579 = arith.constant 16 : i32
            %mul3A_580 = arith.muli %add3A_578, %mul3A_579 : i32
            %add3A_581 = arith.addi %select_n3A_574, %mul3A_580 : i32
            %get3A_582 = arith.index_cast %add3A_581 : i32 to index
            %get3A_583 = tpu.vector_load %arg6[%get3A_582] {strides = array<i32>} : memref<16384xi32, #tpu.memory_space<vmem>>, vector<16xi32>,
            %bitcast3A_584 = vector.bitcast %get3A_583 : vector<16xi32> to vector<32xi16>
            %lt3A_585 = arith.cmpi slt, %bitcast3A_584, %pack3A : vector<32xi16>
            %all_reduce_population_count3A_586 = tpu.all_reduce %lt3A_585 {dim = 0 : i64, kind = #tpu.reduction_kind<sum>} : vector<32xi1> -> vector<16xi32>
            %add3A_587 = arith.addi %add3A_550, %all_reduce_population_count3A_586 : vector<16xi32>
            %jit3A_588 = arith.constant 2 : i32
            %div3A_589 = arith.divsi %mul3A_109, %jit3A_588 : i32
            %sign3A_590 = arith.constant 0 : i32
            %sign3A_591 = arith.cmpi sgt, %mul3A_109, %sign3A_590 : i32
            %sign3A_592 = arith.extui %sign3A_591 : i1 to i32
            %sign3A_593 = arith.constant 0 : i32
            %sign3A_594 = arith.cmpi slt, %mul3A_109, %sign3A_593 : i32
            %sign3A_595 = arith.extui %sign3A_594 : i1 to i32
            %sign3A_596 = arith.subi %sign3A_592, %sign3A_595 : i32
            %sign3A_597 = arith.constant 0 : i32
            %sign3A_598 = arith.cmpi sgt, %jit3A_588, %sign3A_597 : i32
            %sign3A_599 = arith.extui %sign3A_598 : i1 to i32
            %sign3A_600 = arith.constant 0 : i32
            %sign3A_601 = arith.cmpi slt, %jit3A_588, %sign3A_600 : i32
            %sign3A_602 = arith.extui %sign3A_601 : i1 to i32
            %sign3A_603 = arith.subi %sign3A_599, %sign3A_602 : i32
            %ne3A_604 = arith.cmpi ne, %sign3A_596, %sign3A_603 : i32
            %rem3A_605 = arith.remsi %mul3A_109, %jit3A_588 : i32
            %ne3A_606 = arith.constant 0 : i32
            %ne3A_607 = arith.cmpi ne, %rem3A_605, %ne3A_606 : i32
            %and3A_608 = arith.andi %ne3A_604, %ne3A_607 : i1
            %sub3A_609 = arith.constant 1 : i32
            %sub3A_610 = arith.subi %div3A_589, %sub3A_609 : i32
            %select_n3A_611 = arith.select %and3A_608, %sub3A_610, %div3A_589 : i32
            %mul3A_612 = arith.constant 16 : i32
            %mul3A_613 = arith.muli %scan3A_152, %mul3A_612 : i32
            %add3A_614 = arith.constant 12 : i32
            %add3A_615 = arith.addi %mul3A_613, %add3A_614 : i32
            %mul3A_616 = arith.constant 16 : i32
            %mul3A_617 = arith.muli %add3A_615, %mul3A_616 : i32
            %add3A_618 = arith.addi %select_n3A_611, %mul3A_617 : i32
            %get3A_619 = arith.index_cast %add3A_618 : i32 to index
            %get3A_620 = tpu.vector_load %arg6[%get3A_619] {strides = array<i32>} : memref<16384xi32, #tpu.memory_space<vmem>>, vector<16xi32>,
            %bitcast3A_621 = vector.bitcast %get3A_620 : vector<16xi32> to vector<32xi16>
            %lt3A_622 = arith.cmpi slt, %bitcast3A_621, %pack3A : vector<32xi16>
            %all_reduce_population_count3A_623 = tpu.all_reduce %lt3A_622 {dim = 0 : i64, kind = #tpu.reduction_kind<sum>} : vector<32xi1> -> vector<16xi32>
            %add3A_624 = arith.addi %add3A_587, %all_reduce_population_count3A_623 : vector<16xi32>
            %jit3A_625 = arith.constant 2 : i32
            %div3A_626 = arith.divsi %mul3A_109, %jit3A_625 : i32
            %sign3A_627 = arith.constant 0 : i32
            %sign3A_628 = arith.cmpi sgt, %mul3A_109, %sign3A_627 : i32
            %sign3A_629 = arith.extui %sign3A_628 : i1 to i32
            %sign3A_630 = arith.constant 0 : i32
            %sign3A_631 = arith.cmpi slt, %mul3A_109, %sign3A_630 : i32
            %sign3A_632 = arith.extui %sign3A_631 : i1 to i32
            %sign3A_633 = arith.subi %sign3A_629, %sign3A_632 : i32
            %sign3A_634 = arith.constant 0 : i32
            %sign3A_635 = arith.cmpi sgt, %jit3A_625, %sign3A_634 : i32
            %sign3A_636 = arith.extui %sign3A_635 : i1 to i32
            %sign3A_637 = arith.constant 0 : i32
            %sign3A_638 = arith.cmpi slt, %jit3A_625, %sign3A_637 : i32
            %sign3A_639 = arith.extui %sign3A_638 : i1 to i32
            %sign3A_640 = arith.subi %sign3A_636, %sign3A_639 : i32
            %ne3A_641 = arith.cmpi ne, %sign3A_633, %sign3A_640 : i32
            %rem3A_642 = arith.remsi %mul3A_109, %jit3A_625 : i32
            %ne3A_643 = arith.constant 0 : i32
            %ne3A_644 = arith.cmpi ne, %rem3A_642, %ne3A_643 : i32
            %and3A_645 = arith.andi %ne3A_641, %ne3A_644 : i1
            %sub3A_646 = arith.constant 1 : i32
            %sub3A_647 = arith.subi %div3A_626, %sub3A_646 : i32
            %select_n3A_648 = arith.select %and3A_645, %sub3A_647, %div3A_626 : i32
            %mul3A_649 = arith.constant 16 : i32
            %mul3A_650 = arith.muli %scan3A_152, %mul3A_649 : i32
            %add3A_651 = arith.constant 13 : i32
            %add3A_652 = arith.addi %mul3A_650, %add3A_651 : i32
            %mul3A_653 = arith.constant 16 : i32
            %mul3A_654 = arith.muli %add3A_652, %mul3A_653 : i32
            %add3A_655 = arith.addi %select_n3A_648, %mul3A_654 : i32
            %get3A_656 = arith.index_cast %add3A_655 : i32 to index
            %get3A_657 = tpu.vector_load %arg6[%get3A_656] {strides = array<i32>} : memref<16384xi32, #tpu.memory_space<vmem>>, vector<16xi32>,
            %bitcast3A_658 = vector.bitcast %get3A_657 : vector<16xi32> to vector<32xi16>
            %lt3A_659 = arith.cmpi slt, %bitcast3A_658, %pack3A : vector<32xi16>
            %all_reduce_population_count3A_660 = tpu.all_reduce %lt3A_659 {dim = 0 : i64, kind = #tpu.reduction_kind<sum>} : vector<32xi1> -> vector<16xi32>
            %add3A_661 = arith.addi %add3A_624, %all_reduce_population_count3A_660 : vector<16xi32>
            %jit3A_662 = arith.constant 2 : i32
            %div3A_663 = arith.divsi %mul3A_109, %jit3A_662 : i32
            %sign3A_664 = arith.constant 0 : i32
            %sign3A_665 = arith.cmpi sgt, %mul3A_109, %sign3A_664 : i32
            %sign3A_666 = arith.extui %sign3A_665 : i1 to i32
            %sign3A_667 = arith.constant 0 : i32
            %sign3A_668 = arith.cmpi slt, %mul3A_109, %sign3A_667 : i32
            %sign3A_669 = arith.extui %sign3A_668 : i1 to i32
            %sign3A_670 = arith.subi %sign3A_666, %sign3A_669 : i32
            %sign3A_671 = arith.constant 0 : i32
            %sign3A_672 = arith.cmpi sgt, %jit3A_662, %sign3A_671 : i32
            %sign3A_673 = arith.extui %sign3A_672 : i1 to i32
            %sign3A_674 = arith.constant 0 : i32
            %sign3A_675 = arith.cmpi slt, %jit3A_662, %sign3A_674 : i32
            %sign3A_676 = arith.extui %sign3A_675 : i1 to i32
            %sign3A_677 = arith.subi %sign3A_673, %sign3A_676 : i32
            %ne3A_678 = arith.cmpi ne, %sign3A_670, %sign3A_677 : i32
            %rem3A_679 = arith.remsi %mul3A_109, %jit3A_662 : i32
            %ne3A_680 = arith.constant 0 : i32
            %ne3A_681 = arith.cmpi ne, %rem3A_679, %ne3A_680 : i32
            %and3A_682 = arith.andi %ne3A_678, %ne3A_681 : i1
            %sub3A_683 = arith.constant 1 : i32
            %sub3A_684 = arith.subi %div3A_663, %sub3A_683 : i32
            %select_n3A_685 = arith.select %and3A_682, %sub3A_684, %div3A_663 : i32
            %mul3A_686 = arith.constant 16 : i32
            %mul3A_687 = arith.muli %scan3A_152, %mul3A_686 : i32
            %add3A_688 = arith.constant 14 : i32
            %add3A_689 = arith.addi %mul3A_687, %add3A_688 : i32
            %mul3A_690 = arith.constant 16 : i32
            %mul3A_691 = arith.muli %add3A_689, %mul3A_690 : i32
            %add3A_692 = arith.addi %select_n3A_685, %mul3A_691 : i32
            %get3A_693 = arith.index_cast %add3A_692 : i32 to index
            %get3A_694 = tpu.vector_load %arg6[%get3A_693] {strides = array<i32>} : memref<16384xi32, #tpu.memory_space<vmem>>, vector<16xi32>,
            %bitcast3A_695 = vector.bitcast %get3A_694 : vector<16xi32> to vector<32xi16>
            %lt3A_696 = arith.cmpi slt, %bitcast3A_695, %pack3A : vector<32xi16>
            %all_reduce_population_count3A_697 = tpu.all_reduce %lt3A_696 {dim = 0 : i64, kind = #tpu.reduction_kind<sum>} : vector<32xi1> -> vector<16xi32>
            %add3A_698 = arith.addi %add3A_661, %all_reduce_population_count3A_697 : vector<16xi32>
            %jit3A_699 = arith.constant 2 : i32
            %div3A_700 = arith.divsi %mul3A_109, %jit3A_699 : i32
            %sign3A_701 = arith.constant 0 : i32
            %sign3A_702 = arith.cmpi sgt, %mul3A_109, %sign3A_701 : i32
            %sign3A_703 = arith.extui %sign3A_702 : i1 to i32
            %sign3A_704 = arith.constant 0 : i32
            %sign3A_705 = arith.cmpi slt, %mul3A_109, %sign3A_704 : i32
            %sign3A_706 = arith.extui %sign3A_705 : i1 to i32
            %sign3A_707 = arith.subi %sign3A_703, %sign3A_706 : i32
            %sign3A_708 = arith.constant 0 : i32
            %sign3A_709 = arith.cmpi sgt, %jit3A_699, %sign3A_708 : i32
            %sign3A_710 = arith.extui %sign3A_709 : i1 to i32
            %sign3A_711 = arith.constant 0 : i32
            %sign3A_712 = arith.cmpi slt, %jit3A_699, %sign3A_711 : i32
            %sign3A_713 = arith.extui %sign3A_712 : i1 to i32
            %sign3A_714 = arith.subi %sign3A_710, %sign3A_713 : i32
            %ne3A_715 = arith.cmpi ne, %sign3A_707, %sign3A_714 : i32
            %rem3A_716 = arith.remsi %mul3A_109, %jit3A_699 : i32
            %ne3A_717 = arith.constant 0 : i32
            %ne3A_718 = arith.cmpi ne, %rem3A_716, %ne3A_717 : i32
            %and3A_719 = arith.andi %ne3A_715, %ne3A_718 : i1
            %sub3A_720 = arith.constant 1 : i32
            %sub3A_721 = arith.subi %div3A_700, %sub3A_720 : i32
            %select_n3A_722 = arith.select %and3A_719, %sub3A_721, %div3A_700 : i32
            %mul3A_723 = arith.constant 16 : i32
            %mul3A_724 = arith.muli %scan3A_152, %mul3A_723 : i32
            %add3A_725 = arith.constant 15 : i32
            %add3A_726 = arith.addi %mul3A_724, %add3A_725 : i32
            %mul3A_727 = arith.constant 16 : i32
            %mul3A_728 = arith.muli %add3A_726, %mul3A_727 : i32
            %add3A_729 = arith.addi %select_n3A_722, %mul3A_728 : i32
            %get3A_730 = arith.index_cast %add3A_729 : i32 to index
            %get3A_731 = tpu.vector_load %arg6[%get3A_730] {strides = array<i32>} : memref<16384xi32, #tpu.memory_space<vmem>>, vector<16xi32>,
            %bitcast3A_732 = vector.bitcast %get3A_731 : vector<16xi32> to vector<32xi16>
            %lt3A_733 = arith.cmpi slt, %bitcast3A_732, %pack3A : vector<32xi16>
            %all_reduce_population_count3A_734 = tpu.all_reduce %lt3A_733 {dim = 0 : i64, kind = #tpu.reduction_kind<sum>} : vector<32xi1> -> vector<16xi32>
            %add3A_735 = arith.addi %add3A_698, %all_reduce_population_count3A_734 : vector<16xi32>
            scf.yield %add3A_735 : vector<16xi32>
          }
          %scan3A_151 = arith.constant 4 : i32
          %le3A = arith.cmpi sle, %scan3A_150, %broadcast_in_dim3A_5 : vector<16xi32>
          %select_n3A = arith.select %le3A, %or3A_143, %scan3A_139 : vector<16xi1>, vector<16xi32>
          scf.yield %select_n3A : vector<16xi32>
        }
        %scan3A_117 = arith.constant 15 : i32
        %broadcast_in_dim3A_118 = arith.constant 0 : i32
        %broadcast_in_dim3A_119 = vector.broadcast %broadcast_in_dim3A_118 : i32 to vector<16xi32>
        %scan3A_120 = arith.constant 0 : i32
        %scan3A_121 = arith.constant 8 : i32
        %scan3A_122 = arith.addi %scan3A_120, %scan3A_121 : i32
        %scan3A_123 = arith.constant 1 : i32
        %scan3A_124 = scf.for %scan3A_138 = %scan3A_120 to %scan3A_122 step %scan3A_123 iter_args(%scan3A_139 = %broadcast_in_dim3A_119) -> (vector<16xi32>)  : i32 {
          %mul3A_140 = arith.constant 8 : i32
          %mul3A_141 = arith.muli %scan3A_138, %mul3A_140 : i32
          %add3A_142 = arith.constant 0 : i32
          %add3A_143 = arith.addi %mul3A_141, %add3A_142 : i32
          %mul3A_144 = arith.constant 2 : i32
          %mul3A_145 = arith.muli %add3A_143, %mul3A_144 : i32
          %mul3A_146 = arith.constant 16 : i32
          %mul3A_147 = arith.muli %mul3A_145, %mul3A_146 : i32
          %add3A_148 = arith.addi %mul3A_109, %mul3A_147 : i32
          %get3A = arith.index_cast %add3A_148 : i32 to index
          %get3A_149 = tpu.vector_load %arg4[%get3A] {strides = array<i32>} : memref<32768xf32, #tpu.memory_space<vmem>>, vector<16xf32>,
          %bitcast3A = vector.bitcast %get3A_149 : vector<16xf32> to vector<16xi32>
          %and3A = arith.constant 2147483647 : i32
          %and3A_150 = vector.broadcast %and3A : i32 to vector<16xi32>
          %and3A_151 = arith.andi %bitcast3A, %and3A_150 : vector<16xi32>
          %shift_right_arithmetic3A = arith.constant 16 : i32
          %shift_right_arithmetic3A_152 = vector.broadcast %shift_right_arithmetic3A : i32 to vector<16xi32>
          %shift_right_arithmetic3A_153 = arith.shrsi %and3A_151, %shift_right_arithmetic3A_152 : vector<16xi32>
          %and3A_154 = arith.constant 65535 : i32
          %and3A_155 = vector.broadcast %and3A_154 : i32 to vector<16xi32>
          %and3A_156 = arith.andi %and3A_151, %and3A_155 : vector<16xi32>
          %xor3A = arith.constant 32768 : i32
          %xor3A_157 = vector.broadcast %xor3A : i32 to vector<16xi32>
          %xor3A_158 = arith.xori %and3A_156, %xor3A_157 : vector<16xi32>
          %eq3A_159 = arith.cmpi eq, %shift_right_arithmetic3A_153, %scan3A_116 : vector<16xi32>
          %jit3A = arith.constant 32767 : i32
          %broadcast_in_dim3A_160 = vector.broadcast %jit3A : i32 to vector<16xi32>
          %select_n3A = arith.select %eq3A_159, %xor3A_158, %broadcast_in_dim3A_160 : vector<16xi1>, vector<16xi32>
          %add3A_161 = arith.constant 16 : i32
          %add3A_162 = arith.addi %add3A_148, %add3A_161 : i32
          %get3A_163 = arith.index_cast %add3A_162 : i32 to index
          %get3A_164 = tpu.vector_load %arg4[%get3A_163] {strides = array<i32>} : memref<32768xf32, #tpu.memory_space<vmem>>, vector<16xf32>,
          %bitcast3A_165 = vector.bitcast %get3A_164 : vector<16xf32> to vector<16xi32>
          %and3A_166 = arith.constant 2147483647 : i32
          %and3A_167 = vector.broadcast %and3A_166 : i32 to vector<16xi32>
          %and3A_168 = arith.andi %bitcast3A_165, %and3A_167 : vector<16xi32>
          %shift_right_arithmetic3A_169 = arith.constant 16 : i32
          %shift_right_arithmetic3A_170 = vector.broadcast %shift_right_arithmetic3A_169 : i32 to vector<16xi32>
          %shift_right_arithmetic3A_171 = arith.shrsi %and3A_168, %shift_right_arithmetic3A_170 : vector<16xi32>
          %and3A_172 = arith.constant 65535 : i32
          %and3A_173 = vector.broadcast %and3A_172 : i32 to vector<16xi32>
          %and3A_174 = arith.andi %and3A_168, %and3A_173 : vector<16xi32>
          %xor3A_175 = arith.constant 32768 : i32
          %xor3A_176 = vector.broadcast %xor3A_175 : i32 to vector<16xi32>
          %xor3A_177 = arith.xori %and3A_174, %xor3A_176 : vector<16xi32>
          %eq3A_178 = arith.cmpi eq, %shift_right_arithmetic3A_171, %scan3A_116 : vector<16xi32>
          %jit3A_179 = arith.constant 32767 : i32
          %broadcast_in_dim3A_180 = vector.broadcast %jit3A_179 : i32 to vector<16xi32>
          %select_n3A_181 = arith.select %eq3A_178, %xor3A_177, %broadcast_in_dim3A_180 : vector<16xi1>, vector<16xi32>
          %lt3A = arith.cmpi slt, %shift_right_arithmetic3A_153, %scan3A_116 : vector<16xi32>
          %all_reduce_population_count3A = tpu.all_reduce %lt3A {dim = 0 : i64, kind = #tpu.reduction_kind<sum>} : vector<16xi1> -> vector<16xi32>
          %add3A_182 = arith.addi %scan3A_139, %all_reduce_population_count3A : vector<16xi32>
          %lt3A_183 = arith.cmpi slt, %shift_right_arithmetic3A_171, %scan3A_116 : vector<16xi32>
          %all_reduce_population_count3A_184 = tpu.all_reduce %lt3A_183 {dim = 0 : i64, kind = #tpu.reduction_kind<sum>} : vector<16xi1> -> vector<16xi32>
          %add3A_185 = arith.addi %add3A_182, %all_reduce_population_count3A_184 : vector<16xi32>
          %pack3A = tpu.pack_subelements %select_n3A, %select_n3A_181 {pack_format = #tpu.pack_format<interleaved>, positions = array<i32: 0, 1>} : vector<16xi32>, vector<16xi32> -> vector<32xi16>
          %bitcast3A_186 = vector.bitcast %pack3A : vector<32xi16> to vector<16xi32>
          %jit3A_187 = arith.constant 2 : i32
          %div3A = arith.divsi %add3A_148, %jit3A_187 : i32
          %sign3A = arith.constant 0 : i32
          %sign3A_188 = arith.cmpi sgt, %add3A_148, %sign3A : i32
          %sign3A_189 = arith.extui %sign3A_188 : i1 to i32
          %sign3A_190 = arith.constant 0 : i32
          %sign3A_191 = arith.cmpi slt, %add3A_148, %sign3A_190 : i32
          %sign3A_192 = arith.extui %sign3A_191 : i1 to i32
          %sign3A_193 = arith.subi %sign3A_189, %sign3A_192 : i32
          %sign3A_194 = arith.constant 0 : i32
          %sign3A_195 = arith.cmpi sgt, %jit3A_187, %sign3A_194 : i32
          %sign3A_196 = arith.extui %sign3A_195 : i1 to i32
          %sign3A_197 = arith.constant 0 : i32
          %sign3A_198 = arith.cmpi slt, %jit3A_187, %sign3A_197 : i32
          %sign3A_199 = arith.extui %sign3A_198 : i1 to i32
          %sign3A_200 = arith.subi %sign3A_196, %sign3A_199 : i32
          %ne3A = arith.cmpi ne, %sign3A_193, %sign3A_200 : i32
          %rem3A = arith.remsi %add3A_148, %jit3A_187 : i32
          %ne3A_201 = arith.constant 0 : i32
          %ne3A_202 = arith.cmpi ne, %rem3A, %ne3A_201 : i32
          %and3A_203 = arith.andi %ne3A, %ne3A_202 : i1
          %sub3A = arith.constant 1 : i32
          %sub3A_204 = arith.subi %div3A, %sub3A : i32
          %select_n3A_205 = arith.select %and3A_203, %sub3A_204, %div3A : i32
          %swap3A_206 = arith.index_cast %select_n3A_205 : i32 to index
          %swap3A_207 = tpu.vector_load %arg6[%swap3A_206] {strides = array<i32>} : memref<16384xi32, #tpu.memory_space<vmem>>, vector<16xi32>,
          tpu.vector_store %arg6[%swap3A_206], %bitcast3A_186 {strides = array<i32>} : memref<16384xi32, #tpu.memory_space<vmem>>, vector<16xi32>,
          %mul3A_208 = arith.constant 8 : i32
          %mul3A_209 = arith.muli %scan3A_138, %mul3A_208 : i32
          %add3A_210 = arith.constant 1 : i32
          %add3A_211 = arith.addi %mul3A_209, %add3A_210 : i32
          %mul3A_212 = arith.constant 2 : i32
          %mul3A_213 = arith.muli %add3A_211, %mul3A_212 : i32
          %mul3A_214 = arith.constant 16 : i32
          %mul3A_215 = arith.muli %mul3A_213, %mul3A_214 : i32
          %add3A_216 = arith.addi %mul3A_109, %mul3A_215 : i32
          %get3A_217 = arith.index_cast %add3A_216 : i32 to index
          %get3A_218 = tpu.vector_load %arg4[%get3A_217] {strides = array<i32>} : memref<32768xf32, #tpu.memory_space<vmem>>, vector<16xf32>,
          %bitcast3A_219 = vector.bitcast %get3A_218 : vector<16xf32> to vector<16xi32>
          %and3A_220 = arith.constant 2147483647 : i32
          %and3A_221 = vector.broadcast %and3A_220 : i32 to vector<16xi32>
          %and3A_222 = arith.andi %bitcast3A_219, %and3A_221 : vector<16xi32>
          %shift_right_arithmetic3A_223 = arith.constant 16 : i32
          %shift_right_arithmetic3A_224 = vector.broadcast %shift_right_arithmetic3A_223 : i32 to vector<16xi32>
          %shift_right_arithmetic3A_225 = arith.shrsi %and3A_222, %shift_right_arithmetic3A_224 : vector<16xi32>
          %and3A_226 = arith.constant 65535 : i32
          %and3A_227 = vector.broadcast %and3A_226 : i32 to vector<16xi32>
          %and3A_228 = arith.andi %and3A_222, %and3A_227 : vector<16xi32>
          %xor3A_229 = arith.constant 32768 : i32
          %xor3A_230 = vector.broadcast %xor3A_229 : i32 to vector<16xi32>
          %xor3A_231 = arith.xori %and3A_228, %xor3A_230 : vector<16xi32>
          %eq3A_232 = arith.cmpi eq, %shift_right_arithmetic3A_225, %scan3A_116 : vector<16xi32>
          %jit3A_233 = arith.constant 32767 : i32
          %broadcast_in_dim3A_234 = vector.broadcast %jit3A_233 : i32 to vector<16xi32>
          %select_n3A_235 = arith.select %eq3A_232, %xor3A_231, %broadcast_in_dim3A_234 : vector<16xi1>, vector<16xi32>
          %add3A_236 = arith.constant 16 : i32
          %add3A_237 = arith.addi %add3A_216, %add3A_236 : i32
          %get3A_238 = arith.index_cast %add3A_237 : i32 to index
          %get3A_239 = tpu.vector_load %arg4[%get3A_238] {strides = array<i32>} : memref<32768xf32, #tpu.memory_space<vmem>>, vector<16xf32>,
          %bitcast3A_240 = vector.bitcast %get3A_239 : vector<16xf32> to vector<16xi32>
          %and3A_241 = arith.constant 2147483647 : i32
          %and3A_242 = vector.broadcast %and3A_241 : i32 to vector<16xi32>
          %and3A_243 = arith.andi %bitcast3A_240, %and3A_242 : vector<16xi32>
          %shift_right_arithmetic3A_244 = arith.constant 16 : i32
          %shift_right_arithmetic3A_245 = vector.broadcast %shift_right_arithmetic3A_244 : i32 to vector<16xi32>
          %shift_right_arithmetic3A_246 = arith.shrsi %and3A_243, %shift_right_arithmetic3A_245 : vector<16xi32>
          %and3A_247 = arith.constant 65535 : i32
          %and3A_248 = vector.broadcast %and3A_247 : i32 to vector<16xi32>
          %and3A_249 = arith.andi %and3A_243, %and3A_248 : vector<16xi32>
          %xor3A_250 = arith.constant 32768 : i32
          %xor3A_251 = vector.broadcast %xor3A_250 : i32 to vector<16xi32>
          %xor3A_252 = arith.xori %and3A_249, %xor3A_251 : vector<16xi32>
          %eq3A_253 = arith.cmpi eq, %shift_right_arithmetic3A_246, %scan3A_116 : vector<16xi32>
          %jit3A_254 = arith.constant 32767 : i32
          %broadcast_in_dim3A_255 = vector.broadcast %jit3A_254 : i32 to vector<16xi32>
          %select_n3A_256 = arith.select %eq3A_253, %xor3A_252, %broadcast_in_dim3A_255 : vector<16xi1>, vector<16xi32>
          %lt3A_257 = arith.cmpi slt, %shift_right_arithmetic3A_225, %scan3A_116 : vector<16xi32>
          %all_reduce_population_count3A_258 = tpu.all_reduce %lt3A_257 {dim = 0 : i64, kind = #tpu.reduction_kind<sum>} : vector<16xi1> -> vector<16xi32>
          %add3A_259 = arith.addi %add3A_185, %all_reduce_population_count3A_258 : vector<16xi32>
          %lt3A_260 = arith.cmpi slt, %shift_right_arithmetic3A_246, %scan3A_116 : vector<16xi32>
          %all_reduce_population_count3A_261 = tpu.all_reduce %lt3A_260 {dim = 0 : i64, kind = #tpu.reduction_kind<sum>} : vector<16xi1> -> vector<16xi32>
          %add3A_262 = arith.addi %add3A_259, %all_reduce_population_count3A_261 : vector<16xi32>
          %pack3A_263 = tpu.pack_subelements %select_n3A_235, %select_n3A_256 {pack_format = #tpu.pack_format<interleaved>, positions = array<i32: 0, 1>} : vector<16xi32>, vector<16xi32> -> vector<32xi16>
          %bitcast3A_264 = vector.bitcast %pack3A_263 : vector<32xi16> to vector<16xi32>
          %jit3A_265 = arith.constant 2 : i32
          %div3A_266 = arith.divsi %add3A_216, %jit3A_265 : i32
          %sign3A_267 = arith.constant 0 : i32
          %sign3A_268 = arith.cmpi sgt, %add3A_216, %sign3A_267 : i32
          %sign3A_269 = arith.extui %sign3A_268 : i1 to i32
          %sign3A_270 = arith.constant 0 : i32
          %sign3A_271 = arith.cmpi slt, %add3A_216, %sign3A_270 : i32
          %sign3A_272 = arith.extui %sign3A_271 : i1 to i32
          %sign3A_273 = arith.subi %sign3A_269, %sign3A_272 : i32
          %sign3A_274 = arith.constant 0 : i32
          %sign3A_275 = arith.cmpi sgt, %jit3A_265, %sign3A_274 : i32
          %sign3A_276 = arith.extui %sign3A_275 : i1 to i32
          %sign3A_277 = arith.constant 0 : i32
          %sign3A_278 = arith.cmpi slt, %jit3A_265, %sign3A_277 : i32
          %sign3A_279 = arith.extui %sign3A_278 : i1 to i32
          %sign3A_280 = arith.subi %sign3A_276, %sign3A_279 : i32
          %ne3A_281 = arith.cmpi ne, %sign3A_273, %sign3A_280 : i32
          %rem3A_282 = arith.remsi %add3A_216, %jit3A_265 : i32
          %ne3A_283 = arith.constant 0 : i32
          %ne3A_284 = arith.cmpi ne, %rem3A_282, %ne3A_283 : i32
          %and3A_285 = arith.andi %ne3A_281, %ne3A_284 : i1
          %sub3A_286 = arith.constant 1 : i32
          %sub3A_287 = arith.subi %div3A_266, %sub3A_286 : i32
          %select_n3A_288 = arith.select %and3A_285, %sub3A_287, %div3A_266 : i32
          %swap3A_289 = arith.index_cast %select_n3A_288 : i32 to index
          %swap3A_290 = tpu.vector_load %arg6[%swap3A_289] {strides = array<i32>} : memref<16384xi32, #tpu.memory_space<vmem>>, vector<16xi32>,
          tpu.vector_store %arg6[%swap3A_289], %bitcast3A_264 {strides = array<i32>} : memref<16384xi32, #tpu.memory_space<vmem>>, vector<16xi32>,
          %mul3A_291 = arith.constant 8 : i32
          %mul3A_292 = arith.muli %scan3A_138, %mul3A_291 : i32
          %add3A_293 = arith.constant 2 : i32
          %add3A_294 = arith.addi %mul3A_292, %add3A_293 : i32
          %mul3A_295 = arith.constant 2 : i32
          %mul3A_296 = arith.muli %add3A_294, %mul3A_295 : i32
          %mul3A_297 = arith.constant 16 : i32
          %mul3A_298 = arith.muli %mul3A_296, %mul3A_297 : i32
          %add3A_299 = arith.addi %mul3A_109, %mul3A_298 : i32
          %get3A_300 = arith.index_cast %add3A_299 : i32 to index
          %get3A_301 = tpu.vector_load %arg4[%get3A_300] {strides = array<i32>} : memref<32768xf32, #tpu.memory_space<vmem>>, vector<16xf32>,
          %bitcast3A_302 = vector.bitcast %get3A_301 : vector<16xf32> to vector<16xi32>
          %and3A_303 = arith.constant 2147483647 : i32
          %and3A_304 = vector.broadcast %and3A_303 : i32 to vector<16xi32>
          %and3A_305 = arith.andi %bitcast3A_302, %and3A_304 : vector<16xi32>
          %shift_right_arithmetic3A_306 = arith.constant 16 : i32
          %shift_right_arithmetic3A_307 = vector.broadcast %shift_right_arithmetic3A_306 : i32 to vector<16xi32>
          %shift_right_arithmetic3A_308 = arith.shrsi %and3A_305, %shift_right_arithmetic3A_307 : vector<16xi32>
          %and3A_309 = arith.constant 65535 : i32
          %and3A_310 = vector.broadcast %and3A_309 : i32 to vector<16xi32>
          %and3A_311 = arith.andi %and3A_305, %and3A_310 : vector<16xi32>
          %xor3A_312 = arith.constant 32768 : i32
          %xor3A_313 = vector.broadcast %xor3A_312 : i32 to vector<16xi32>
          %xor3A_314 = arith.xori %and3A_311, %xor3A_313 : vector<16xi32>
          %eq3A_315 = arith.cmpi eq, %shift_right_arithmetic3A_308, %scan3A_116 : vector<16xi32>
          %jit3A_316 = arith.constant 32767 : i32
          %broadcast_in_dim3A_317 = vector.broadcast %jit3A_316 : i32 to vector<16xi32>
          %select_n3A_318 = arith.select %eq3A_315, %xor3A_314, %broadcast_in_dim3A_317 : vector<16xi1>, vector<16xi32>
          %add3A_319 = arith.constant 16 : i32
          %add3A_320 = arith.addi %add3A_299, %add3A_319 : i32
          %get3A_321 = arith.index_cast %add3A_320 : i32 to index
          %get3A_322 = tpu.vector_load %arg4[%get3A_321] {strides = array<i32>} : memref<32768xf32, #tpu.memory_space<vmem>>, vector<16xf32>,
          %bitcast3A_323 = vector.bitcast %get3A_322 : vector<16xf32> to vector<16xi32>
          %and3A_324 = arith.constant 2147483647 : i32
          %and3A_325 = vector.broadcast %and3A_324 : i32 to vector<16xi32>
          %and3A_326 = arith.andi %bitcast3A_323, %and3A_325 : vector<16xi32>
          %shift_right_arithmetic3A_327 = arith.constant 16 : i32
          %shift_right_arithmetic3A_328 = vector.broadcast %shift_right_arithmetic3A_327 : i32 to vector<16xi32>
          %shift_right_arithmetic3A_329 = arith.shrsi %and3A_326, %shift_right_arithmetic3A_328 : vector<16xi32>
          %and3A_330 = arith.constant 65535 : i32
          %and3A_331 = vector.broadcast %and3A_330 : i32 to vector<16xi32>
          %and3A_332 = arith.andi %and3A_326, %and3A_331 : vector<16xi32>
          %xor3A_333 = arith.constant 32768 : i32
          %xor3A_334 = vector.broadcast %xor3A_333 : i32 to vector<16xi32>
          %xor3A_335 = arith.xori %and3A_332, %xor3A_334 : vector<16xi32>
          %eq3A_336 = arith.cmpi eq, %shift_right_arithmetic3A_329, %scan3A_116 : vector<16xi32>
          %jit3A_337 = arith.constant 32767 : i32
          %broadcast_in_dim3A_338 = vector.broadcast %jit3A_337 : i32 to vector<16xi32>
          %select_n3A_339 = arith.select %eq3A_336, %xor3A_335, %broadcast_in_dim3A_338 : vector<16xi1>, vector<16xi32>
          %lt3A_340 = arith.cmpi slt, %shift_right_arithmetic3A_308, %scan3A_116 : vector<16xi32>
          %all_reduce_population_count3A_341 = tpu.all_reduce %lt3A_340 {dim = 0 : i64, kind = #tpu.reduction_kind<sum>} : vector<16xi1> -> vector<16xi32>
          %add3A_342 = arith.addi %add3A_262, %all_reduce_population_count3A_341 : vector<16xi32>
          %lt3A_343 = arith.cmpi slt, %shift_right_arithmetic3A_329, %scan3A_116 : vector<16xi32>
          %all_reduce_population_count3A_344 = tpu.all_reduce %lt3A_343 {dim = 0 : i64, kind = #tpu.reduction_kind<sum>} : vector<16xi1> -> vector<16xi32>
          %add3A_345 = arith.addi %add3A_342, %all_reduce_population_count3A_344 : vector<16xi32>
          %pack3A_346 = tpu.pack_subelements %select_n3A_318, %select_n3A_339 {pack_format = #tpu.pack_format<interleaved>, positions = array<i32: 0, 1>} : vector<16xi32>, vector<16xi32> -> vector<32xi16>
          %bitcast3A_347 = vector.bitcast %pack3A_346 : vector<32xi16> to vector<16xi32>
          %jit3A_348 = arith.constant 2 : i32
          %div3A_349 = arith.divsi %add3A_299, %jit3A_348 : i32
          %sign3A_350 = arith.constant 0 : i32
          %sign3A_351 = arith.cmpi sgt, %add3A_299, %sign3A_350 : i32
          %sign3A_352 = arith.extui %sign3A_351 : i1 to i32
          %sign3A_353 = arith.constant 0 : i32
          %sign3A_354 = arith.cmpi slt, %add3A_299, %sign3A_353 : i32
          %sign3A_355 = arith.extui %sign3A_354 : i1 to i32
          %sign3A_356 = arith.subi %sign3A_352, %sign3A_355 : i32
          %sign3A_357 = arith.constant 0 : i32
          %sign3A_358 = arith.cmpi sgt, %jit3A_348, %sign3A_357 : i32
          %sign3A_359 = arith.extui %sign3A_358 : i1 to i32
          %sign3A_360 = arith.constant 0 : i32
          %sign3A_361 = arith.cmpi slt, %jit3A_348, %sign3A_360 : i32
          %sign3A_362 = arith.extui %sign3A_361 : i1 to i32
          %sign3A_363 = arith.subi %sign3A_359, %sign3A_362 : i32
          %ne3A_364 = arith.cmpi ne, %sign3A_356, %sign3A_363 : i32
          %rem3A_365 = arith.remsi %add3A_299, %jit3A_348 : i32
          %ne3A_366 = arith.constant 0 : i32
          %ne3A_367 = arith.cmpi ne, %rem3A_365, %ne3A_366 : i32
          %and3A_368 = arith.andi %ne3A_364, %ne3A_367 : i1
          %sub3A_369 = arith.constant 1 : i32
          %sub3A_370 = arith.subi %div3A_349, %sub3A_369 : i32
          %select_n3A_371 = arith.select %and3A_368, %sub3A_370, %div3A_349 : i32
          %swap3A_372 = arith.index_cast %select_n3A_371 : i32 to index
          %swap3A_373 = tpu.vector_load %arg6[%swap3A_372] {strides = array<i32>} : memref<16384xi32, #tpu.memory_space<vmem>>, vector<16xi32>,
          tpu.vector_store %arg6[%swap3A_372], %bitcast3A_347 {strides = array<i32>} : memref<16384xi32, #tpu.memory_space<vmem>>, vector<16xi32>,
          %mul3A_374 = arith.constant 8 : i32
          %mul3A_375 = arith.muli %scan3A_138, %mul3A_374 : i32
          %add3A_376 = arith.constant 3 : i32
          %add3A_377 = arith.addi %mul3A_375, %add3A_376 : i32
          %mul3A_378 = arith.constant 2 : i32
          %mul3A_379 = arith.muli %add3A_377, %mul3A_378 : i32
          %mul3A_380 = arith.constant 16 : i32
          %mul3A_381 = arith.muli %mul3A_379, %mul3A_380 : i32
          %add3A_382 = arith.addi %mul3A_109, %mul3A_381 : i32
          %get3A_383 = arith.index_cast %add3A_382 : i32 to index
          %get3A_384 = tpu.vector_load %arg4[%get3A_383] {strides = array<i32>} : memref<32768xf32, #tpu.memory_space<vmem>>, vector<16xf32>,
          %bitcast3A_385 = vector.bitcast %get3A_384 : vector<16xf32> to vector<16xi32>
          %and3A_386 = arith.constant 2147483647 : i32
          %and3A_387 = vector.broadcast %and3A_386 : i32 to vector<16xi32>
          %and3A_388 = arith.andi %bitcast3A_385, %and3A_387 : vector<16xi32>
          %shift_right_arithmetic3A_389 = arith.constant 16 : i32
          %shift_right_arithmetic3A_390 = vector.broadcast %shift_right_arithmetic3A_389 : i32 to vector<16xi32>
          %shift_right_arithmetic3A_391 = arith.shrsi %and3A_388, %shift_right_arithmetic3A_390 : vector<16xi32>
          %and3A_392 = arith.constant 65535 : i32
          %and3A_393 = vector.broadcast %and3A_392 : i32 to vector<16xi32>
          %and3A_394 = arith.andi %and3A_388, %and3A_393 : vector<16xi32>
          %xor3A_395 = arith.constant 32768 : i32
          %xor3A_396 = vector.broadcast %xor3A_395 : i32 to vector<16xi32>
          %xor3A_397 = arith.xori %and3A_394, %xor3A_396 : vector<16xi32>
          %eq3A_398 = arith.cmpi eq, %shift_right_arithmetic3A_391, %scan3A_116 : vector<16xi32>
          %jit3A_399 = arith.constant 32767 : i32
          %broadcast_in_dim3A_400 = vector.broadcast %jit3A_399 : i32 to vector<16xi32>
          %select_n3A_401 = arith.select %eq3A_398, %xor3A_397, %broadcast_in_dim3A_400 : vector<16xi1>, vector<16xi32>
          %add3A_402 = arith.constant 16 : i32
          %add3A_403 = arith.addi %add3A_382, %add3A_402 : i32
          %get3A_404 = arith.index_cast %add3A_403 : i32 to index
          %get3A_405 = tpu.vector_load %arg4[%get3A_404] {strides = array<i32>} : memref<32768xf32, #tpu.memory_space<vmem>>, vector<16xf32>,
          %bitcast3A_406 = vector.bitcast %get3A_405 : vector<16xf32> to vector<16xi32>
          %and3A_407 = arith.constant 2147483647 : i32
          %and3A_408 = vector.broadcast %and3A_407 : i32 to vector<16xi32>
          %and3A_409 = arith.andi %bitcast3A_406, %and3A_408 : vector<16xi32>
          %shift_right_arithmetic3A_410 = arith.constant 16 : i32
          %shift_right_arithmetic3A_411 = vector.broadcast %shift_right_arithmetic3A_410 : i32 to vector<16xi32>
          %shift_right_arithmetic3A_412 = arith.shrsi %and3A_409, %shift_right_arithmetic3A_411 : vector<16xi32>
          %and3A_413 = arith.constant 65535 : i32
          %and3A_414 = vector.broadcast %and3A_413 : i32 to vector<16xi32>
          %and3A_415 = arith.andi %and3A_409, %and3A_414 : vector<16xi32>
          %xor3A_416 = arith.constant 32768 : i32
          %xor3A_417 = vector.broadcast %xor3A_416 : i32 to vector<16xi32>
          %xor3A_418 = arith.xori %and3A_415, %xor3A_417 : vector<16xi32>
          %eq3A_419 = arith.cmpi eq, %shift_right_arithmetic3A_412, %scan3A_116 : vector<16xi32>
          %jit3A_420 = arith.constant 32767 : i32
          %broadcast_in_dim3A_421 = vector.broadcast %jit3A_420 : i32 to vector<16xi32>
          %select_n3A_422 = arith.select %eq3A_419, %xor3A_418, %broadcast_in_dim3A_421 : vector<16xi1>, vector<16xi32>
          %lt3A_423 = arith.cmpi slt, %shift_right_arithmetic3A_391, %scan3A_116 : vector<16xi32>
          %all_reduce_population_count3A_424 = tpu.all_reduce %lt3A_423 {dim = 0 : i64, kind = #tpu.reduction_kind<sum>} : vector<16xi1> -> vector<16xi32>
          %add3A_425 = arith.addi %add3A_345, %all_reduce_population_count3A_424 : vector<16xi32>
          %lt3A_426 = arith.cmpi slt, %shift_right_arithmetic3A_412, %scan3A_116 : vector<16xi32>
          %all_reduce_population_count3A_427 = tpu.all_reduce %lt3A_426 {dim = 0 : i64, kind = #tpu.reduction_kind<sum>} : vector<16xi1> -> vector<16xi32>
          %add3A_428 = arith.addi %add3A_425, %all_reduce_population_count3A_427 : vector<16xi32>
          %pack3A_429 = tpu.pack_subelements %select_n3A_401, %select_n3A_422 {pack_format = #tpu.pack_format<interleaved>, positions = array<i32: 0, 1>} : vector<16xi32>, vector<16xi32> -> vector<32xi16>
          %bitcast3A_430 = vector.bitcast %pack3A_429 : vector<32xi16> to vector<16xi32>
          %jit3A_431 = arith.constant 2 : i32
          %div3A_432 = arith.divsi %add3A_382, %jit3A_431 : i32
          %sign3A_433 = arith.constant 0 : i32
          %sign3A_434 = arith.cmpi sgt, %add3A_382, %sign3A_433 : i32
          %sign3A_435 = arith.extui %sign3A_434 : i1 to i32
          %sign3A_436 = arith.constant 0 : i32
          %sign3A_437 = arith.cmpi slt, %add3A_382, %sign3A_436 : i32
          %sign3A_438 = arith.extui %sign3A_437 : i1 to i32
          %sign3A_439 = arith.subi %sign3A_435, %sign3A_438 : i32
          %sign3A_440 = arith.constant 0 : i32
          %sign3A_441 = arith.cmpi sgt, %jit3A_431, %sign3A_440 : i32
          %sign3A_442 = arith.extui %sign3A_441 : i1 to i32
          %sign3A_443 = arith.constant 0 : i32
          %sign3A_444 = arith.cmpi slt, %jit3A_431, %sign3A_443 : i32
          %sign3A_445 = arith.extui %sign3A_444 : i1 to i32
          %sign3A_446 = arith.subi %sign3A_442, %sign3A_445 : i32
          %ne3A_447 = arith.cmpi ne, %sign3A_439, %sign3A_446 : i32
          %rem3A_448 = arith.remsi %add3A_382, %jit3A_431 : i32
          %ne3A_449 = arith.constant 0 : i32
          %ne3A_450 = arith.cmpi ne, %rem3A_448, %ne3A_449 : i32
          %and3A_451 = arith.andi %ne3A_447, %ne3A_450 : i1
          %sub3A_452 = arith.constant 1 : i32
          %sub3A_453 = arith.subi %div3A_432, %sub3A_452 : i32
          %select_n3A_454 = arith.select %and3A_451, %sub3A_453, %div3A_432 : i32
          %swap3A_455 = arith.index_cast %select_n3A_454 : i32 to index
          %swap3A_456 = tpu.vector_load %arg6[%swap3A_455] {strides = array<i32>} : memref<16384xi32, #tpu.memory_space<vmem>>, vector<16xi32>,
          tpu.vector_store %arg6[%swap3A_455], %bitcast3A_430 {strides = array<i32>} : memref<16384xi32, #tpu.memory_space<vmem>>, vector<16xi32>,
          %mul3A_457 = arith.constant 8 : i32
          %mul3A_458 = arith.muli %scan3A_138, %mul3A_457 : i32
          %add3A_459 = arith.constant 4 : i32
          %add3A_460 = arith.addi %mul3A_458, %add3A_459 : i32
          %mul3A_461 = arith.constant 2 : i32
          %mul3A_462 = arith.muli %add3A_460, %mul3A_461 : i32
          %mul3A_463 = arith.constant 16 : i32
          %mul3A_464 = arith.muli %mul3A_462, %mul3A_463 : i32
          %add3A_465 = arith.addi %mul3A_109, %mul3A_464 : i32
          %get3A_466 = arith.index_cast %add3A_465 : i32 to index
          %get3A_467 = tpu.vector_load %arg4[%get3A_466] {strides = array<i32>} : memref<32768xf32, #tpu.memory_space<vmem>>, vector<16xf32>,
          %bitcast3A_468 = vector.bitcast %get3A_467 : vector<16xf32> to vector<16xi32>
          %and3A_469 = arith.constant 2147483647 : i32
          %and3A_470 = vector.broadcast %and3A_469 : i32 to vector<16xi32>
          %and3A_471 = arith.andi %bitcast3A_468, %and3A_470 : vector<16xi32>
          %shift_right_arithmetic3A_472 = arith.constant 16 : i32
          %shift_right_arithmetic3A_473 = vector.broadcast %shift_right_arithmetic3A_472 : i32 to vector<16xi32>
          %shift_right_arithmetic3A_474 = arith.shrsi %and3A_471, %shift_right_arithmetic3A_473 : vector<16xi32>
          %and3A_475 = arith.constant 65535 : i32
          %and3A_476 = vector.broadcast %and3A_475 : i32 to vector<16xi32>
          %and3A_477 = arith.andi %and3A_471, %and3A_476 : vector<16xi32>
          %xor3A_478 = arith.constant 32768 : i32
          %xor3A_479 = vector.broadcast %xor3A_478 : i32 to vector<16xi32>
          %xor3A_480 = arith.xori %and3A_477, %xor3A_479 : vector<16xi32>
          %eq3A_481 = arith.cmpi eq, %shift_right_arithmetic3A_474, %scan3A_116 : vector<16xi32>
          %jit3A_482 = arith.constant 32767 : i32
          %broadcast_in_dim3A_483 = vector.broadcast %jit3A_482 : i32 to vector<16xi32>
          %select_n3A_484 = arith.select %eq3A_481, %xor3A_480, %broadcast_in_dim3A_483 : vector<16xi1>, vector<16xi32>
          %add3A_485 = arith.constant 16 : i32
          %add3A_486 = arith.addi %add3A_465, %add3A_485 : i32
          %get3A_487 = arith.index_cast %add3A_486 : i32 to index
          %get3A_488 = tpu.vector_load %arg4[%get3A_487] {strides = array<i32>} : memref<32768xf32, #tpu.memory_space<vmem>>, vector<16xf32>,
          %bitcast3A_489 = vector.bitcast %get3A_488 : vector<16xf32> to vector<16xi32>
          %and3A_490 = arith.constant 2147483647 : i32
          %and3A_491 = vector.broadcast %and3A_490 : i32 to vector<16xi32>
          %and3A_492 = arith.andi %bitcast3A_489, %and3A_491 : vector<16xi32>
          %shift_right_arithmetic3A_493 = arith.constant 16 : i32
          %shift_right_arithmetic3A_494 = vector.broadcast %shift_right_arithmetic3A_493 : i32 to vector<16xi32>
          %shift_right_arithmetic3A_495 = arith.shrsi %and3A_492, %shift_right_arithmetic3A_494 : vector<16xi32>
          %and3A_496 = arith.constant 65535 : i32
          %and3A_497 = vector.broadcast %and3A_496 : i32 to vector<16xi32>
          %and3A_498 = arith.andi %and3A_492, %and3A_497 : vector<16xi32>
          %xor3A_499 = arith.constant 32768 : i32
          %xor3A_500 = vector.broadcast %xor3A_499 : i32 to vector<16xi32>
          %xor3A_501 = arith.xori %and3A_498, %xor3A_500 : vector<16xi32>
          %eq3A_502 = arith.cmpi eq, %shift_right_arithmetic3A_495, %scan3A_116 : vector<16xi32>
          %jit3A_503 = arith.constant 32767 : i32
          %broadcast_in_dim3A_504 = vector.broadcast %jit3A_503 : i32 to vector<16xi32>
          %select_n3A_505 = arith.select %eq3A_502, %xor3A_501, %broadcast_in_dim3A_504 : vector<16xi1>, vector<16xi32>
          %lt3A_506 = arith.cmpi slt, %shift_right_arithmetic3A_474, %scan3A_116 : vector<16xi32>
          %all_reduce_population_count3A_507 = tpu.all_reduce %lt3A_506 {dim = 0 : i64, kind = #tpu.reduction_kind<sum>} : vector<16xi1> -> vector<16xi32>
          %add3A_508 = arith.addi %add3A_428, %all_reduce_population_count3A_507 : vector<16xi32>
          %lt3A_509 = arith.cmpi slt, %shift_right_arithmetic3A_495, %scan3A_116 : vector<16xi32>
          %all_reduce_population_count3A_510 = tpu.all_reduce %lt3A_509 {dim = 0 : i64, kind = #tpu.reduction_kind<sum>} : vector<16xi1> -> vector<16xi32>
          %add3A_511 = arith.addi %add3A_508, %all_reduce_population_count3A_510 : vector<16xi32>
          %pack3A_512 = tpu.pack_subelements %select_n3A_484, %select_n3A_505 {pack_format = #tpu.pack_format<interleaved>, positions = array<i32: 0, 1>} : vector<16xi32>, vector<16xi32> -> vector<32xi16>
          %bitcast3A_513 = vector.bitcast %pack3A_512 : vector<32xi16> to vector<16xi32>
          %jit3A_514 = arith.constant 2 : i32
          %div3A_515 = arith.divsi %add3A_465, %jit3A_514 : i32
          %sign3A_516 = arith.constant 0 : i32
          %sign3A_517 = arith.cmpi sgt, %add3A_465, %sign3A_516 : i32
          %sign3A_518 = arith.extui %sign3A_517 : i1 to i32
          %sign3A_519 = arith.constant 0 : i32
          %sign3A_520 = arith.cmpi slt, %add3A_465, %sign3A_519 : i32
          %sign3A_521 = arith.extui %sign3A_520 : i1 to i32
          %sign3A_522 = arith.subi %sign3A_518, %sign3A_521 : i32
          %sign3A_523 = arith.constant 0 : i32
          %sign3A_524 = arith.cmpi sgt, %jit3A_514, %sign3A_523 : i32
          %sign3A_525 = arith.extui %sign3A_524 : i1 to i32
          %sign3A_526 = arith.constant 0 : i32
          %sign3A_527 = arith.cmpi slt, %jit3A_514, %sign3A_526 : i32
          %sign3A_528 = arith.extui %sign3A_527 : i1 to i32
          %sign3A_529 = arith.subi %sign3A_525, %sign3A_528 : i32
          %ne3A_530 = arith.cmpi ne, %sign3A_522, %sign3A_529 : i32
          %rem3A_531 = arith.remsi %add3A_465, %jit3A_514 : i32
          %ne3A_532 = arith.constant 0 : i32
          %ne3A_533 = arith.cmpi ne, %rem3A_531, %ne3A_532 : i32
          %and3A_534 = arith.andi %ne3A_530, %ne3A_533 : i1
          %sub3A_535 = arith.constant 1 : i32
          %sub3A_536 = arith.subi %div3A_515, %sub3A_535 : i32
          %select_n3A_537 = arith.select %and3A_534, %sub3A_536, %div3A_515 : i32
          %swap3A_538 = arith.index_cast %select_n3A_537 : i32 to index
          %swap3A_539 = tpu.vector_load %arg6[%swap3A_538] {strides = array<i32>} : memref<16384xi32, #tpu.memory_space<vmem>>, vector<16xi32>,
          tpu.vector_store %arg6[%swap3A_538], %bitcast3A_513 {strides = array<i32>} : memref<16384xi32, #tpu.memory_space<vmem>>, vector<16xi32>,
          %mul3A_540 = arith.constant 8 : i32
          %mul3A_541 = arith.muli %scan3A_138, %mul3A_540 : i32
          %add3A_542 = arith.constant 5 : i32
          %add3A_543 = arith.addi %mul3A_541, %add3A_542 : i32
          %mul3A_544 = arith.constant 2 : i32
          %mul3A_545 = arith.muli %add3A_543, %mul3A_544 : i32
          %mul3A_546 = arith.constant 16 : i32
          %mul3A_547 = arith.muli %mul3A_545, %mul3A_546 : i32
          %add3A_548 = arith.addi %mul3A_109, %mul3A_547 : i32
          %get3A_549 = arith.index_cast %add3A_548 : i32 to index
          %get3A_550 = tpu.vector_load %arg4[%get3A_549] {strides = array<i32>} : memref<32768xf32, #tpu.memory_space<vmem>>, vector<16xf32>,
          %bitcast3A_551 = vector.bitcast %get3A_550 : vector<16xf32> to vector<16xi32>
          %and3A_552 = arith.constant 2147483647 : i32
          %and3A_553 = vector.broadcast %and3A_552 : i32 to vector<16xi32>
          %and3A_554 = arith.andi %bitcast3A_551, %and3A_553 : vector<16xi32>
          %shift_right_arithmetic3A_555 = arith.constant 16 : i32
          %shift_right_arithmetic3A_556 = vector.broadcast %shift_right_arithmetic3A_555 : i32 to vector<16xi32>
          %shift_right_arithmetic3A_557 = arith.shrsi %and3A_554, %shift_right_arithmetic3A_556 : vector<16xi32>
          %and3A_558 = arith.constant 65535 : i32
          %and3A_559 = vector.broadcast %and3A_558 : i32 to vector<16xi32>
          %and3A_560 = arith.andi %and3A_554, %and3A_559 : vector<16xi32>
          %xor3A_561 = arith.constant 32768 : i32
          %xor3A_562 = vector.broadcast %xor3A_561 : i32 to vector<16xi32>
          %xor3A_563 = arith.xori %and3A_560, %xor3A_562 : vector<16xi32>
          %eq3A_564 = arith.cmpi eq, %shift_right_arithmetic3A_557, %scan3A_116 : vector<16xi32>
          %jit3A_565 = arith.constant 32767 : i32
          %broadcast_in_dim3A_566 = vector.broadcast %jit3A_565 : i32 to vector<16xi32>
          %select_n3A_567 = arith.select %eq3A_564, %xor3A_563, %broadcast_in_dim3A_566 : vector<16xi1>, vector<16xi32>
          %add3A_568 = arith.constant 16 : i32
          %add3A_569 = arith.addi %add3A_548, %add3A_568 : i32
          %get3A_570 = arith.index_cast %add3A_569 : i32 to index
          %get3A_571 = tpu.vector_load %arg4[%get3A_570] {strides = array<i32>} : memref<32768xf32, #tpu.memory_space<vmem>>, vector<16xf32>,
          %bitcast3A_572 = vector.bitcast %get3A_571 : vector<16xf32> to vector<16xi32>
          %and3A_573 = arith.constant 2147483647 : i32
          %and3A_574 = vector.broadcast %and3A_573 : i32 to vector<16xi32>
          %and3A_575 = arith.andi %bitcast3A_572, %and3A_574 : vector<16xi32>
          %shift_right_arithmetic3A_576 = arith.constant 16 : i32
          %shift_right_arithmetic3A_577 = vector.broadcast %shift_right_arithmetic3A_576 : i32 to vector<16xi32>
          %shift_right_arithmetic3A_578 = arith.shrsi %and3A_575, %shift_right_arithmetic3A_577 : vector<16xi32>
          %and3A_579 = arith.constant 65535 : i32
          %and3A_580 = vector.broadcast %and3A_579 : i32 to vector<16xi32>
          %and3A_581 = arith.andi %and3A_575, %and3A_580 : vector<16xi32>
          %xor3A_582 = arith.constant 32768 : i32
          %xor3A_583 = vector.broadcast %xor3A_582 : i32 to vector<16xi32>
          %xor3A_584 = arith.xori %and3A_581, %xor3A_583 : vector<16xi32>
          %eq3A_585 = arith.cmpi eq, %shift_right_arithmetic3A_578, %scan3A_116 : vector<16xi32>
          %jit3A_586 = arith.constant 32767 : i32
          %broadcast_in_dim3A_587 = vector.broadcast %jit3A_586 : i32 to vector<16xi32>
          %select_n3A_588 = arith.select %eq3A_585, %xor3A_584, %broadcast_in_dim3A_587 : vector<16xi1>, vector<16xi32>
          %lt3A_589 = arith.cmpi slt, %shift_right_arithmetic3A_557, %scan3A_116 : vector<16xi32>
          %all_reduce_population_count3A_590 = tpu.all_reduce %lt3A_589 {dim = 0 : i64, kind = #tpu.reduction_kind<sum>} : vector<16xi1> -> vector<16xi32>
          %add3A_591 = arith.addi %add3A_511, %all_reduce_population_count3A_590 : vector<16xi32>
          %lt3A_592 = arith.cmpi slt, %shift_right_arithmetic3A_578, %scan3A_116 : vector<16xi32>
          %all_reduce_population_count3A_593 = tpu.all_reduce %lt3A_592 {dim = 0 : i64, kind = #tpu.reduction_kind<sum>} : vector<16xi1> -> vector<16xi32>
          %add3A_594 = arith.addi %add3A_591, %all_reduce_population_count3A_593 : vector<16xi32>
          %pack3A_595 = tpu.pack_subelements %select_n3A_567, %select_n3A_588 {pack_format = #tpu.pack_format<interleaved>, positions = array<i32: 0, 1>} : vector<16xi32>, vector<16xi32> -> vector<32xi16>
          %bitcast3A_596 = vector.bitcast %pack3A_595 : vector<32xi16> to vector<16xi32>
          %jit3A_597 = arith.constant 2 : i32
          %div3A_598 = arith.divsi %add3A_548, %jit3A_597 : i32
          %sign3A_599 = arith.constant 0 : i32
          %sign3A_600 = arith.cmpi sgt, %add3A_548, %sign3A_599 : i32
          %sign3A_601 = arith.extui %sign3A_600 : i1 to i32
          %sign3A_602 = arith.constant 0 : i32
          %sign3A_603 = arith.cmpi slt, %add3A_548, %sign3A_602 : i32
          %sign3A_604 = arith.extui %sign3A_603 : i1 to i32
          %sign3A_605 = arith.subi %sign3A_601, %sign3A_604 : i32
          %sign3A_606 = arith.constant 0 : i32
          %sign3A_607 = arith.cmpi sgt, %jit3A_597, %sign3A_606 : i32
          %sign3A_608 = arith.extui %sign3A_607 : i1 to i32
          %sign3A_609 = arith.constant 0 : i32
          %sign3A_610 = arith.cmpi slt, %jit3A_597, %sign3A_609 : i32
          %sign3A_611 = arith.extui %sign3A_610 : i1 to i32
          %sign3A_612 = arith.subi %sign3A_608, %sign3A_611 : i32
          %ne3A_613 = arith.cmpi ne, %sign3A_605, %sign3A_612 : i32
          %rem3A_614 = arith.remsi %add3A_548, %jit3A_597 : i32
          %ne3A_615 = arith.constant 0 : i32
          %ne3A_616 = arith.cmpi ne, %rem3A_614, %ne3A_615 : i32
          %and3A_617 = arith.andi %ne3A_613, %ne3A_616 : i1
          %sub3A_618 = arith.constant 1 : i32
          %sub3A_619 = arith.subi %div3A_598, %sub3A_618 : i32
          %select_n3A_620 = arith.select %and3A_617, %sub3A_619, %div3A_598 : i32
          %swap3A_621 = arith.index_cast %select_n3A_620 : i32 to index
          %swap3A_622 = tpu.vector_load %arg6[%swap3A_621] {strides = array<i32>} : memref<16384xi32, #tpu.memory_space<vmem>>, vector<16xi32>,
          tpu.vector_store %arg6[%swap3A_621], %bitcast3A_596 {strides = array<i32>} : memref<16384xi32, #tpu.memory_space<vmem>>, vector<16xi32>,
          %mul3A_623 = arith.constant 8 : i32
          %mul3A_624 = arith.muli %scan3A_138, %mul3A_623 : i32
          %add3A_625 = arith.constant 6 : i32
          %add3A_626 = arith.addi %mul3A_624, %add3A_625 : i32
          %mul3A_627 = arith.constant 2 : i32
          %mul3A_628 = arith.muli %add3A_626, %mul3A_627 : i32
          %mul3A_629 = arith.constant 16 : i32
          %mul3A_630 = arith.muli %mul3A_628, %mul3A_629 : i32
          %add3A_631 = arith.addi %mul3A_109, %mul3A_630 : i32
          %get3A_632 = arith.index_cast %add3A_631 : i32 to index
          %get3A_633 = tpu.vector_load %arg4[%get3A_632] {strides = array<i32>} : memref<32768xf32, #tpu.memory_space<vmem>>, vector<16xf32>,
          %bitcast3A_634 = vector.bitcast %get3A_633 : vector<16xf32> to vector<16xi32>
          %and3A_635 = arith.constant 2147483647 : i32
          %and3A_636 = vector.broadcast %and3A_635 : i32 to vector<16xi32>
          %and3A_637 = arith.andi %bitcast3A_634, %and3A_636 : vector<16xi32>
          %shift_right_arithmetic3A_638 = arith.constant 16 : i32
          %shift_right_arithmetic3A_639 = vector.broadcast %shift_right_arithmetic3A_638 : i32 to vector<16xi32>
          %shift_right_arithmetic3A_640 = arith.shrsi %and3A_637, %shift_right_arithmetic3A_639 : vector<16xi32>
          %and3A_641 = arith.constant 65535 : i32
          %and3A_642 = vector.broadcast %and3A_641 : i32 to vector<16xi32>
          %and3A_643 = arith.andi %and3A_637, %and3A_642 : vector<16xi32>
          %xor3A_644 = arith.constant 32768 : i32
          %xor3A_645 = vector.broadcast %xor3A_644 : i32 to vector<16xi32>
          %xor3A_646 = arith.xori %and3A_643, %xor3A_645 : vector<16xi32>
          %eq3A_647 = arith.cmpi eq, %shift_right_arithmetic3A_640, %scan3A_116 : vector<16xi32>
          %jit3A_648 = arith.constant 32767 : i32
          %broadcast_in_dim3A_649 = vector.broadcast %jit3A_648 : i32 to vector<16xi32>
          %select_n3A_650 = arith.select %eq3A_647, %xor3A_646, %broadcast_in_dim3A_649 : vector<16xi1>, vector<16xi32>
          %add3A_651 = arith.constant 16 : i32
          %add3A_652 = arith.addi %add3A_631, %add3A_651 : i32
          %get3A_653 = arith.index_cast %add3A_652 : i32 to index
          %get3A_654 = tpu.vector_load %arg4[%get3A_653] {strides = array<i32>} : memref<32768xf32, #tpu.memory_space<vmem>>, vector<16xf32>,
          %bitcast3A_655 = vector.bitcast %get3A_654 : vector<16xf32> to vector<16xi32>
          %and3A_656 = arith.constant 2147483647 : i32
          %and3A_657 = vector.broadcast %and3A_656 : i32 to vector<16xi32>
          %and3A_658 = arith.andi %bitcast3A_655, %and3A_657 : vector<16xi32>
          %shift_right_arithmetic3A_659 = arith.constant 16 : i32
          %shift_right_arithmetic3A_660 = vector.broadcast %shift_right_arithmetic3A_659 : i32 to vector<16xi32>
          %shift_right_arithmetic3A_661 = arith.shrsi %and3A_658, %shift_right_arithmetic3A_660 : vector<16xi32>
          %and3A_662 = arith.constant 65535 : i32
          %and3A_663 = vector.broadcast %and3A_662 : i32 to vector<16xi32>
          %and3A_664 = arith.andi %and3A_658, %and3A_663 : vector<16xi32>
          %xor3A_665 = arith.constant 32768 : i32
          %xor3A_666 = vector.broadcast %xor3A_665 : i32 to vector<16xi32>
          %xor3A_667 = arith.xori %and3A_664, %xor3A_666 : vector<16xi32>
          %eq3A_668 = arith.cmpi eq, %shift_right_arithmetic3A_661, %scan3A_116 : vector<16xi32>
          %jit3A_669 = arith.constant 32767 : i32
          %broadcast_in_dim3A_670 = vector.broadcast %jit3A_669 : i32 to vector<16xi32>
          %select_n3A_671 = arith.select %eq3A_668, %xor3A_667, %broadcast_in_dim3A_670 : vector<16xi1>, vector<16xi32>
          %lt3A_672 = arith.cmpi slt, %shift_right_arithmetic3A_640, %scan3A_116 : vector<16xi32>
          %all_reduce_population_count3A_673 = tpu.all_reduce %lt3A_672 {dim = 0 : i64, kind = #tpu.reduction_kind<sum>} : vector<16xi1> -> vector<16xi32>
          %add3A_674 = arith.addi %add3A_594, %all_reduce_population_count3A_673 : vector<16xi32>
          %lt3A_675 = arith.cmpi slt, %shift_right_arithmetic3A_661, %scan3A_116 : vector<16xi32>
          %all_reduce_population_count3A_676 = tpu.all_reduce %lt3A_675 {dim = 0 : i64, kind = #tpu.reduction_kind<sum>} : vector<16xi1> -> vector<16xi32>
          %add3A_677 = arith.addi %add3A_674, %all_reduce_population_count3A_676 : vector<16xi32>
          %pack3A_678 = tpu.pack_subelements %select_n3A_650, %select_n3A_671 {pack_format = #tpu.pack_format<interleaved>, positions = array<i32: 0, 1>} : vector<16xi32>, vector<16xi32> -> vector<32xi16>
          %bitcast3A_679 = vector.bitcast %pack3A_678 : vector<32xi16> to vector<16xi32>
          %jit3A_680 = arith.constant 2 : i32
          %div3A_681 = arith.divsi %add3A_631, %jit3A_680 : i32
          %sign3A_682 = arith.constant 0 : i32
          %sign3A_683 = arith.cmpi sgt, %add3A_631, %sign3A_682 : i32
          %sign3A_684 = arith.extui %sign3A_683 : i1 to i32
          %sign3A_685 = arith.constant 0 : i32
          %sign3A_686 = arith.cmpi slt, %add3A_631, %sign3A_685 : i32
          %sign3A_687 = arith.extui %sign3A_686 : i1 to i32
          %sign3A_688 = arith.subi %sign3A_684, %sign3A_687 : i32
          %sign3A_689 = arith.constant 0 : i32
          %sign3A_690 = arith.cmpi sgt, %jit3A_680, %sign3A_689 : i32
          %sign3A_691 = arith.extui %sign3A_690 : i1 to i32
          %sign3A_692 = arith.constant 0 : i32
          %sign3A_693 = arith.cmpi slt, %jit3A_680, %sign3A_692 : i32
          %sign3A_694 = arith.extui %sign3A_693 : i1 to i32
          %sign3A_695 = arith.subi %sign3A_691, %sign3A_694 : i32
          %ne3A_696 = arith.cmpi ne, %sign3A_688, %sign3A_695 : i32
          %rem3A_697 = arith.remsi %add3A_631, %jit3A_680 : i32
          %ne3A_698 = arith.constant 0 : i32
          %ne3A_699 = arith.cmpi ne, %rem3A_697, %ne3A_698 : i32
          %and3A_700 = arith.andi %ne3A_696, %ne3A_699 : i1
          %sub3A_701 = arith.constant 1 : i32
          %sub3A_702 = arith.subi %div3A_681, %sub3A_701 : i32
          %select_n3A_703 = arith.select %and3A_700, %sub3A_702, %div3A_681 : i32
          %swap3A_704 = arith.index_cast %select_n3A_703 : i32 to index
          %swap3A_705 = tpu.vector_load %arg6[%swap3A_704] {strides = array<i32>} : memref<16384xi32, #tpu.memory_space<vmem>>, vector<16xi32>,
          tpu.vector_store %arg6[%swap3A_704], %bitcast3A_679 {strides = array<i32>} : memref<16384xi32, #tpu.memory_space<vmem>>, vector<16xi32>,
          %mul3A_706 = arith.constant 8 : i32
          %mul3A_707 = arith.muli %scan3A_138, %mul3A_706 : i32
          %add3A_708 = arith.constant 7 : i32
          %add3A_709 = arith.addi %mul3A_707, %add3A_708 : i32
          %mul3A_710 = arith.constant 2 : i32
          %mul3A_711 = arith.muli %add3A_709, %mul3A_710 : i32
          %mul3A_712 = arith.constant 16 : i32
          %mul3A_713 = arith.muli %mul3A_711, %mul3A_712 : i32
          %add3A_714 = arith.addi %mul3A_109, %mul3A_713 : i32
          %get3A_715 = arith.index_cast %add3A_714 : i32 to index
          %get3A_716 = tpu.vector_load %arg4[%get3A_715] {strides = array<i32>} : memref<32768xf32, #tpu.memory_space<vmem>>, vector<16xf32>,
          %bitcast3A_717 = vector.bitcast %get3A_716 : vector<16xf32> to vector<16xi32>
          %and3A_718 = arith.constant 2147483647 : i32
          %and3A_719 = vector.broadcast %and3A_718 : i32 to vector<16xi32>
          %and3A_720 = arith.andi %bitcast3A_717, %and3A_719 : vector<16xi32>
          %shift_right_arithmetic3A_721 = arith.constant 16 : i32
          %shift_right_arithmetic3A_722 = vector.broadcast %shift_right_arithmetic3A_721 : i32 to vector<16xi32>
          %shift_right_arithmetic3A_723 = arith.shrsi %and3A_720, %shift_right_arithmetic3A_722 : vector<16xi32>
          %and3A_724 = arith.constant 65535 : i32
          %and3A_725 = vector.broadcast %and3A_724 : i32 to vector<16xi32>
          %and3A_726 = arith.andi %and3A_720, %and3A_725 : vector<16xi32>
          %xor3A_727 = arith.constant 32768 : i32
          %xor3A_728 = vector.broadcast %xor3A_727 : i32 to vector<16xi32>
          %xor3A_729 = arith.xori %and3A_726, %xor3A_728 : vector<16xi32>
          %eq3A_730 = arith.cmpi eq, %shift_right_arithmetic3A_723, %scan3A_116 : vector<16xi32>
          %jit3A_731 = arith.constant 32767 : i32
          %broadcast_in_dim3A_732 = vector.broadcast %jit3A_731 : i32 to vector<16xi32>
          %select_n3A_733 = arith.select %eq3A_730, %xor3A_729, %broadcast_in_dim3A_732 : vector<16xi1>, vector<16xi32>
          %add3A_734 = arith.constant 16 : i32
          %add3A_735 = arith.addi %add3A_714, %add3A_734 : i32
          %get3A_736 = arith.index_cast %add3A_735 : i32 to index
          %get3A_737 = tpu.vector_load %arg4[%get3A_736] {strides = array<i32>} : memref<32768xf32, #tpu.memory_space<vmem>>, vector<16xf32>,
          %bitcast3A_738 = vector.bitcast %get3A_737 : vector<16xf32> to vector<16xi32>
          %and3A_739 = arith.constant 2147483647 : i32
          %and3A_740 = vector.broadcast %and3A_739 : i32 to vector<16xi32>
          %and3A_741 = arith.andi %bitcast3A_738, %and3A_740 : vector<16xi32>
          %shift_right_arithmetic3A_742 = arith.constant 16 : i32
          %shift_right_arithmetic3A_743 = vector.broadcast %shift_right_arithmetic3A_742 : i32 to vector<16xi32>
          %shift_right_arithmetic3A_744 = arith.shrsi %and3A_741, %shift_right_arithmetic3A_743 : vector<16xi32>
          %and3A_745 = arith.constant 65535 : i32
          %and3A_746 = vector.broadcast %and3A_745 : i32 to vector<16xi32>
          %and3A_747 = arith.andi %and3A_741, %and3A_746 : vector<16xi32>
          %xor3A_748 = arith.constant 32768 : i32
          %xor3A_749 = vector.broadcast %xor3A_748 : i32 to vector<16xi32>
          %xor3A_750 = arith.xori %and3A_747, %xor3A_749 : vector<16xi32>
          %eq3A_751 = arith.cmpi eq, %shift_right_arithmetic3A_744, %scan3A_116 : vector<16xi32>
          %jit3A_752 = arith.constant 32767 : i32
          %broadcast_in_dim3A_753 = vector.broadcast %jit3A_752 : i32 to vector<16xi32>
          %select_n3A_754 = arith.select %eq3A_751, %xor3A_750, %broadcast_in_dim3A_753 : vector<16xi1>, vector<16xi32>
          %lt3A_755 = arith.cmpi slt, %shift_right_arithmetic3A_723, %scan3A_116 : vector<16xi32>
          %all_reduce_population_count3A_756 = tpu.all_reduce %lt3A_755 {dim = 0 : i64, kind = #tpu.reduction_kind<sum>} : vector<16xi1> -> vector<16xi32>
          %add3A_757 = arith.addi %add3A_677, %all_reduce_population_count3A_756 : vector<16xi32>
          %lt3A_758 = arith.cmpi slt, %shift_right_arithmetic3A_744, %scan3A_116 : vector<16xi32>
          %all_reduce_population_count3A_759 = tpu.all_reduce %lt3A_758 {dim = 0 : i64, kind = #tpu.reduction_kind<sum>} : vector<16xi1> -> vector<16xi32>
          %add3A_760 = arith.addi %add3A_757, %all_reduce_population_count3A_759 : vector<16xi32>
          %pack3A_761 = tpu.pack_subelements %select_n3A_733, %select_n3A_754 {pack_format = #tpu.pack_format<interleaved>, positions = array<i32: 0, 1>} : vector<16xi32>, vector<16xi32> -> vector<32xi16>
          %bitcast3A_762 = vector.bitcast %pack3A_761 : vector<32xi16> to vector<16xi32>
          %jit3A_763 = arith.constant 2 : i32
          %div3A_764 = arith.divsi %add3A_714, %jit3A_763 : i32
          %sign3A_765 = arith.constant 0 : i32
          %sign3A_766 = arith.cmpi sgt, %add3A_714, %sign3A_765 : i32
          %sign3A_767 = arith.extui %sign3A_766 : i1 to i32
          %sign3A_768 = arith.constant 0 : i32
          %sign3A_769 = arith.cmpi slt, %add3A_714, %sign3A_768 : i32
          %sign3A_770 = arith.extui %sign3A_769 : i1 to i32
          %sign3A_771 = arith.subi %sign3A_767, %sign3A_770 : i32
          %sign3A_772 = arith.constant 0 : i32
          %sign3A_773 = arith.cmpi sgt, %jit3A_763, %sign3A_772 : i32
          %sign3A_774 = arith.extui %sign3A_773 : i1 to i32
          %sign3A_775 = arith.constant 0 : i32
          %sign3A_776 = arith.cmpi slt, %jit3A_763, %sign3A_775 : i32
          %sign3A_777 = arith.extui %sign3A_776 : i1 to i32
          %sign3A_778 = arith.subi %sign3A_774, %sign3A_777 : i32
          %ne3A_779 = arith.cmpi ne, %sign3A_771, %sign3A_778 : i32
          %rem3A_780 = arith.remsi %add3A_714, %jit3A_763 : i32
          %ne3A_781 = arith.constant 0 : i32
          %ne3A_782 = arith.cmpi ne, %rem3A_780, %ne3A_781 : i32
          %and3A_783 = arith.andi %ne3A_779, %ne3A_782 : i1
          %sub3A_784 = arith.constant 1 : i32
          %sub3A_785 = arith.subi %div3A_764, %sub3A_784 : i32
          %select_n3A_786 = arith.select %and3A_783, %sub3A_785, %div3A_764 : i32
          %swap3A_787 = arith.index_cast %select_n3A_786 : i32 to index
          %swap3A_788 = tpu.vector_load %arg6[%swap3A_787] {strides = array<i32>} : memref<16384xi32, #tpu.memory_space<vmem>>, vector<16xi32>,
          tpu.vector_store %arg6[%swap3A_787], %bitcast3A_762 {strides = array<i32>} : memref<16384xi32, #tpu.memory_space<vmem>>, vector<16xi32>,
          scf.yield %add3A_760 : vector<16xi32>
        }
        %scan3A_125 = arith.constant 8 : i32
        %broadcast_in_dim3A_126 = arith.constant 0 : i32
        %broadcast_in_dim3A_127 = vector.broadcast %broadcast_in_dim3A_126 : i32 to vector<16xi32>
        %scan3A_128 = arith.constant 0 : i32
        %scan3A_129 = arith.constant 16 : i32
        %scan3A_130 = arith.addi %scan3A_128, %scan3A_129 : i32
        %scan3A_131 = arith.constant 1 : i32
        %scan3A_132 = scf.for %scan3A_138 = %scan3A_128 to %scan3A_130 step %scan3A_131 iter_args(%scan3A_139 = %broadcast_in_dim3A_127) -> (vector<16xi32>)  : i32 {
          %sub3A = arith.constant 15 : i32
          %sub3A_140 = arith.subi %sub3A, %scan3A_138 : i32
          %shift_left3A_141 = vector.broadcast %sub3A_140 : i32 to vector<16xi32>
          %shift_left3A_142 = arith.shli %broadcast_in_dim3A_7, %shift_left3A_141 : vector<16xi32>
          %or3A_143 = arith.ori %scan3A_139, %shift_left3A_142 : vector<16xi32>
          %xor3A = arith.constant 32768 : i32
          %xor3A_144 = vector.broadcast %xor3A : i32 to vector<16xi32>
          %xor3A_145 = arith.xori %or3A_143, %xor3A_144 : vector<16xi32>
          %and3A = arith.constant 65535 : i32
          %and3A_146 = vector.broadcast %and3A : i32 to vector<16xi32>
          %and3A_147 = arith.andi %xor3A_145, %and3A_146 : vector<16xi32>
          %pack3A = tpu.pack_subelements %and3A_147, %and3A_147 {pack_format = #tpu.pack_format<interleaved>, positions = array<i32: 0, 1>} : vector<16xi32>, vector<16xi32> -> vector<32xi16>
          %broadcast_in_dim3A_148 = arith.constant 0 : i32
          %broadcast_in_dim3A_149 = vector.broadcast %broadcast_in_dim3A_148 : i32 to vector<16xi32>
          %scan3A_150 = arith.constant 0 : i32
          %scan3A_151 = arith.constant 4 : i32
          %scan3A_152 = arith.addi %scan3A_150, %scan3A_151 : i32
          %scan3A_153 = arith.constant 1 : i32
          %scan3A_154 = scf.for %scan3A_157 = %scan3A_150 to %scan3A_152 step %scan3A_153 iter_args(%scan3A_158 = %broadcast_in_dim3A_149) -> (vector<16xi32>)  : i32 {
            %jit3A = arith.constant 2 : i32
            %div3A = arith.divsi %mul3A_109, %jit3A : i32
            %sign3A = arith.constant 0 : i32
            %sign3A_159 = arith.cmpi sgt, %mul3A_109, %sign3A : i32
            %sign3A_160 = arith.extui %sign3A_159 : i1 to i32
            %sign3A_161 = arith.constant 0 : i32
            %sign3A_162 = arith.cmpi slt, %mul3A_109, %sign3A_161 : i32
            %sign3A_163 = arith.extui %sign3A_162 : i1 to i32
            %sign3A_164 = arith.subi %sign3A_160, %sign3A_163 : i32
            %sign3A_165 = arith.constant 0 : i32
            %sign3A_166 = arith.cmpi sgt, %jit3A, %sign3A_165 : i32
            %sign3A_167 = arith.extui %sign3A_166 : i1 to i32
            %sign3A_168 = arith.constant 0 : i32
            %sign3A_169 = arith.cmpi slt, %jit3A, %sign3A_168 : i32
            %sign3A_170 = arith.extui %sign3A_169 : i1 to i32
            %sign3A_171 = arith.subi %sign3A_167, %sign3A_170 : i32
            %ne3A = arith.cmpi ne, %sign3A_164, %sign3A_171 : i32
            %rem3A = arith.remsi %mul3A_109, %jit3A : i32
            %ne3A_172 = arith.constant 0 : i32
            %ne3A_173 = arith.cmpi ne, %rem3A, %ne3A_172 : i32
            %and3A_174 = arith.andi %ne3A, %ne3A_173 : i1
            %sub3A_175 = arith.constant 1 : i32
            %sub3A_176 = arith.subi %div3A, %sub3A_175 : i32
            %select_n3A_177 = arith.select %and3A_174, %sub3A_176, %div3A : i32
            %mul3A_178 = arith.constant 16 : i32
            %mul3A_179 = arith.muli %scan3A_157, %mul3A_178 : i32
            %add3A_180 = arith.constant 0 : i32
            %add3A_181 = arith.addi %mul3A_179, %add3A_180 : i32
            %mul3A_182 = arith.constant 16 : i32
            %mul3A_183 = arith.muli %add3A_181, %mul3A_182 : i32
            %add3A_184 = arith.addi %select_n3A_177, %mul3A_183 : i32
            %get3A = arith.index_cast %add3A_184 : i32 to index
            %get3A_185 = tpu.vector_load %arg6[%get3A] {strides = array<i32>} : memref<16384xi32, #tpu.memory_space<vmem>>, vector<16xi32>,
            %bitcast3A = vector.bitcast %get3A_185 : vector<16xi32> to vector<32xi16>
            %lt3A = arith.cmpi slt, %bitcast3A, %pack3A : vector<32xi16>
            %all_reduce_population_count3A = tpu.all_reduce %lt3A {dim = 0 : i64, kind = #tpu.reduction_kind<sum>} : vector<32xi1> -> vector<16xi32>
            %add3A_186 = arith.addi %scan3A_158, %all_reduce_population_count3A : vector<16xi32>
            %jit3A_187 = arith.constant 2 : i32
            %div3A_188 = arith.divsi %mul3A_109, %jit3A_187 : i32
            %sign3A_189 = arith.constant 0 : i32
            %sign3A_190 = arith.cmpi sgt, %mul3A_109, %sign3A_189 : i32
            %sign3A_191 = arith.extui %sign3A_190 : i1 to i32
            %sign3A_192 = arith.constant 0 : i32
            %sign3A_193 = arith.cmpi slt, %mul3A_109, %sign3A_192 : i32
            %sign3A_194 = arith.extui %sign3A_193 : i1 to i32
            %sign3A_195 = arith.subi %sign3A_191, %sign3A_194 : i32
            %sign3A_196 = arith.constant 0 : i32
            %sign3A_197 = arith.cmpi sgt, %jit3A_187, %sign3A_196 : i32
            %sign3A_198 = arith.extui %sign3A_197 : i1 to i32
            %sign3A_199 = arith.constant 0 : i32
            %sign3A_200 = arith.cmpi slt, %jit3A_187, %sign3A_199 : i32
            %sign3A_201 = arith.extui %sign3A_200 : i1 to i32
            %sign3A_202 = arith.subi %sign3A_198, %sign3A_201 : i32
            %ne3A_203 = arith.cmpi ne, %sign3A_195, %sign3A_202 : i32
            %rem3A_204 = arith.remsi %mul3A_109, %jit3A_187 : i32
            %ne3A_205 = arith.constant 0 : i32
            %ne3A_206 = arith.cmpi ne, %rem3A_204, %ne3A_205 : i32
            %and3A_207 = arith.andi %ne3A_203, %ne3A_206 : i1
            %sub3A_208 = arith.constant 1 : i32
            %sub3A_209 = arith.subi %div3A_188, %sub3A_208 : i32
            %select_n3A_210 = arith.select %and3A_207, %sub3A_209, %div3A_188 : i32
            %mul3A_211 = arith.constant 16 : i32
            %mul3A_212 = arith.muli %scan3A_157, %mul3A_211 : i32
            %add3A_213 = arith.constant 1 : i32
            %add3A_214 = arith.addi %mul3A_212, %add3A_213 : i32
            %mul3A_215 = arith.constant 16 : i32
            %mul3A_216 = arith.muli %add3A_214, %mul3A_215 : i32
            %add3A_217 = arith.addi %select_n3A_210, %mul3A_216 : i32
            %get3A_218 = arith.index_cast %add3A_217 : i32 to index
            %get3A_219 = tpu.vector_load %arg6[%get3A_218] {strides = array<i32>} : memref<16384xi32, #tpu.memory_space<vmem>>, vector<16xi32>,
            %bitcast3A_220 = vector.bitcast %get3A_219 : vector<16xi32> to vector<32xi16>
            %lt3A_221 = arith.cmpi slt, %bitcast3A_220, %pack3A : vector<32xi16>
            %all_reduce_population_count3A_222 = tpu.all_reduce %lt3A_221 {dim = 0 : i64, kind = #tpu.reduction_kind<sum>} : vector<32xi1> -> vector<16xi32>
            %add3A_223 = arith.addi %add3A_186, %all_reduce_population_count3A_222 : vector<16xi32>
            %jit3A_224 = arith.constant 2 : i32
            %div3A_225 = arith.divsi %mul3A_109, %jit3A_224 : i32
            %sign3A_226 = arith.constant 0 : i32
            %sign3A_227 = arith.cmpi sgt, %mul3A_109, %sign3A_226 : i32
            %sign3A_228 = arith.extui %sign3A_227 : i1 to i32
            %sign3A_229 = arith.constant 0 : i32
            %sign3A_230 = arith.cmpi slt, %mul3A_109, %sign3A_229 : i32
            %sign3A_231 = arith.extui %sign3A_230 : i1 to i32
            %sign3A_232 = arith.subi %sign3A_228, %sign3A_231 : i32
            %sign3A_233 = arith.constant 0 : i32
            %sign3A_234 = arith.cmpi sgt, %jit3A_224, %sign3A_233 : i32
            %sign3A_235 = arith.extui %sign3A_234 : i1 to i32
            %sign3A_236 = arith.constant 0 : i32
            %sign3A_237 = arith.cmpi slt, %jit3A_224, %sign3A_236 : i32
            %sign3A_238 = arith.extui %sign3A_237 : i1 to i32
            %sign3A_239 = arith.subi %sign3A_235, %sign3A_238 : i32
            %ne3A_240 = arith.cmpi ne, %sign3A_232, %sign3A_239 : i32
            %rem3A_241 = arith.remsi %mul3A_109, %jit3A_224 : i32
            %ne3A_242 = arith.constant 0 : i32
            %ne3A_243 = arith.cmpi ne, %rem3A_241, %ne3A_242 : i32
            %and3A_244 = arith.andi %ne3A_240, %ne3A_243 : i1
            %sub3A_245 = arith.constant 1 : i32
            %sub3A_246 = arith.subi %div3A_225, %sub3A_245 : i32
            %select_n3A_247 = arith.select %and3A_244, %sub3A_246, %div3A_225 : i32
            %mul3A_248 = arith.constant 16 : i32
            %mul3A_249 = arith.muli %scan3A_157, %mul3A_248 : i32
            %add3A_250 = arith.constant 2 : i32
            %add3A_251 = arith.addi %mul3A_249, %add3A_250 : i32
            %mul3A_252 = arith.constant 16 : i32
            %mul3A_253 = arith.muli %add3A_251, %mul3A_252 : i32
            %add3A_254 = arith.addi %select_n3A_247, %mul3A_253 : i32
            %get3A_255 = arith.index_cast %add3A_254 : i32 to index
            %get3A_256 = tpu.vector_load %arg6[%get3A_255] {strides = array<i32>} : memref<16384xi32, #tpu.memory_space<vmem>>, vector<16xi32>,
            %bitcast3A_257 = vector.bitcast %get3A_256 : vector<16xi32> to vector<32xi16>
            %lt3A_258 = arith.cmpi slt, %bitcast3A_257, %pack3A : vector<32xi16>
            %all_reduce_population_count3A_259 = tpu.all_reduce %lt3A_258 {dim = 0 : i64, kind = #tpu.reduction_kind<sum>} : vector<32xi1> -> vector<16xi32>
            %add3A_260 = arith.addi %add3A_223, %all_reduce_population_count3A_259 : vector<16xi32>
            %jit3A_261 = arith.constant 2 : i32
            %div3A_262 = arith.divsi %mul3A_109, %jit3A_261 : i32
            %sign3A_263 = arith.constant 0 : i32
            %sign3A_264 = arith.cmpi sgt, %mul3A_109, %sign3A_263 : i32
            %sign3A_265 = arith.extui %sign3A_264 : i1 to i32
            %sign3A_266 = arith.constant 0 : i32
            %sign3A_267 = arith.cmpi slt, %mul3A_109, %sign3A_266 : i32
            %sign3A_268 = arith.extui %sign3A_267 : i1 to i32
            %sign3A_269 = arith.subi %sign3A_265, %sign3A_268 : i32
            %sign3A_270 = arith.constant 0 : i32
            %sign3A_271 = arith.cmpi sgt, %jit3A_261, %sign3A_270 : i32
            %sign3A_272 = arith.extui %sign3A_271 : i1 to i32
            %sign3A_273 = arith.constant 0 : i32
            %sign3A_274 = arith.cmpi slt, %jit3A_261, %sign3A_273 : i32
            %sign3A_275 = arith.extui %sign3A_274 : i1 to i32
            %sign3A_276 = arith.subi %sign3A_272, %sign3A_275 : i32
            %ne3A_277 = arith.cmpi ne, %sign3A_269, %sign3A_276 : i32
            %rem3A_278 = arith.remsi %mul3A_109, %jit3A_261 : i32
            %ne3A_279 = arith.constant 0 : i32
            %ne3A_280 = arith.cmpi ne, %rem3A_278, %ne3A_279 : i32
            %and3A_281 = arith.andi %ne3A_277, %ne3A_280 : i1
            %sub3A_282 = arith.constant 1 : i32
            %sub3A_283 = arith.subi %div3A_262, %sub3A_282 : i32
            %select_n3A_284 = arith.select %and3A_281, %sub3A_283, %div3A_262 : i32
            %mul3A_285 = arith.constant 16 : i32
            %mul3A_286 = arith.muli %scan3A_157, %mul3A_285 : i32
            %add3A_287 = arith.constant 3 : i32
            %add3A_288 = arith.addi %mul3A_286, %add3A_287 : i32
            %mul3A_289 = arith.constant 16 : i32
            %mul3A_290 = arith.muli %add3A_288, %mul3A_289 : i32
            %add3A_291 = arith.addi %select_n3A_284, %mul3A_290 : i32
            %get3A_292 = arith.index_cast %add3A_291 : i32 to index
            %get3A_293 = tpu.vector_load %arg6[%get3A_292] {strides = array<i32>} : memref<16384xi32, #tpu.memory_space<vmem>>, vector<16xi32>,
            %bitcast3A_294 = vector.bitcast %get3A_293 : vector<16xi32> to vector<32xi16>
            %lt3A_295 = arith.cmpi slt, %bitcast3A_294, %pack3A : vector<32xi16>
            %all_reduce_population_count3A_296 = tpu.all_reduce %lt3A_295 {dim = 0 : i64, kind = #tpu.reduction_kind<sum>} : vector<32xi1> -> vector<16xi32>
            %add3A_297 = arith.addi %add3A_260, %all_reduce_population_count3A_296 : vector<16xi32>
            %jit3A_298 = arith.constant 2 : i32
            %div3A_299 = arith.divsi %mul3A_109, %jit3A_298 : i32
            %sign3A_300 = arith.constant 0 : i32
            %sign3A_301 = arith.cmpi sgt, %mul3A_109, %sign3A_300 : i32
            %sign3A_302 = arith.extui %sign3A_301 : i1 to i32
            %sign3A_303 = arith.constant 0 : i32
            %sign3A_304 = arith.cmpi slt, %mul3A_109, %sign3A_303 : i32
            %sign3A_305 = arith.extui %sign3A_304 : i1 to i32
            %sign3A_306 = arith.subi %sign3A_302, %sign3A_305 : i32
            %sign3A_307 = arith.constant 0 : i32
            %sign3A_308 = arith.cmpi sgt, %jit3A_298, %sign3A_307 : i32
            %sign3A_309 = arith.extui %sign3A_308 : i1 to i32
            %sign3A_310 = arith.constant 0 : i32
            %sign3A_311 = arith.cmpi slt, %jit3A_298, %sign3A_310 : i32
            %sign3A_312 = arith.extui %sign3A_311 : i1 to i32
            %sign3A_313 = arith.subi %sign3A_309, %sign3A_312 : i32
            %ne3A_314 = arith.cmpi ne, %sign3A_306, %sign3A_313 : i32
            %rem3A_315 = arith.remsi %mul3A_109, %jit3A_298 : i32
            %ne3A_316 = arith.constant 0 : i32
            %ne3A_317 = arith.cmpi ne, %rem3A_315, %ne3A_316 : i32
            %and3A_318 = arith.andi %ne3A_314, %ne3A_317 : i1
            %sub3A_319 = arith.constant 1 : i32
            %sub3A_320 = arith.subi %div3A_299, %sub3A_319 : i32
            %select_n3A_321 = arith.select %and3A_318, %sub3A_320, %div3A_299 : i32
            %mul3A_322 = arith.constant 16 : i32
            %mul3A_323 = arith.muli %scan3A_157, %mul3A_322 : i32
            %add3A_324 = arith.constant 4 : i32
            %add3A_325 = arith.addi %mul3A_323, %add3A_324 : i32
            %mul3A_326 = arith.constant 16 : i32
            %mul3A_327 = arith.muli %add3A_325, %mul3A_326 : i32
            %add3A_328 = arith.addi %select_n3A_321, %mul3A_327 : i32
            %get3A_329 = arith.index_cast %add3A_328 : i32 to index
            %get3A_330 = tpu.vector_load %arg6[%get3A_329] {strides = array<i32>} : memref<16384xi32, #tpu.memory_space<vmem>>, vector<16xi32>,
            %bitcast3A_331 = vector.bitcast %get3A_330 : vector<16xi32> to vector<32xi16>
            %lt3A_332 = arith.cmpi slt, %bitcast3A_331, %pack3A : vector<32xi16>
            %all_reduce_population_count3A_333 = tpu.all_reduce %lt3A_332 {dim = 0 : i64, kind = #tpu.reduction_kind<sum>} : vector<32xi1> -> vector<16xi32>
            %add3A_334 = arith.addi %add3A_297, %all_reduce_population_count3A_333 : vector<16xi32>
            %jit3A_335 = arith.constant 2 : i32
            %div3A_336 = arith.divsi %mul3A_109, %jit3A_335 : i32
            %sign3A_337 = arith.constant 0 : i32
            %sign3A_338 = arith.cmpi sgt, %mul3A_109, %sign3A_337 : i32
            %sign3A_339 = arith.extui %sign3A_338 : i1 to i32
            %sign3A_340 = arith.constant 0 : i32
            %sign3A_341 = arith.cmpi slt, %mul3A_109, %sign3A_340 : i32
            %sign3A_342 = arith.extui %sign3A_341 : i1 to i32
            %sign3A_343 = arith.subi %sign3A_339, %sign3A_342 : i32
            %sign3A_344 = arith.constant 0 : i32
            %sign3A_345 = arith.cmpi sgt, %jit3A_335, %sign3A_344 : i32
            %sign3A_346 = arith.extui %sign3A_345 : i1 to i32
            %sign3A_347 = arith.constant 0 : i32
            %sign3A_348 = arith.cmpi slt, %jit3A_335, %sign3A_347 : i32
            %sign3A_349 = arith.extui %sign3A_348 : i1 to i32
            %sign3A_350 = arith.subi %sign3A_346, %sign3A_349 : i32
            %ne3A_351 = arith.cmpi ne, %sign3A_343, %sign3A_350 : i32
            %rem3A_352 = arith.remsi %mul3A_109, %jit3A_335 : i32
            %ne3A_353 = arith.constant 0 : i32
            %ne3A_354 = arith.cmpi ne, %rem3A_352, %ne3A_353 : i32
            %and3A_355 = arith.andi %ne3A_351, %ne3A_354 : i1
            %sub3A_356 = arith.constant 1 : i32
            %sub3A_357 = arith.subi %div3A_336, %sub3A_356 : i32
            %select_n3A_358 = arith.select %and3A_355, %sub3A_357, %div3A_336 : i32
            %mul3A_359 = arith.constant 16 : i32
            %mul3A_360 = arith.muli %scan3A_157, %mul3A_359 : i32
            %add3A_361 = arith.constant 5 : i32
            %add3A_362 = arith.addi %mul3A_360, %add3A_361 : i32
            %mul3A_363 = arith.constant 16 : i32
            %mul3A_364 = arith.muli %add3A_362, %mul3A_363 : i32
            %add3A_365 = arith.addi %select_n3A_358, %mul3A_364 : i32
            %get3A_366 = arith.index_cast %add3A_365 : i32 to index
            %get3A_367 = tpu.vector_load %arg6[%get3A_366] {strides = array<i32>} : memref<16384xi32, #tpu.memory_space<vmem>>, vector<16xi32>,
            %bitcast3A_368 = vector.bitcast %get3A_367 : vector<16xi32> to vector<32xi16>
            %lt3A_369 = arith.cmpi slt, %bitcast3A_368, %pack3A : vector<32xi16>
            %all_reduce_population_count3A_370 = tpu.all_reduce %lt3A_369 {dim = 0 : i64, kind = #tpu.reduction_kind<sum>} : vector<32xi1> -> vector<16xi32>
            %add3A_371 = arith.addi %add3A_334, %all_reduce_population_count3A_370 : vector<16xi32>
            %jit3A_372 = arith.constant 2 : i32
            %div3A_373 = arith.divsi %mul3A_109, %jit3A_372 : i32
            %sign3A_374 = arith.constant 0 : i32
            %sign3A_375 = arith.cmpi sgt, %mul3A_109, %sign3A_374 : i32
            %sign3A_376 = arith.extui %sign3A_375 : i1 to i32
            %sign3A_377 = arith.constant 0 : i32
            %sign3A_378 = arith.cmpi slt, %mul3A_109, %sign3A_377 : i32
            %sign3A_379 = arith.extui %sign3A_378 : i1 to i32
            %sign3A_380 = arith.subi %sign3A_376, %sign3A_379 : i32
            %sign3A_381 = arith.constant 0 : i32
            %sign3A_382 = arith.cmpi sgt, %jit3A_372, %sign3A_381 : i32
            %sign3A_383 = arith.extui %sign3A_382 : i1 to i32
            %sign3A_384 = arith.constant 0 : i32
            %sign3A_385 = arith.cmpi slt, %jit3A_372, %sign3A_384 : i32
            %sign3A_386 = arith.extui %sign3A_385 : i1 to i32
            %sign3A_387 = arith.subi %sign3A_383, %sign3A_386 : i32
            %ne3A_388 = arith.cmpi ne, %sign3A_380, %sign3A_387 : i32
            %rem3A_389 = arith.remsi %mul3A_109, %jit3A_372 : i32
            %ne3A_390 = arith.constant 0 : i32
            %ne3A_391 = arith.cmpi ne, %rem3A_389, %ne3A_390 : i32
            %and3A_392 = arith.andi %ne3A_388, %ne3A_391 : i1
            %sub3A_393 = arith.constant 1 : i32
            %sub3A_394 = arith.subi %div3A_373, %sub3A_393 : i32
            %select_n3A_395 = arith.select %and3A_392, %sub3A_394, %div3A_373 : i32
            %mul3A_396 = arith.constant 16 : i32
            %mul3A_397 = arith.muli %scan3A_157, %mul3A_396 : i32
            %add3A_398 = arith.constant 6 : i32
            %add3A_399 = arith.addi %mul3A_397, %add3A_398 : i32
            %mul3A_400 = arith.constant 16 : i32
            %mul3A_401 = arith.muli %add3A_399, %mul3A_400 : i32
            %add3A_402 = arith.addi %select_n3A_395, %mul3A_401 : i32
            %get3A_403 = arith.index_cast %add3A_402 : i32 to index
            %get3A_404 = tpu.vector_load %arg6[%get3A_403] {strides = array<i32>} : memref<16384xi32, #tpu.memory_space<vmem>>, vector<16xi32>,
            %bitcast3A_405 = vector.bitcast %get3A_404 : vector<16xi32> to vector<32xi16>
            %lt3A_406 = arith.cmpi slt, %bitcast3A_405, %pack3A : vector<32xi16>
            %all_reduce_population_count3A_407 = tpu.all_reduce %lt3A_406 {dim = 0 : i64, kind = #tpu.reduction_kind<sum>} : vector<32xi1> -> vector<16xi32>
            %add3A_408 = arith.addi %add3A_371, %all_reduce_population_count3A_407 : vector<16xi32>
            %jit3A_409 = arith.constant 2 : i32
            %div3A_410 = arith.divsi %mul3A_109, %jit3A_409 : i32
            %sign3A_411 = arith.constant 0 : i32
            %sign3A_412 = arith.cmpi sgt, %mul3A_109, %sign3A_411 : i32
            %sign3A_413 = arith.extui %sign3A_412 : i1 to i32
            %sign3A_414 = arith.constant 0 : i32
            %sign3A_415 = arith.cmpi slt, %mul3A_109, %sign3A_414 : i32
            %sign3A_416 = arith.extui %sign3A_415 : i1 to i32
            %sign3A_417 = arith.subi %sign3A_413, %sign3A_416 : i32
            %sign3A_418 = arith.constant 0 : i32
            %sign3A_419 = arith.cmpi sgt, %jit3A_409, %sign3A_418 : i32
            %sign3A_420 = arith.extui %sign3A_419 : i1 to i32
            %sign3A_421 = arith.constant 0 : i32
            %sign3A_422 = arith.cmpi slt, %jit3A_409, %sign3A_421 : i32
            %sign3A_423 = arith.extui %sign3A_422 : i1 to i32
            %sign3A_424 = arith.subi %sign3A_420, %sign3A_423 : i32
            %ne3A_425 = arith.cmpi ne, %sign3A_417, %sign3A_424 : i32
            %rem3A_426 = arith.remsi %mul3A_109, %jit3A_409 : i32
            %ne3A_427 = arith.constant 0 : i32
            %ne3A_428 = arith.cmpi ne, %rem3A_426, %ne3A_427 : i32
            %and3A_429 = arith.andi %ne3A_425, %ne3A_428 : i1
            %sub3A_430 = arith.constant 1 : i32
            %sub3A_431 = arith.subi %div3A_410, %sub3A_430 : i32
            %select_n3A_432 = arith.select %and3A_429, %sub3A_431, %div3A_410 : i32
            %mul3A_433 = arith.constant 16 : i32
            %mul3A_434 = arith.muli %scan3A_157, %mul3A_433 : i32
            %add3A_435 = arith.constant 7 : i32
            %add3A_436 = arith.addi %mul3A_434, %add3A_435 : i32
            %mul3A_437 = arith.constant 16 : i32
            %mul3A_438 = arith.muli %add3A_436, %mul3A_437 : i32
            %add3A_439 = arith.addi %select_n3A_432, %mul3A_438 : i32
            %get3A_440 = arith.index_cast %add3A_439 : i32 to index
            %get3A_441 = tpu.vector_load %arg6[%get3A_440] {strides = array<i32>} : memref<16384xi32, #tpu.memory_space<vmem>>, vector<16xi32>,
            %bitcast3A_442 = vector.bitcast %get3A_441 : vector<16xi32> to vector<32xi16>
            %lt3A_443 = arith.cmpi slt, %bitcast3A_442, %pack3A : vector<32xi16>
            %all_reduce_population_count3A_444 = tpu.all_reduce %lt3A_443 {dim = 0 : i64, kind = #tpu.reduction_kind<sum>} : vector<32xi1> -> vector<16xi32>
            %add3A_445 = arith.addi %add3A_408, %all_reduce_population_count3A_444 : vector<16xi32>
            %jit3A_446 = arith.constant 2 : i32
            %div3A_447 = arith.divsi %mul3A_109, %jit3A_446 : i32
            %sign3A_448 = arith.constant 0 : i32
            %sign3A_449 = arith.cmpi sgt, %mul3A_109, %sign3A_448 : i32
            %sign3A_450 = arith.extui %sign3A_449 : i1 to i32
            %sign3A_451 = arith.constant 0 : i32
            %sign3A_452 = arith.cmpi slt, %mul3A_109, %sign3A_451 : i32
            %sign3A_453 = arith.extui %sign3A_452 : i1 to i32
            %sign3A_454 = arith.subi %sign3A_450, %sign3A_453 : i32
            %sign3A_455 = arith.constant 0 : i32
            %sign3A_456 = arith.cmpi sgt, %jit3A_446, %sign3A_455 : i32
            %sign3A_457 = arith.extui %sign3A_456 : i1 to i32
            %sign3A_458 = arith.constant 0 : i32
            %sign3A_459 = arith.cmpi slt, %jit3A_446, %sign3A_458 : i32
            %sign3A_460 = arith.extui %sign3A_459 : i1 to i32
            %sign3A_461 = arith.subi %sign3A_457, %sign3A_460 : i32
            %ne3A_462 = arith.cmpi ne, %sign3A_454, %sign3A_461 : i32
            %rem3A_463 = arith.remsi %mul3A_109, %jit3A_446 : i32
            %ne3A_464 = arith.constant 0 : i32
            %ne3A_465 = arith.cmpi ne, %rem3A_463, %ne3A_464 : i32
            %and3A_466 = arith.andi %ne3A_462, %ne3A_465 : i1
            %sub3A_467 = arith.constant 1 : i32
            %sub3A_468 = arith.subi %div3A_447, %sub3A_467 : i32
            %select_n3A_469 = arith.select %and3A_466, %sub3A_468, %div3A_447 : i32
            %mul3A_470 = arith.constant 16 : i32
            %mul3A_471 = arith.muli %scan3A_157, %mul3A_470 : i32
            %add3A_472 = arith.constant 8 : i32
            %add3A_473 = arith.addi %mul3A_471, %add3A_472 : i32
            %mul3A_474 = arith.constant 16 : i32
            %mul3A_475 = arith.muli %add3A_473, %mul3A_474 : i32
            %add3A_476 = arith.addi %select_n3A_469, %mul3A_475 : i32
            %get3A_477 = arith.index_cast %add3A_476 : i32 to index
            %get3A_478 = tpu.vector_load %arg6[%get3A_477] {strides = array<i32>} : memref<16384xi32, #tpu.memory_space<vmem>>, vector<16xi32>,
            %bitcast3A_479 = vector.bitcast %get3A_478 : vector<16xi32> to vector<32xi16>
            %lt3A_480 = arith.cmpi slt, %bitcast3A_479, %pack3A : vector<32xi16>
            %all_reduce_population_count3A_481 = tpu.all_reduce %lt3A_480 {dim = 0 : i64, kind = #tpu.reduction_kind<sum>} : vector<32xi1> -> vector<16xi32>
            %add3A_482 = arith.addi %add3A_445, %all_reduce_population_count3A_481 : vector<16xi32>
            %jit3A_483 = arith.constant 2 : i32
            %div3A_484 = arith.divsi %mul3A_109, %jit3A_483 : i32
            %sign3A_485 = arith.constant 0 : i32
            %sign3A_486 = arith.cmpi sgt, %mul3A_109, %sign3A_485 : i32
            %sign3A_487 = arith.extui %sign3A_486 : i1 to i32
            %sign3A_488 = arith.constant 0 : i32
            %sign3A_489 = arith.cmpi slt, %mul3A_109, %sign3A_488 : i32
            %sign3A_490 = arith.extui %sign3A_489 : i1 to i32
            %sign3A_491 = arith.subi %sign3A_487, %sign3A_490 : i32
            %sign3A_492 = arith.constant 0 : i32
            %sign3A_493 = arith.cmpi sgt, %jit3A_483, %sign3A_492 : i32
            %sign3A_494 = arith.extui %sign3A_493 : i1 to i32
            %sign3A_495 = arith.constant 0 : i32
            %sign3A_496 = arith.cmpi slt, %jit3A_483, %sign3A_495 : i32
            %sign3A_497 = arith.extui %sign3A_496 : i1 to i32
            %sign3A_498 = arith.subi %sign3A_494, %sign3A_497 : i32
            %ne3A_499 = arith.cmpi ne, %sign3A_491, %sign3A_498 : i32
            %rem3A_500 = arith.remsi %mul3A_109, %jit3A_483 : i32
            %ne3A_501 = arith.constant 0 : i32
            %ne3A_502 = arith.cmpi ne, %rem3A_500, %ne3A_501 : i32
            %and3A_503 = arith.andi %ne3A_499, %ne3A_502 : i1
            %sub3A_504 = arith.constant 1 : i32
            %sub3A_505 = arith.subi %div3A_484, %sub3A_504 : i32
            %select_n3A_506 = arith.select %and3A_503, %sub3A_505, %div3A_484 : i32
            %mul3A_507 = arith.constant 16 : i32
            %mul3A_508 = arith.muli %scan3A_157, %mul3A_507 : i32
            %add3A_509 = arith.constant 9 : i32
            %add3A_510 = arith.addi %mul3A_508, %add3A_509 : i32
            %mul3A_511 = arith.constant 16 : i32
            %mul3A_512 = arith.muli %add3A_510, %mul3A_511 : i32
            %add3A_513 = arith.addi %select_n3A_506, %mul3A_512 : i32
            %get3A_514 = arith.index_cast %add3A_513 : i32 to index
            %get3A_515 = tpu.vector_load %arg6[%get3A_514] {strides = array<i32>} : memref<16384xi32, #tpu.memory_space<vmem>>, vector<16xi32>,
            %bitcast3A_516 = vector.bitcast %get3A_515 : vector<16xi32> to vector<32xi16>
            %lt3A_517 = arith.cmpi slt, %bitcast3A_516, %pack3A : vector<32xi16>
            %all_reduce_population_count3A_518 = tpu.all_reduce %lt3A_517 {dim = 0 : i64, kind = #tpu.reduction_kind<sum>} : vector<32xi1> -> vector<16xi32>
            %add3A_519 = arith.addi %add3A_482, %all_reduce_population_count3A_518 : vector<16xi32>
            %jit3A_520 = arith.constant 2 : i32
            %div3A_521 = arith.divsi %mul3A_109, %jit3A_520 : i32
            %sign3A_522 = arith.constant 0 : i32
            %sign3A_523 = arith.cmpi sgt, %mul3A_109, %sign3A_522 : i32
            %sign3A_524 = arith.extui %sign3A_523 : i1 to i32
            %sign3A_525 = arith.constant 0 : i32
            %sign3A_526 = arith.cmpi slt, %mul3A_109, %sign3A_525 : i32
            %sign3A_527 = arith.extui %sign3A_526 : i1 to i32
            %sign3A_528 = arith.subi %sign3A_524, %sign3A_527 : i32
            %sign3A_529 = arith.constant 0 : i32
            %sign3A_530 = arith.cmpi sgt, %jit3A_520, %sign3A_529 : i32
            %sign3A_531 = arith.extui %sign3A_530 : i1 to i32
            %sign3A_532 = arith.constant 0 : i32
            %sign3A_533 = arith.cmpi slt, %jit3A_520, %sign3A_532 : i32
            %sign3A_534 = arith.extui %sign3A_533 : i1 to i32
            %sign3A_535 = arith.subi %sign3A_531, %sign3A_534 : i32
            %ne3A_536 = arith.cmpi ne, %sign3A_528, %sign3A_535 : i32
            %rem3A_537 = arith.remsi %mul3A_109, %jit3A_520 : i32
            %ne3A_538 = arith.constant 0 : i32
            %ne3A_539 = arith.cmpi ne, %rem3A_537, %ne3A_538 : i32
            %and3A_540 = arith.andi %ne3A_536, %ne3A_539 : i1
            %sub3A_541 = arith.constant 1 : i32
            %sub3A_542 = arith.subi %div3A_521, %sub3A_541 : i32
            %select_n3A_543 = arith.select %and3A_540, %sub3A_542, %div3A_521 : i32
            %mul3A_544 = arith.constant 16 : i32
            %mul3A_545 = arith.muli %scan3A_157, %mul3A_544 : i32
            %add3A_546 = arith.constant 10 : i32
            %add3A_547 = arith.addi %mul3A_545, %add3A_546 : i32
            %mul3A_548 = arith.constant 16 : i32
            %mul3A_549 = arith.muli %add3A_547, %mul3A_548 : i32
            %add3A_550 = arith.addi %select_n3A_543, %mul3A_549 : i32
            %get3A_551 = arith.index_cast %add3A_550 : i32 to index
            %get3A_552 = tpu.vector_load %arg6[%get3A_551] {strides = array<i32>} : memref<16384xi32, #tpu.memory_space<vmem>>, vector<16xi32>,
            %bitcast3A_553 = vector.bitcast %get3A_552 : vector<16xi32> to vector<32xi16>
            %lt3A_554 = arith.cmpi slt, %bitcast3A_553, %pack3A : vector<32xi16>
            %all_reduce_population_count3A_555 = tpu.all_reduce %lt3A_554 {dim = 0 : i64, kind = #tpu.reduction_kind<sum>} : vector<32xi1> -> vector<16xi32>
            %add3A_556 = arith.addi %add3A_519, %all_reduce_population_count3A_555 : vector<16xi32>
            %jit3A_557 = arith.constant 2 : i32
            %div3A_558 = arith.divsi %mul3A_109, %jit3A_557 : i32
            %sign3A_559 = arith.constant 0 : i32
            %sign3A_560 = arith.cmpi sgt, %mul3A_109, %sign3A_559 : i32
            %sign3A_561 = arith.extui %sign3A_560 : i1 to i32
            %sign3A_562 = arith.constant 0 : i32
            %sign3A_563 = arith.cmpi slt, %mul3A_109, %sign3A_562 : i32
            %sign3A_564 = arith.extui %sign3A_563 : i1 to i32
            %sign3A_565 = arith.subi %sign3A_561, %sign3A_564 : i32
            %sign3A_566 = arith.constant 0 : i32
            %sign3A_567 = arith.cmpi sgt, %jit3A_557, %sign3A_566 : i32
            %sign3A_568 = arith.extui %sign3A_567 : i1 to i32
            %sign3A_569 = arith.constant 0 : i32
            %sign3A_570 = arith.cmpi slt, %jit3A_557, %sign3A_569 : i32
            %sign3A_571 = arith.extui %sign3A_570 : i1 to i32
            %sign3A_572 = arith.subi %sign3A_568, %sign3A_571 : i32
            %ne3A_573 = arith.cmpi ne, %sign3A_565, %sign3A_572 : i32
            %rem3A_574 = arith.remsi %mul3A_109, %jit3A_557 : i32
            %ne3A_575 = arith.constant 0 : i32
            %ne3A_576 = arith.cmpi ne, %rem3A_574, %ne3A_575 : i32
            %and3A_577 = arith.andi %ne3A_573, %ne3A_576 : i1
            %sub3A_578 = arith.constant 1 : i32
            %sub3A_579 = arith.subi %div3A_558, %sub3A_578 : i32
            %select_n3A_580 = arith.select %and3A_577, %sub3A_579, %div3A_558 : i32
            %mul3A_581 = arith.constant 16 : i32
            %mul3A_582 = arith.muli %scan3A_157, %mul3A_581 : i32
            %add3A_583 = arith.constant 11 : i32
            %add3A_584 = arith.addi %mul3A_582, %add3A_583 : i32
            %mul3A_585 = arith.constant 16 : i32
            %mul3A_586 = arith.muli %add3A_584, %mul3A_585 : i32
            %add3A_587 = arith.addi %select_n3A_580, %mul3A_586 : i32
            %get3A_588 = arith.index_cast %add3A_587 : i32 to index
            %get3A_589 = tpu.vector_load %arg6[%get3A_588] {strides = array<i32>} : memref<16384xi32, #tpu.memory_space<vmem>>, vector<16xi32>,
            %bitcast3A_590 = vector.bitcast %get3A_589 : vector<16xi32> to vector<32xi16>
            %lt3A_591 = arith.cmpi slt, %bitcast3A_590, %pack3A : vector<32xi16>
            %all_reduce_population_count3A_592 = tpu.all_reduce %lt3A_591 {dim = 0 : i64, kind = #tpu.reduction_kind<sum>} : vector<32xi1> -> vector<16xi32>
            %add3A_593 = arith.addi %add3A_556, %all_reduce_population_count3A_592 : vector<16xi32>
            %jit3A_594 = arith.constant 2 : i32
            %div3A_595 = arith.divsi %mul3A_109, %jit3A_594 : i32
            %sign3A_596 = arith.constant 0 : i32
            %sign3A_597 = arith.cmpi sgt, %mul3A_109, %sign3A_596 : i32
            %sign3A_598 = arith.extui %sign3A_597 : i1 to i32
            %sign3A_599 = arith.constant 0 : i32
            %sign3A_600 = arith.cmpi slt, %mul3A_109, %sign3A_599 : i32
            %sign3A_601 = arith.extui %sign3A_600 : i1 to i32
            %sign3A_602 = arith.subi %sign3A_598, %sign3A_601 : i32
            %sign3A_603 = arith.constant 0 : i32
            %sign3A_604 = arith.cmpi sgt, %jit3A_594, %sign3A_603 : i32
            %sign3A_605 = arith.extui %sign3A_604 : i1 to i32
            %sign3A_606 = arith.constant 0 : i32
            %sign3A_607 = arith.cmpi slt, %jit3A_594, %sign3A_606 : i32
            %sign3A_608 = arith.extui %sign3A_607 : i1 to i32
            %sign3A_609 = arith.subi %sign3A_605, %sign3A_608 : i32
            %ne3A_610 = arith.cmpi ne, %sign3A_602, %sign3A_609 : i32
            %rem3A_611 = arith.remsi %mul3A_109, %jit3A_594 : i32
            %ne3A_612 = arith.constant 0 : i32
            %ne3A_613 = arith.cmpi ne, %rem3A_611, %ne3A_612 : i32
            %and3A_614 = arith.andi %ne3A_610, %ne3A_613 : i1
            %sub3A_615 = arith.constant 1 : i32
            %sub3A_616 = arith.subi %div3A_595, %sub3A_615 : i32
            %select_n3A_617 = arith.select %and3A_614, %sub3A_616, %div3A_595 : i32
            %mul3A_618 = arith.constant 16 : i32
            %mul3A_619 = arith.muli %scan3A_157, %mul3A_618 : i32
            %add3A_620 = arith.constant 12 : i32
            %add3A_621 = arith.addi %mul3A_619, %add3A_620 : i32
            %mul3A_622 = arith.constant 16 : i32
            %mul3A_623 = arith.muli %add3A_621, %mul3A_622 : i32
            %add3A_624 = arith.addi %select_n3A_617, %mul3A_623 : i32
            %get3A_625 = arith.index_cast %add3A_624 : i32 to index
            %get3A_626 = tpu.vector_load %arg6[%get3A_625] {strides = array<i32>} : memref<16384xi32, #tpu.memory_space<vmem>>, vector<16xi32>,
            %bitcast3A_627 = vector.bitcast %get3A_626 : vector<16xi32> to vector<32xi16>
            %lt3A_628 = arith.cmpi slt, %bitcast3A_627, %pack3A : vector<32xi16>
            %all_reduce_population_count3A_629 = tpu.all_reduce %lt3A_628 {dim = 0 : i64, kind = #tpu.reduction_kind<sum>} : vector<32xi1> -> vector<16xi32>
            %add3A_630 = arith.addi %add3A_593, %all_reduce_population_count3A_629 : vector<16xi32>
            %jit3A_631 = arith.constant 2 : i32
            %div3A_632 = arith.divsi %mul3A_109, %jit3A_631 : i32
            %sign3A_633 = arith.constant 0 : i32
            %sign3A_634 = arith.cmpi sgt, %mul3A_109, %sign3A_633 : i32
            %sign3A_635 = arith.extui %sign3A_634 : i1 to i32
            %sign3A_636 = arith.constant 0 : i32
            %sign3A_637 = arith.cmpi slt, %mul3A_109, %sign3A_636 : i32
            %sign3A_638 = arith.extui %sign3A_637 : i1 to i32
            %sign3A_639 = arith.subi %sign3A_635, %sign3A_638 : i32
            %sign3A_640 = arith.constant 0 : i32
            %sign3A_641 = arith.cmpi sgt, %jit3A_631, %sign3A_640 : i32
            %sign3A_642 = arith.extui %sign3A_641 : i1 to i32
            %sign3A_643 = arith.constant 0 : i32
            %sign3A_644 = arith.cmpi slt, %jit3A_631, %sign3A_643 : i32
            %sign3A_645 = arith.extui %sign3A_644 : i1 to i32
            %sign3A_646 = arith.subi %sign3A_642, %sign3A_645 : i32
            %ne3A_647 = arith.cmpi ne, %sign3A_639, %sign3A_646 : i32
            %rem3A_648 = arith.remsi %mul3A_109, %jit3A_631 : i32
            %ne3A_649 = arith.constant 0 : i32
            %ne3A_650 = arith.cmpi ne, %rem3A_648, %ne3A_649 : i32
            %and3A_651 = arith.andi %ne3A_647, %ne3A_650 : i1
            %sub3A_652 = arith.constant 1 : i32
            %sub3A_653 = arith.subi %div3A_632, %sub3A_652 : i32
            %select_n3A_654 = arith.select %and3A_651, %sub3A_653, %div3A_632 : i32
            %mul3A_655 = arith.constant 16 : i32
            %mul3A_656 = arith.muli %scan3A_157, %mul3A_655 : i32
            %add3A_657 = arith.constant 13 : i32
            %add3A_658 = arith.addi %mul3A_656, %add3A_657 : i32
            %mul3A_659 = arith.constant 16 : i32
            %mul3A_660 = arith.muli %add3A_658, %mul3A_659 : i32
            %add3A_661 = arith.addi %select_n3A_654, %mul3A_660 : i32
            %get3A_662 = arith.index_cast %add3A_661 : i32 to index
            %get3A_663 = tpu.vector_load %arg6[%get3A_662] {strides = array<i32>} : memref<16384xi32, #tpu.memory_space<vmem>>, vector<16xi32>,
            %bitcast3A_664 = vector.bitcast %get3A_663 : vector<16xi32> to vector<32xi16>
            %lt3A_665 = arith.cmpi slt, %bitcast3A_664, %pack3A : vector<32xi16>
            %all_reduce_population_count3A_666 = tpu.all_reduce %lt3A_665 {dim = 0 : i64, kind = #tpu.reduction_kind<sum>} : vector<32xi1> -> vector<16xi32>
            %add3A_667 = arith.addi %add3A_630, %all_reduce_population_count3A_666 : vector<16xi32>
            %jit3A_668 = arith.constant 2 : i32
            %div3A_669 = arith.divsi %mul3A_109, %jit3A_668 : i32
            %sign3A_670 = arith.constant 0 : i32
            %sign3A_671 = arith.cmpi sgt, %mul3A_109, %sign3A_670 : i32
            %sign3A_672 = arith.extui %sign3A_671 : i1 to i32
            %sign3A_673 = arith.constant 0 : i32
            %sign3A_674 = arith.cmpi slt, %mul3A_109, %sign3A_673 : i32
            %sign3A_675 = arith.extui %sign3A_674 : i1 to i32
            %sign3A_676 = arith.subi %sign3A_672, %sign3A_675 : i32
            %sign3A_677 = arith.constant 0 : i32
            %sign3A_678 = arith.cmpi sgt, %jit3A_668, %sign3A_677 : i32
            %sign3A_679 = arith.extui %sign3A_678 : i1 to i32
            %sign3A_680 = arith.constant 0 : i32
            %sign3A_681 = arith.cmpi slt, %jit3A_668, %sign3A_680 : i32
            %sign3A_682 = arith.extui %sign3A_681 : i1 to i32
            %sign3A_683 = arith.subi %sign3A_679, %sign3A_682 : i32
            %ne3A_684 = arith.cmpi ne, %sign3A_676, %sign3A_683 : i32
            %rem3A_685 = arith.remsi %mul3A_109, %jit3A_668 : i32
            %ne3A_686 = arith.constant 0 : i32
            %ne3A_687 = arith.cmpi ne, %rem3A_685, %ne3A_686 : i32
            %and3A_688 = arith.andi %ne3A_684, %ne3A_687 : i1
            %sub3A_689 = arith.constant 1 : i32
            %sub3A_690 = arith.subi %div3A_669, %sub3A_689 : i32
            %select_n3A_691 = arith.select %and3A_688, %sub3A_690, %div3A_669 : i32
            %mul3A_692 = arith.constant 16 : i32
            %mul3A_693 = arith.muli %scan3A_157, %mul3A_692 : i32
            %add3A_694 = arith.constant 14 : i32
            %add3A_695 = arith.addi %mul3A_693, %add3A_694 : i32
            %mul3A_696 = arith.constant 16 : i32
            %mul3A_697 = arith.muli %add3A_695, %mul3A_696 : i32
            %add3A_698 = arith.addi %select_n3A_691, %mul3A_697 : i32
            %get3A_699 = arith.index_cast %add3A_698 : i32 to index
            %get3A_700 = tpu.vector_load %arg6[%get3A_699] {strides = array<i32>} : memref<16384xi32, #tpu.memory_space<vmem>>, vector<16xi32>,
            %bitcast3A_701 = vector.bitcast %get3A_700 : vector<16xi32> to vector<32xi16>
            %lt3A_702 = arith.cmpi slt, %bitcast3A_701, %pack3A : vector<32xi16>
            %all_reduce_population_count3A_703 = tpu.all_reduce %lt3A_702 {dim = 0 : i64, kind = #tpu.reduction_kind<sum>} : vector<32xi1> -> vector<16xi32>
            %add3A_704 = arith.addi %add3A_667, %all_reduce_population_count3A_703 : vector<16xi32>
            %jit3A_705 = arith.constant 2 : i32
            %div3A_706 = arith.divsi %mul3A_109, %jit3A_705 : i32
            %sign3A_707 = arith.constant 0 : i32
            %sign3A_708 = arith.cmpi sgt, %mul3A_109, %sign3A_707 : i32
            %sign3A_709 = arith.extui %sign3A_708 : i1 to i32
            %sign3A_710 = arith.constant 0 : i32
            %sign3A_711 = arith.cmpi slt, %mul3A_109, %sign3A_710 : i32
            %sign3A_712 = arith.extui %sign3A_711 : i1 to i32
            %sign3A_713 = arith.subi %sign3A_709, %sign3A_712 : i32
            %sign3A_714 = arith.constant 0 : i32
            %sign3A_715 = arith.cmpi sgt, %jit3A_705, %sign3A_714 : i32
            %sign3A_716 = arith.extui %sign3A_715 : i1 to i32
            %sign3A_717 = arith.constant 0 : i32
            %sign3A_718 = arith.cmpi slt, %jit3A_705, %sign3A_717 : i32
            %sign3A_719 = arith.extui %sign3A_718 : i1 to i32
            %sign3A_720 = arith.subi %sign3A_716, %sign3A_719 : i32
            %ne3A_721 = arith.cmpi ne, %sign3A_713, %sign3A_720 : i32
            %rem3A_722 = arith.remsi %mul3A_109, %jit3A_705 : i32
            %ne3A_723 = arith.constant 0 : i32
            %ne3A_724 = arith.cmpi ne, %rem3A_722, %ne3A_723 : i32
            %and3A_725 = arith.andi %ne3A_721, %ne3A_724 : i1
            %sub3A_726 = arith.constant 1 : i32
            %sub3A_727 = arith.subi %div3A_706, %sub3A_726 : i32
            %select_n3A_728 = arith.select %and3A_725, %sub3A_727, %div3A_706 : i32
            %mul3A_729 = arith.constant 16 : i32
            %mul3A_730 = arith.muli %scan3A_157, %mul3A_729 : i32
            %add3A_731 = arith.constant 15 : i32
            %add3A_732 = arith.addi %mul3A_730, %add3A_731 : i32
            %mul3A_733 = arith.constant 16 : i32
            %mul3A_734 = arith.muli %add3A_732, %mul3A_733 : i32
            %add3A_735 = arith.addi %select_n3A_728, %mul3A_734 : i32
            %get3A_736 = arith.index_cast %add3A_735 : i32 to index
            %get3A_737 = tpu.vector_load %arg6[%get3A_736] {strides = array<i32>} : memref<16384xi32, #tpu.memory_space<vmem>>, vector<16xi32>,
            %bitcast3A_738 = vector.bitcast %get3A_737 : vector<16xi32> to vector<32xi16>
            %lt3A_739 = arith.cmpi slt, %bitcast3A_738, %pack3A : vector<32xi16>
            %all_reduce_population_count3A_740 = tpu.all_reduce %lt3A_739 {dim = 0 : i64, kind = #tpu.reduction_kind<sum>} : vector<32xi1> -> vector<16xi32>
            %add3A_741 = arith.addi %add3A_704, %all_reduce_population_count3A_740 : vector<16xi32>
            scf.yield %add3A_741 : vector<16xi32>
          }
          %scan3A_155 = arith.constant 4 : i32
          %add3A_156 = arith.addi %scan3A_124, %scan3A_154 : vector<16xi32>
          %le3A = arith.cmpi sle, %add3A_156, %broadcast_in_dim3A_5 : vector<16xi32>
          %select_n3A = arith.select %le3A, %or3A_143, %scan3A_139 : vector<16xi1>, vector<16xi32>
          scf.yield %select_n3A : vector<16xi32>
        }
        %scan3A_133 = arith.constant 16 : i32
        %shift_left3A = arith.constant 16 : i32
        %shift_left3A_134 = vector.broadcast %shift_left3A : i32 to vector<16xi32>
        %shift_left3A_135 = arith.shli %scan3A_116, %shift_left3A_134 : vector<16xi32>
        %or3A = arith.ori %shift_left3A_135, %scan3A_132 : vector<16xi32>
        %swap3A = arith.index_cast %scan3A_106 : i32 to index
        %swap3A_136 = tpu.vector_load %arg7[%swap3A] masked %eq3A_9 {strides = array<i32>} : memref<32xi32, #tpu.memory_space<vmem>>, vector<16xi32>, vector<16xi1>
        tpu.vector_store %arg7[%swap3A], %or3A masked %eq3A_9 {strides = array<i32>} : memref<32xi32, #tpu.memory_space<vmem>>, vector<16xi32>, vector<16xi1>
        %scan3A_137 = arith.constant 0 : i32
        scf.yield %scan3A_137 : i32
      }
      %scan3A_54 = arith.constant 16 : i32
      %mul3A_55 = arith.constant 256 : i32
      %mul3A_56 = arith.muli %add3A, %mul3A_55 : i32
      %mul3A_57 = arith.constant 16 : i32
      %mul3A_58 = arith.muli %add3A_35, %mul3A_57 : i32
      %add3A_59 = arith.addi %mul3A_56, %mul3A_58 : i32
      "tpu.region"() ({
        %run_scoped3A = tpu.sem_alloc : memref<!tpu.dma_semaphore, #tpu.memory_space<semaphore_mem>>
        %dma_start3A_106 = arith.constant 0 : i32
        %dma_start3A_107 = tpu.memref_slice %arg7[%dma_start3A_106] : memref<32xi32, #tpu.memory_space<vmem>> -> memref<16xi32, #tpu.memory_space<vmem>>
        %dma_start3A_108 = tpu.memref_slice %arg3[%add3A_59] : memref<8192xi32, #tpu.memory_space<hbm>> -> memref<16xi32, #tpu.memory_space<hbm>>
        %dma_start3A_109 = tpu.memref_slice %arg3[%add3A_59] : memref<8192xi32, #tpu.memory_space<hbm>> -> memref<16xi32, #tpu.memory_space<hbm>>
        %dma_start3A_110 = arith.constant 0 : i32
        %dma_start3A_111 = tpu.memref_slice %arg7[%dma_start3A_110] : memref<32xi32, #tpu.memory_space<vmem>> -> memref<16xi32, #tpu.memory_space<vmem>>
        tpu.enqueue_dma source(%dma_start3A_111 : memref<16xi32, #tpu.memory_space<vmem>>) target(%dma_start3A_109 : memref<16xi32, #tpu.memory_space<hbm>>) target_semaphore(%run_scoped3A : memref<!tpu.dma_semaphore, #tpu.memory_space<semaphore_mem>>)
        %dma_wait3A_112 = arith.constant 0 : i32
        %dma_wait3A_113 = tpu.memref_slice %arg7[%dma_wait3A_112] : memref<32xi32, #tpu.memory_space<vmem>> -> memref<16xi32, #tpu.memory_space<vmem>>
        %dma_wait3A_114 = tpu.memref_slice %arg3[%add3A_59] : memref<8192xi32, #tpu.memory_space<hbm>> -> memref<16xi32, #tpu.memory_space<hbm>>
        %dma_wait3A_115 = tpu.memref_slice %arg3[%add3A_59] : memref<8192xi32, #tpu.memory_space<hbm>> -> memref<16xi32, #tpu.memory_space<hbm>>
        %dma_wait3A_116 = arith.constant 0 : i32
        %dma_wait3A_117 = tpu.memref_slice %arg7[%dma_wait3A_116] : memref<32xi32, #tpu.memory_space<vmem>> -> memref<16xi32, #tpu.memory_space<vmem>>
        tpu.wait_dma2 semaphore(%run_scoped3A : memref<!tpu.dma_semaphore, #tpu.memory_space<semaphore_mem>>) src(%dma_wait3A_117 : memref<16xi32, #tpu.memory_space<vmem>>) dst(%dma_wait3A_115 : memref<16xi32, #tpu.memory_space<hbm>>)
        tpu.yield
      }) : () -> ()
      %add3A_60 = arith.constant 2 : i32
      %add3A_61 = arith.addi %add3A_35, %add3A_60 : i32
      %min3A = arith.constant 15 : i32
      %min3A_62 = arith.minsi %add3A_61, %min3A : i32
      %mul3A_63 = arith.constant 32768 : i32
      %mul3A_64 = arith.muli %min3A_62, %mul3A_63 : i32
      %add3A_65 = arith.addi %mul3A_4, %mul3A_64 : i32
      %dma_start3A_66 = tpu.memref_slice %arg2[%add3A_65] : memref<16777216xf32, #tpu.memory_space<hbm>> -> memref<32768xf32, #tpu.memory_space<hbm>>
      %dma_start3A_67 = tpu.memref_slice %arg2[%add3A_65] : memref<16777216xf32, #tpu.memory_space<hbm>> -> memref<32768xf32, #tpu.memory_space<hbm>>
      tpu.enqueue_dma source(%dma_start3A_67 : memref<32768xf32, #tpu.memory_space<hbm>>) target(%arg4 : memref<32768xf32, #tpu.memory_space<vmem>>) target_semaphore(%arg8 : memref<!tpu.dma_semaphore, #tpu.memory_space<semaphore_mem>>)
      %mul3A_68 = arith.constant 2 : i32
      %mul3A_69 = arith.muli %scan3A_30, %mul3A_68 : i32
      %add3A_70 = arith.constant 1 : i32
      %add3A_71 = arith.addi %mul3A_69, %add3A_70 : i32
      %mul3A_72 = arith.constant 32768 : i32
      %mul3A_73 = arith.muli %add3A_71, %mul3A_72 : i32
      %add3A_74 = arith.addi %mul3A_4, %mul3A_73 : i32
      %dma_wait3A_75 = tpu.memref_slice %arg2[%add3A_74] : memref<16777216xf32, #tpu.memory_space<hbm>> -> memref<32768xf32, #tpu.memory_space<hbm>>
      %dma_wait3A_76 = tpu.memref_slice %arg2[%add3A_74] : memref<16777216xf32, #tpu.memory_space<hbm>> -> memref<32768xf32, #tpu.memory_space<hbm>>
      tpu.wait_dma2 semaphore(%arg9 : memref<!tpu.dma_semaphore, #tpu.memory_space<semaphore_mem>>) src(%dma_wait3A_76 : memref<32768xf32, #tpu.memory_space<hbm>>) dst(%arg5 : memref<32768xf32, #tpu.memory_space<vmem>>)
      %scan3A_77 = arith.constant 0 : i32
      %scan3A_78 = arith.constant 0 : i32
      %scan3A_79 = arith.constant 128 : i32
      %scan3A_80 = arith.addi %scan3A_78, %scan3A_79 : i32
      %scan3A_81 = arith.constant 1 : i32
      %scan3A_82 = scf.for %scan3A_106 = %scan3A_78 to %scan3A_80 step %scan3A_81 iter_args(%scan3A_107 = %scan3A_77) -> (i32)  : i32 {
        %mul3A_108 = arith.constant 8 : i32
        %mul3A_109 = arith.muli %scan3A_106, %mul3A_108 : i32
        %add3A_110 = arith.constant 0 : i32
        %add3A_111 = arith.addi %mul3A_109, %add3A_110 : i32
        %mul3A_112 = arith.constant 2 : i32
        %mul3A_113 = arith.muli %add3A_111, %mul3A_112 : i32
        %mul3A_114 = arith.constant 16 : i32
        %mul3A_115 = arith.muli %mul3A_113, %mul3A_114 : i32
        %get3A = arith.index_cast %mul3A_115 : i32 to index
        %get3A_116 = tpu.vector_load %arg5[%get3A] {strides = array<i32>} : memref<32768xf32, #tpu.memory_space<vmem>>, vector<16xf32>,
        %bitcast3A = vector.bitcast %get3A_116 : vector<16xf32> to vector<16xi32>
        %and3A = arith.constant 2147483647 : i32
        %and3A_117 = vector.broadcast %and3A : i32 to vector<16xi32>
        %and3A_118 = arith.andi %bitcast3A, %and3A_117 : vector<16xi32>
        %shift_right_arithmetic3A = arith.constant 16 : i32
        %shift_right_arithmetic3A_119 = vector.broadcast %shift_right_arithmetic3A : i32 to vector<16xi32>
        %shift_right_arithmetic3A_120 = arith.shrsi %and3A_118, %shift_right_arithmetic3A_119 : vector<16xi32>
        %add3A_121 = arith.constant 16 : i32
        %add3A_122 = arith.addi %mul3A_115, %add3A_121 : i32
        %get3A_123 = arith.index_cast %add3A_122 : i32 to index
        %get3A_124 = tpu.vector_load %arg5[%get3A_123] {strides = array<i32>} : memref<32768xf32, #tpu.memory_space<vmem>>, vector<16xf32>,
        %bitcast3A_125 = vector.bitcast %get3A_124 : vector<16xf32> to vector<16xi32>
        %and3A_126 = arith.constant 2147483647 : i32
        %and3A_127 = vector.broadcast %and3A_126 : i32 to vector<16xi32>
        %and3A_128 = arith.andi %bitcast3A_125, %and3A_127 : vector<16xi32>
        %shift_right_arithmetic3A_129 = arith.constant 16 : i32
        %shift_right_arithmetic3A_130 = vector.broadcast %shift_right_arithmetic3A_129 : i32 to vector<16xi32>
        %shift_right_arithmetic3A_131 = arith.shrsi %and3A_128, %shift_right_arithmetic3A_130 : vector<16xi32>
        %pack3A = tpu.pack_subelements %shift_right_arithmetic3A_120, %shift_right_arithmetic3A_131 {pack_format = #tpu.pack_format<interleaved>, positions = array<i32: 0, 1>} : vector<16xi32>, vector<16xi32> -> vector<32xi16>
        %bitcast3A_132 = vector.bitcast %pack3A : vector<32xi16> to vector<16xi32>
        %jit3A = arith.constant 2 : i32
        %div3A = arith.divsi %mul3A_115, %jit3A : i32
        %sign3A = arith.constant 0 : i32
        %sign3A_133 = arith.cmpi sgt, %mul3A_115, %sign3A : i32
        %sign3A_134 = arith.extui %sign3A_133 : i1 to i32
        %sign3A_135 = arith.constant 0 : i32
        %sign3A_136 = arith.cmpi slt, %mul3A_115, %sign3A_135 : i32
        %sign3A_137 = arith.extui %sign3A_136 : i1 to i32
        %sign3A_138 = arith.subi %sign3A_134, %sign3A_137 : i32
        %sign3A_139 = arith.constant 0 : i32
        %sign3A_140 = arith.cmpi sgt, %jit3A, %sign3A_139 : i32
        %sign3A_141 = arith.extui %sign3A_140 : i1 to i32
        %sign3A_142 = arith.constant 0 : i32
        %sign3A_143 = arith.cmpi slt, %jit3A, %sign3A_142 : i32
        %sign3A_144 = arith.extui %sign3A_143 : i1 to i32
        %sign3A_145 = arith.subi %sign3A_141, %sign3A_144 : i32
        %ne3A = arith.cmpi ne, %sign3A_138, %sign3A_145 : i32
        %rem3A = arith.remsi %mul3A_115, %jit3A : i32
        %ne3A_146 = arith.constant 0 : i32
        %ne3A_147 = arith.cmpi ne, %rem3A, %ne3A_146 : i32
        %and3A_148 = arith.andi %ne3A, %ne3A_147 : i1
        %sub3A = arith.constant 1 : i32
        %sub3A_149 = arith.subi %div3A, %sub3A : i32
        %select_n3A = arith.select %and3A_148, %sub3A_149, %div3A : i32
        %swap3A = arith.index_cast %select_n3A : i32 to index
        %swap3A_150 = tpu.vector_load %arg6[%swap3A] {strides = array<i32>} : memref<16384xi32, #tpu.memory_space<vmem>>, vector<16xi32>,
        tpu.vector_store %arg6[%swap3A], %bitcast3A_132 {strides = array<i32>} : memref<16384xi32, #tpu.memory_space<vmem>>, vector<16xi32>,
        %mul3A_151 = arith.constant 8 : i32
        %mul3A_152 = arith.muli %scan3A_106, %mul3A_151 : i32
        %add3A_153 = arith.constant 1 : i32
        %add3A_154 = arith.addi %mul3A_152, %add3A_153 : i32
        %mul3A_155 = arith.constant 2 : i32
        %mul3A_156 = arith.muli %add3A_154, %mul3A_155 : i32
        %mul3A_157 = arith.constant 16 : i32
        %mul3A_158 = arith.muli %mul3A_156, %mul3A_157 : i32
        %get3A_159 = arith.index_cast %mul3A_158 : i32 to index
        %get3A_160 = tpu.vector_load %arg5[%get3A_159] {strides = array<i32>} : memref<32768xf32, #tpu.memory_space<vmem>>, vector<16xf32>,
        %bitcast3A_161 = vector.bitcast %get3A_160 : vector<16xf32> to vector<16xi32>
        %and3A_162 = arith.constant 2147483647 : i32
        %and3A_163 = vector.broadcast %and3A_162 : i32 to vector<16xi32>
        %and3A_164 = arith.andi %bitcast3A_161, %and3A_163 : vector<16xi32>
        %shift_right_arithmetic3A_165 = arith.constant 16 : i32
        %shift_right_arithmetic3A_166 = vector.broadcast %shift_right_arithmetic3A_165 : i32 to vector<16xi32>
        %shift_right_arithmetic3A_167 = arith.shrsi %and3A_164, %shift_right_arithmetic3A_166 : vector<16xi32>
        %add3A_168 = arith.constant 16 : i32
        %add3A_169 = arith.addi %mul3A_158, %add3A_168 : i32
        %get3A_170 = arith.index_cast %add3A_169 : i32 to index
        %get3A_171 = tpu.vector_load %arg5[%get3A_170] {strides = array<i32>} : memref<32768xf32, #tpu.memory_space<vmem>>, vector<16xf32>,
        %bitcast3A_172 = vector.bitcast %get3A_171 : vector<16xf32> to vector<16xi32>
        %and3A_173 = arith.constant 2147483647 : i32
        %and3A_174 = vector.broadcast %and3A_173 : i32 to vector<16xi32>
        %and3A_175 = arith.andi %bitcast3A_172, %and3A_174 : vector<16xi32>
        %shift_right_arithmetic3A_176 = arith.constant 16 : i32
        %shift_right_arithmetic3A_177 = vector.broadcast %shift_right_arithmetic3A_176 : i32 to vector<16xi32>
        %shift_right_arithmetic3A_178 = arith.shrsi %and3A_175, %shift_right_arithmetic3A_177 : vector<16xi32>
        %pack3A_179 = tpu.pack_subelements %shift_right_arithmetic3A_167, %shift_right_arithmetic3A_178 {pack_format = #tpu.pack_format<interleaved>, positions = array<i32: 0, 1>} : vector<16xi32>, vector<16xi32> -> vector<32xi16>
        %bitcast3A_180 = vector.bitcast %pack3A_179 : vector<32xi16> to vector<16xi32>
        %jit3A_181 = arith.constant 2 : i32
        %div3A_182 = arith.divsi %mul3A_158, %jit3A_181 : i32
        %sign3A_183 = arith.constant 0 : i32
        %sign3A_184 = arith.cmpi sgt, %mul3A_158, %sign3A_183 : i32
        %sign3A_185 = arith.extui %sign3A_184 : i1 to i32
        %sign3A_186 = arith.constant 0 : i32
        %sign3A_187 = arith.cmpi slt, %mul3A_158, %sign3A_186 : i32
        %sign3A_188 = arith.extui %sign3A_187 : i1 to i32
        %sign3A_189 = arith.subi %sign3A_185, %sign3A_188 : i32
        %sign3A_190 = arith.constant 0 : i32
        %sign3A_191 = arith.cmpi sgt, %jit3A_181, %sign3A_190 : i32
        %sign3A_192 = arith.extui %sign3A_191 : i1 to i32
        %sign3A_193 = arith.constant 0 : i32
        %sign3A_194 = arith.cmpi slt, %jit3A_181, %sign3A_193 : i32
        %sign3A_195 = arith.extui %sign3A_194 : i1 to i32
        %sign3A_196 = arith.subi %sign3A_192, %sign3A_195 : i32
        %ne3A_197 = arith.cmpi ne, %sign3A_189, %sign3A_196 : i32
        %rem3A_198 = arith.remsi %mul3A_158, %jit3A_181 : i32
        %ne3A_199 = arith.constant 0 : i32
        %ne3A_200 = arith.cmpi ne, %rem3A_198, %ne3A_199 : i32
        %and3A_201 = arith.andi %ne3A_197, %ne3A_200 : i1
        %sub3A_202 = arith.constant 1 : i32
        %sub3A_203 = arith.subi %div3A_182, %sub3A_202 : i32
        %select_n3A_204 = arith.select %and3A_201, %sub3A_203, %div3A_182 : i32
        %swap3A_205 = arith.index_cast %select_n3A_204 : i32 to index
        %swap3A_206 = tpu.vector_load %arg6[%swap3A_205] {strides = array<i32>} : memref<16384xi32, #tpu.memory_space<vmem>>, vector<16xi32>,
        tpu.vector_store %arg6[%swap3A_205], %bitcast3A_180 {strides = array<i32>} : memref<16384xi32, #tpu.memory_space<vmem>>, vector<16xi32>,
        %mul3A_207 = arith.constant 8 : i32
        %mul3A_208 = arith.muli %scan3A_106, %mul3A_207 : i32
        %add3A_209 = arith.constant 2 : i32
        %add3A_210 = arith.addi %mul3A_208, %add3A_209 : i32
        %mul3A_211 = arith.constant 2 : i32
        %mul3A_212 = arith.muli %add3A_210, %mul3A_211 : i32
        %mul3A_213 = arith.constant 16 : i32
        %mul3A_214 = arith.muli %mul3A_212, %mul3A_213 : i32
        %get3A_215 = arith.index_cast %mul3A_214 : i32 to index
        %get3A_216 = tpu.vector_load %arg5[%get3A_215] {strides = array<i32>} : memref<32768xf32, #tpu.memory_space<vmem>>, vector<16xf32>,
        %bitcast3A_217 = vector.bitcast %get3A_216 : vector<16xf32> to vector<16xi32>
        %and3A_218 = arith.constant 2147483647 : i32
        %and3A_219 = vector.broadcast %and3A_218 : i32 to vector<16xi32>
        %and3A_220 = arith.andi %bitcast3A_217, %and3A_219 : vector<16xi32>
        %shift_right_arithmetic3A_221 = arith.constant 16 : i32
        %shift_right_arithmetic3A_222 = vector.broadcast %shift_right_arithmetic3A_221 : i32 to vector<16xi32>
        %shift_right_arithmetic3A_223 = arith.shrsi %and3A_220, %shift_right_arithmetic3A_222 : vector<16xi32>
        %add3A_224 = arith.constant 16 : i32
        %add3A_225 = arith.addi %mul3A_214, %add3A_224 : i32
        %get3A_226 = arith.index_cast %add3A_225 : i32 to index
        %get3A_227 = tpu.vector_load %arg5[%get3A_226] {strides = array<i32>} : memref<32768xf32, #tpu.memory_space<vmem>>, vector<16xf32>,
        %bitcast3A_228 = vector.bitcast %get3A_227 : vector<16xf32> to vector<16xi32>
        %and3A_229 = arith.constant 2147483647 : i32
        %and3A_230 = vector.broadcast %and3A_229 : i32 to vector<16xi32>
        %and3A_231 = arith.andi %bitcast3A_228, %and3A_230 : vector<16xi32>
        %shift_right_arithmetic3A_232 = arith.constant 16 : i32
        %shift_right_arithmetic3A_233 = vector.broadcast %shift_right_arithmetic3A_232 : i32 to vector<16xi32>
        %shift_right_arithmetic3A_234 = arith.shrsi %and3A_231, %shift_right_arithmetic3A_233 : vector<16xi32>
        %pack3A_235 = tpu.pack_subelements %shift_right_arithmetic3A_223, %shift_right_arithmetic3A_234 {pack_format = #tpu.pack_format<interleaved>, positions = array<i32: 0, 1>} : vector<16xi32>, vector<16xi32> -> vector<32xi16>
        %bitcast3A_236 = vector.bitcast %pack3A_235 : vector<32xi16> to vector<16xi32>
        %jit3A_237 = arith.constant 2 : i32
        %div3A_238 = arith.divsi %mul3A_214, %jit3A_237 : i32
        %sign3A_239 = arith.constant 0 : i32
        %sign3A_240 = arith.cmpi sgt, %mul3A_214, %sign3A_239 : i32
        %sign3A_241 = arith.extui %sign3A_240 : i1 to i32
        %sign3A_242 = arith.constant 0 : i32
        %sign3A_243 = arith.cmpi slt, %mul3A_214, %sign3A_242 : i32
        %sign3A_244 = arith.extui %sign3A_243 : i1 to i32
        %sign3A_245 = arith.subi %sign3A_241, %sign3A_244 : i32
        %sign3A_246 = arith.constant 0 : i32
        %sign3A_247 = arith.cmpi sgt, %jit3A_237, %sign3A_246 : i32
        %sign3A_248 = arith.extui %sign3A_247 : i1 to i32
        %sign3A_249 = arith.constant 0 : i32
        %sign3A_250 = arith.cmpi slt, %jit3A_237, %sign3A_249 : i32
        %sign3A_251 = arith.extui %sign3A_250 : i1 to i32
        %sign3A_252 = arith.subi %sign3A_248, %sign3A_251 : i32
        %ne3A_253 = arith.cmpi ne, %sign3A_245, %sign3A_252 : i32
        %rem3A_254 = arith.remsi %mul3A_214, %jit3A_237 : i32
        %ne3A_255 = arith.constant 0 : i32
        %ne3A_256 = arith.cmpi ne, %rem3A_254, %ne3A_255 : i32
        %and3A_257 = arith.andi %ne3A_253, %ne3A_256 : i1
        %sub3A_258 = arith.constant 1 : i32
        %sub3A_259 = arith.subi %div3A_238, %sub3A_258 : i32
        %select_n3A_260 = arith.select %and3A_257, %sub3A_259, %div3A_238 : i32
        %swap3A_261 = arith.index_cast %select_n3A_260 : i32 to index
        %swap3A_262 = tpu.vector_load %arg6[%swap3A_261] {strides = array<i32>} : memref<16384xi32, #tpu.memory_space<vmem>>, vector<16xi32>,
        tpu.vector_store %arg6[%swap3A_261], %bitcast3A_236 {strides = array<i32>} : memref<16384xi32, #tpu.memory_space<vmem>>, vector<16xi32>,
        %mul3A_263 = arith.constant 8 : i32
        %mul3A_264 = arith.muli %scan3A_106, %mul3A_263 : i32
        %add3A_265 = arith.constant 3 : i32
        %add3A_266 = arith.addi %mul3A_264, %add3A_265 : i32
        %mul3A_267 = arith.constant 2 : i32
        %mul3A_268 = arith.muli %add3A_266, %mul3A_267 : i32
        %mul3A_269 = arith.constant 16 : i32
        %mul3A_270 = arith.muli %mul3A_268, %mul3A_269 : i32
        %get3A_271 = arith.index_cast %mul3A_270 : i32 to index
        %get3A_272 = tpu.vector_load %arg5[%get3A_271] {strides = array<i32>} : memref<32768xf32, #tpu.memory_space<vmem>>, vector<16xf32>,
        %bitcast3A_273 = vector.bitcast %get3A_272 : vector<16xf32> to vector<16xi32>
        %and3A_274 = arith.constant 2147483647 : i32
        %and3A_275 = vector.broadcast %and3A_274 : i32 to vector<16xi32>
        %and3A_276 = arith.andi %bitcast3A_273, %and3A_275 : vector<16xi32>
        %shift_right_arithmetic3A_277 = arith.constant 16 : i32
        %shift_right_arithmetic3A_278 = vector.broadcast %shift_right_arithmetic3A_277 : i32 to vector<16xi32>
        %shift_right_arithmetic3A_279 = arith.shrsi %and3A_276, %shift_right_arithmetic3A_278 : vector<16xi32>
        %add3A_280 = arith.constant 16 : i32
        %add3A_281 = arith.addi %mul3A_270, %add3A_280 : i32
        %get3A_282 = arith.index_cast %add3A_281 : i32 to index
        %get3A_283 = tpu.vector_load %arg5[%get3A_282] {strides = array<i32>} : memref<32768xf32, #tpu.memory_space<vmem>>, vector<16xf32>,
        %bitcast3A_284 = vector.bitcast %get3A_283 : vector<16xf32> to vector<16xi32>
        %and3A_285 = arith.constant 2147483647 : i32
        %and3A_286 = vector.broadcast %and3A_285 : i32 to vector<16xi32>
        %and3A_287 = arith.andi %bitcast3A_284, %and3A_286 : vector<16xi32>
        %shift_right_arithmetic3A_288 = arith.constant 16 : i32
        %shift_right_arithmetic3A_289 = vector.broadcast %shift_right_arithmetic3A_288 : i32 to vector<16xi32>
        %shift_right_arithmetic3A_290 = arith.shrsi %and3A_287, %shift_right_arithmetic3A_289 : vector<16xi32>
        %pack3A_291 = tpu.pack_subelements %shift_right_arithmetic3A_279, %shift_right_arithmetic3A_290 {pack_format = #tpu.pack_format<interleaved>, positions = array<i32: 0, 1>} : vector<16xi32>, vector<16xi32> -> vector<32xi16>
        %bitcast3A_292 = vector.bitcast %pack3A_291 : vector<32xi16> to vector<16xi32>
        %jit3A_293 = arith.constant 2 : i32
        %div3A_294 = arith.divsi %mul3A_270, %jit3A_293 : i32
        %sign3A_295 = arith.constant 0 : i32
        %sign3A_296 = arith.cmpi sgt, %mul3A_270, %sign3A_295 : i32
        %sign3A_297 = arith.extui %sign3A_296 : i1 to i32
        %sign3A_298 = arith.constant 0 : i32
        %sign3A_299 = arith.cmpi slt, %mul3A_270, %sign3A_298 : i32
        %sign3A_300 = arith.extui %sign3A_299 : i1 to i32
        %sign3A_301 = arith.subi %sign3A_297, %sign3A_300 : i32
        %sign3A_302 = arith.constant 0 : i32
        %sign3A_303 = arith.cmpi sgt, %jit3A_293, %sign3A_302 : i32
        %sign3A_304 = arith.extui %sign3A_303 : i1 to i32
        %sign3A_305 = arith.constant 0 : i32
        %sign3A_306 = arith.cmpi slt, %jit3A_293, %sign3A_305 : i32
        %sign3A_307 = arith.extui %sign3A_306 : i1 to i32
        %sign3A_308 = arith.subi %sign3A_304, %sign3A_307 : i32
        %ne3A_309 = arith.cmpi ne, %sign3A_301, %sign3A_308 : i32
        %rem3A_310 = arith.remsi %mul3A_270, %jit3A_293 : i32
        %ne3A_311 = arith.constant 0 : i32
        %ne3A_312 = arith.cmpi ne, %rem3A_310, %ne3A_311 : i32
        %and3A_313 = arith.andi %ne3A_309, %ne3A_312 : i1
        %sub3A_314 = arith.constant 1 : i32
        %sub3A_315 = arith.subi %div3A_294, %sub3A_314 : i32
        %select_n3A_316 = arith.select %and3A_313, %sub3A_315, %div3A_294 : i32
        %swap3A_317 = arith.index_cast %select_n3A_316 : i32 to index
        %swap3A_318 = tpu.vector_load %arg6[%swap3A_317] {strides = array<i32>} : memref<16384xi32, #tpu.memory_space<vmem>>, vector<16xi32>,
        tpu.vector_store %arg6[%swap3A_317], %bitcast3A_292 {strides = array<i32>} : memref<16384xi32, #tpu.memory_space<vmem>>, vector<16xi32>,
        %mul3A_319 = arith.constant 8 : i32
        %mul3A_320 = arith.muli %scan3A_106, %mul3A_319 : i32
        %add3A_321 = arith.constant 4 : i32
        %add3A_322 = arith.addi %mul3A_320, %add3A_321 : i32
        %mul3A_323 = arith.constant 2 : i32
        %mul3A_324 = arith.muli %add3A_322, %mul3A_323 : i32
        %mul3A_325 = arith.constant 16 : i32
        %mul3A_326 = arith.muli %mul3A_324, %mul3A_325 : i32
        %get3A_327 = arith.index_cast %mul3A_326 : i32 to index
        %get3A_328 = tpu.vector_load %arg5[%get3A_327] {strides = array<i32>} : memref<32768xf32, #tpu.memory_space<vmem>>, vector<16xf32>,
        %bitcast3A_329 = vector.bitcast %get3A_328 : vector<16xf32> to vector<16xi32>
        %and3A_330 = arith.constant 2147483647 : i32
        %and3A_331 = vector.broadcast %and3A_330 : i32 to vector<16xi32>
        %and3A_332 = arith.andi %bitcast3A_329, %and3A_331 : vector<16xi32>
        %shift_right_arithmetic3A_333 = arith.constant 16 : i32
        %shift_right_arithmetic3A_334 = vector.broadcast %shift_right_arithmetic3A_333 : i32 to vector<16xi32>
        %shift_right_arithmetic3A_335 = arith.shrsi %and3A_332, %shift_right_arithmetic3A_334 : vector<16xi32>
        %add3A_336 = arith.constant 16 : i32
        %add3A_337 = arith.addi %mul3A_326, %add3A_336 : i32
        %get3A_338 = arith.index_cast %add3A_337 : i32 to index
        %get3A_339 = tpu.vector_load %arg5[%get3A_338] {strides = array<i32>} : memref<32768xf32, #tpu.memory_space<vmem>>, vector<16xf32>,
        %bitcast3A_340 = vector.bitcast %get3A_339 : vector<16xf32> to vector<16xi32>
        %and3A_341 = arith.constant 2147483647 : i32
        %and3A_342 = vector.broadcast %and3A_341 : i32 to vector<16xi32>
        %and3A_343 = arith.andi %bitcast3A_340, %and3A_342 : vector<16xi32>
        %shift_right_arithmetic3A_344 = arith.constant 16 : i32
        %shift_right_arithmetic3A_345 = vector.broadcast %shift_right_arithmetic3A_344 : i32 to vector<16xi32>
        %shift_right_arithmetic3A_346 = arith.shrsi %and3A_343, %shift_right_arithmetic3A_345 : vector<16xi32>
        %pack3A_347 = tpu.pack_subelements %shift_right_arithmetic3A_335, %shift_right_arithmetic3A_346 {pack_format = #tpu.pack_format<interleaved>, positions = array<i32: 0, 1>} : vector<16xi32>, vector<16xi32> -> vector<32xi16>
        %bitcast3A_348 = vector.bitcast %pack3A_347 : vector<32xi16> to vector<16xi32>
        %jit3A_349 = arith.constant 2 : i32
        %div3A_350 = arith.divsi %mul3A_326, %jit3A_349 : i32
        %sign3A_351 = arith.constant 0 : i32
        %sign3A_352 = arith.cmpi sgt, %mul3A_326, %sign3A_351 : i32
        %sign3A_353 = arith.extui %sign3A_352 : i1 to i32
        %sign3A_354 = arith.constant 0 : i32
        %sign3A_355 = arith.cmpi slt, %mul3A_326, %sign3A_354 : i32
        %sign3A_356 = arith.extui %sign3A_355 : i1 to i32
        %sign3A_357 = arith.subi %sign3A_353, %sign3A_356 : i32
        %sign3A_358 = arith.constant 0 : i32
        %sign3A_359 = arith.cmpi sgt, %jit3A_349, %sign3A_358 : i32
        %sign3A_360 = arith.extui %sign3A_359 : i1 to i32
        %sign3A_361 = arith.constant 0 : i32
        %sign3A_362 = arith.cmpi slt, %jit3A_349, %sign3A_361 : i32
        %sign3A_363 = arith.extui %sign3A_362 : i1 to i32
        %sign3A_364 = arith.subi %sign3A_360, %sign3A_363 : i32
        %ne3A_365 = arith.cmpi ne, %sign3A_357, %sign3A_364 : i32
        %rem3A_366 = arith.remsi %mul3A_326, %jit3A_349 : i32
        %ne3A_367 = arith.constant 0 : i32
        %ne3A_368 = arith.cmpi ne, %rem3A_366, %ne3A_367 : i32
        %and3A_369 = arith.andi %ne3A_365, %ne3A_368 : i1
        %sub3A_370 = arith.constant 1 : i32
        %sub3A_371 = arith.subi %div3A_350, %sub3A_370 : i32
        %select_n3A_372 = arith.select %and3A_369, %sub3A_371, %div3A_350 : i32
        %swap3A_373 = arith.index_cast %select_n3A_372 : i32 to index
        %swap3A_374 = tpu.vector_load %arg6[%swap3A_373] {strides = array<i32>} : memref<16384xi32, #tpu.memory_space<vmem>>, vector<16xi32>,
        tpu.vector_store %arg6[%swap3A_373], %bitcast3A_348 {strides = array<i32>} : memref<16384xi32, #tpu.memory_space<vmem>>, vector<16xi32>,
        %mul3A_375 = arith.constant 8 : i32
        %mul3A_376 = arith.muli %scan3A_106, %mul3A_375 : i32
        %add3A_377 = arith.constant 5 : i32
        %add3A_378 = arith.addi %mul3A_376, %add3A_377 : i32
        %mul3A_379 = arith.constant 2 : i32
        %mul3A_380 = arith.muli %add3A_378, %mul3A_379 : i32
        %mul3A_381 = arith.constant 16 : i32
        %mul3A_382 = arith.muli %mul3A_380, %mul3A_381 : i32
        %get3A_383 = arith.index_cast %mul3A_382 : i32 to index
        %get3A_384 = tpu.vector_load %arg5[%get3A_383] {strides = array<i32>} : memref<32768xf32, #tpu.memory_space<vmem>>, vector<16xf32>,
        %bitcast3A_385 = vector.bitcast %get3A_384 : vector<16xf32> to vector<16xi32>
        %and3A_386 = arith.constant 2147483647 : i32
        %and3A_387 = vector.broadcast %and3A_386 : i32 to vector<16xi32>
        %and3A_388 = arith.andi %bitcast3A_385, %and3A_387 : vector<16xi32>
        %shift_right_arithmetic3A_389 = arith.constant 16 : i32
        %shift_right_arithmetic3A_390 = vector.broadcast %shift_right_arithmetic3A_389 : i32 to vector<16xi32>
        %shift_right_arithmetic3A_391 = arith.shrsi %and3A_388, %shift_right_arithmetic3A_390 : vector<16xi32>
        %add3A_392 = arith.constant 16 : i32
        %add3A_393 = arith.addi %mul3A_382, %add3A_392 : i32
        %get3A_394 = arith.index_cast %add3A_393 : i32 to index
        %get3A_395 = tpu.vector_load %arg5[%get3A_394] {strides = array<i32>} : memref<32768xf32, #tpu.memory_space<vmem>>, vector<16xf32>,
        %bitcast3A_396 = vector.bitcast %get3A_395 : vector<16xf32> to vector<16xi32>
        %and3A_397 = arith.constant 2147483647 : i32
        %and3A_398 = vector.broadcast %and3A_397 : i32 to vector<16xi32>
        %and3A_399 = arith.andi %bitcast3A_396, %and3A_398 : vector<16xi32>
        %shift_right_arithmetic3A_400 = arith.constant 16 : i32
        %shift_right_arithmetic3A_401 = vector.broadcast %shift_right_arithmetic3A_400 : i32 to vector<16xi32>
        %shift_right_arithmetic3A_402 = arith.shrsi %and3A_399, %shift_right_arithmetic3A_401 : vector<16xi32>
        %pack3A_403 = tpu.pack_subelements %shift_right_arithmetic3A_391, %shift_right_arithmetic3A_402 {pack_format = #tpu.pack_format<interleaved>, positions = array<i32: 0, 1>} : vector<16xi32>, vector<16xi32> -> vector<32xi16>
        %bitcast3A_404 = vector.bitcast %pack3A_403 : vector<32xi16> to vector<16xi32>
        %jit3A_405 = arith.constant 2 : i32
        %div3A_406 = arith.divsi %mul3A_382, %jit3A_405 : i32
        %sign3A_407 = arith.constant 0 : i32
        %sign3A_408 = arith.cmpi sgt, %mul3A_382, %sign3A_407 : i32
        %sign3A_409 = arith.extui %sign3A_408 : i1 to i32
        %sign3A_410 = arith.constant 0 : i32
        %sign3A_411 = arith.cmpi slt, %mul3A_382, %sign3A_410 : i32
        %sign3A_412 = arith.extui %sign3A_411 : i1 to i32
        %sign3A_413 = arith.subi %sign3A_409, %sign3A_412 : i32
        %sign3A_414 = arith.constant 0 : i32
        %sign3A_415 = arith.cmpi sgt, %jit3A_405, %sign3A_414 : i32
        %sign3A_416 = arith.extui %sign3A_415 : i1 to i32
        %sign3A_417 = arith.constant 0 : i32
        %sign3A_418 = arith.cmpi slt, %jit3A_405, %sign3A_417 : i32
        %sign3A_419 = arith.extui %sign3A_418 : i1 to i32
        %sign3A_420 = arith.subi %sign3A_416, %sign3A_419 : i32
        %ne3A_421 = arith.cmpi ne, %sign3A_413, %sign3A_420 : i32
        %rem3A_422 = arith.remsi %mul3A_382, %jit3A_405 : i32
        %ne3A_423 = arith.constant 0 : i32
        %ne3A_424 = arith.cmpi ne, %rem3A_422, %ne3A_423 : i32
        %and3A_425 = arith.andi %ne3A_421, %ne3A_424 : i1
        %sub3A_426 = arith.constant 1 : i32
        %sub3A_427 = arith.subi %div3A_406, %sub3A_426 : i32
        %select_n3A_428 = arith.select %and3A_425, %sub3A_427, %div3A_406 : i32
        %swap3A_429 = arith.index_cast %select_n3A_428 : i32 to index
        %swap3A_430 = tpu.vector_load %arg6[%swap3A_429] {strides = array<i32>} : memref<16384xi32, #tpu.memory_space<vmem>>, vector<16xi32>,
        tpu.vector_store %arg6[%swap3A_429], %bitcast3A_404 {strides = array<i32>} : memref<16384xi32, #tpu.memory_space<vmem>>, vector<16xi32>,
        %mul3A_431 = arith.constant 8 : i32
        %mul3A_432 = arith.muli %scan3A_106, %mul3A_431 : i32
        %add3A_433 = arith.constant 6 : i32
        %add3A_434 = arith.addi %mul3A_432, %add3A_433 : i32
        %mul3A_435 = arith.constant 2 : i32
        %mul3A_436 = arith.muli %add3A_434, %mul3A_435 : i32
        %mul3A_437 = arith.constant 16 : i32
        %mul3A_438 = arith.muli %mul3A_436, %mul3A_437 : i32
        %get3A_439 = arith.index_cast %mul3A_438 : i32 to index
        %get3A_440 = tpu.vector_load %arg5[%get3A_439] {strides = array<i32>} : memref<32768xf32, #tpu.memory_space<vmem>>, vector<16xf32>,
        %bitcast3A_441 = vector.bitcast %get3A_440 : vector<16xf32> to vector<16xi32>
        %and3A_442 = arith.constant 2147483647 : i32
        %and3A_443 = vector.broadcast %and3A_442 : i32 to vector<16xi32>
        %and3A_444 = arith.andi %bitcast3A_441, %and3A_443 : vector<16xi32>
        %shift_right_arithmetic3A_445 = arith.constant 16 : i32
        %shift_right_arithmetic3A_446 = vector.broadcast %shift_right_arithmetic3A_445 : i32 to vector<16xi32>
        %shift_right_arithmetic3A_447 = arith.shrsi %and3A_444, %shift_right_arithmetic3A_446 : vector<16xi32>
        %add3A_448 = arith.constant 16 : i32
        %add3A_449 = arith.addi %mul3A_438, %add3A_448 : i32
        %get3A_450 = arith.index_cast %add3A_449 : i32 to index
        %get3A_451 = tpu.vector_load %arg5[%get3A_450] {strides = array<i32>} : memref<32768xf32, #tpu.memory_space<vmem>>, vector<16xf32>,
        %bitcast3A_452 = vector.bitcast %get3A_451 : vector<16xf32> to vector<16xi32>
        %and3A_453 = arith.constant 2147483647 : i32
        %and3A_454 = vector.broadcast %and3A_453 : i32 to vector<16xi32>
        %and3A_455 = arith.andi %bitcast3A_452, %and3A_454 : vector<16xi32>
        %shift_right_arithmetic3A_456 = arith.constant 16 : i32
        %shift_right_arithmetic3A_457 = vector.broadcast %shift_right_arithmetic3A_456 : i32 to vector<16xi32>
        %shift_right_arithmetic3A_458 = arith.shrsi %and3A_455, %shift_right_arithmetic3A_457 : vector<16xi32>
        %pack3A_459 = tpu.pack_subelements %shift_right_arithmetic3A_447, %shift_right_arithmetic3A_458 {pack_format = #tpu.pack_format<interleaved>, positions = array<i32: 0, 1>} : vector<16xi32>, vector<16xi32> -> vector<32xi16>
        %bitcast3A_460 = vector.bitcast %pack3A_459 : vector<32xi16> to vector<16xi32>
        %jit3A_461 = arith.constant 2 : i32
        %div3A_462 = arith.divsi %mul3A_438, %jit3A_461 : i32
        %sign3A_463 = arith.constant 0 : i32
        %sign3A_464 = arith.cmpi sgt, %mul3A_438, %sign3A_463 : i32
        %sign3A_465 = arith.extui %sign3A_464 : i1 to i32
        %sign3A_466 = arith.constant 0 : i32
        %sign3A_467 = arith.cmpi slt, %mul3A_438, %sign3A_466 : i32
        %sign3A_468 = arith.extui %sign3A_467 : i1 to i32
        %sign3A_469 = arith.subi %sign3A_465, %sign3A_468 : i32
        %sign3A_470 = arith.constant 0 : i32
        %sign3A_471 = arith.cmpi sgt, %jit3A_461, %sign3A_470 : i32
        %sign3A_472 = arith.extui %sign3A_471 : i1 to i32
        %sign3A_473 = arith.constant 0 : i32
        %sign3A_474 = arith.cmpi slt, %jit3A_461, %sign3A_473 : i32
        %sign3A_475 = arith.extui %sign3A_474 : i1 to i32
        %sign3A_476 = arith.subi %sign3A_472, %sign3A_475 : i32
        %ne3A_477 = arith.cmpi ne, %sign3A_469, %sign3A_476 : i32
        %rem3A_478 = arith.remsi %mul3A_438, %jit3A_461 : i32
        %ne3A_479 = arith.constant 0 : i32
        %ne3A_480 = arith.cmpi ne, %rem3A_478, %ne3A_479 : i32
        %and3A_481 = arith.andi %ne3A_477, %ne3A_480 : i1
        %sub3A_482 = arith.constant 1 : i32
        %sub3A_483 = arith.subi %div3A_462, %sub3A_482 : i32
        %select_n3A_484 = arith.select %and3A_481, %sub3A_483, %div3A_462 : i32
        %swap3A_485 = arith.index_cast %select_n3A_484 : i32 to index
        %swap3A_486 = tpu.vector_load %arg6[%swap3A_485] {strides = array<i32>} : memref<16384xi32, #tpu.memory_space<vmem>>, vector<16xi32>,
        tpu.vector_store %arg6[%swap3A_485], %bitcast3A_460 {strides = array<i32>} : memref<16384xi32, #tpu.memory_space<vmem>>, vector<16xi32>,
        %mul3A_487 = arith.constant 8 : i32
        %mul3A_488 = arith.muli %scan3A_106, %mul3A_487 : i32
        %add3A_489 = arith.constant 7 : i32
        %add3A_490 = arith.addi %mul3A_488, %add3A_489 : i32
        %mul3A_491 = arith.constant 2 : i32
        %mul3A_492 = arith.muli %add3A_490, %mul3A_491 : i32
        %mul3A_493 = arith.constant 16 : i32
        %mul3A_494 = arith.muli %mul3A_492, %mul3A_493 : i32
        %get3A_495 = arith.index_cast %mul3A_494 : i32 to index
        %get3A_496 = tpu.vector_load %arg5[%get3A_495] {strides = array<i32>} : memref<32768xf32, #tpu.memory_space<vmem>>, vector<16xf32>,
        %bitcast3A_497 = vector.bitcast %get3A_496 : vector<16xf32> to vector<16xi32>
        %and3A_498 = arith.constant 2147483647 : i32
        %and3A_499 = vector.broadcast %and3A_498 : i32 to vector<16xi32>
        %and3A_500 = arith.andi %bitcast3A_497, %and3A_499 : vector<16xi32>
        %shift_right_arithmetic3A_501 = arith.constant 16 : i32
        %shift_right_arithmetic3A_502 = vector.broadcast %shift_right_arithmetic3A_501 : i32 to vector<16xi32>
        %shift_right_arithmetic3A_503 = arith.shrsi %and3A_500, %shift_right_arithmetic3A_502 : vector<16xi32>
        %add3A_504 = arith.constant 16 : i32
        %add3A_505 = arith.addi %mul3A_494, %add3A_504 : i32
        %get3A_506 = arith.index_cast %add3A_505 : i32 to index
        %get3A_507 = tpu.vector_load %arg5[%get3A_506] {strides = array<i32>} : memref<32768xf32, #tpu.memory_space<vmem>>, vector<16xf32>,
        %bitcast3A_508 = vector.bitcast %get3A_507 : vector<16xf32> to vector<16xi32>
        %and3A_509 = arith.constant 2147483647 : i32
        %and3A_510 = vector.broadcast %and3A_509 : i32 to vector<16xi32>
        %and3A_511 = arith.andi %bitcast3A_508, %and3A_510 : vector<16xi32>
        %shift_right_arithmetic3A_512 = arith.constant 16 : i32
        %shift_right_arithmetic3A_513 = vector.broadcast %shift_right_arithmetic3A_512 : i32 to vector<16xi32>
        %shift_right_arithmetic3A_514 = arith.shrsi %and3A_511, %shift_right_arithmetic3A_513 : vector<16xi32>
        %pack3A_515 = tpu.pack_subelements %shift_right_arithmetic3A_503, %shift_right_arithmetic3A_514 {pack_format = #tpu.pack_format<interleaved>, positions = array<i32: 0, 1>} : vector<16xi32>, vector<16xi32> -> vector<32xi16>
        %bitcast3A_516 = vector.bitcast %pack3A_515 : vector<32xi16> to vector<16xi32>
        %jit3A_517 = arith.constant 2 : i32
        %div3A_518 = arith.divsi %mul3A_494, %jit3A_517 : i32
        %sign3A_519 = arith.constant 0 : i32
        %sign3A_520 = arith.cmpi sgt, %mul3A_494, %sign3A_519 : i32
        %sign3A_521 = arith.extui %sign3A_520 : i1 to i32
        %sign3A_522 = arith.constant 0 : i32
        %sign3A_523 = arith.cmpi slt, %mul3A_494, %sign3A_522 : i32
        %sign3A_524 = arith.extui %sign3A_523 : i1 to i32
        %sign3A_525 = arith.subi %sign3A_521, %sign3A_524 : i32
        %sign3A_526 = arith.constant 0 : i32
        %sign3A_527 = arith.cmpi sgt, %jit3A_517, %sign3A_526 : i32
        %sign3A_528 = arith.extui %sign3A_527 : i1 to i32
        %sign3A_529 = arith.constant 0 : i32
        %sign3A_530 = arith.cmpi slt, %jit3A_517, %sign3A_529 : i32
        %sign3A_531 = arith.extui %sign3A_530 : i1 to i32
        %sign3A_532 = arith.subi %sign3A_528, %sign3A_531 : i32
        %ne3A_533 = arith.cmpi ne, %sign3A_525, %sign3A_532 : i32
        %rem3A_534 = arith.remsi %mul3A_494, %jit3A_517 : i32
        %ne3A_535 = arith.constant 0 : i32
        %ne3A_536 = arith.cmpi ne, %rem3A_534, %ne3A_535 : i32
        %and3A_537 = arith.andi %ne3A_533, %ne3A_536 : i1
        %sub3A_538 = arith.constant 1 : i32
        %sub3A_539 = arith.subi %div3A_518, %sub3A_538 : i32
        %select_n3A_540 = arith.select %and3A_537, %sub3A_539, %div3A_518 : i32
        %swap3A_541 = arith.index_cast %select_n3A_540 : i32 to index
        %swap3A_542 = tpu.vector_load %arg6[%swap3A_541] {strides = array<i32>} : memref<16384xi32, #tpu.memory_space<vmem>>, vector<16xi32>,
        tpu.vector_store %arg6[%swap3A_541], %bitcast3A_516 {strides = array<i32>} : memref<16384xi32, #tpu.memory_space<vmem>>, vector<16xi32>,
        %scan3A_543 = arith.constant 0 : i32
        scf.yield %scan3A_543 : i32
      }
      %scan3A_83 = arith.constant 128 : i32
      %scan3A_84 = arith.constant 0 : i32
      %scan3A_85 = arith.constant 0 : i32
      %scan3A_86 = arith.constant 16 : i32
      %scan3A_87 = arith.addi %scan3A_85, %scan3A_86 : i32
      %scan3A_88 = arith.constant 1 : i32
      %scan3A_89 = scf.for %scan3A_106 = %scan3A_85 to %scan3A_87 step %scan3A_88 iter_args(%scan3A_107 = %scan3A_84) -> (i32)  : i32 {
        %mul3A_108 = arith.constant 2048 : i32
        %mul3A_109 = arith.muli %scan3A_106, %mul3A_108 : i32
        %broadcast_in_dim3A_110 = arith.constant 0 : i32
        %broadcast_in_dim3A_111 = vector.broadcast %broadcast_in_dim3A_110 : i32 to vector<16xi32>
        %scan3A_112 = arith.constant 0 : i32
        %scan3A_113 = arith.constant 15 : i32
        %scan3A_114 = arith.addi %scan3A_112, %scan3A_113 : i32
        %scan3A_115 = arith.constant 1 : i32
        %scan3A_116 = scf.for %scan3A_138 = %scan3A_112 to %scan3A_114 step %scan3A_115 iter_args(%scan3A_139 = %broadcast_in_dim3A_111) -> (vector<16xi32>)  : i32 {
          %sub3A = arith.constant 14 : i32
          %sub3A_140 = arith.subi %sub3A, %scan3A_138 : i32
          %shift_left3A_141 = vector.broadcast %sub3A_140 : i32 to vector<16xi32>
          %shift_left3A_142 = arith.shli %broadcast_in_dim3A_7, %shift_left3A_141 : vector<16xi32>
          %or3A_143 = arith.ori %scan3A_139, %shift_left3A_142 : vector<16xi32>
          %pack3A = tpu.pack_subelements %or3A_143, %or3A_143 {pack_format = #tpu.pack_format<interleaved>, positions = array<i32: 0, 1>} : vector<16xi32>, vector<16xi32> -> vector<32xi16>
          %broadcast_in_dim3A_144 = arith.constant 0 : i32
          %broadcast_in_dim3A_145 = vector.broadcast %broadcast_in_dim3A_144 : i32 to vector<16xi32>
          %scan3A_146 = arith.constant 0 : i32
          %scan3A_147 = arith.constant 4 : i32
          %scan3A_148 = arith.addi %scan3A_146, %scan3A_147 : i32
          %scan3A_149 = arith.constant 1 : i32
          %scan3A_150 = scf.for %scan3A_152 = %scan3A_146 to %scan3A_148 step %scan3A_149 iter_args(%scan3A_153 = %broadcast_in_dim3A_145) -> (vector<16xi32>)  : i32 {
            %jit3A = arith.constant 2 : i32
            %div3A = arith.divsi %mul3A_109, %jit3A : i32
            %sign3A = arith.constant 0 : i32
            %sign3A_154 = arith.cmpi sgt, %mul3A_109, %sign3A : i32
            %sign3A_155 = arith.extui %sign3A_154 : i1 to i32
            %sign3A_156 = arith.constant 0 : i32
            %sign3A_157 = arith.cmpi slt, %mul3A_109, %sign3A_156 : i32
            %sign3A_158 = arith.extui %sign3A_157 : i1 to i32
            %sign3A_159 = arith.subi %sign3A_155, %sign3A_158 : i32
            %sign3A_160 = arith.constant 0 : i32
            %sign3A_161 = arith.cmpi sgt, %jit3A, %sign3A_160 : i32
            %sign3A_162 = arith.extui %sign3A_161 : i1 to i32
            %sign3A_163 = arith.constant 0 : i32
            %sign3A_164 = arith.cmpi slt, %jit3A, %sign3A_163 : i32
            %sign3A_165 = arith.extui %sign3A_164 : i1 to i32
            %sign3A_166 = arith.subi %sign3A_162, %sign3A_165 : i32
            %ne3A = arith.cmpi ne, %sign3A_159, %sign3A_166 : i32
            %rem3A = arith.remsi %mul3A_109, %jit3A : i32
            %ne3A_167 = arith.constant 0 : i32
            %ne3A_168 = arith.cmpi ne, %rem3A, %ne3A_167 : i32
            %and3A = arith.andi %ne3A, %ne3A_168 : i1
            %sub3A_169 = arith.constant 1 : i32
            %sub3A_170 = arith.subi %div3A, %sub3A_169 : i32
            %select_n3A_171 = arith.select %and3A, %sub3A_170, %div3A : i32
            %mul3A_172 = arith.constant 16 : i32
            %mul3A_173 = arith.muli %scan3A_152, %mul3A_172 : i32
            %add3A_174 = arith.constant 0 : i32
            %add3A_175 = arith.addi %mul3A_173, %add3A_174 : i32
            %mul3A_176 = arith.constant 16 : i32
            %mul3A_177 = arith.muli %add3A_175, %mul3A_176 : i32
            %add3A_178 = arith.addi %select_n3A_171, %mul3A_177 : i32
            %get3A = arith.index_cast %add3A_178 : i32 to index
            %get3A_179 = tpu.vector_load %arg6[%get3A] {strides = array<i32>} : memref<16384xi32, #tpu.memory_space<vmem>>, vector<16xi32>,
            %bitcast3A = vector.bitcast %get3A_179 : vector<16xi32> to vector<32xi16>
            %lt3A = arith.cmpi slt, %bitcast3A, %pack3A : vector<32xi16>
            %all_reduce_population_count3A = tpu.all_reduce %lt3A {dim = 0 : i64, kind = #tpu.reduction_kind<sum>} : vector<32xi1> -> vector<16xi32>
            %add3A_180 = arith.addi %scan3A_153, %all_reduce_population_count3A : vector<16xi32>
            %jit3A_181 = arith.constant 2 : i32
            %div3A_182 = arith.divsi %mul3A_109, %jit3A_181 : i32
            %sign3A_183 = arith.constant 0 : i32
            %sign3A_184 = arith.cmpi sgt, %mul3A_109, %sign3A_183 : i32
            %sign3A_185 = arith.extui %sign3A_184 : i1 to i32
            %sign3A_186 = arith.constant 0 : i32
            %sign3A_187 = arith.cmpi slt, %mul3A_109, %sign3A_186 : i32
            %sign3A_188 = arith.extui %sign3A_187 : i1 to i32
            %sign3A_189 = arith.subi %sign3A_185, %sign3A_188 : i32
            %sign3A_190 = arith.constant 0 : i32
            %sign3A_191 = arith.cmpi sgt, %jit3A_181, %sign3A_190 : i32
            %sign3A_192 = arith.extui %sign3A_191 : i1 to i32
            %sign3A_193 = arith.constant 0 : i32
            %sign3A_194 = arith.cmpi slt, %jit3A_181, %sign3A_193 : i32
            %sign3A_195 = arith.extui %sign3A_194 : i1 to i32
            %sign3A_196 = arith.subi %sign3A_192, %sign3A_195 : i32
            %ne3A_197 = arith.cmpi ne, %sign3A_189, %sign3A_196 : i32
            %rem3A_198 = arith.remsi %mul3A_109, %jit3A_181 : i32
            %ne3A_199 = arith.constant 0 : i32
            %ne3A_200 = arith.cmpi ne, %rem3A_198, %ne3A_199 : i32
            %and3A_201 = arith.andi %ne3A_197, %ne3A_200 : i1
            %sub3A_202 = arith.constant 1 : i32
            %sub3A_203 = arith.subi %div3A_182, %sub3A_202 : i32
            %select_n3A_204 = arith.select %and3A_201, %sub3A_203, %div3A_182 : i32
            %mul3A_205 = arith.constant 16 : i32
            %mul3A_206 = arith.muli %scan3A_152, %mul3A_205 : i32
            %add3A_207 = arith.constant 1 : i32
            %add3A_208 = arith.addi %mul3A_206, %add3A_207 : i32
            %mul3A_209 = arith.constant 16 : i32
            %mul3A_210 = arith.muli %add3A_208, %mul3A_209 : i32
            %add3A_211 = arith.addi %select_n3A_204, %mul3A_210 : i32
            %get3A_212 = arith.index_cast %add3A_211 : i32 to index
            %get3A_213 = tpu.vector_load %arg6[%get3A_212] {strides = array<i32>} : memref<16384xi32, #tpu.memory_space<vmem>>, vector<16xi32>,
            %bitcast3A_214 = vector.bitcast %get3A_213 : vector<16xi32> to vector<32xi16>
            %lt3A_215 = arith.cmpi slt, %bitcast3A_214, %pack3A : vector<32xi16>
            %all_reduce_population_count3A_216 = tpu.all_reduce %lt3A_215 {dim = 0 : i64, kind = #tpu.reduction_kind<sum>} : vector<32xi1> -> vector<16xi32>
            %add3A_217 = arith.addi %add3A_180, %all_reduce_population_count3A_216 : vector<16xi32>
            %jit3A_218 = arith.constant 2 : i32
            %div3A_219 = arith.divsi %mul3A_109, %jit3A_218 : i32
            %sign3A_220 = arith.constant 0 : i32
            %sign3A_221 = arith.cmpi sgt, %mul3A_109, %sign3A_220 : i32
            %sign3A_222 = arith.extui %sign3A_221 : i1 to i32
            %sign3A_223 = arith.constant 0 : i32
            %sign3A_224 = arith.cmpi slt, %mul3A_109, %sign3A_223 : i32
            %sign3A_225 = arith.extui %sign3A_224 : i1 to i32
            %sign3A_226 = arith.subi %sign3A_222, %sign3A_225 : i32
            %sign3A_227 = arith.constant 0 : i32
            %sign3A_228 = arith.cmpi sgt, %jit3A_218, %sign3A_227 : i32
            %sign3A_229 = arith.extui %sign3A_228 : i1 to i32
            %sign3A_230 = arith.constant 0 : i32
            %sign3A_231 = arith.cmpi slt, %jit3A_218, %sign3A_230 : i32
            %sign3A_232 = arith.extui %sign3A_231 : i1 to i32
            %sign3A_233 = arith.subi %sign3A_229, %sign3A_232 : i32
            %ne3A_234 = arith.cmpi ne, %sign3A_226, %sign3A_233 : i32
            %rem3A_235 = arith.remsi %mul3A_109, %jit3A_218 : i32
            %ne3A_236 = arith.constant 0 : i32
            %ne3A_237 = arith.cmpi ne, %rem3A_235, %ne3A_236 : i32
            %and3A_238 = arith.andi %ne3A_234, %ne3A_237 : i1
            %sub3A_239 = arith.constant 1 : i32
            %sub3A_240 = arith.subi %div3A_219, %sub3A_239 : i32
            %select_n3A_241 = arith.select %and3A_238, %sub3A_240, %div3A_219 : i32
            %mul3A_242 = arith.constant 16 : i32
            %mul3A_243 = arith.muli %scan3A_152, %mul3A_242 : i32
            %add3A_244 = arith.constant 2 : i32
            %add3A_245 = arith.addi %mul3A_243, %add3A_244 : i32
            %mul3A_246 = arith.constant 16 : i32
            %mul3A_247 = arith.muli %add3A_245, %mul3A_246 : i32
            %add3A_248 = arith.addi %select_n3A_241, %mul3A_247 : i32
            %get3A_249 = arith.index_cast %add3A_248 : i32 to index
            %get3A_250 = tpu.vector_load %arg6[%get3A_249] {strides = array<i32>} : memref<16384xi32, #tpu.memory_space<vmem>>, vector<16xi32>,
            %bitcast3A_251 = vector.bitcast %get3A_250 : vector<16xi32> to vector<32xi16>
            %lt3A_252 = arith.cmpi slt, %bitcast3A_251, %pack3A : vector<32xi16>
            %all_reduce_population_count3A_253 = tpu.all_reduce %lt3A_252 {dim = 0 : i64, kind = #tpu.reduction_kind<sum>} : vector<32xi1> -> vector<16xi32>
            %add3A_254 = arith.addi %add3A_217, %all_reduce_population_count3A_253 : vector<16xi32>
            %jit3A_255 = arith.constant 2 : i32
            %div3A_256 = arith.divsi %mul3A_109, %jit3A_255 : i32
            %sign3A_257 = arith.constant 0 : i32
            %sign3A_258 = arith.cmpi sgt, %mul3A_109, %sign3A_257 : i32
            %sign3A_259 = arith.extui %sign3A_258 : i1 to i32
            %sign3A_260 = arith.constant 0 : i32
            %sign3A_261 = arith.cmpi slt, %mul3A_109, %sign3A_260 : i32
            %sign3A_262 = arith.extui %sign3A_261 : i1 to i32
            %sign3A_263 = arith.subi %sign3A_259, %sign3A_262 : i32
            %sign3A_264 = arith.constant 0 : i32
            %sign3A_265 = arith.cmpi sgt, %jit3A_255, %sign3A_264 : i32
            %sign3A_266 = arith.extui %sign3A_265 : i1 to i32
            %sign3A_267 = arith.constant 0 : i32
            %sign3A_268 = arith.cmpi slt, %jit3A_255, %sign3A_267 : i32
            %sign3A_269 = arith.extui %sign3A_268 : i1 to i32
            %sign3A_270 = arith.subi %sign3A_266, %sign3A_269 : i32
            %ne3A_271 = arith.cmpi ne, %sign3A_263, %sign3A_270 : i32
            %rem3A_272 = arith.remsi %mul3A_109, %jit3A_255 : i32
            %ne3A_273 = arith.constant 0 : i32
            %ne3A_274 = arith.cmpi ne, %rem3A_272, %ne3A_273 : i32
            %and3A_275 = arith.andi %ne3A_271, %ne3A_274 : i1
            %sub3A_276 = arith.constant 1 : i32
            %sub3A_277 = arith.subi %div3A_256, %sub3A_276 : i32
            %select_n3A_278 = arith.select %and3A_275, %sub3A_277, %div3A_256 : i32
            %mul3A_279 = arith.constant 16 : i32
            %mul3A_280 = arith.muli %scan3A_152, %mul3A_279 : i32
            %add3A_281 = arith.constant 3 : i32
            %add3A_282 = arith.addi %mul3A_280, %add3A_281 : i32
            %mul3A_283 = arith.constant 16 : i32
            %mul3A_284 = arith.muli %add3A_282, %mul3A_283 : i32
            %add3A_285 = arith.addi %select_n3A_278, %mul3A_284 : i32
            %get3A_286 = arith.index_cast %add3A_285 : i32 to index
            %get3A_287 = tpu.vector_load %arg6[%get3A_286] {strides = array<i32>} : memref<16384xi32, #tpu.memory_space<vmem>>, vector<16xi32>,
            %bitcast3A_288 = vector.bitcast %get3A_287 : vector<16xi32> to vector<32xi16>
            %lt3A_289 = arith.cmpi slt, %bitcast3A_288, %pack3A : vector<32xi16>
            %all_reduce_population_count3A_290 = tpu.all_reduce %lt3A_289 {dim = 0 : i64, kind = #tpu.reduction_kind<sum>} : vector<32xi1> -> vector<16xi32>
            %add3A_291 = arith.addi %add3A_254, %all_reduce_population_count3A_290 : vector<16xi32>
            %jit3A_292 = arith.constant 2 : i32
            %div3A_293 = arith.divsi %mul3A_109, %jit3A_292 : i32
            %sign3A_294 = arith.constant 0 : i32
            %sign3A_295 = arith.cmpi sgt, %mul3A_109, %sign3A_294 : i32
            %sign3A_296 = arith.extui %sign3A_295 : i1 to i32
            %sign3A_297 = arith.constant 0 : i32
            %sign3A_298 = arith.cmpi slt, %mul3A_109, %sign3A_297 : i32
            %sign3A_299 = arith.extui %sign3A_298 : i1 to i32
            %sign3A_300 = arith.subi %sign3A_296, %sign3A_299 : i32
            %sign3A_301 = arith.constant 0 : i32
            %sign3A_302 = arith.cmpi sgt, %jit3A_292, %sign3A_301 : i32
            %sign3A_303 = arith.extui %sign3A_302 : i1 to i32
            %sign3A_304 = arith.constant 0 : i32
            %sign3A_305 = arith.cmpi slt, %jit3A_292, %sign3A_304 : i32
            %sign3A_306 = arith.extui %sign3A_305 : i1 to i32
            %sign3A_307 = arith.subi %sign3A_303, %sign3A_306 : i32
            %ne3A_308 = arith.cmpi ne, %sign3A_300, %sign3A_307 : i32
            %rem3A_309 = arith.remsi %mul3A_109, %jit3A_292 : i32
            %ne3A_310 = arith.constant 0 : i32
            %ne3A_311 = arith.cmpi ne, %rem3A_309, %ne3A_310 : i32
            %and3A_312 = arith.andi %ne3A_308, %ne3A_311 : i1
            %sub3A_313 = arith.constant 1 : i32
            %sub3A_314 = arith.subi %div3A_293, %sub3A_313 : i32
            %select_n3A_315 = arith.select %and3A_312, %sub3A_314, %div3A_293 : i32
            %mul3A_316 = arith.constant 16 : i32
            %mul3A_317 = arith.muli %scan3A_152, %mul3A_316 : i32
            %add3A_318 = arith.constant 4 : i32
            %add3A_319 = arith.addi %mul3A_317, %add3A_318 : i32
            %mul3A_320 = arith.constant 16 : i32
            %mul3A_321 = arith.muli %add3A_319, %mul3A_320 : i32
            %add3A_322 = arith.addi %select_n3A_315, %mul3A_321 : i32
            %get3A_323 = arith.index_cast %add3A_322 : i32 to index
            %get3A_324 = tpu.vector_load %arg6[%get3A_323] {strides = array<i32>} : memref<16384xi32, #tpu.memory_space<vmem>>, vector<16xi32>,
            %bitcast3A_325 = vector.bitcast %get3A_324 : vector<16xi32> to vector<32xi16>
            %lt3A_326 = arith.cmpi slt, %bitcast3A_325, %pack3A : vector<32xi16>
            %all_reduce_population_count3A_327 = tpu.all_reduce %lt3A_326 {dim = 0 : i64, kind = #tpu.reduction_kind<sum>} : vector<32xi1> -> vector<16xi32>
            %add3A_328 = arith.addi %add3A_291, %all_reduce_population_count3A_327 : vector<16xi32>
            %jit3A_329 = arith.constant 2 : i32
            %div3A_330 = arith.divsi %mul3A_109, %jit3A_329 : i32
            %sign3A_331 = arith.constant 0 : i32
            %sign3A_332 = arith.cmpi sgt, %mul3A_109, %sign3A_331 : i32
            %sign3A_333 = arith.extui %sign3A_332 : i1 to i32
            %sign3A_334 = arith.constant 0 : i32
            %sign3A_335 = arith.cmpi slt, %mul3A_109, %sign3A_334 : i32
            %sign3A_336 = arith.extui %sign3A_335 : i1 to i32
            %sign3A_337 = arith.subi %sign3A_333, %sign3A_336 : i32
            %sign3A_338 = arith.constant 0 : i32
            %sign3A_339 = arith.cmpi sgt, %jit3A_329, %sign3A_338 : i32
            %sign3A_340 = arith.extui %sign3A_339 : i1 to i32
            %sign3A_341 = arith.constant 0 : i32
            %sign3A_342 = arith.cmpi slt, %jit3A_329, %sign3A_341 : i32
            %sign3A_343 = arith.extui %sign3A_342 : i1 to i32
            %sign3A_344 = arith.subi %sign3A_340, %sign3A_343 : i32
            %ne3A_345 = arith.cmpi ne, %sign3A_337, %sign3A_344 : i32
            %rem3A_346 = arith.remsi %mul3A_109, %jit3A_329 : i32
            %ne3A_347 = arith.constant 0 : i32
            %ne3A_348 = arith.cmpi ne, %rem3A_346, %ne3A_347 : i32
            %and3A_349 = arith.andi %ne3A_345, %ne3A_348 : i1
            %sub3A_350 = arith.constant 1 : i32
            %sub3A_351 = arith.subi %div3A_330, %sub3A_350 : i32
            %select_n3A_352 = arith.select %and3A_349, %sub3A_351, %div3A_330 : i32
            %mul3A_353 = arith.constant 16 : i32
            %mul3A_354 = arith.muli %scan3A_152, %mul3A_353 : i32
            %add3A_355 = arith.constant 5 : i32
            %add3A_356 = arith.addi %mul3A_354, %add3A_355 : i32
            %mul3A_357 = arith.constant 16 : i32
            %mul3A_358 = arith.muli %add3A_356, %mul3A_357 : i32
            %add3A_359 = arith.addi %select_n3A_352, %mul3A_358 : i32
            %get3A_360 = arith.index_cast %add3A_359 : i32 to index
            %get3A_361 = tpu.vector_load %arg6[%get3A_360] {strides = array<i32>} : memref<16384xi32, #tpu.memory_space<vmem>>, vector<16xi32>,
            %bitcast3A_362 = vector.bitcast %get3A_361 : vector<16xi32> to vector<32xi16>
            %lt3A_363 = arith.cmpi slt, %bitcast3A_362, %pack3A : vector<32xi16>
            %all_reduce_population_count3A_364 = tpu.all_reduce %lt3A_363 {dim = 0 : i64, kind = #tpu.reduction_kind<sum>} : vector<32xi1> -> vector<16xi32>
            %add3A_365 = arith.addi %add3A_328, %all_reduce_population_count3A_364 : vector<16xi32>
            %jit3A_366 = arith.constant 2 : i32
            %div3A_367 = arith.divsi %mul3A_109, %jit3A_366 : i32
            %sign3A_368 = arith.constant 0 : i32
            %sign3A_369 = arith.cmpi sgt, %mul3A_109, %sign3A_368 : i32
            %sign3A_370 = arith.extui %sign3A_369 : i1 to i32
            %sign3A_371 = arith.constant 0 : i32
            %sign3A_372 = arith.cmpi slt, %mul3A_109, %sign3A_371 : i32
            %sign3A_373 = arith.extui %sign3A_372 : i1 to i32
            %sign3A_374 = arith.subi %sign3A_370, %sign3A_373 : i32
            %sign3A_375 = arith.constant 0 : i32
            %sign3A_376 = arith.cmpi sgt, %jit3A_366, %sign3A_375 : i32
            %sign3A_377 = arith.extui %sign3A_376 : i1 to i32
            %sign3A_378 = arith.constant 0 : i32
            %sign3A_379 = arith.cmpi slt, %jit3A_366, %sign3A_378 : i32
            %sign3A_380 = arith.extui %sign3A_379 : i1 to i32
            %sign3A_381 = arith.subi %sign3A_377, %sign3A_380 : i32
            %ne3A_382 = arith.cmpi ne, %sign3A_374, %sign3A_381 : i32
            %rem3A_383 = arith.remsi %mul3A_109, %jit3A_366 : i32
            %ne3A_384 = arith.constant 0 : i32
            %ne3A_385 = arith.cmpi ne, %rem3A_383, %ne3A_384 : i32
            %and3A_386 = arith.andi %ne3A_382, %ne3A_385 : i1
            %sub3A_387 = arith.constant 1 : i32
            %sub3A_388 = arith.subi %div3A_367, %sub3A_387 : i32
            %select_n3A_389 = arith.select %and3A_386, %sub3A_388, %div3A_367 : i32
            %mul3A_390 = arith.constant 16 : i32
            %mul3A_391 = arith.muli %scan3A_152, %mul3A_390 : i32
            %add3A_392 = arith.constant 6 : i32
            %add3A_393 = arith.addi %mul3A_391, %add3A_392 : i32
            %mul3A_394 = arith.constant 16 : i32
            %mul3A_395 = arith.muli %add3A_393, %mul3A_394 : i32
            %add3A_396 = arith.addi %select_n3A_389, %mul3A_395 : i32
            %get3A_397 = arith.index_cast %add3A_396 : i32 to index
            %get3A_398 = tpu.vector_load %arg6[%get3A_397] {strides = array<i32>} : memref<16384xi32, #tpu.memory_space<vmem>>, vector<16xi32>,
            %bitcast3A_399 = vector.bitcast %get3A_398 : vector<16xi32> to vector<32xi16>
            %lt3A_400 = arith.cmpi slt, %bitcast3A_399, %pack3A : vector<32xi16>
            %all_reduce_population_count3A_401 = tpu.all_reduce %lt3A_400 {dim = 0 : i64, kind = #tpu.reduction_kind<sum>} : vector<32xi1> -> vector<16xi32>
            %add3A_402 = arith.addi %add3A_365, %all_reduce_population_count3A_401 : vector<16xi32>
            %jit3A_403 = arith.constant 2 : i32
            %div3A_404 = arith.divsi %mul3A_109, %jit3A_403 : i32
            %sign3A_405 = arith.constant 0 : i32
            %sign3A_406 = arith.cmpi sgt, %mul3A_109, %sign3A_405 : i32
            %sign3A_407 = arith.extui %sign3A_406 : i1 to i32
            %sign3A_408 = arith.constant 0 : i32
            %sign3A_409 = arith.cmpi slt, %mul3A_109, %sign3A_408 : i32
            %sign3A_410 = arith.extui %sign3A_409 : i1 to i32
            %sign3A_411 = arith.subi %sign3A_407, %sign3A_410 : i32
            %sign3A_412 = arith.constant 0 : i32
            %sign3A_413 = arith.cmpi sgt, %jit3A_403, %sign3A_412 : i32
            %sign3A_414 = arith.extui %sign3A_413 : i1 to i32
            %sign3A_415 = arith.constant 0 : i32
            %sign3A_416 = arith.cmpi slt, %jit3A_403, %sign3A_415 : i32
            %sign3A_417 = arith.extui %sign3A_416 : i1 to i32
            %sign3A_418 = arith.subi %sign3A_414, %sign3A_417 : i32
            %ne3A_419 = arith.cmpi ne, %sign3A_411, %sign3A_418 : i32
            %rem3A_420 = arith.remsi %mul3A_109, %jit3A_403 : i32
            %ne3A_421 = arith.constant 0 : i32
            %ne3A_422 = arith.cmpi ne, %rem3A_420, %ne3A_421 : i32
            %and3A_423 = arith.andi %ne3A_419, %ne3A_422 : i1
            %sub3A_424 = arith.constant 1 : i32
            %sub3A_425 = arith.subi %div3A_404, %sub3A_424 : i32
            %select_n3A_426 = arith.select %and3A_423, %sub3A_425, %div3A_404 : i32
            %mul3A_427 = arith.constant 16 : i32
            %mul3A_428 = arith.muli %scan3A_152, %mul3A_427 : i32
            %add3A_429 = arith.constant 7 : i32
            %add3A_430 = arith.addi %mul3A_428, %add3A_429 : i32
            %mul3A_431 = arith.constant 16 : i32
            %mul3A_432 = arith.muli %add3A_430, %mul3A_431 : i32
            %add3A_433 = arith.addi %select_n3A_426, %mul3A_432 : i32
            %get3A_434 = arith.index_cast %add3A_433 : i32 to index
            %get3A_435 = tpu.vector_load %arg6[%get3A_434] {strides = array<i32>} : memref<16384xi32, #tpu.memory_space<vmem>>, vector<16xi32>,
            %bitcast3A_436 = vector.bitcast %get3A_435 : vector<16xi32> to vector<32xi16>
            %lt3A_437 = arith.cmpi slt, %bitcast3A_436, %pack3A : vector<32xi16>
            %all_reduce_population_count3A_438 = tpu.all_reduce %lt3A_437 {dim = 0 : i64, kind = #tpu.reduction_kind<sum>} : vector<32xi1> -> vector<16xi32>
            %add3A_439 = arith.addi %add3A_402, %all_reduce_population_count3A_438 : vector<16xi32>
            %jit3A_440 = arith.constant 2 : i32
            %div3A_441 = arith.divsi %mul3A_109, %jit3A_440 : i32
            %sign3A_442 = arith.constant 0 : i32
            %sign3A_443 = arith.cmpi sgt, %mul3A_109, %sign3A_442 : i32
            %sign3A_444 = arith.extui %sign3A_443 : i1 to i32
            %sign3A_445 = arith.constant 0 : i32
            %sign3A_446 = arith.cmpi slt, %mul3A_109, %sign3A_445 : i32
            %sign3A_447 = arith.extui %sign3A_446 : i1 to i32
            %sign3A_448 = arith.subi %sign3A_444, %sign3A_447 : i32
            %sign3A_449 = arith.constant 0 : i32
            %sign3A_450 = arith.cmpi sgt, %jit3A_440, %sign3A_449 : i32
            %sign3A_451 = arith.extui %sign3A_450 : i1 to i32
            %sign3A_452 = arith.constant 0 : i32
            %sign3A_453 = arith.cmpi slt, %jit3A_440, %sign3A_452 : i32
            %sign3A_454 = arith.extui %sign3A_453 : i1 to i32
            %sign3A_455 = arith.subi %sign3A_451, %sign3A_454 : i32
            %ne3A_456 = arith.cmpi ne, %sign3A_448, %sign3A_455 : i32
            %rem3A_457 = arith.remsi %mul3A_109, %jit3A_440 : i32
            %ne3A_458 = arith.constant 0 : i32
            %ne3A_459 = arith.cmpi ne, %rem3A_457, %ne3A_458 : i32
            %and3A_460 = arith.andi %ne3A_456, %ne3A_459 : i1
            %sub3A_461 = arith.constant 1 : i32
            %sub3A_462 = arith.subi %div3A_441, %sub3A_461 : i32
            %select_n3A_463 = arith.select %and3A_460, %sub3A_462, %div3A_441 : i32
            %mul3A_464 = arith.constant 16 : i32
            %mul3A_465 = arith.muli %scan3A_152, %mul3A_464 : i32
            %add3A_466 = arith.constant 8 : i32
            %add3A_467 = arith.addi %mul3A_465, %add3A_466 : i32
            %mul3A_468 = arith.constant 16 : i32
            %mul3A_469 = arith.muli %add3A_467, %mul3A_468 : i32
            %add3A_470 = arith.addi %select_n3A_463, %mul3A_469 : i32
            %get3A_471 = arith.index_cast %add3A_470 : i32 to index
            %get3A_472 = tpu.vector_load %arg6[%get3A_471] {strides = array<i32>} : memref<16384xi32, #tpu.memory_space<vmem>>, vector<16xi32>,
            %bitcast3A_473 = vector.bitcast %get3A_472 : vector<16xi32> to vector<32xi16>
            %lt3A_474 = arith.cmpi slt, %bitcast3A_473, %pack3A : vector<32xi16>
            %all_reduce_population_count3A_475 = tpu.all_reduce %lt3A_474 {dim = 0 : i64, kind = #tpu.reduction_kind<sum>} : vector<32xi1> -> vector<16xi32>
            %add3A_476 = arith.addi %add3A_439, %all_reduce_population_count3A_475 : vector<16xi32>
            %jit3A_477 = arith.constant 2 : i32
            %div3A_478 = arith.divsi %mul3A_109, %jit3A_477 : i32
            %sign3A_479 = arith.constant 0 : i32
            %sign3A_480 = arith.cmpi sgt, %mul3A_109, %sign3A_479 : i32
            %sign3A_481 = arith.extui %sign3A_480 : i1 to i32
            %sign3A_482 = arith.constant 0 : i32
            %sign3A_483 = arith.cmpi slt, %mul3A_109, %sign3A_482 : i32
            %sign3A_484 = arith.extui %sign3A_483 : i1 to i32
            %sign3A_485 = arith.subi %sign3A_481, %sign3A_484 : i32
            %sign3A_486 = arith.constant 0 : i32
            %sign3A_487 = arith.cmpi sgt, %jit3A_477, %sign3A_486 : i32
            %sign3A_488 = arith.extui %sign3A_487 : i1 to i32
            %sign3A_489 = arith.constant 0 : i32
            %sign3A_490 = arith.cmpi slt, %jit3A_477, %sign3A_489 : i32
            %sign3A_491 = arith.extui %sign3A_490 : i1 to i32
            %sign3A_492 = arith.subi %sign3A_488, %sign3A_491 : i32
            %ne3A_493 = arith.cmpi ne, %sign3A_485, %sign3A_492 : i32
            %rem3A_494 = arith.remsi %mul3A_109, %jit3A_477 : i32
            %ne3A_495 = arith.constant 0 : i32
            %ne3A_496 = arith.cmpi ne, %rem3A_494, %ne3A_495 : i32
            %and3A_497 = arith.andi %ne3A_493, %ne3A_496 : i1
            %sub3A_498 = arith.constant 1 : i32
            %sub3A_499 = arith.subi %div3A_478, %sub3A_498 : i32
            %select_n3A_500 = arith.select %and3A_497, %sub3A_499, %div3A_478 : i32
            %mul3A_501 = arith.constant 16 : i32
            %mul3A_502 = arith.muli %scan3A_152, %mul3A_501 : i32
            %add3A_503 = arith.constant 9 : i32
            %add3A_504 = arith.addi %mul3A_502, %add3A_503 : i32
            %mul3A_505 = arith.constant 16 : i32
            %mul3A_506 = arith.muli %add3A_504, %mul3A_505 : i32
            %add3A_507 = arith.addi %select_n3A_500, %mul3A_506 : i32
            %get3A_508 = arith.index_cast %add3A_507 : i32 to index
            %get3A_509 = tpu.vector_load %arg6[%get3A_508] {strides = array<i32>} : memref<16384xi32, #tpu.memory_space<vmem>>, vector<16xi32>,
            %bitcast3A_510 = vector.bitcast %get3A_509 : vector<16xi32> to vector<32xi16>
            %lt3A_511 = arith.cmpi slt, %bitcast3A_510, %pack3A : vector<32xi16>
            %all_reduce_population_count3A_512 = tpu.all_reduce %lt3A_511 {dim = 0 : i64, kind = #tpu.reduction_kind<sum>} : vector<32xi1> -> vector<16xi32>
            %add3A_513 = arith.addi %add3A_476, %all_reduce_population_count3A_512 : vector<16xi32>
            %jit3A_514 = arith.constant 2 : i32
            %div3A_515 = arith.divsi %mul3A_109, %jit3A_514 : i32
            %sign3A_516 = arith.constant 0 : i32
            %sign3A_517 = arith.cmpi sgt, %mul3A_109, %sign3A_516 : i32
            %sign3A_518 = arith.extui %sign3A_517 : i1 to i32
            %sign3A_519 = arith.constant 0 : i32
            %sign3A_520 = arith.cmpi slt, %mul3A_109, %sign3A_519 : i32
            %sign3A_521 = arith.extui %sign3A_520 : i1 to i32
            %sign3A_522 = arith.subi %sign3A_518, %sign3A_521 : i32
            %sign3A_523 = arith.constant 0 : i32
            %sign3A_524 = arith.cmpi sgt, %jit3A_514, %sign3A_523 : i32
            %sign3A_525 = arith.extui %sign3A_524 : i1 to i32
            %sign3A_526 = arith.constant 0 : i32
            %sign3A_527 = arith.cmpi slt, %jit3A_514, %sign3A_526 : i32
            %sign3A_528 = arith.extui %sign3A_527 : i1 to i32
            %sign3A_529 = arith.subi %sign3A_525, %sign3A_528 : i32
            %ne3A_530 = arith.cmpi ne, %sign3A_522, %sign3A_529 : i32
            %rem3A_531 = arith.remsi %mul3A_109, %jit3A_514 : i32
            %ne3A_532 = arith.constant 0 : i32
            %ne3A_533 = arith.cmpi ne, %rem3A_531, %ne3A_532 : i32
            %and3A_534 = arith.andi %ne3A_530, %ne3A_533 : i1
            %sub3A_535 = arith.constant 1 : i32
            %sub3A_536 = arith.subi %div3A_515, %sub3A_535 : i32
            %select_n3A_537 = arith.select %and3A_534, %sub3A_536, %div3A_515 : i32
            %mul3A_538 = arith.constant 16 : i32
            %mul3A_539 = arith.muli %scan3A_152, %mul3A_538 : i32
            %add3A_540 = arith.constant 10 : i32
            %add3A_541 = arith.addi %mul3A_539, %add3A_540 : i32
            %mul3A_542 = arith.constant 16 : i32
            %mul3A_543 = arith.muli %add3A_541, %mul3A_542 : i32
            %add3A_544 = arith.addi %select_n3A_537, %mul3A_543 : i32
            %get3A_545 = arith.index_cast %add3A_544 : i32 to index
            %get3A_546 = tpu.vector_load %arg6[%get3A_545] {strides = array<i32>} : memref<16384xi32, #tpu.memory_space<vmem>>, vector<16xi32>,
            %bitcast3A_547 = vector.bitcast %get3A_546 : vector<16xi32> to vector<32xi16>
            %lt3A_548 = arith.cmpi slt, %bitcast3A_547, %pack3A : vector<32xi16>
            %all_reduce_population_count3A_549 = tpu.all_reduce %lt3A_548 {dim = 0 : i64, kind = #tpu.reduction_kind<sum>} : vector<32xi1> -> vector<16xi32>
            %add3A_550 = arith.addi %add3A_513, %all_reduce_population_count3A_549 : vector<16xi32>
            %jit3A_551 = arith.constant 2 : i32
            %div3A_552 = arith.divsi %mul3A_109, %jit3A_551 : i32
            %sign3A_553 = arith.constant 0 : i32
            %sign3A_554 = arith.cmpi sgt, %mul3A_109, %sign3A_553 : i32
            %sign3A_555 = arith.extui %sign3A_554 : i1 to i32
            %sign3A_556 = arith.constant 0 : i32
            %sign3A_557 = arith.cmpi slt, %mul3A_109, %sign3A_556 : i32
            %sign3A_558 = arith.extui %sign3A_557 : i1 to i32
            %sign3A_559 = arith.subi %sign3A_555, %sign3A_558 : i32
            %sign3A_560 = arith.constant 0 : i32
            %sign3A_561 = arith.cmpi sgt, %jit3A_551, %sign3A_560 : i32
            %sign3A_562 = arith.extui %sign3A_561 : i1 to i32
            %sign3A_563 = arith.constant 0 : i32
            %sign3A_564 = arith.cmpi slt, %jit3A_551, %sign3A_563 : i32
            %sign3A_565 = arith.extui %sign3A_564 : i1 to i32
            %sign3A_566 = arith.subi %sign3A_562, %sign3A_565 : i32
            %ne3A_567 = arith.cmpi ne, %sign3A_559, %sign3A_566 : i32
            %rem3A_568 = arith.remsi %mul3A_109, %jit3A_551 : i32
            %ne3A_569 = arith.constant 0 : i32
            %ne3A_570 = arith.cmpi ne, %rem3A_568, %ne3A_569 : i32
            %and3A_571 = arith.andi %ne3A_567, %ne3A_570 : i1
            %sub3A_572 = arith.constant 1 : i32
            %sub3A_573 = arith.subi %div3A_552, %sub3A_572 : i32
            %select_n3A_574 = arith.select %and3A_571, %sub3A_573, %div3A_552 : i32
            %mul3A_575 = arith.constant 16 : i32
            %mul3A_576 = arith.muli %scan3A_152, %mul3A_575 : i32
            %add3A_577 = arith.constant 11 : i32
            %add3A_578 = arith.addi %mul3A_576, %add3A_577 : i32
            %mul3A_579 = arith.constant 16 : i32
            %mul3A_580 = arith.muli %add3A_578, %mul3A_579 : i32
            %add3A_581 = arith.addi %select_n3A_574, %mul3A_580 : i32
            %get3A_582 = arith.index_cast %add3A_581 : i32 to index
            %get3A_583 = tpu.vector_load %arg6[%get3A_582] {strides = array<i32>} : memref<16384xi32, #tpu.memory_space<vmem>>, vector<16xi32>,
            %bitcast3A_584 = vector.bitcast %get3A_583 : vector<16xi32> to vector<32xi16>
            %lt3A_585 = arith.cmpi slt, %bitcast3A_584, %pack3A : vector<32xi16>
            %all_reduce_population_count3A_586 = tpu.all_reduce %lt3A_585 {dim = 0 : i64, kind = #tpu.reduction_kind<sum>} : vector<32xi1> -> vector<16xi32>
            %add3A_587 = arith.addi %add3A_550, %all_reduce_population_count3A_586 : vector<16xi32>
            %jit3A_588 = arith.constant 2 : i32
            %div3A_589 = arith.divsi %mul3A_109, %jit3A_588 : i32
            %sign3A_590 = arith.constant 0 : i32
            %sign3A_591 = arith.cmpi sgt, %mul3A_109, %sign3A_590 : i32
            %sign3A_592 = arith.extui %sign3A_591 : i1 to i32
            %sign3A_593 = arith.constant 0 : i32
            %sign3A_594 = arith.cmpi slt, %mul3A_109, %sign3A_593 : i32
            %sign3A_595 = arith.extui %sign3A_594 : i1 to i32
            %sign3A_596 = arith.subi %sign3A_592, %sign3A_595 : i32
            %sign3A_597 = arith.constant 0 : i32
            %sign3A_598 = arith.cmpi sgt, %jit3A_588, %sign3A_597 : i32
            %sign3A_599 = arith.extui %sign3A_598 : i1 to i32
            %sign3A_600 = arith.constant 0 : i32
            %sign3A_601 = arith.cmpi slt, %jit3A_588, %sign3A_600 : i32
            %sign3A_602 = arith.extui %sign3A_601 : i1 to i32
            %sign3A_603 = arith.subi %sign3A_599, %sign3A_602 : i32
            %ne3A_604 = arith.cmpi ne, %sign3A_596, %sign3A_603 : i32
            %rem3A_605 = arith.remsi %mul3A_109, %jit3A_588 : i32
            %ne3A_606 = arith.constant 0 : i32
            %ne3A_607 = arith.cmpi ne, %rem3A_605, %ne3A_606 : i32
            %and3A_608 = arith.andi %ne3A_604, %ne3A_607 : i1
            %sub3A_609 = arith.constant 1 : i32
            %sub3A_610 = arith.subi %div3A_589, %sub3A_609 : i32
            %select_n3A_611 = arith.select %and3A_608, %sub3A_610, %div3A_589 : i32
            %mul3A_612 = arith.constant 16 : i32
            %mul3A_613 = arith.muli %scan3A_152, %mul3A_612 : i32
            %add3A_614 = arith.constant 12 : i32
            %add3A_615 = arith.addi %mul3A_613, %add3A_614 : i32
            %mul3A_616 = arith.constant 16 : i32
            %mul3A_617 = arith.muli %add3A_615, %mul3A_616 : i32
            %add3A_618 = arith.addi %select_n3A_611, %mul3A_617 : i32
            %get3A_619 = arith.index_cast %add3A_618 : i32 to index
            %get3A_620 = tpu.vector_load %arg6[%get3A_619] {strides = array<i32>} : memref<16384xi32, #tpu.memory_space<vmem>>, vector<16xi32>,
            %bitcast3A_621 = vector.bitcast %get3A_620 : vector<16xi32> to vector<32xi16>
            %lt3A_622 = arith.cmpi slt, %bitcast3A_621, %pack3A : vector<32xi16>
            %all_reduce_population_count3A_623 = tpu.all_reduce %lt3A_622 {dim = 0 : i64, kind = #tpu.reduction_kind<sum>} : vector<32xi1> -> vector<16xi32>
            %add3A_624 = arith.addi %add3A_587, %all_reduce_population_count3A_623 : vector<16xi32>
            %jit3A_625 = arith.constant 2 : i32
            %div3A_626 = arith.divsi %mul3A_109, %jit3A_625 : i32
            %sign3A_627 = arith.constant 0 : i32
            %sign3A_628 = arith.cmpi sgt, %mul3A_109, %sign3A_627 : i32
            %sign3A_629 = arith.extui %sign3A_628 : i1 to i32
            %sign3A_630 = arith.constant 0 : i32
            %sign3A_631 = arith.cmpi slt, %mul3A_109, %sign3A_630 : i32
            %sign3A_632 = arith.extui %sign3A_631 : i1 to i32
            %sign3A_633 = arith.subi %sign3A_629, %sign3A_632 : i32
            %sign3A_634 = arith.constant 0 : i32
            %sign3A_635 = arith.cmpi sgt, %jit3A_625, %sign3A_634 : i32
            %sign3A_636 = arith.extui %sign3A_635 : i1 to i32
            %sign3A_637 = arith.constant 0 : i32
            %sign3A_638 = arith.cmpi slt, %jit3A_625, %sign3A_637 : i32
            %sign3A_639 = arith.extui %sign3A_638 : i1 to i32
            %sign3A_640 = arith.subi %sign3A_636, %sign3A_639 : i32
            %ne3A_641 = arith.cmpi ne, %sign3A_633, %sign3A_640 : i32
            %rem3A_642 = arith.remsi %mul3A_109, %jit3A_625 : i32
            %ne3A_643 = arith.constant 0 : i32
            %ne3A_644 = arith.cmpi ne, %rem3A_642, %ne3A_643 : i32
            %and3A_645 = arith.andi %ne3A_641, %ne3A_644 : i1
            %sub3A_646 = arith.constant 1 : i32
            %sub3A_647 = arith.subi %div3A_626, %sub3A_646 : i32
            %select_n3A_648 = arith.select %and3A_645, %sub3A_647, %div3A_626 : i32
            %mul3A_649 = arith.constant 16 : i32
            %mul3A_650 = arith.muli %scan3A_152, %mul3A_649 : i32
            %add3A_651 = arith.constant 13 : i32
            %add3A_652 = arith.addi %mul3A_650, %add3A_651 : i32
            %mul3A_653 = arith.constant 16 : i32
            %mul3A_654 = arith.muli %add3A_652, %mul3A_653 : i32
            %add3A_655 = arith.addi %select_n3A_648, %mul3A_654 : i32
            %get3A_656 = arith.index_cast %add3A_655 : i32 to index
            %get3A_657 = tpu.vector_load %arg6[%get3A_656] {strides = array<i32>} : memref<16384xi32, #tpu.memory_space<vmem>>, vector<16xi32>,
            %bitcast3A_658 = vector.bitcast %get3A_657 : vector<16xi32> to vector<32xi16>
            %lt3A_659 = arith.cmpi slt, %bitcast3A_658, %pack3A : vector<32xi16>
            %all_reduce_population_count3A_660 = tpu.all_reduce %lt3A_659 {dim = 0 : i64, kind = #tpu.reduction_kind<sum>} : vector<32xi1> -> vector<16xi32>
            %add3A_661 = arith.addi %add3A_624, %all_reduce_population_count3A_660 : vector<16xi32>
            %jit3A_662 = arith.constant 2 : i32
            %div3A_663 = arith.divsi %mul3A_109, %jit3A_662 : i32
            %sign3A_664 = arith.constant 0 : i32
            %sign3A_665 = arith.cmpi sgt, %mul3A_109, %sign3A_664 : i32
            %sign3A_666 = arith.extui %sign3A_665 : i1 to i32
            %sign3A_667 = arith.constant 0 : i32
            %sign3A_668 = arith.cmpi slt, %mul3A_109, %sign3A_667 : i32
            %sign3A_669 = arith.extui %sign3A_668 : i1 to i32
            %sign3A_670 = arith.subi %sign3A_666, %sign3A_669 : i32
            %sign3A_671 = arith.constant 0 : i32
            %sign3A_672 = arith.cmpi sgt, %jit3A_662, %sign3A_671 : i32
            %sign3A_673 = arith.extui %sign3A_672 : i1 to i32
            %sign3A_674 = arith.constant 0 : i32
            %sign3A_675 = arith.cmpi slt, %jit3A_662, %sign3A_674 : i32
            %sign3A_676 = arith.extui %sign3A_675 : i1 to i32
            %sign3A_677 = arith.subi %sign3A_673, %sign3A_676 : i32
            %ne3A_678 = arith.cmpi ne, %sign3A_670, %sign3A_677 : i32
            %rem3A_679 = arith.remsi %mul3A_109, %jit3A_662 : i32
            %ne3A_680 = arith.constant 0 : i32
            %ne3A_681 = arith.cmpi ne, %rem3A_679, %ne3A_680 : i32
            %and3A_682 = arith.andi %ne3A_678, %ne3A_681 : i1
            %sub3A_683 = arith.constant 1 : i32
            %sub3A_684 = arith.subi %div3A_663, %sub3A_683 : i32
            %select_n3A_685 = arith.select %and3A_682, %sub3A_684, %div3A_663 : i32
            %mul3A_686 = arith.constant 16 : i32
            %mul3A_687 = arith.muli %scan3A_152, %mul3A_686 : i32
            %add3A_688 = arith.constant 14 : i32
            %add3A_689 = arith.addi %mul3A_687, %add3A_688 : i32
            %mul3A_690 = arith.constant 16 : i32
            %mul3A_691 = arith.muli %add3A_689, %mul3A_690 : i32
            %add3A_692 = arith.addi %select_n3A_685, %mul3A_691 : i32
            %get3A_693 = arith.index_cast %add3A_692 : i32 to index
            %get3A_694 = tpu.vector_load %arg6[%get3A_693] {strides = array<i32>} : memref<16384xi32, #tpu.memory_space<vmem>>, vector<16xi32>,
            %bitcast3A_695 = vector.bitcast %get3A_694 : vector<16xi32> to vector<32xi16>
            %lt3A_696 = arith.cmpi slt, %bitcast3A_695, %pack3A : vector<32xi16>
            %all_reduce_population_count3A_697 = tpu.all_reduce %lt3A_696 {dim = 0 : i64, kind = #tpu.reduction_kind<sum>} : vector<32xi1> -> vector<16xi32>
            %add3A_698 = arith.addi %add3A_661, %all_reduce_population_count3A_697 : vector<16xi32>
            %jit3A_699 = arith.constant 2 : i32
            %div3A_700 = arith.divsi %mul3A_109, %jit3A_699 : i32
            %sign3A_701 = arith.constant 0 : i32
            %sign3A_702 = arith.cmpi sgt, %mul3A_109, %sign3A_701 : i32
            %sign3A_703 = arith.extui %sign3A_702 : i1 to i32
            %sign3A_704 = arith.constant 0 : i32
            %sign3A_705 = arith.cmpi slt, %mul3A_109, %sign3A_704 : i32
            %sign3A_706 = arith.extui %sign3A_705 : i1 to i32
            %sign3A_707 = arith.subi %sign3A_703, %sign3A_706 : i32
            %sign3A_708 = arith.constant 0 : i32
            %sign3A_709 = arith.cmpi sgt, %jit3A_699, %sign3A_708 : i32
            %sign3A_710 = arith.extui %sign3A_709 : i1 to i32
            %sign3A_711 = arith.constant 0 : i32
            %sign3A_712 = arith.cmpi slt, %jit3A_699, %sign3A_711 : i32
            %sign3A_713 = arith.extui %sign3A_712 : i1 to i32
            %sign3A_714 = arith.subi %sign3A_710, %sign3A_713 : i32
            %ne3A_715 = arith.cmpi ne, %sign3A_707, %sign3A_714 : i32
            %rem3A_716 = arith.remsi %mul3A_109, %jit3A_699 : i32
            %ne3A_717 = arith.constant 0 : i32
            %ne3A_718 = arith.cmpi ne, %rem3A_716, %ne3A_717 : i32
            %and3A_719 = arith.andi %ne3A_715, %ne3A_718 : i1
            %sub3A_720 = arith.constant 1 : i32
            %sub3A_721 = arith.subi %div3A_700, %sub3A_720 : i32
            %select_n3A_722 = arith.select %and3A_719, %sub3A_721, %div3A_700 : i32
            %mul3A_723 = arith.constant 16 : i32
            %mul3A_724 = arith.muli %scan3A_152, %mul3A_723 : i32
            %add3A_725 = arith.constant 15 : i32
            %add3A_726 = arith.addi %mul3A_724, %add3A_725 : i32
            %mul3A_727 = arith.constant 16 : i32
            %mul3A_728 = arith.muli %add3A_726, %mul3A_727 : i32
            %add3A_729 = arith.addi %select_n3A_722, %mul3A_728 : i32
            %get3A_730 = arith.index_cast %add3A_729 : i32 to index
            %get3A_731 = tpu.vector_load %arg6[%get3A_730] {strides = array<i32>} : memref<16384xi32, #tpu.memory_space<vmem>>, vector<16xi32>,
            %bitcast3A_732 = vector.bitcast %get3A_731 : vector<16xi32> to vector<32xi16>
            %lt3A_733 = arith.cmpi slt, %bitcast3A_732, %pack3A : vector<32xi16>
            %all_reduce_population_count3A_734 = tpu.all_reduce %lt3A_733 {dim = 0 : i64, kind = #tpu.reduction_kind<sum>} : vector<32xi1> -> vector<16xi32>
            %add3A_735 = arith.addi %add3A_698, %all_reduce_population_count3A_734 : vector<16xi32>
            scf.yield %add3A_735 : vector<16xi32>
          }
          %scan3A_151 = arith.constant 4 : i32
          %le3A = arith.cmpi sle, %scan3A_150, %broadcast_in_dim3A_5 : vector<16xi32>
          %select_n3A = arith.select %le3A, %or3A_143, %scan3A_139 : vector<16xi1>, vector<16xi32>
          scf.yield %select_n3A : vector<16xi32>
        }
        %scan3A_117 = arith.constant 15 : i32
        %broadcast_in_dim3A_118 = arith.constant 0 : i32
        %broadcast_in_dim3A_119 = vector.broadcast %broadcast_in_dim3A_118 : i32 to vector<16xi32>
        %scan3A_120 = arith.constant 0 : i32
        %scan3A_121 = arith.constant 8 : i32
        %scan3A_122 = arith.addi %scan3A_120, %scan3A_121 : i32
        %scan3A_123 = arith.constant 1 : i32
        %scan3A_124 = scf.for %scan3A_138 = %scan3A_120 to %scan3A_122 step %scan3A_123 iter_args(%scan3A_139 = %broadcast_in_dim3A_119) -> (vector<16xi32>)  : i32 {
          %mul3A_140 = arith.constant 8 : i32
          %mul3A_141 = arith.muli %scan3A_138, %mul3A_140 : i32
          %add3A_142 = arith.constant 0 : i32
          %add3A_143 = arith.addi %mul3A_141, %add3A_142 : i32
          %mul3A_144 = arith.constant 2 : i32
          %mul3A_145 = arith.muli %add3A_143, %mul3A_144 : i32
          %mul3A_146 = arith.constant 16 : i32
          %mul3A_147 = arith.muli %mul3A_145, %mul3A_146 : i32
          %add3A_148 = arith.addi %mul3A_109, %mul3A_147 : i32
          %get3A = arith.index_cast %add3A_148 : i32 to index
          %get3A_149 = tpu.vector_load %arg5[%get3A] {strides = array<i32>} : memref<32768xf32, #tpu.memory_space<vmem>>, vector<16xf32>,
          %bitcast3A = vector.bitcast %get3A_149 : vector<16xf32> to vector<16xi32>
          %and3A = arith.constant 2147483647 : i32
          %and3A_150 = vector.broadcast %and3A : i32 to vector<16xi32>
          %and3A_151 = arith.andi %bitcast3A, %and3A_150 : vector<16xi32>
          %shift_right_arithmetic3A = arith.constant 16 : i32
          %shift_right_arithmetic3A_152 = vector.broadcast %shift_right_arithmetic3A : i32 to vector<16xi32>
          %shift_right_arithmetic3A_153 = arith.shrsi %and3A_151, %shift_right_arithmetic3A_152 : vector<16xi32>
          %and3A_154 = arith.constant 65535 : i32
          %and3A_155 = vector.broadcast %and3A_154 : i32 to vector<16xi32>
          %and3A_156 = arith.andi %and3A_151, %and3A_155 : vector<16xi32>
          %xor3A = arith.constant 32768 : i32
          %xor3A_157 = vector.broadcast %xor3A : i32 to vector<16xi32>
          %xor3A_158 = arith.xori %and3A_156, %xor3A_157 : vector<16xi32>
          %eq3A_159 = arith.cmpi eq, %shift_right_arithmetic3A_153, %scan3A_116 : vector<16xi32>
          %jit3A = arith.constant 32767 : i32
          %broadcast_in_dim3A_160 = vector.broadcast %jit3A : i32 to vector<16xi32>
          %select_n3A = arith.select %eq3A_159, %xor3A_158, %broadcast_in_dim3A_160 : vector<16xi1>, vector<16xi32>
          %add3A_161 = arith.constant 16 : i32
          %add3A_162 = arith.addi %add3A_148, %add3A_161 : i32
          %get3A_163 = arith.index_cast %add3A_162 : i32 to index
          %get3A_164 = tpu.vector_load %arg5[%get3A_163] {strides = array<i32>} : memref<32768xf32, #tpu.memory_space<vmem>>, vector<16xf32>,
          %bitcast3A_165 = vector.bitcast %get3A_164 : vector<16xf32> to vector<16xi32>
          %and3A_166 = arith.constant 2147483647 : i32
          %and3A_167 = vector.broadcast %and3A_166 : i32 to vector<16xi32>
          %and3A_168 = arith.andi %bitcast3A_165, %and3A_167 : vector<16xi32>
          %shift_right_arithmetic3A_169 = arith.constant 16 : i32
          %shift_right_arithmetic3A_170 = vector.broadcast %shift_right_arithmetic3A_169 : i32 to vector<16xi32>
          %shift_right_arithmetic3A_171 = arith.shrsi %and3A_168, %shift_right_arithmetic3A_170 : vector<16xi32>
          %and3A_172 = arith.constant 65535 : i32
          %and3A_173 = vector.broadcast %and3A_172 : i32 to vector<16xi32>
          %and3A_174 = arith.andi %and3A_168, %and3A_173 : vector<16xi32>
          %xor3A_175 = arith.constant 32768 : i32
          %xor3A_176 = vector.broadcast %xor3A_175 : i32 to vector<16xi32>
          %xor3A_177 = arith.xori %and3A_174, %xor3A_176 : vector<16xi32>
          %eq3A_178 = arith.cmpi eq, %shift_right_arithmetic3A_171, %scan3A_116 : vector<16xi32>
          %jit3A_179 = arith.constant 32767 : i32
          %broadcast_in_dim3A_180 = vector.broadcast %jit3A_179 : i32 to vector<16xi32>
          %select_n3A_181 = arith.select %eq3A_178, %xor3A_177, %broadcast_in_dim3A_180 : vector<16xi1>, vector<16xi32>
          %lt3A = arith.cmpi slt, %shift_right_arithmetic3A_153, %scan3A_116 : vector<16xi32>
          %all_reduce_population_count3A = tpu.all_reduce %lt3A {dim = 0 : i64, kind = #tpu.reduction_kind<sum>} : vector<16xi1> -> vector<16xi32>
          %add3A_182 = arith.addi %scan3A_139, %all_reduce_population_count3A : vector<16xi32>
          %lt3A_183 = arith.cmpi slt, %shift_right_arithmetic3A_171, %scan3A_116 : vector<16xi32>
          %all_reduce_population_count3A_184 = tpu.all_reduce %lt3A_183 {dim = 0 : i64, kind = #tpu.reduction_kind<sum>} : vector<16xi1> -> vector<16xi32>
          %add3A_185 = arith.addi %add3A_182, %all_reduce_population_count3A_184 : vector<16xi32>
          %pack3A = tpu.pack_subelements %select_n3A, %select_n3A_181 {pack_format = #tpu.pack_format<interleaved>, positions = array<i32: 0, 1>} : vector<16xi32>, vector<16xi32> -> vector<32xi16>
          %bitcast3A_186 = vector.bitcast %pack3A : vector<32xi16> to vector<16xi32>
          %jit3A_187 = arith.constant 2 : i32
          %div3A = arith.divsi %add3A_148, %jit3A_187 : i32
          %sign3A = arith.constant 0 : i32
          %sign3A_188 = arith.cmpi sgt, %add3A_148, %sign3A : i32
          %sign3A_189 = arith.extui %sign3A_188 : i1 to i32
          %sign3A_190 = arith.constant 0 : i32
          %sign3A_191 = arith.cmpi slt, %add3A_148, %sign3A_190 : i32
          %sign3A_192 = arith.extui %sign3A_191 : i1 to i32
          %sign3A_193 = arith.subi %sign3A_189, %sign3A_192 : i32
          %sign3A_194 = arith.constant 0 : i32
          %sign3A_195 = arith.cmpi sgt, %jit3A_187, %sign3A_194 : i32
          %sign3A_196 = arith.extui %sign3A_195 : i1 to i32
          %sign3A_197 = arith.constant 0 : i32
          %sign3A_198 = arith.cmpi slt, %jit3A_187, %sign3A_197 : i32
          %sign3A_199 = arith.extui %sign3A_198 : i1 to i32
          %sign3A_200 = arith.subi %sign3A_196, %sign3A_199 : i32
          %ne3A = arith.cmpi ne, %sign3A_193, %sign3A_200 : i32
          %rem3A = arith.remsi %add3A_148, %jit3A_187 : i32
          %ne3A_201 = arith.constant 0 : i32
          %ne3A_202 = arith.cmpi ne, %rem3A, %ne3A_201 : i32
          %and3A_203 = arith.andi %ne3A, %ne3A_202 : i1
          %sub3A = arith.constant 1 : i32
          %sub3A_204 = arith.subi %div3A, %sub3A : i32
          %select_n3A_205 = arith.select %and3A_203, %sub3A_204, %div3A : i32
          %swap3A_206 = arith.index_cast %select_n3A_205 : i32 to index
          %swap3A_207 = tpu.vector_load %arg6[%swap3A_206] {strides = array<i32>} : memref<16384xi32, #tpu.memory_space<vmem>>, vector<16xi32>,
          tpu.vector_store %arg6[%swap3A_206], %bitcast3A_186 {strides = array<i32>} : memref<16384xi32, #tpu.memory_space<vmem>>, vector<16xi32>,
          %mul3A_208 = arith.constant 8 : i32
          %mul3A_209 = arith.muli %scan3A_138, %mul3A_208 : i32
          %add3A_210 = arith.constant 1 : i32
          %add3A_211 = arith.addi %mul3A_209, %add3A_210 : i32
          %mul3A_212 = arith.constant 2 : i32
          %mul3A_213 = arith.muli %add3A_211, %mul3A_212 : i32
          %mul3A_214 = arith.constant 16 : i32
          %mul3A_215 = arith.muli %mul3A_213, %mul3A_214 : i32
          %add3A_216 = arith.addi %mul3A_109, %mul3A_215 : i32
          %get3A_217 = arith.index_cast %add3A_216 : i32 to index
          %get3A_218 = tpu.vector_load %arg5[%get3A_217] {strides = array<i32>} : memref<32768xf32, #tpu.memory_space<vmem>>, vector<16xf32>,
          %bitcast3A_219 = vector.bitcast %get3A_218 : vector<16xf32> to vector<16xi32>
          %and3A_220 = arith.constant 2147483647 : i32
          %and3A_221 = vector.broadcast %and3A_220 : i32 to vector<16xi32>
          %and3A_222 = arith.andi %bitcast3A_219, %and3A_221 : vector<16xi32>
          %shift_right_arithmetic3A_223 = arith.constant 16 : i32
          %shift_right_arithmetic3A_224 = vector.broadcast %shift_right_arithmetic3A_223 : i32 to vector<16xi32>
          %shift_right_arithmetic3A_225 = arith.shrsi %and3A_222, %shift_right_arithmetic3A_224 : vector<16xi32>
          %and3A_226 = arith.constant 65535 : i32
          %and3A_227 = vector.broadcast %and3A_226 : i32 to vector<16xi32>
          %and3A_228 = arith.andi %and3A_222, %and3A_227 : vector<16xi32>
          %xor3A_229 = arith.constant 32768 : i32
          %xor3A_230 = vector.broadcast %xor3A_229 : i32 to vector<16xi32>
          %xor3A_231 = arith.xori %and3A_228, %xor3A_230 : vector<16xi32>
          %eq3A_232 = arith.cmpi eq, %shift_right_arithmetic3A_225, %scan3A_116 : vector<16xi32>
          %jit3A_233 = arith.constant 32767 : i32
          %broadcast_in_dim3A_234 = vector.broadcast %jit3A_233 : i32 to vector<16xi32>
          %select_n3A_235 = arith.select %eq3A_232, %xor3A_231, %broadcast_in_dim3A_234 : vector<16xi1>, vector<16xi32>
          %add3A_236 = arith.constant 16 : i32
          %add3A_237 = arith.addi %add3A_216, %add3A_236 : i32
          %get3A_238 = arith.index_cast %add3A_237 : i32 to index
          %get3A_239 = tpu.vector_load %arg5[%get3A_238] {strides = array<i32>} : memref<32768xf32, #tpu.memory_space<vmem>>, vector<16xf32>,
          %bitcast3A_240 = vector.bitcast %get3A_239 : vector<16xf32> to vector<16xi32>
          %and3A_241 = arith.constant 2147483647 : i32
          %and3A_242 = vector.broadcast %and3A_241 : i32 to vector<16xi32>
          %and3A_243 = arith.andi %bitcast3A_240, %and3A_242 : vector<16xi32>
          %shift_right_arithmetic3A_244 = arith.constant 16 : i32
          %shift_right_arithmetic3A_245 = vector.broadcast %shift_right_arithmetic3A_244 : i32 to vector<16xi32>
          %shift_right_arithmetic3A_246 = arith.shrsi %and3A_243, %shift_right_arithmetic3A_245 : vector<16xi32>
          %and3A_247 = arith.constant 65535 : i32
          %and3A_248 = vector.broadcast %and3A_247 : i32 to vector<16xi32>
          %and3A_249 = arith.andi %and3A_243, %and3A_248 : vector<16xi32>
          %xor3A_250 = arith.constant 32768 : i32
          %xor3A_251 = vector.broadcast %xor3A_250 : i32 to vector<16xi32>
          %xor3A_252 = arith.xori %and3A_249, %xor3A_251 : vector<16xi32>
          %eq3A_253 = arith.cmpi eq, %shift_right_arithmetic3A_246, %scan3A_116 : vector<16xi32>
          %jit3A_254 = arith.constant 32767 : i32
          %broadcast_in_dim3A_255 = vector.broadcast %jit3A_254 : i32 to vector<16xi32>
          %select_n3A_256 = arith.select %eq3A_253, %xor3A_252, %broadcast_in_dim3A_255 : vector<16xi1>, vector<16xi32>
          %lt3A_257 = arith.cmpi slt, %shift_right_arithmetic3A_225, %scan3A_116 : vector<16xi32>
          %all_reduce_population_count3A_258 = tpu.all_reduce %lt3A_257 {dim = 0 : i64, kind = #tpu.reduction_kind<sum>} : vector<16xi1> -> vector<16xi32>
          %add3A_259 = arith.addi %add3A_185, %all_reduce_population_count3A_258 : vector<16xi32>
          %lt3A_260 = arith.cmpi slt, %shift_right_arithmetic3A_246, %scan3A_116 : vector<16xi32>
          %all_reduce_population_count3A_261 = tpu.all_reduce %lt3A_260 {dim = 0 : i64, kind = #tpu.reduction_kind<sum>} : vector<16xi1> -> vector<16xi32>
          %add3A_262 = arith.addi %add3A_259, %all_reduce_population_count3A_261 : vector<16xi32>
          %pack3A_263 = tpu.pack_subelements %select_n3A_235, %select_n3A_256 {pack_format = #tpu.pack_format<interleaved>, positions = array<i32: 0, 1>} : vector<16xi32>, vector<16xi32> -> vector<32xi16>
          %bitcast3A_264 = vector.bitcast %pack3A_263 : vector<32xi16> to vector<16xi32>
          %jit3A_265 = arith.constant 2 : i32
          %div3A_266 = arith.divsi %add3A_216, %jit3A_265 : i32
          %sign3A_267 = arith.constant 0 : i32
          %sign3A_268 = arith.cmpi sgt, %add3A_216, %sign3A_267 : i32
          %sign3A_269 = arith.extui %sign3A_268 : i1 to i32
          %sign3A_270 = arith.constant 0 : i32
          %sign3A_271 = arith.cmpi slt, %add3A_216, %sign3A_270 : i32
          %sign3A_272 = arith.extui %sign3A_271 : i1 to i32
          %sign3A_273 = arith.subi %sign3A_269, %sign3A_272 : i32
          %sign3A_274 = arith.constant 0 : i32
          %sign3A_275 = arith.cmpi sgt, %jit3A_265, %sign3A_274 : i32
          %sign3A_276 = arith.extui %sign3A_275 : i1 to i32
          %sign3A_277 = arith.constant 0 : i32
          %sign3A_278 = arith.cmpi slt, %jit3A_265, %sign3A_277 : i32
          %sign3A_279 = arith.extui %sign3A_278 : i1 to i32
          %sign3A_280 = arith.subi %sign3A_276, %sign3A_279 : i32
          %ne3A_281 = arith.cmpi ne, %sign3A_273, %sign3A_280 : i32
          %rem3A_282 = arith.remsi %add3A_216, %jit3A_265 : i32
          %ne3A_283 = arith.constant 0 : i32
          %ne3A_284 = arith.cmpi ne, %rem3A_282, %ne3A_283 : i32
          %and3A_285 = arith.andi %ne3A_281, %ne3A_284 : i1
          %sub3A_286 = arith.constant 1 : i32
          %sub3A_287 = arith.subi %div3A_266, %sub3A_286 : i32
          %select_n3A_288 = arith.select %and3A_285, %sub3A_287, %div3A_266 : i32
          %swap3A_289 = arith.index_cast %select_n3A_288 : i32 to index
          %swap3A_290 = tpu.vector_load %arg6[%swap3A_289] {strides = array<i32>} : memref<16384xi32, #tpu.memory_space<vmem>>, vector<16xi32>,
          tpu.vector_store %arg6[%swap3A_289], %bitcast3A_264 {strides = array<i32>} : memref<16384xi32, #tpu.memory_space<vmem>>, vector<16xi32>,
          %mul3A_291 = arith.constant 8 : i32
          %mul3A_292 = arith.muli %scan3A_138, %mul3A_291 : i32
          %add3A_293 = arith.constant 2 : i32
          %add3A_294 = arith.addi %mul3A_292, %add3A_293 : i32
          %mul3A_295 = arith.constant 2 : i32
          %mul3A_296 = arith.muli %add3A_294, %mul3A_295 : i32
          %mul3A_297 = arith.constant 16 : i32
          %mul3A_298 = arith.muli %mul3A_296, %mul3A_297 : i32
          %add3A_299 = arith.addi %mul3A_109, %mul3A_298 : i32
          %get3A_300 = arith.index_cast %add3A_299 : i32 to index
          %get3A_301 = tpu.vector_load %arg5[%get3A_300] {strides = array<i32>} : memref<32768xf32, #tpu.memory_space<vmem>>, vector<16xf32>,
          %bitcast3A_302 = vector.bitcast %get3A_301 : vector<16xf32> to vector<16xi32>
          %and3A_303 = arith.constant 2147483647 : i32
          %and3A_304 = vector.broadcast %and3A_303 : i32 to vector<16xi32>
          %and3A_305 = arith.andi %bitcast3A_302, %and3A_304 : vector<16xi32>
          %shift_right_arithmetic3A_306 = arith.constant 16 : i32
          %shift_right_arithmetic3A_307 = vector.broadcast %shift_right_arithmetic3A_306 : i32 to vector<16xi32>
          %shift_right_arithmetic3A_308 = arith.shrsi %and3A_305, %shift_right_arithmetic3A_307 : vector<16xi32>
          %and3A_309 = arith.constant 65535 : i32
          %and3A_310 = vector.broadcast %and3A_309 : i32 to vector<16xi32>
          %and3A_311 = arith.andi %and3A_305, %and3A_310 : vector<16xi32>
          %xor3A_312 = arith.constant 32768 : i32
          %xor3A_313 = vector.broadcast %xor3A_312 : i32 to vector<16xi32>
          %xor3A_314 = arith.xori %and3A_311, %xor3A_313 : vector<16xi32>
          %eq3A_315 = arith.cmpi eq, %shift_right_arithmetic3A_308, %scan3A_116 : vector<16xi32>
          %jit3A_316 = arith.constant 32767 : i32
          %broadcast_in_dim3A_317 = vector.broadcast %jit3A_316 : i32 to vector<16xi32>
          %select_n3A_318 = arith.select %eq3A_315, %xor3A_314, %broadcast_in_dim3A_317 : vector<16xi1>, vector<16xi32>
          %add3A_319 = arith.constant 16 : i32
          %add3A_320 = arith.addi %add3A_299, %add3A_319 : i32
          %get3A_321 = arith.index_cast %add3A_320 : i32 to index
          %get3A_322 = tpu.vector_load %arg5[%get3A_321] {strides = array<i32>} : memref<32768xf32, #tpu.memory_space<vmem>>, vector<16xf32>,
          %bitcast3A_323 = vector.bitcast %get3A_322 : vector<16xf32> to vector<16xi32>
          %and3A_324 = arith.constant 2147483647 : i32
          %and3A_325 = vector.broadcast %and3A_324 : i32 to vector<16xi32>
          %and3A_326 = arith.andi %bitcast3A_323, %and3A_325 : vector<16xi32>
          %shift_right_arithmetic3A_327 = arith.constant 16 : i32
          %shift_right_arithmetic3A_328 = vector.broadcast %shift_right_arithmetic3A_327 : i32 to vector<16xi32>
          %shift_right_arithmetic3A_329 = arith.shrsi %and3A_326, %shift_right_arithmetic3A_328 : vector<16xi32>
          %and3A_330 = arith.constant 65535 : i32
          %and3A_331 = vector.broadcast %and3A_330 : i32 to vector<16xi32>
          %and3A_332 = arith.andi %and3A_326, %and3A_331 : vector<16xi32>
          %xor3A_333 = arith.constant 32768 : i32
          %xor3A_334 = vector.broadcast %xor3A_333 : i32 to vector<16xi32>
          %xor3A_335 = arith.xori %and3A_332, %xor3A_334 : vector<16xi32>
          %eq3A_336 = arith.cmpi eq, %shift_right_arithmetic3A_329, %scan3A_116 : vector<16xi32>
          %jit3A_337 = arith.constant 32767 : i32
          %broadcast_in_dim3A_338 = vector.broadcast %jit3A_337 : i32 to vector<16xi32>
          %select_n3A_339 = arith.select %eq3A_336, %xor3A_335, %broadcast_in_dim3A_338 : vector<16xi1>, vector<16xi32>
          %lt3A_340 = arith.cmpi slt, %shift_right_arithmetic3A_308, %scan3A_116 : vector<16xi32>
          %all_reduce_population_count3A_341 = tpu.all_reduce %lt3A_340 {dim = 0 : i64, kind = #tpu.reduction_kind<sum>} : vector<16xi1> -> vector<16xi32>
          %add3A_342 = arith.addi %add3A_262, %all_reduce_population_count3A_341 : vector<16xi32>
          %lt3A_343 = arith.cmpi slt, %shift_right_arithmetic3A_329, %scan3A_116 : vector<16xi32>
          %all_reduce_population_count3A_344 = tpu.all_reduce %lt3A_343 {dim = 0 : i64, kind = #tpu.reduction_kind<sum>} : vector<16xi1> -> vector<16xi32>
          %add3A_345 = arith.addi %add3A_342, %all_reduce_population_count3A_344 : vector<16xi32>
          %pack3A_346 = tpu.pack_subelements %select_n3A_318, %select_n3A_339 {pack_format = #tpu.pack_format<interleaved>, positions = array<i32: 0, 1>} : vector<16xi32>, vector<16xi32> -> vector<32xi16>
          %bitcast3A_347 = vector.bitcast %pack3A_346 : vector<32xi16> to vector<16xi32>
          %jit3A_348 = arith.constant 2 : i32
          %div3A_349 = arith.divsi %add3A_299, %jit3A_348 : i32
          %sign3A_350 = arith.constant 0 : i32
          %sign3A_351 = arith.cmpi sgt, %add3A_299, %sign3A_350 : i32
          %sign3A_352 = arith.extui %sign3A_351 : i1 to i32
          %sign3A_353 = arith.constant 0 : i32
          %sign3A_354 = arith.cmpi slt, %add3A_299, %sign3A_353 : i32
          %sign3A_355 = arith.extui %sign3A_354 : i1 to i32
          %sign3A_356 = arith.subi %sign3A_352, %sign3A_355 : i32
          %sign3A_357 = arith.constant 0 : i32
          %sign3A_358 = arith.cmpi sgt, %jit3A_348, %sign3A_357 : i32
          %sign3A_359 = arith.extui %sign3A_358 : i1 to i32
          %sign3A_360 = arith.constant 0 : i32
          %sign3A_361 = arith.cmpi slt, %jit3A_348, %sign3A_360 : i32
          %sign3A_362 = arith.extui %sign3A_361 : i1 to i32
          %sign3A_363 = arith.subi %sign3A_359, %sign3A_362 : i32
          %ne3A_364 = arith.cmpi ne, %sign3A_356, %sign3A_363 : i32
          %rem3A_365 = arith.remsi %add3A_299, %jit3A_348 : i32
          %ne3A_366 = arith.constant 0 : i32
          %ne3A_367 = arith.cmpi ne, %rem3A_365, %ne3A_366 : i32
          %and3A_368 = arith.andi %ne3A_364, %ne3A_367 : i1
          %sub3A_369 = arith.constant 1 : i32
          %sub3A_370 = arith.subi %div3A_349, %sub3A_369 : i32
          %select_n3A_371 = arith.select %and3A_368, %sub3A_370, %div3A_349 : i32
          %swap3A_372 = arith.index_cast %select_n3A_371 : i32 to index
          %swap3A_373 = tpu.vector_load %arg6[%swap3A_372] {strides = array<i32>} : memref<16384xi32, #tpu.memory_space<vmem>>, vector<16xi32>,
          tpu.vector_store %arg6[%swap3A_372], %bitcast3A_347 {strides = array<i32>} : memref<16384xi32, #tpu.memory_space<vmem>>, vector<16xi32>,
          %mul3A_374 = arith.constant 8 : i32
          %mul3A_375 = arith.muli %scan3A_138, %mul3A_374 : i32
          %add3A_376 = arith.constant 3 : i32
          %add3A_377 = arith.addi %mul3A_375, %add3A_376 : i32
          %mul3A_378 = arith.constant 2 : i32
          %mul3A_379 = arith.muli %add3A_377, %mul3A_378 : i32
          %mul3A_380 = arith.constant 16 : i32
          %mul3A_381 = arith.muli %mul3A_379, %mul3A_380 : i32
          %add3A_382 = arith.addi %mul3A_109, %mul3A_381 : i32
          %get3A_383 = arith.index_cast %add3A_382 : i32 to index
          %get3A_384 = tpu.vector_load %arg5[%get3A_383] {strides = array<i32>} : memref<32768xf32, #tpu.memory_space<vmem>>, vector<16xf32>,
          %bitcast3A_385 = vector.bitcast %get3A_384 : vector<16xf32> to vector<16xi32>
          %and3A_386 = arith.constant 2147483647 : i32
          %and3A_387 = vector.broadcast %and3A_386 : i32 to vector<16xi32>
          %and3A_388 = arith.andi %bitcast3A_385, %and3A_387 : vector<16xi32>
          %shift_right_arithmetic3A_389 = arith.constant 16 : i32
          %shift_right_arithmetic3A_390 = vector.broadcast %shift_right_arithmetic3A_389 : i32 to vector<16xi32>
          %shift_right_arithmetic3A_391 = arith.shrsi %and3A_388, %shift_right_arithmetic3A_390 : vector<16xi32>
          %and3A_392 = arith.constant 65535 : i32
          %and3A_393 = vector.broadcast %and3A_392 : i32 to vector<16xi32>
          %and3A_394 = arith.andi %and3A_388, %and3A_393 : vector<16xi32>
          %xor3A_395 = arith.constant 32768 : i32
          %xor3A_396 = vector.broadcast %xor3A_395 : i32 to vector<16xi32>
          %xor3A_397 = arith.xori %and3A_394, %xor3A_396 : vector<16xi32>
          %eq3A_398 = arith.cmpi eq, %shift_right_arithmetic3A_391, %scan3A_116 : vector<16xi32>
          %jit3A_399 = arith.constant 32767 : i32
          %broadcast_in_dim3A_400 = vector.broadcast %jit3A_399 : i32 to vector<16xi32>
          %select_n3A_401 = arith.select %eq3A_398, %xor3A_397, %broadcast_in_dim3A_400 : vector<16xi1>, vector<16xi32>
          %add3A_402 = arith.constant 16 : i32
          %add3A_403 = arith.addi %add3A_382, %add3A_402 : i32
          %get3A_404 = arith.index_cast %add3A_403 : i32 to index
          %get3A_405 = tpu.vector_load %arg5[%get3A_404] {strides = array<i32>} : memref<32768xf32, #tpu.memory_space<vmem>>, vector<16xf32>,
          %bitcast3A_406 = vector.bitcast %get3A_405 : vector<16xf32> to vector<16xi32>
          %and3A_407 = arith.constant 2147483647 : i32
          %and3A_408 = vector.broadcast %and3A_407 : i32 to vector<16xi32>
          %and3A_409 = arith.andi %bitcast3A_406, %and3A_408 : vector<16xi32>
          %shift_right_arithmetic3A_410 = arith.constant 16 : i32
          %shift_right_arithmetic3A_411 = vector.broadcast %shift_right_arithmetic3A_410 : i32 to vector<16xi32>
          %shift_right_arithmetic3A_412 = arith.shrsi %and3A_409, %shift_right_arithmetic3A_411 : vector<16xi32>
          %and3A_413 = arith.constant 65535 : i32
          %and3A_414 = vector.broadcast %and3A_413 : i32 to vector<16xi32>
          %and3A_415 = arith.andi %and3A_409, %and3A_414 : vector<16xi32>
          %xor3A_416 = arith.constant 32768 : i32
          %xor3A_417 = vector.broadcast %xor3A_416 : i32 to vector<16xi32>
          %xor3A_418 = arith.xori %and3A_415, %xor3A_417 : vector<16xi32>
          %eq3A_419 = arith.cmpi eq, %shift_right_arithmetic3A_412, %scan3A_116 : vector<16xi32>
          %jit3A_420 = arith.constant 32767 : i32
          %broadcast_in_dim3A_421 = vector.broadcast %jit3A_420 : i32 to vector<16xi32>
          %select_n3A_422 = arith.select %eq3A_419, %xor3A_418, %broadcast_in_dim3A_421 : vector<16xi1>, vector<16xi32>
          %lt3A_423 = arith.cmpi slt, %shift_right_arithmetic3A_391, %scan3A_116 : vector<16xi32>
          %all_reduce_population_count3A_424 = tpu.all_reduce %lt3A_423 {dim = 0 : i64, kind = #tpu.reduction_kind<sum>} : vector<16xi1> -> vector<16xi32>
          %add3A_425 = arith.addi %add3A_345, %all_reduce_population_count3A_424 : vector<16xi32>
          %lt3A_426 = arith.cmpi slt, %shift_right_arithmetic3A_412, %scan3A_116 : vector<16xi32>
          %all_reduce_population_count3A_427 = tpu.all_reduce %lt3A_426 {dim = 0 : i64, kind = #tpu.reduction_kind<sum>} : vector<16xi1> -> vector<16xi32>
          %add3A_428 = arith.addi %add3A_425, %all_reduce_population_count3A_427 : vector<16xi32>
          %pack3A_429 = tpu.pack_subelements %select_n3A_401, %select_n3A_422 {pack_format = #tpu.pack_format<interleaved>, positions = array<i32: 0, 1>} : vector<16xi32>, vector<16xi32> -> vector<32xi16>
          %bitcast3A_430 = vector.bitcast %pack3A_429 : vector<32xi16> to vector<16xi32>
          %jit3A_431 = arith.constant 2 : i32
          %div3A_432 = arith.divsi %add3A_382, %jit3A_431 : i32
          %sign3A_433 = arith.constant 0 : i32
          %sign3A_434 = arith.cmpi sgt, %add3A_382, %sign3A_433 : i32
          %sign3A_435 = arith.extui %sign3A_434 : i1 to i32
          %sign3A_436 = arith.constant 0 : i32
          %sign3A_437 = arith.cmpi slt, %add3A_382, %sign3A_436 : i32
          %sign3A_438 = arith.extui %sign3A_437 : i1 to i32
          %sign3A_439 = arith.subi %sign3A_435, %sign3A_438 : i32
          %sign3A_440 = arith.constant 0 : i32
          %sign3A_441 = arith.cmpi sgt, %jit3A_431, %sign3A_440 : i32
          %sign3A_442 = arith.extui %sign3A_441 : i1 to i32
          %sign3A_443 = arith.constant 0 : i32
          %sign3A_444 = arith.cmpi slt, %jit3A_431, %sign3A_443 : i32
          %sign3A_445 = arith.extui %sign3A_444 : i1 to i32
          %sign3A_446 = arith.subi %sign3A_442, %sign3A_445 : i32
          %ne3A_447 = arith.cmpi ne, %sign3A_439, %sign3A_446 : i32
          %rem3A_448 = arith.remsi %add3A_382, %jit3A_431 : i32
          %ne3A_449 = arith.constant 0 : i32
          %ne3A_450 = arith.cmpi ne, %rem3A_448, %ne3A_449 : i32
          %and3A_451 = arith.andi %ne3A_447, %ne3A_450 : i1
          %sub3A_452 = arith.constant 1 : i32
          %sub3A_453 = arith.subi %div3A_432, %sub3A_452 : i32
          %select_n3A_454 = arith.select %and3A_451, %sub3A_453, %div3A_432 : i32
          %swap3A_455 = arith.index_cast %select_n3A_454 : i32 to index
          %swap3A_456 = tpu.vector_load %arg6[%swap3A_455] {strides = array<i32>} : memref<16384xi32, #tpu.memory_space<vmem>>, vector<16xi32>,
          tpu.vector_store %arg6[%swap3A_455], %bitcast3A_430 {strides = array<i32>} : memref<16384xi32, #tpu.memory_space<vmem>>, vector<16xi32>,
          %mul3A_457 = arith.constant 8 : i32
          %mul3A_458 = arith.muli %scan3A_138, %mul3A_457 : i32
          %add3A_459 = arith.constant 4 : i32
          %add3A_460 = arith.addi %mul3A_458, %add3A_459 : i32
          %mul3A_461 = arith.constant 2 : i32
          %mul3A_462 = arith.muli %add3A_460, %mul3A_461 : i32
          %mul3A_463 = arith.constant 16 : i32
          %mul3A_464 = arith.muli %mul3A_462, %mul3A_463 : i32
          %add3A_465 = arith.addi %mul3A_109, %mul3A_464 : i32
          %get3A_466 = arith.index_cast %add3A_465 : i32 to index
          %get3A_467 = tpu.vector_load %arg5[%get3A_466] {strides = array<i32>} : memref<32768xf32, #tpu.memory_space<vmem>>, vector<16xf32>,
          %bitcast3A_468 = vector.bitcast %get3A_467 : vector<16xf32> to vector<16xi32>
          %and3A_469 = arith.constant 2147483647 : i32
          %and3A_470 = vector.broadcast %and3A_469 : i32 to vector<16xi32>
          %and3A_471 = arith.andi %bitcast3A_468, %and3A_470 : vector<16xi32>
          %shift_right_arithmetic3A_472 = arith.constant 16 : i32
          %shift_right_arithmetic3A_473 = vector.broadcast %shift_right_arithmetic3A_472 : i32 to vector<16xi32>
          %shift_right_arithmetic3A_474 = arith.shrsi %and3A_471, %shift_right_arithmetic3A_473 : vector<16xi32>
          %and3A_475 = arith.constant 65535 : i32
          %and3A_476 = vector.broadcast %and3A_475 : i32 to vector<16xi32>
          %and3A_477 = arith.andi %and3A_471, %and3A_476 : vector<16xi32>
          %xor3A_478 = arith.constant 32768 : i32
          %xor3A_479 = vector.broadcast %xor3A_478 : i32 to vector<16xi32>
          %xor3A_480 = arith.xori %and3A_477, %xor3A_479 : vector<16xi32>
          %eq3A_481 = arith.cmpi eq, %shift_right_arithmetic3A_474, %scan3A_116 : vector<16xi32>
          %jit3A_482 = arith.constant 32767 : i32
          %broadcast_in_dim3A_483 = vector.broadcast %jit3A_482 : i32 to vector<16xi32>
          %select_n3A_484 = arith.select %eq3A_481, %xor3A_480, %broadcast_in_dim3A_483 : vector<16xi1>, vector<16xi32>
          %add3A_485 = arith.constant 16 : i32
          %add3A_486 = arith.addi %add3A_465, %add3A_485 : i32
          %get3A_487 = arith.index_cast %add3A_486 : i32 to index
          %get3A_488 = tpu.vector_load %arg5[%get3A_487] {strides = array<i32>} : memref<32768xf32, #tpu.memory_space<vmem>>, vector<16xf32>,
          %bitcast3A_489 = vector.bitcast %get3A_488 : vector<16xf32> to vector<16xi32>
          %and3A_490 = arith.constant 2147483647 : i32
          %and3A_491 = vector.broadcast %and3A_490 : i32 to vector<16xi32>
          %and3A_492 = arith.andi %bitcast3A_489, %and3A_491 : vector<16xi32>
          %shift_right_arithmetic3A_493 = arith.constant 16 : i32
          %shift_right_arithmetic3A_494 = vector.broadcast %shift_right_arithmetic3A_493 : i32 to vector<16xi32>
          %shift_right_arithmetic3A_495 = arith.shrsi %and3A_492, %shift_right_arithmetic3A_494 : vector<16xi32>
          %and3A_496 = arith.constant 65535 : i32
          %and3A_497 = vector.broadcast %and3A_496 : i32 to vector<16xi32>
          %and3A_498 = arith.andi %and3A_492, %and3A_497 : vector<16xi32>
          %xor3A_499 = arith.constant 32768 : i32
          %xor3A_500 = vector.broadcast %xor3A_499 : i32 to vector<16xi32>
          %xor3A_501 = arith.xori %and3A_498, %xor3A_500 : vector<16xi32>
          %eq3A_502 = arith.cmpi eq, %shift_right_arithmetic3A_495, %scan3A_116 : vector<16xi32>
          %jit3A_503 = arith.constant 32767 : i32
          %broadcast_in_dim3A_504 = vector.broadcast %jit3A_503 : i32 to vector<16xi32>
          %select_n3A_505 = arith.select %eq3A_502, %xor3A_501, %broadcast_in_dim3A_504 : vector<16xi1>, vector<16xi32>
          %lt3A_506 = arith.cmpi slt, %shift_right_arithmetic3A_474, %scan3A_116 : vector<16xi32>
          %all_reduce_population_count3A_507 = tpu.all_reduce %lt3A_506 {dim = 0 : i64, kind = #tpu.reduction_kind<sum>} : vector<16xi1> -> vector<16xi32>
          %add3A_508 = arith.addi %add3A_428, %all_reduce_population_count3A_507 : vector<16xi32>
          %lt3A_509 = arith.cmpi slt, %shift_right_arithmetic3A_495, %scan3A_116 : vector<16xi32>
          %all_reduce_population_count3A_510 = tpu.all_reduce %lt3A_509 {dim = 0 : i64, kind = #tpu.reduction_kind<sum>} : vector<16xi1> -> vector<16xi32>
          %add3A_511 = arith.addi %add3A_508, %all_reduce_population_count3A_510 : vector<16xi32>
          %pack3A_512 = tpu.pack_subelements %select_n3A_484, %select_n3A_505 {pack_format = #tpu.pack_format<interleaved>, positions = array<i32: 0, 1>} : vector<16xi32>, vector<16xi32> -> vector<32xi16>
          %bitcast3A_513 = vector.bitcast %pack3A_512 : vector<32xi16> to vector<16xi32>
          %jit3A_514 = arith.constant 2 : i32
          %div3A_515 = arith.divsi %add3A_465, %jit3A_514 : i32
          %sign3A_516 = arith.constant 0 : i32
          %sign3A_517 = arith.cmpi sgt, %add3A_465, %sign3A_516 : i32
          %sign3A_518 = arith.extui %sign3A_517 : i1 to i32
          %sign3A_519 = arith.constant 0 : i32
          %sign3A_520 = arith.cmpi slt, %add3A_465, %sign3A_519 : i32
          %sign3A_521 = arith.extui %sign3A_520 : i1 to i32
          %sign3A_522 = arith.subi %sign3A_518, %sign3A_521 : i32
          %sign3A_523 = arith.constant 0 : i32
          %sign3A_524 = arith.cmpi sgt, %jit3A_514, %sign3A_523 : i32
          %sign3A_525 = arith.extui %sign3A_524 : i1 to i32
          %sign3A_526 = arith.constant 0 : i32
          %sign3A_527 = arith.cmpi slt, %jit3A_514, %sign3A_526 : i32
          %sign3A_528 = arith.extui %sign3A_527 : i1 to i32
          %sign3A_529 = arith.subi %sign3A_525, %sign3A_528 : i32
          %ne3A_530 = arith.cmpi ne, %sign3A_522, %sign3A_529 : i32
          %rem3A_531 = arith.remsi %add3A_465, %jit3A_514 : i32
          %ne3A_532 = arith.constant 0 : i32
          %ne3A_533 = arith.cmpi ne, %rem3A_531, %ne3A_532 : i32
          %and3A_534 = arith.andi %ne3A_530, %ne3A_533 : i1
          %sub3A_535 = arith.constant 1 : i32
          %sub3A_536 = arith.subi %div3A_515, %sub3A_535 : i32
          %select_n3A_537 = arith.select %and3A_534, %sub3A_536, %div3A_515 : i32
          %swap3A_538 = arith.index_cast %select_n3A_537 : i32 to index
          %swap3A_539 = tpu.vector_load %arg6[%swap3A_538] {strides = array<i32>} : memref<16384xi32, #tpu.memory_space<vmem>>, vector<16xi32>,
          tpu.vector_store %arg6[%swap3A_538], %bitcast3A_513 {strides = array<i32>} : memref<16384xi32, #tpu.memory_space<vmem>>, vector<16xi32>,
          %mul3A_540 = arith.constant 8 : i32
          %mul3A_541 = arith.muli %scan3A_138, %mul3A_540 : i32
          %add3A_542 = arith.constant 5 : i32
          %add3A_543 = arith.addi %mul3A_541, %add3A_542 : i32
          %mul3A_544 = arith.constant 2 : i32
          %mul3A_545 = arith.muli %add3A_543, %mul3A_544 : i32
          %mul3A_546 = arith.constant 16 : i32
          %mul3A_547 = arith.muli %mul3A_545, %mul3A_546 : i32
          %add3A_548 = arith.addi %mul3A_109, %mul3A_547 : i32
          %get3A_549 = arith.index_cast %add3A_548 : i32 to index
          %get3A_550 = tpu.vector_load %arg5[%get3A_549] {strides = array<i32>} : memref<32768xf32, #tpu.memory_space<vmem>>, vector<16xf32>,
          %bitcast3A_551 = vector.bitcast %get3A_550 : vector<16xf32> to vector<16xi32>
          %and3A_552 = arith.constant 2147483647 : i32
          %and3A_553 = vector.broadcast %and3A_552 : i32 to vector<16xi32>
          %and3A_554 = arith.andi %bitcast3A_551, %and3A_553 : vector<16xi32>
          %shift_right_arithmetic3A_555 = arith.constant 16 : i32
          %shift_right_arithmetic3A_556 = vector.broadcast %shift_right_arithmetic3A_555 : i32 to vector<16xi32>
          %shift_right_arithmetic3A_557 = arith.shrsi %and3A_554, %shift_right_arithmetic3A_556 : vector<16xi32>
          %and3A_558 = arith.constant 65535 : i32
          %and3A_559 = vector.broadcast %and3A_558 : i32 to vector<16xi32>
          %and3A_560 = arith.andi %and3A_554, %and3A_559 : vector<16xi32>
          %xor3A_561 = arith.constant 32768 : i32
          %xor3A_562 = vector.broadcast %xor3A_561 : i32 to vector<16xi32>
          %xor3A_563 = arith.xori %and3A_560, %xor3A_562 : vector<16xi32>
          %eq3A_564 = arith.cmpi eq, %shift_right_arithmetic3A_557, %scan3A_116 : vector<16xi32>
          %jit3A_565 = arith.constant 32767 : i32
          %broadcast_in_dim3A_566 = vector.broadcast %jit3A_565 : i32 to vector<16xi32>
          %select_n3A_567 = arith.select %eq3A_564, %xor3A_563, %broadcast_in_dim3A_566 : vector<16xi1>, vector<16xi32>
          %add3A_568 = arith.constant 16 : i32
          %add3A_569 = arith.addi %add3A_548, %add3A_568 : i32
          %get3A_570 = arith.index_cast %add3A_569 : i32 to index
          %get3A_571 = tpu.vector_load %arg5[%get3A_570] {strides = array<i32>} : memref<32768xf32, #tpu.memory_space<vmem>>, vector<16xf32>,
          %bitcast3A_572 = vector.bitcast %get3A_571 : vector<16xf32> to vector<16xi32>
          %and3A_573 = arith.constant 2147483647 : i32
          %and3A_574 = vector.broadcast %and3A_573 : i32 to vector<16xi32>
          %and3A_575 = arith.andi %bitcast3A_572, %and3A_574 : vector<16xi32>
          %shift_right_arithmetic3A_576 = arith.constant 16 : i32
          %shift_right_arithmetic3A_577 = vector.broadcast %shift_right_arithmetic3A_576 : i32 to vector<16xi32>
          %shift_right_arithmetic3A_578 = arith.shrsi %and3A_575, %shift_right_arithmetic3A_577 : vector<16xi32>
          %and3A_579 = arith.constant 65535 : i32
          %and3A_580 = vector.broadcast %and3A_579 : i32 to vector<16xi32>
          %and3A_581 = arith.andi %and3A_575, %and3A_580 : vector<16xi32>
          %xor3A_582 = arith.constant 32768 : i32
          %xor3A_583 = vector.broadcast %xor3A_582 : i32 to vector<16xi32>
          %xor3A_584 = arith.xori %and3A_581, %xor3A_583 : vector<16xi32>
          %eq3A_585 = arith.cmpi eq, %shift_right_arithmetic3A_578, %scan3A_116 : vector<16xi32>
          %jit3A_586 = arith.constant 32767 : i32
          %broadcast_in_dim3A_587 = vector.broadcast %jit3A_586 : i32 to vector<16xi32>
          %select_n3A_588 = arith.select %eq3A_585, %xor3A_584, %broadcast_in_dim3A_587 : vector<16xi1>, vector<16xi32>
          %lt3A_589 = arith.cmpi slt, %shift_right_arithmetic3A_557, %scan3A_116 : vector<16xi32>
          %all_reduce_population_count3A_590 = tpu.all_reduce %lt3A_589 {dim = 0 : i64, kind = #tpu.reduction_kind<sum>} : vector<16xi1> -> vector<16xi32>
          %add3A_591 = arith.addi %add3A_511, %all_reduce_population_count3A_590 : vector<16xi32>
          %lt3A_592 = arith.cmpi slt, %shift_right_arithmetic3A_578, %scan3A_116 : vector<16xi32>
          %all_reduce_population_count3A_593 = tpu.all_reduce %lt3A_592 {dim = 0 : i64, kind = #tpu.reduction_kind<sum>} : vector<16xi1> -> vector<16xi32>
          %add3A_594 = arith.addi %add3A_591, %all_reduce_population_count3A_593 : vector<16xi32>
          %pack3A_595 = tpu.pack_subelements %select_n3A_567, %select_n3A_588 {pack_format = #tpu.pack_format<interleaved>, positions = array<i32: 0, 1>} : vector<16xi32>, vector<16xi32> -> vector<32xi16>
          %bitcast3A_596 = vector.bitcast %pack3A_595 : vector<32xi16> to vector<16xi32>
          %jit3A_597 = arith.constant 2 : i32
          %div3A_598 = arith.divsi %add3A_548, %jit3A_597 : i32
          %sign3A_599 = arith.constant 0 : i32
          %sign3A_600 = arith.cmpi sgt, %add3A_548, %sign3A_599 : i32
          %sign3A_601 = arith.extui %sign3A_600 : i1 to i32
          %sign3A_602 = arith.constant 0 : i32
          %sign3A_603 = arith.cmpi slt, %add3A_548, %sign3A_602 : i32
          %sign3A_604 = arith.extui %sign3A_603 : i1 to i32
          %sign3A_605 = arith.subi %sign3A_601, %sign3A_604 : i32
          %sign3A_606 = arith.constant 0 : i32
          %sign3A_607 = arith.cmpi sgt, %jit3A_597, %sign3A_606 : i32
          %sign3A_608 = arith.extui %sign3A_607 : i1 to i32
          %sign3A_609 = arith.constant 0 : i32
          %sign3A_610 = arith.cmpi slt, %jit3A_597, %sign3A_609 : i32
          %sign3A_611 = arith.extui %sign3A_610 : i1 to i32
          %sign3A_612 = arith.subi %sign3A_608, %sign3A_611 : i32
          %ne3A_613 = arith.cmpi ne, %sign3A_605, %sign3A_612 : i32
          %rem3A_614 = arith.remsi %add3A_548, %jit3A_597 : i32
          %ne3A_615 = arith.constant 0 : i32
          %ne3A_616 = arith.cmpi ne, %rem3A_614, %ne3A_615 : i32
          %and3A_617 = arith.andi %ne3A_613, %ne3A_616 : i1
          %sub3A_618 = arith.constant 1 : i32
          %sub3A_619 = arith.subi %div3A_598, %sub3A_618 : i32
          %select_n3A_620 = arith.select %and3A_617, %sub3A_619, %div3A_598 : i32
          %swap3A_621 = arith.index_cast %select_n3A_620 : i32 to index
          %swap3A_622 = tpu.vector_load %arg6[%swap3A_621] {strides = array<i32>} : memref<16384xi32, #tpu.memory_space<vmem>>, vector<16xi32>,
          tpu.vector_store %arg6[%swap3A_621], %bitcast3A_596 {strides = array<i32>} : memref<16384xi32, #tpu.memory_space<vmem>>, vector<16xi32>,
          %mul3A_623 = arith.constant 8 : i32
          %mul3A_624 = arith.muli %scan3A_138, %mul3A_623 : i32
          %add3A_625 = arith.constant 6 : i32
          %add3A_626 = arith.addi %mul3A_624, %add3A_625 : i32
          %mul3A_627 = arith.constant 2 : i32
          %mul3A_628 = arith.muli %add3A_626, %mul3A_627 : i32
          %mul3A_629 = arith.constant 16 : i32
          %mul3A_630 = arith.muli %mul3A_628, %mul3A_629 : i32
          %add3A_631 = arith.addi %mul3A_109, %mul3A_630 : i32
          %get3A_632 = arith.index_cast %add3A_631 : i32 to index
          %get3A_633 = tpu.vector_load %arg5[%get3A_632] {strides = array<i32>} : memref<32768xf32, #tpu.memory_space<vmem>>, vector<16xf32>,
          %bitcast3A_634 = vector.bitcast %get3A_633 : vector<16xf32> to vector<16xi32>
          %and3A_635 = arith.constant 2147483647 : i32
          %and3A_636 = vector.broadcast %and3A_635 : i32 to vector<16xi32>
          %and3A_637 = arith.andi %bitcast3A_634, %and3A_636 : vector<16xi32>
          %shift_right_arithmetic3A_638 = arith.constant 16 : i32
          %shift_right_arithmetic3A_639 = vector.broadcast %shift_right_arithmetic3A_638 : i32 to vector<16xi32>
          %shift_right_arithmetic3A_640 = arith.shrsi %and3A_637, %shift_right_arithmetic3A_639 : vector<16xi32>
          %and3A_641 = arith.constant 65535 : i32
          %and3A_642 = vector.broadcast %and3A_641 : i32 to vector<16xi32>
          %and3A_643 = arith.andi %and3A_637, %and3A_642 : vector<16xi32>
          %xor3A_644 = arith.constant 32768 : i32
          %xor3A_645 = vector.broadcast %xor3A_644 : i32 to vector<16xi32>
          %xor3A_646 = arith.xori %and3A_643, %xor3A_645 : vector<16xi32>
          %eq3A_647 = arith.cmpi eq, %shift_right_arithmetic3A_640, %scan3A_116 : vector<16xi32>
          %jit3A_648 = arith.constant 32767 : i32
          %broadcast_in_dim3A_649 = vector.broadcast %jit3A_648 : i32 to vector<16xi32>
          %select_n3A_650 = arith.select %eq3A_647, %xor3A_646, %broadcast_in_dim3A_649 : vector<16xi1>, vector<16xi32>
          %add3A_651 = arith.constant 16 : i32
          %add3A_652 = arith.addi %add3A_631, %add3A_651 : i32
          %get3A_653 = arith.index_cast %add3A_652 : i32 to index
          %get3A_654 = tpu.vector_load %arg5[%get3A_653] {strides = array<i32>} : memref<32768xf32, #tpu.memory_space<vmem>>, vector<16xf32>,
          %bitcast3A_655 = vector.bitcast %get3A_654 : vector<16xf32> to vector<16xi32>
          %and3A_656 = arith.constant 2147483647 : i32
          %and3A_657 = vector.broadcast %and3A_656 : i32 to vector<16xi32>
          %and3A_658 = arith.andi %bitcast3A_655, %and3A_657 : vector<16xi32>
          %shift_right_arithmetic3A_659 = arith.constant 16 : i32
          %shift_right_arithmetic3A_660 = vector.broadcast %shift_right_arithmetic3A_659 : i32 to vector<16xi32>
          %shift_right_arithmetic3A_661 = arith.shrsi %and3A_658, %shift_right_arithmetic3A_660 : vector<16xi32>
          %and3A_662 = arith.constant 65535 : i32
          %and3A_663 = vector.broadcast %and3A_662 : i32 to vector<16xi32>
          %and3A_664 = arith.andi %and3A_658, %and3A_663 : vector<16xi32>
          %xor3A_665 = arith.constant 32768 : i32
          %xor3A_666 = vector.broadcast %xor3A_665 : i32 to vector<16xi32>
          %xor3A_667 = arith.xori %and3A_664, %xor3A_666 : vector<16xi32>
          %eq3A_668 = arith.cmpi eq, %shift_right_arithmetic3A_661, %scan3A_116 : vector<16xi32>
          %jit3A_669 = arith.constant 32767 : i32
          %broadcast_in_dim3A_670 = vector.broadcast %jit3A_669 : i32 to vector<16xi32>
          %select_n3A_671 = arith.select %eq3A_668, %xor3A_667, %broadcast_in_dim3A_670 : vector<16xi1>, vector<16xi32>
          %lt3A_672 = arith.cmpi slt, %shift_right_arithmetic3A_640, %scan3A_116 : vector<16xi32>
          %all_reduce_population_count3A_673 = tpu.all_reduce %lt3A_672 {dim = 0 : i64, kind = #tpu.reduction_kind<sum>} : vector<16xi1> -> vector<16xi32>
          %add3A_674 = arith.addi %add3A_594, %all_reduce_population_count3A_673 : vector<16xi32>
          %lt3A_675 = arith.cmpi slt, %shift_right_arithmetic3A_661, %scan3A_116 : vector<16xi32>
          %all_reduce_population_count3A_676 = tpu.all_reduce %lt3A_675 {dim = 0 : i64, kind = #tpu.reduction_kind<sum>} : vector<16xi1> -> vector<16xi32>
          %add3A_677 = arith.addi %add3A_674, %all_reduce_population_count3A_676 : vector<16xi32>
          %pack3A_678 = tpu.pack_subelements %select_n3A_650, %select_n3A_671 {pack_format = #tpu.pack_format<interleaved>, positions = array<i32: 0, 1>} : vector<16xi32>, vector<16xi32> -> vector<32xi16>
          %bitcast3A_679 = vector.bitcast %pack3A_678 : vector<32xi16> to vector<16xi32>
          %jit3A_680 = arith.constant 2 : i32
          %div3A_681 = arith.divsi %add3A_631, %jit3A_680 : i32
          %sign3A_682 = arith.constant 0 : i32
          %sign3A_683 = arith.cmpi sgt, %add3A_631, %sign3A_682 : i32
          %sign3A_684 = arith.extui %sign3A_683 : i1 to i32
          %sign3A_685 = arith.constant 0 : i32
          %sign3A_686 = arith.cmpi slt, %add3A_631, %sign3A_685 : i32
          %sign3A_687 = arith.extui %sign3A_686 : i1 to i32
          %sign3A_688 = arith.subi %sign3A_684, %sign3A_687 : i32
          %sign3A_689 = arith.constant 0 : i32
          %sign3A_690 = arith.cmpi sgt, %jit3A_680, %sign3A_689 : i32
          %sign3A_691 = arith.extui %sign3A_690 : i1 to i32
          %sign3A_692 = arith.constant 0 : i32
          %sign3A_693 = arith.cmpi slt, %jit3A_680, %sign3A_692 : i32
          %sign3A_694 = arith.extui %sign3A_693 : i1 to i32
          %sign3A_695 = arith.subi %sign3A_691, %sign3A_694 : i32
          %ne3A_696 = arith.cmpi ne, %sign3A_688, %sign3A_695 : i32
          %rem3A_697 = arith.remsi %add3A_631, %jit3A_680 : i32
          %ne3A_698 = arith.constant 0 : i32
          %ne3A_699 = arith.cmpi ne, %rem3A_697, %ne3A_698 : i32
          %and3A_700 = arith.andi %ne3A_696, %ne3A_699 : i1
          %sub3A_701 = arith.constant 1 : i32
          %sub3A_702 = arith.subi %div3A_681, %sub3A_701 : i32
          %select_n3A_703 = arith.select %and3A_700, %sub3A_702, %div3A_681 : i32
          %swap3A_704 = arith.index_cast %select_n3A_703 : i32 to index
          %swap3A_705 = tpu.vector_load %arg6[%swap3A_704] {strides = array<i32>} : memref<16384xi32, #tpu.memory_space<vmem>>, vector<16xi32>,
          tpu.vector_store %arg6[%swap3A_704], %bitcast3A_679 {strides = array<i32>} : memref<16384xi32, #tpu.memory_space<vmem>>, vector<16xi32>,
          %mul3A_706 = arith.constant 8 : i32
          %mul3A_707 = arith.muli %scan3A_138, %mul3A_706 : i32
          %add3A_708 = arith.constant 7 : i32
          %add3A_709 = arith.addi %mul3A_707, %add3A_708 : i32
          %mul3A_710 = arith.constant 2 : i32
          %mul3A_711 = arith.muli %add3A_709, %mul3A_710 : i32
          %mul3A_712 = arith.constant 16 : i32
          %mul3A_713 = arith.muli %mul3A_711, %mul3A_712 : i32
          %add3A_714 = arith.addi %mul3A_109, %mul3A_713 : i32
          %get3A_715 = arith.index_cast %add3A_714 : i32 to index
          %get3A_716 = tpu.vector_load %arg5[%get3A_715] {strides = array<i32>} : memref<32768xf32, #tpu.memory_space<vmem>>, vector<16xf32>,
          %bitcast3A_717 = vector.bitcast %get3A_716 : vector<16xf32> to vector<16xi32>
          %and3A_718 = arith.constant 2147483647 : i32
          %and3A_719 = vector.broadcast %and3A_718 : i32 to vector<16xi32>
          %and3A_720 = arith.andi %bitcast3A_717, %and3A_719 : vector<16xi32>
          %shift_right_arithmetic3A_721 = arith.constant 16 : i32
          %shift_right_arithmetic3A_722 = vector.broadcast %shift_right_arithmetic3A_721 : i32 to vector<16xi32>
          %shift_right_arithmetic3A_723 = arith.shrsi %and3A_720, %shift_right_arithmetic3A_722 : vector<16xi32>
          %and3A_724 = arith.constant 65535 : i32
          %and3A_725 = vector.broadcast %and3A_724 : i32 to vector<16xi32>
          %and3A_726 = arith.andi %and3A_720, %and3A_725 : vector<16xi32>
          %xor3A_727 = arith.constant 32768 : i32
          %xor3A_728 = vector.broadcast %xor3A_727 : i32 to vector<16xi32>
          %xor3A_729 = arith.xori %and3A_726, %xor3A_728 : vector<16xi32>
          %eq3A_730 = arith.cmpi eq, %shift_right_arithmetic3A_723, %scan3A_116 : vector<16xi32>
          %jit3A_731 = arith.constant 32767 : i32
          %broadcast_in_dim3A_732 = vector.broadcast %jit3A_731 : i32 to vector<16xi32>
          %select_n3A_733 = arith.select %eq3A_730, %xor3A_729, %broadcast_in_dim3A_732 : vector<16xi1>, vector<16xi32>
          %add3A_734 = arith.constant 16 : i32
          %add3A_735 = arith.addi %add3A_714, %add3A_734 : i32
          %get3A_736 = arith.index_cast %add3A_735 : i32 to index
          %get3A_737 = tpu.vector_load %arg5[%get3A_736] {strides = array<i32>} : memref<32768xf32, #tpu.memory_space<vmem>>, vector<16xf32>,
          %bitcast3A_738 = vector.bitcast %get3A_737 : vector<16xf32> to vector<16xi32>
          %and3A_739 = arith.constant 2147483647 : i32
          %and3A_740 = vector.broadcast %and3A_739 : i32 to vector<16xi32>
          %and3A_741 = arith.andi %bitcast3A_738, %and3A_740 : vector<16xi32>
          %shift_right_arithmetic3A_742 = arith.constant 16 : i32
          %shift_right_arithmetic3A_743 = vector.broadcast %shift_right_arithmetic3A_742 : i32 to vector<16xi32>
          %shift_right_arithmetic3A_744 = arith.shrsi %and3A_741, %shift_right_arithmetic3A_743 : vector<16xi32>
          %and3A_745 = arith.constant 65535 : i32
          %and3A_746 = vector.broadcast %and3A_745 : i32 to vector<16xi32>
          %and3A_747 = arith.andi %and3A_741, %and3A_746 : vector<16xi32>
          %xor3A_748 = arith.constant 32768 : i32
          %xor3A_749 = vector.broadcast %xor3A_748 : i32 to vector<16xi32>
          %xor3A_750 = arith.xori %and3A_747, %xor3A_749 : vector<16xi32>
          %eq3A_751 = arith.cmpi eq, %shift_right_arithmetic3A_744, %scan3A_116 : vector<16xi32>
          %jit3A_752 = arith.constant 32767 : i32
          %broadcast_in_dim3A_753 = vector.broadcast %jit3A_752 : i32 to vector<16xi32>
          %select_n3A_754 = arith.select %eq3A_751, %xor3A_750, %broadcast_in_dim3A_753 : vector<16xi1>, vector<16xi32>
          %lt3A_755 = arith.cmpi slt, %shift_right_arithmetic3A_723, %scan3A_116 : vector<16xi32>
          %all_reduce_population_count3A_756 = tpu.all_reduce %lt3A_755 {dim = 0 : i64, kind = #tpu.reduction_kind<sum>} : vector<16xi1> -> vector<16xi32>
          %add3A_757 = arith.addi %add3A_677, %all_reduce_population_count3A_756 : vector<16xi32>
          %lt3A_758 = arith.cmpi slt, %shift_right_arithmetic3A_744, %scan3A_116 : vector<16xi32>
          %all_reduce_population_count3A_759 = tpu.all_reduce %lt3A_758 {dim = 0 : i64, kind = #tpu.reduction_kind<sum>} : vector<16xi1> -> vector<16xi32>
          %add3A_760 = arith.addi %add3A_757, %all_reduce_population_count3A_759 : vector<16xi32>
          %pack3A_761 = tpu.pack_subelements %select_n3A_733, %select_n3A_754 {pack_format = #tpu.pack_format<interleaved>, positions = array<i32: 0, 1>} : vector<16xi32>, vector<16xi32> -> vector<32xi16>
          %bitcast3A_762 = vector.bitcast %pack3A_761 : vector<32xi16> to vector<16xi32>
          %jit3A_763 = arith.constant 2 : i32
          %div3A_764 = arith.divsi %add3A_714, %jit3A_763 : i32
          %sign3A_765 = arith.constant 0 : i32
          %sign3A_766 = arith.cmpi sgt, %add3A_714, %sign3A_765 : i32
          %sign3A_767 = arith.extui %sign3A_766 : i1 to i32
          %sign3A_768 = arith.constant 0 : i32
          %sign3A_769 = arith.cmpi slt, %add3A_714, %sign3A_768 : i32
          %sign3A_770 = arith.extui %sign3A_769 : i1 to i32
          %sign3A_771 = arith.subi %sign3A_767, %sign3A_770 : i32
          %sign3A_772 = arith.constant 0 : i32
          %sign3A_773 = arith.cmpi sgt, %jit3A_763, %sign3A_772 : i32
          %sign3A_774 = arith.extui %sign3A_773 : i1 to i32
          %sign3A_775 = arith.constant 0 : i32
          %sign3A_776 = arith.cmpi slt, %jit3A_763, %sign3A_775 : i32
          %sign3A_777 = arith.extui %sign3A_776 : i1 to i32
          %sign3A_778 = arith.subi %sign3A_774, %sign3A_777 : i32
          %ne3A_779 = arith.cmpi ne, %sign3A_771, %sign3A_778 : i32
          %rem3A_780 = arith.remsi %add3A_714, %jit3A_763 : i32
          %ne3A_781 = arith.constant 0 : i32
          %ne3A_782 = arith.cmpi ne, %rem3A_780, %ne3A_781 : i32
          %and3A_783 = arith.andi %ne3A_779, %ne3A_782 : i1
          %sub3A_784 = arith.constant 1 : i32
          %sub3A_785 = arith.subi %div3A_764, %sub3A_784 : i32
          %select_n3A_786 = arith.select %and3A_783, %sub3A_785, %div3A_764 : i32
          %swap3A_787 = arith.index_cast %select_n3A_786 : i32 to index
          %swap3A_788 = tpu.vector_load %arg6[%swap3A_787] {strides = array<i32>} : memref<16384xi32, #tpu.memory_space<vmem>>, vector<16xi32>,
          tpu.vector_store %arg6[%swap3A_787], %bitcast3A_762 {strides = array<i32>} : memref<16384xi32, #tpu.memory_space<vmem>>, vector<16xi32>,
          scf.yield %add3A_760 : vector<16xi32>
        }
        %scan3A_125 = arith.constant 8 : i32
        %broadcast_in_dim3A_126 = arith.constant 0 : i32
        %broadcast_in_dim3A_127 = vector.broadcast %broadcast_in_dim3A_126 : i32 to vector<16xi32>
        %scan3A_128 = arith.constant 0 : i32
        %scan3A_129 = arith.constant 16 : i32
        %scan3A_130 = arith.addi %scan3A_128, %scan3A_129 : i32
        %scan3A_131 = arith.constant 1 : i32
        %scan3A_132 = scf.for %scan3A_138 = %scan3A_128 to %scan3A_130 step %scan3A_131 iter_args(%scan3A_139 = %broadcast_in_dim3A_127) -> (vector<16xi32>)  : i32 {
          %sub3A = arith.constant 15 : i32
          %sub3A_140 = arith.subi %sub3A, %scan3A_138 : i32
          %shift_left3A_141 = vector.broadcast %sub3A_140 : i32 to vector<16xi32>
          %shift_left3A_142 = arith.shli %broadcast_in_dim3A_7, %shift_left3A_141 : vector<16xi32>
          %or3A_143 = arith.ori %scan3A_139, %shift_left3A_142 : vector<16xi32>
          %xor3A = arith.constant 32768 : i32
          %xor3A_144 = vector.broadcast %xor3A : i32 to vector<16xi32>
          %xor3A_145 = arith.xori %or3A_143, %xor3A_144 : vector<16xi32>
          %and3A = arith.constant 65535 : i32
          %and3A_146 = vector.broadcast %and3A : i32 to vector<16xi32>
          %and3A_147 = arith.andi %xor3A_145, %and3A_146 : vector<16xi32>
          %pack3A = tpu.pack_subelements %and3A_147, %and3A_147 {pack_format = #tpu.pack_format<interleaved>, positions = array<i32: 0, 1>} : vector<16xi32>, vector<16xi32> -> vector<32xi16>
          %broadcast_in_dim3A_148 = arith.constant 0 : i32
          %broadcast_in_dim3A_149 = vector.broadcast %broadcast_in_dim3A_148 : i32 to vector<16xi32>
          %scan3A_150 = arith.constant 0 : i32
          %scan3A_151 = arith.constant 4 : i32
          %scan3A_152 = arith.addi %scan3A_150, %scan3A_151 : i32
          %scan3A_153 = arith.constant 1 : i32
          %scan3A_154 = scf.for %scan3A_157 = %scan3A_150 to %scan3A_152 step %scan3A_153 iter_args(%scan3A_158 = %broadcast_in_dim3A_149) -> (vector<16xi32>)  : i32 {
            %jit3A = arith.constant 2 : i32
            %div3A = arith.divsi %mul3A_109, %jit3A : i32
            %sign3A = arith.constant 0 : i32
            %sign3A_159 = arith.cmpi sgt, %mul3A_109, %sign3A : i32
            %sign3A_160 = arith.extui %sign3A_159 : i1 to i32
            %sign3A_161 = arith.constant 0 : i32
            %sign3A_162 = arith.cmpi slt, %mul3A_109, %sign3A_161 : i32
            %sign3A_163 = arith.extui %sign3A_162 : i1 to i32
            %sign3A_164 = arith.subi %sign3A_160, %sign3A_163 : i32
            %sign3A_165 = arith.constant 0 : i32
            %sign3A_166 = arith.cmpi sgt, %jit3A, %sign3A_165 : i32
            %sign3A_167 = arith.extui %sign3A_166 : i1 to i32
            %sign3A_168 = arith.constant 0 : i32
            %sign3A_169 = arith.cmpi slt, %jit3A, %sign3A_168 : i32
            %sign3A_170 = arith.extui %sign3A_169 : i1 to i32
            %sign3A_171 = arith.subi %sign3A_167, %sign3A_170 : i32
            %ne3A = arith.cmpi ne, %sign3A_164, %sign3A_171 : i32
            %rem3A = arith.remsi %mul3A_109, %jit3A : i32
            %ne3A_172 = arith.constant 0 : i32
            %ne3A_173 = arith.cmpi ne, %rem3A, %ne3A_172 : i32
            %and3A_174 = arith.andi %ne3A, %ne3A_173 : i1
            %sub3A_175 = arith.constant 1 : i32
            %sub3A_176 = arith.subi %div3A, %sub3A_175 : i32
            %select_n3A_177 = arith.select %and3A_174, %sub3A_176, %div3A : i32
            %mul3A_178 = arith.constant 16 : i32
            %mul3A_179 = arith.muli %scan3A_157, %mul3A_178 : i32
            %add3A_180 = arith.constant 0 : i32
            %add3A_181 = arith.addi %mul3A_179, %add3A_180 : i32
            %mul3A_182 = arith.constant 16 : i32
            %mul3A_183 = arith.muli %add3A_181, %mul3A_182 : i32
            %add3A_184 = arith.addi %select_n3A_177, %mul3A_183 : i32
            %get3A = arith.index_cast %add3A_184 : i32 to index
            %get3A_185 = tpu.vector_load %arg6[%get3A] {strides = array<i32>} : memref<16384xi32, #tpu.memory_space<vmem>>, vector<16xi32>,
            %bitcast3A = vector.bitcast %get3A_185 : vector<16xi32> to vector<32xi16>
            %lt3A = arith.cmpi slt, %bitcast3A, %pack3A : vector<32xi16>
            %all_reduce_population_count3A = tpu.all_reduce %lt3A {dim = 0 : i64, kind = #tpu.reduction_kind<sum>} : vector<32xi1> -> vector<16xi32>
            %add3A_186 = arith.addi %scan3A_158, %all_reduce_population_count3A : vector<16xi32>
            %jit3A_187 = arith.constant 2 : i32
            %div3A_188 = arith.divsi %mul3A_109, %jit3A_187 : i32
            %sign3A_189 = arith.constant 0 : i32
            %sign3A_190 = arith.cmpi sgt, %mul3A_109, %sign3A_189 : i32
            %sign3A_191 = arith.extui %sign3A_190 : i1 to i32
            %sign3A_192 = arith.constant 0 : i32
            %sign3A_193 = arith.cmpi slt, %mul3A_109, %sign3A_192 : i32
            %sign3A_194 = arith.extui %sign3A_193 : i1 to i32
            %sign3A_195 = arith.subi %sign3A_191, %sign3A_194 : i32
            %sign3A_196 = arith.constant 0 : i32
            %sign3A_197 = arith.cmpi sgt, %jit3A_187, %sign3A_196 : i32
            %sign3A_198 = arith.extui %sign3A_197 : i1 to i32
            %sign3A_199 = arith.constant 0 : i32
            %sign3A_200 = arith.cmpi slt, %jit3A_187, %sign3A_199 : i32
            %sign3A_201 = arith.extui %sign3A_200 : i1 to i32
            %sign3A_202 = arith.subi %sign3A_198, %sign3A_201 : i32
            %ne3A_203 = arith.cmpi ne, %sign3A_195, %sign3A_202 : i32
            %rem3A_204 = arith.remsi %mul3A_109, %jit3A_187 : i32
            %ne3A_205 = arith.constant 0 : i32
            %ne3A_206 = arith.cmpi ne, %rem3A_204, %ne3A_205 : i32
            %and3A_207 = arith.andi %ne3A_203, %ne3A_206 : i1
            %sub3A_208 = arith.constant 1 : i32
            %sub3A_209 = arith.subi %div3A_188, %sub3A_208 : i32
            %select_n3A_210 = arith.select %and3A_207, %sub3A_209, %div3A_188 : i32
            %mul3A_211 = arith.constant 16 : i32
            %mul3A_212 = arith.muli %scan3A_157, %mul3A_211 : i32
            %add3A_213 = arith.constant 1 : i32
            %add3A_214 = arith.addi %mul3A_212, %add3A_213 : i32
            %mul3A_215 = arith.constant 16 : i32
            %mul3A_216 = arith.muli %add3A_214, %mul3A_215 : i32
            %add3A_217 = arith.addi %select_n3A_210, %mul3A_216 : i32
            %get3A_218 = arith.index_cast %add3A_217 : i32 to index
            %get3A_219 = tpu.vector_load %arg6[%get3A_218] {strides = array<i32>} : memref<16384xi32, #tpu.memory_space<vmem>>, vector<16xi32>,
            %bitcast3A_220 = vector.bitcast %get3A_219 : vector<16xi32> to vector<32xi16>
            %lt3A_221 = arith.cmpi slt, %bitcast3A_220, %pack3A : vector<32xi16>
            %all_reduce_population_count3A_222 = tpu.all_reduce %lt3A_221 {dim = 0 : i64, kind = #tpu.reduction_kind<sum>} : vector<32xi1> -> vector<16xi32>
            %add3A_223 = arith.addi %add3A_186, %all_reduce_population_count3A_222 : vector<16xi32>
            %jit3A_224 = arith.constant 2 : i32
            %div3A_225 = arith.divsi %mul3A_109, %jit3A_224 : i32
            %sign3A_226 = arith.constant 0 : i32
            %sign3A_227 = arith.cmpi sgt, %mul3A_109, %sign3A_226 : i32
            %sign3A_228 = arith.extui %sign3A_227 : i1 to i32
            %sign3A_229 = arith.constant 0 : i32
            %sign3A_230 = arith.cmpi slt, %mul3A_109, %sign3A_229 : i32
            %sign3A_231 = arith.extui %sign3A_230 : i1 to i32
            %sign3A_232 = arith.subi %sign3A_228, %sign3A_231 : i32
            %sign3A_233 = arith.constant 0 : i32
            %sign3A_234 = arith.cmpi sgt, %jit3A_224, %sign3A_233 : i32
            %sign3A_235 = arith.extui %sign3A_234 : i1 to i32
            %sign3A_236 = arith.constant 0 : i32
            %sign3A_237 = arith.cmpi slt, %jit3A_224, %sign3A_236 : i32
            %sign3A_238 = arith.extui %sign3A_237 : i1 to i32
            %sign3A_239 = arith.subi %sign3A_235, %sign3A_238 : i32
            %ne3A_240 = arith.cmpi ne, %sign3A_232, %sign3A_239 : i32
            %rem3A_241 = arith.remsi %mul3A_109, %jit3A_224 : i32
            %ne3A_242 = arith.constant 0 : i32
            %ne3A_243 = arith.cmpi ne, %rem3A_241, %ne3A_242 : i32
            %and3A_244 = arith.andi %ne3A_240, %ne3A_243 : i1
            %sub3A_245 = arith.constant 1 : i32
            %sub3A_246 = arith.subi %div3A_225, %sub3A_245 : i32
            %select_n3A_247 = arith.select %and3A_244, %sub3A_246, %div3A_225 : i32
            %mul3A_248 = arith.constant 16 : i32
            %mul3A_249 = arith.muli %scan3A_157, %mul3A_248 : i32
            %add3A_250 = arith.constant 2 : i32
            %add3A_251 = arith.addi %mul3A_249, %add3A_250 : i32
            %mul3A_252 = arith.constant 16 : i32
            %mul3A_253 = arith.muli %add3A_251, %mul3A_252 : i32
            %add3A_254 = arith.addi %select_n3A_247, %mul3A_253 : i32
            %get3A_255 = arith.index_cast %add3A_254 : i32 to index
            %get3A_256 = tpu.vector_load %arg6[%get3A_255] {strides = array<i32>} : memref<16384xi32, #tpu.memory_space<vmem>>, vector<16xi32>,
            %bitcast3A_257 = vector.bitcast %get3A_256 : vector<16xi32> to vector<32xi16>
            %lt3A_258 = arith.cmpi slt, %bitcast3A_257, %pack3A : vector<32xi16>
            %all_reduce_population_count3A_259 = tpu.all_reduce %lt3A_258 {dim = 0 : i64, kind = #tpu.reduction_kind<sum>} : vector<32xi1> -> vector<16xi32>
            %add3A_260 = arith.addi %add3A_223, %all_reduce_population_count3A_259 : vector<16xi32>
            %jit3A_261 = arith.constant 2 : i32
            %div3A_262 = arith.divsi %mul3A_109, %jit3A_261 : i32
            %sign3A_263 = arith.constant 0 : i32
            %sign3A_264 = arith.cmpi sgt, %mul3A_109, %sign3A_263 : i32
            %sign3A_265 = arith.extui %sign3A_264 : i1 to i32
            %sign3A_266 = arith.constant 0 : i32
            %sign3A_267 = arith.cmpi slt, %mul3A_109, %sign3A_266 : i32
            %sign3A_268 = arith.extui %sign3A_267 : i1 to i32
            %sign3A_269 = arith.subi %sign3A_265, %sign3A_268 : i32
            %sign3A_270 = arith.constant 0 : i32
            %sign3A_271 = arith.cmpi sgt, %jit3A_261, %sign3A_270 : i32
            %sign3A_272 = arith.extui %sign3A_271 : i1 to i32
            %sign3A_273 = arith.constant 0 : i32
            %sign3A_274 = arith.cmpi slt, %jit3A_261, %sign3A_273 : i32
            %sign3A_275 = arith.extui %sign3A_274 : i1 to i32
            %sign3A_276 = arith.subi %sign3A_272, %sign3A_275 : i32
            %ne3A_277 = arith.cmpi ne, %sign3A_269, %sign3A_276 : i32
            %rem3A_278 = arith.remsi %mul3A_109, %jit3A_261 : i32
            %ne3A_279 = arith.constant 0 : i32
            %ne3A_280 = arith.cmpi ne, %rem3A_278, %ne3A_279 : i32
            %and3A_281 = arith.andi %ne3A_277, %ne3A_280 : i1
            %sub3A_282 = arith.constant 1 : i32
            %sub3A_283 = arith.subi %div3A_262, %sub3A_282 : i32
            %select_n3A_284 = arith.select %and3A_281, %sub3A_283, %div3A_262 : i32
            %mul3A_285 = arith.constant 16 : i32
            %mul3A_286 = arith.muli %scan3A_157, %mul3A_285 : i32
            %add3A_287 = arith.constant 3 : i32
            %add3A_288 = arith.addi %mul3A_286, %add3A_287 : i32
            %mul3A_289 = arith.constant 16 : i32
            %mul3A_290 = arith.muli %add3A_288, %mul3A_289 : i32
            %add3A_291 = arith.addi %select_n3A_284, %mul3A_290 : i32
            %get3A_292 = arith.index_cast %add3A_291 : i32 to index
            %get3A_293 = tpu.vector_load %arg6[%get3A_292] {strides = array<i32>} : memref<16384xi32, #tpu.memory_space<vmem>>, vector<16xi32>,
            %bitcast3A_294 = vector.bitcast %get3A_293 : vector<16xi32> to vector<32xi16>
            %lt3A_295 = arith.cmpi slt, %bitcast3A_294, %pack3A : vector<32xi16>
            %all_reduce_population_count3A_296 = tpu.all_reduce %lt3A_295 {dim = 0 : i64, kind = #tpu.reduction_kind<sum>} : vector<32xi1> -> vector<16xi32>
            %add3A_297 = arith.addi %add3A_260, %all_reduce_population_count3A_296 : vector<16xi32>
            %jit3A_298 = arith.constant 2 : i32
            %div3A_299 = arith.divsi %mul3A_109, %jit3A_298 : i32
            %sign3A_300 = arith.constant 0 : i32
            %sign3A_301 = arith.cmpi sgt, %mul3A_109, %sign3A_300 : i32
            %sign3A_302 = arith.extui %sign3A_301 : i1 to i32
            %sign3A_303 = arith.constant 0 : i32
            %sign3A_304 = arith.cmpi slt, %mul3A_109, %sign3A_303 : i32
            %sign3A_305 = arith.extui %sign3A_304 : i1 to i32
            %sign3A_306 = arith.subi %sign3A_302, %sign3A_305 : i32
            %sign3A_307 = arith.constant 0 : i32
            %sign3A_308 = arith.cmpi sgt, %jit3A_298, %sign3A_307 : i32
            %sign3A_309 = arith.extui %sign3A_308 : i1 to i32
            %sign3A_310 = arith.constant 0 : i32
            %sign3A_311 = arith.cmpi slt, %jit3A_298, %sign3A_310 : i32
            %sign3A_312 = arith.extui %sign3A_311 : i1 to i32
            %sign3A_313 = arith.subi %sign3A_309, %sign3A_312 : i32
            %ne3A_314 = arith.cmpi ne, %sign3A_306, %sign3A_313 : i32
            %rem3A_315 = arith.remsi %mul3A_109, %jit3A_298 : i32
            %ne3A_316 = arith.constant 0 : i32
            %ne3A_317 = arith.cmpi ne, %rem3A_315, %ne3A_316 : i32
            %and3A_318 = arith.andi %ne3A_314, %ne3A_317 : i1
            %sub3A_319 = arith.constant 1 : i32
            %sub3A_320 = arith.subi %div3A_299, %sub3A_319 : i32
            %select_n3A_321 = arith.select %and3A_318, %sub3A_320, %div3A_299 : i32
            %mul3A_322 = arith.constant 16 : i32
            %mul3A_323 = arith.muli %scan3A_157, %mul3A_322 : i32
            %add3A_324 = arith.constant 4 : i32
            %add3A_325 = arith.addi %mul3A_323, %add3A_324 : i32
            %mul3A_326 = arith.constant 16 : i32
            %mul3A_327 = arith.muli %add3A_325, %mul3A_326 : i32
            %add3A_328 = arith.addi %select_n3A_321, %mul3A_327 : i32
            %get3A_329 = arith.index_cast %add3A_328 : i32 to index
            %get3A_330 = tpu.vector_load %arg6[%get3A_329] {strides = array<i32>} : memref<16384xi32, #tpu.memory_space<vmem>>, vector<16xi32>,
            %bitcast3A_331 = vector.bitcast %get3A_330 : vector<16xi32> to vector<32xi16>
            %lt3A_332 = arith.cmpi slt, %bitcast3A_331, %pack3A : vector<32xi16>
            %all_reduce_population_count3A_333 = tpu.all_reduce %lt3A_332 {dim = 0 : i64, kind = #tpu.reduction_kind<sum>} : vector<32xi1> -> vector<16xi32>
            %add3A_334 = arith.addi %add3A_297, %all_reduce_population_count3A_333 : vector<16xi32>
            %jit3A_335 = arith.constant 2 : i32
            %div3A_336 = arith.divsi %mul3A_109, %jit3A_335 : i32
            %sign3A_337 = arith.constant 0 : i32
            %sign3A_338 = arith.cmpi sgt, %mul3A_109, %sign3A_337 : i32
            %sign3A_339 = arith.extui %sign3A_338 : i1 to i32
            %sign3A_340 = arith.constant 0 : i32
            %sign3A_341 = arith.cmpi slt, %mul3A_109, %sign3A_340 : i32
            %sign3A_342 = arith.extui %sign3A_341 : i1 to i32
            %sign3A_343 = arith.subi %sign3A_339, %sign3A_342 : i32
            %sign3A_344 = arith.constant 0 : i32
            %sign3A_345 = arith.cmpi sgt, %jit3A_335, %sign3A_344 : i32
            %sign3A_346 = arith.extui %sign3A_345 : i1 to i32
            %sign3A_347 = arith.constant 0 : i32
            %sign3A_348 = arith.cmpi slt, %jit3A_335, %sign3A_347 : i32
            %sign3A_349 = arith.extui %sign3A_348 : i1 to i32
            %sign3A_350 = arith.subi %sign3A_346, %sign3A_349 : i32
            %ne3A_351 = arith.cmpi ne, %sign3A_343, %sign3A_350 : i32
            %rem3A_352 = arith.remsi %mul3A_109, %jit3A_335 : i32
            %ne3A_353 = arith.constant 0 : i32
            %ne3A_354 = arith.cmpi ne, %rem3A_352, %ne3A_353 : i32
            %and3A_355 = arith.andi %ne3A_351, %ne3A_354 : i1
            %sub3A_356 = arith.constant 1 : i32
            %sub3A_357 = arith.subi %div3A_336, %sub3A_356 : i32
            %select_n3A_358 = arith.select %and3A_355, %sub3A_357, %div3A_336 : i32
            %mul3A_359 = arith.constant 16 : i32
            %mul3A_360 = arith.muli %scan3A_157, %mul3A_359 : i32
            %add3A_361 = arith.constant 5 : i32
            %add3A_362 = arith.addi %mul3A_360, %add3A_361 : i32
            %mul3A_363 = arith.constant 16 : i32
            %mul3A_364 = arith.muli %add3A_362, %mul3A_363 : i32
            %add3A_365 = arith.addi %select_n3A_358, %mul3A_364 : i32
            %get3A_366 = arith.index_cast %add3A_365 : i32 to index
            %get3A_367 = tpu.vector_load %arg6[%get3A_366] {strides = array<i32>} : memref<16384xi32, #tpu.memory_space<vmem>>, vector<16xi32>,
            %bitcast3A_368 = vector.bitcast %get3A_367 : vector<16xi32> to vector<32xi16>
            %lt3A_369 = arith.cmpi slt, %bitcast3A_368, %pack3A : vector<32xi16>
            %all_reduce_population_count3A_370 = tpu.all_reduce %lt3A_369 {dim = 0 : i64, kind = #tpu.reduction_kind<sum>} : vector<32xi1> -> vector<16xi32>
            %add3A_371 = arith.addi %add3A_334, %all_reduce_population_count3A_370 : vector<16xi32>
            %jit3A_372 = arith.constant 2 : i32
            %div3A_373 = arith.divsi %mul3A_109, %jit3A_372 : i32
            %sign3A_374 = arith.constant 0 : i32
            %sign3A_375 = arith.cmpi sgt, %mul3A_109, %sign3A_374 : i32
            %sign3A_376 = arith.extui %sign3A_375 : i1 to i32
            %sign3A_377 = arith.constant 0 : i32
            %sign3A_378 = arith.cmpi slt, %mul3A_109, %sign3A_377 : i32
            %sign3A_379 = arith.extui %sign3A_378 : i1 to i32
            %sign3A_380 = arith.subi %sign3A_376, %sign3A_379 : i32
            %sign3A_381 = arith.constant 0 : i32
            %sign3A_382 = arith.cmpi sgt, %jit3A_372, %sign3A_381 : i32
            %sign3A_383 = arith.extui %sign3A_382 : i1 to i32
            %sign3A_384 = arith.constant 0 : i32
            %sign3A_385 = arith.cmpi slt, %jit3A_372, %sign3A_384 : i32
            %sign3A_386 = arith.extui %sign3A_385 : i1 to i32
            %sign3A_387 = arith.subi %sign3A_383, %sign3A_386 : i32
            %ne3A_388 = arith.cmpi ne, %sign3A_380, %sign3A_387 : i32
            %rem3A_389 = arith.remsi %mul3A_109, %jit3A_372 : i32
            %ne3A_390 = arith.constant 0 : i32
            %ne3A_391 = arith.cmpi ne, %rem3A_389, %ne3A_390 : i32
            %and3A_392 = arith.andi %ne3A_388, %ne3A_391 : i1
            %sub3A_393 = arith.constant 1 : i32
            %sub3A_394 = arith.subi %div3A_373, %sub3A_393 : i32
            %select_n3A_395 = arith.select %and3A_392, %sub3A_394, %div3A_373 : i32
            %mul3A_396 = arith.constant 16 : i32
            %mul3A_397 = arith.muli %scan3A_157, %mul3A_396 : i32
            %add3A_398 = arith.constant 6 : i32
            %add3A_399 = arith.addi %mul3A_397, %add3A_398 : i32
            %mul3A_400 = arith.constant 16 : i32
            %mul3A_401 = arith.muli %add3A_399, %mul3A_400 : i32
            %add3A_402 = arith.addi %select_n3A_395, %mul3A_401 : i32
            %get3A_403 = arith.index_cast %add3A_402 : i32 to index
            %get3A_404 = tpu.vector_load %arg6[%get3A_403] {strides = array<i32>} : memref<16384xi32, #tpu.memory_space<vmem>>, vector<16xi32>,
            %bitcast3A_405 = vector.bitcast %get3A_404 : vector<16xi32> to vector<32xi16>
            %lt3A_406 = arith.cmpi slt, %bitcast3A_405, %pack3A : vector<32xi16>
            %all_reduce_population_count3A_407 = tpu.all_reduce %lt3A_406 {dim = 0 : i64, kind = #tpu.reduction_kind<sum>} : vector<32xi1> -> vector<16xi32>
            %add3A_408 = arith.addi %add3A_371, %all_reduce_population_count3A_407 : vector<16xi32>
            %jit3A_409 = arith.constant 2 : i32
            %div3A_410 = arith.divsi %mul3A_109, %jit3A_409 : i32
            %sign3A_411 = arith.constant 0 : i32
            %sign3A_412 = arith.cmpi sgt, %mul3A_109, %sign3A_411 : i32
            %sign3A_413 = arith.extui %sign3A_412 : i1 to i32
            %sign3A_414 = arith.constant 0 : i32
            %sign3A_415 = arith.cmpi slt, %mul3A_109, %sign3A_414 : i32
            %sign3A_416 = arith.extui %sign3A_415 : i1 to i32
            %sign3A_417 = arith.subi %sign3A_413, %sign3A_416 : i32
            %sign3A_418 = arith.constant 0 : i32
            %sign3A_419 = arith.cmpi sgt, %jit3A_409, %sign3A_418 : i32
            %sign3A_420 = arith.extui %sign3A_419 : i1 to i32
            %sign3A_421 = arith.constant 0 : i32
            %sign3A_422 = arith.cmpi slt, %jit3A_409, %sign3A_421 : i32
            %sign3A_423 = arith.extui %sign3A_422 : i1 to i32
            %sign3A_424 = arith.subi %sign3A_420, %sign3A_423 : i32
            %ne3A_425 = arith.cmpi ne, %sign3A_417, %sign3A_424 : i32
            %rem3A_426 = arith.remsi %mul3A_109, %jit3A_409 : i32
            %ne3A_427 = arith.constant 0 : i32
            %ne3A_428 = arith.cmpi ne, %rem3A_426, %ne3A_427 : i32
            %and3A_429 = arith.andi %ne3A_425, %ne3A_428 : i1
            %sub3A_430 = arith.constant 1 : i32
            %sub3A_431 = arith.subi %div3A_410, %sub3A_430 : i32
            %select_n3A_432 = arith.select %and3A_429, %sub3A_431, %div3A_410 : i32
            %mul3A_433 = arith.constant 16 : i32
            %mul3A_434 = arith.muli %scan3A_157, %mul3A_433 : i32
            %add3A_435 = arith.constant 7 : i32
            %add3A_436 = arith.addi %mul3A_434, %add3A_435 : i32
            %mul3A_437 = arith.constant 16 : i32
            %mul3A_438 = arith.muli %add3A_436, %mul3A_437 : i32
            %add3A_439 = arith.addi %select_n3A_432, %mul3A_438 : i32
            %get3A_440 = arith.index_cast %add3A_439 : i32 to index
            %get3A_441 = tpu.vector_load %arg6[%get3A_440] {strides = array<i32>} : memref<16384xi32, #tpu.memory_space<vmem>>, vector<16xi32>,
            %bitcast3A_442 = vector.bitcast %get3A_441 : vector<16xi32> to vector<32xi16>
            %lt3A_443 = arith.cmpi slt, %bitcast3A_442, %pack3A : vector<32xi16>
            %all_reduce_population_count3A_444 = tpu.all_reduce %lt3A_443 {dim = 0 : i64, kind = #tpu.reduction_kind<sum>} : vector<32xi1> -> vector<16xi32>
            %add3A_445 = arith.addi %add3A_408, %all_reduce_population_count3A_444 : vector<16xi32>
            %jit3A_446 = arith.constant 2 : i32
            %div3A_447 = arith.divsi %mul3A_109, %jit3A_446 : i32
            %sign3A_448 = arith.constant 0 : i32
            %sign3A_449 = arith.cmpi sgt, %mul3A_109, %sign3A_448 : i32
            %sign3A_450 = arith.extui %sign3A_449 : i1 to i32
            %sign3A_451 = arith.constant 0 : i32
            %sign3A_452 = arith.cmpi slt, %mul3A_109, %sign3A_451 : i32
            %sign3A_453 = arith.extui %sign3A_452 : i1 to i32
            %sign3A_454 = arith.subi %sign3A_450, %sign3A_453 : i32
            %sign3A_455 = arith.constant 0 : i32
            %sign3A_456 = arith.cmpi sgt, %jit3A_446, %sign3A_455 : i32
            %sign3A_457 = arith.extui %sign3A_456 : i1 to i32
            %sign3A_458 = arith.constant 0 : i32
            %sign3A_459 = arith.cmpi slt, %jit3A_446, %sign3A_458 : i32
            %sign3A_460 = arith.extui %sign3A_459 : i1 to i32
            %sign3A_461 = arith.subi %sign3A_457, %sign3A_460 : i32
            %ne3A_462 = arith.cmpi ne, %sign3A_454, %sign3A_461 : i32
            %rem3A_463 = arith.remsi %mul3A_109, %jit3A_446 : i32
            %ne3A_464 = arith.constant 0 : i32
            %ne3A_465 = arith.cmpi ne, %rem3A_463, %ne3A_464 : i32
            %and3A_466 = arith.andi %ne3A_462, %ne3A_465 : i1
            %sub3A_467 = arith.constant 1 : i32
            %sub3A_468 = arith.subi %div3A_447, %sub3A_467 : i32
            %select_n3A_469 = arith.select %and3A_466, %sub3A_468, %div3A_447 : i32
            %mul3A_470 = arith.constant 16 : i32
            %mul3A_471 = arith.muli %scan3A_157, %mul3A_470 : i32
            %add3A_472 = arith.constant 8 : i32
            %add3A_473 = arith.addi %mul3A_471, %add3A_472 : i32
            %mul3A_474 = arith.constant 16 : i32
            %mul3A_475 = arith.muli %add3A_473, %mul3A_474 : i32
            %add3A_476 = arith.addi %select_n3A_469, %mul3A_475 : i32
            %get3A_477 = arith.index_cast %add3A_476 : i32 to index
            %get3A_478 = tpu.vector_load %arg6[%get3A_477] {strides = array<i32>} : memref<16384xi32, #tpu.memory_space<vmem>>, vector<16xi32>,
            %bitcast3A_479 = vector.bitcast %get3A_478 : vector<16xi32> to vector<32xi16>
            %lt3A_480 = arith.cmpi slt, %bitcast3A_479, %pack3A : vector<32xi16>
            %all_reduce_population_count3A_481 = tpu.all_reduce %lt3A_480 {dim = 0 : i64, kind = #tpu.reduction_kind<sum>} : vector<32xi1> -> vector<16xi32>
            %add3A_482 = arith.addi %add3A_445, %all_reduce_population_count3A_481 : vector<16xi32>
            %jit3A_483 = arith.constant 2 : i32
            %div3A_484 = arith.divsi %mul3A_109, %jit3A_483 : i32
            %sign3A_485 = arith.constant 0 : i32
            %sign3A_486 = arith.cmpi sgt, %mul3A_109, %sign3A_485 : i32
            %sign3A_487 = arith.extui %sign3A_486 : i1 to i32
            %sign3A_488 = arith.constant 0 : i32
            %sign3A_489 = arith.cmpi slt, %mul3A_109, %sign3A_488 : i32
            %sign3A_490 = arith.extui %sign3A_489 : i1 to i32
            %sign3A_491 = arith.subi %sign3A_487, %sign3A_490 : i32
            %sign3A_492 = arith.constant 0 : i32
            %sign3A_493 = arith.cmpi sgt, %jit3A_483, %sign3A_492 : i32
            %sign3A_494 = arith.extui %sign3A_493 : i1 to i32
            %sign3A_495 = arith.constant 0 : i32
            %sign3A_496 = arith.cmpi slt, %jit3A_483, %sign3A_495 : i32
            %sign3A_497 = arith.extui %sign3A_496 : i1 to i32
            %sign3A_498 = arith.subi %sign3A_494, %sign3A_497 : i32
            %ne3A_499 = arith.cmpi ne, %sign3A_491, %sign3A_498 : i32
            %rem3A_500 = arith.remsi %mul3A_109, %jit3A_483 : i32
            %ne3A_501 = arith.constant 0 : i32
            %ne3A_502 = arith.cmpi ne, %rem3A_500, %ne3A_501 : i32
            %and3A_503 = arith.andi %ne3A_499, %ne3A_502 : i1
            %sub3A_504 = arith.constant 1 : i32
            %sub3A_505 = arith.subi %div3A_484, %sub3A_504 : i32
            %select_n3A_506 = arith.select %and3A_503, %sub3A_505, %div3A_484 : i32
            %mul3A_507 = arith.constant 16 : i32
            %mul3A_508 = arith.muli %scan3A_157, %mul3A_507 : i32
            %add3A_509 = arith.constant 9 : i32
            %add3A_510 = arith.addi %mul3A_508, %add3A_509 : i32
            %mul3A_511 = arith.constant 16 : i32
            %mul3A_512 = arith.muli %add3A_510, %mul3A_511 : i32
            %add3A_513 = arith.addi %select_n3A_506, %mul3A_512 : i32
            %get3A_514 = arith.index_cast %add3A_513 : i32 to index
            %get3A_515 = tpu.vector_load %arg6[%get3A_514] {strides = array<i32>} : memref<16384xi32, #tpu.memory_space<vmem>>, vector<16xi32>,
            %bitcast3A_516 = vector.bitcast %get3A_515 : vector<16xi32> to vector<32xi16>
            %lt3A_517 = arith.cmpi slt, %bitcast3A_516, %pack3A : vector<32xi16>
            %all_reduce_population_count3A_518 = tpu.all_reduce %lt3A_517 {dim = 0 : i64, kind = #tpu.reduction_kind<sum>} : vector<32xi1> -> vector<16xi32>
            %add3A_519 = arith.addi %add3A_482, %all_reduce_population_count3A_518 : vector<16xi32>
            %jit3A_520 = arith.constant 2 : i32
            %div3A_521 = arith.divsi %mul3A_109, %jit3A_520 : i32
            %sign3A_522 = arith.constant 0 : i32
            %sign3A_523 = arith.cmpi sgt, %mul3A_109, %sign3A_522 : i32
            %sign3A_524 = arith.extui %sign3A_523 : i1 to i32
            %sign3A_525 = arith.constant 0 : i32
            %sign3A_526 = arith.cmpi slt, %mul3A_109, %sign3A_525 : i32
            %sign3A_527 = arith.extui %sign3A_526 : i1 to i32
            %sign3A_528 = arith.subi %sign3A_524, %sign3A_527 : i32
            %sign3A_529 = arith.constant 0 : i32
            %sign3A_530 = arith.cmpi sgt, %jit3A_520, %sign3A_529 : i32
            %sign3A_531 = arith.extui %sign3A_530 : i1 to i32
            %sign3A_532 = arith.constant 0 : i32
            %sign3A_533 = arith.cmpi slt, %jit3A_520, %sign3A_532 : i32
            %sign3A_534 = arith.extui %sign3A_533 : i1 to i32
            %sign3A_535 = arith.subi %sign3A_531, %sign3A_534 : i32
            %ne3A_536 = arith.cmpi ne, %sign3A_528, %sign3A_535 : i32
            %rem3A_537 = arith.remsi %mul3A_109, %jit3A_520 : i32
            %ne3A_538 = arith.constant 0 : i32
            %ne3A_539 = arith.cmpi ne, %rem3A_537, %ne3A_538 : i32
            %and3A_540 = arith.andi %ne3A_536, %ne3A_539 : i1
            %sub3A_541 = arith.constant 1 : i32
            %sub3A_542 = arith.subi %div3A_521, %sub3A_541 : i32
            %select_n3A_543 = arith.select %and3A_540, %sub3A_542, %div3A_521 : i32
            %mul3A_544 = arith.constant 16 : i32
            %mul3A_545 = arith.muli %scan3A_157, %mul3A_544 : i32
            %add3A_546 = arith.constant 10 : i32
            %add3A_547 = arith.addi %mul3A_545, %add3A_546 : i32
            %mul3A_548 = arith.constant 16 : i32
            %mul3A_549 = arith.muli %add3A_547, %mul3A_548 : i32
            %add3A_550 = arith.addi %select_n3A_543, %mul3A_549 : i32
            %get3A_551 = arith.index_cast %add3A_550 : i32 to index
            %get3A_552 = tpu.vector_load %arg6[%get3A_551] {strides = array<i32>} : memref<16384xi32, #tpu.memory_space<vmem>>, vector<16xi32>,
            %bitcast3A_553 = vector.bitcast %get3A_552 : vector<16xi32> to vector<32xi16>
            %lt3A_554 = arith.cmpi slt, %bitcast3A_553, %pack3A : vector<32xi16>
            %all_reduce_population_count3A_555 = tpu.all_reduce %lt3A_554 {dim = 0 : i64, kind = #tpu.reduction_kind<sum>} : vector<32xi1> -> vector<16xi32>
            %add3A_556 = arith.addi %add3A_519, %all_reduce_population_count3A_555 : vector<16xi32>
            %jit3A_557 = arith.constant 2 : i32
            %div3A_558 = arith.divsi %mul3A_109, %jit3A_557 : i32
            %sign3A_559 = arith.constant 0 : i32
            %sign3A_560 = arith.cmpi sgt, %mul3A_109, %sign3A_559 : i32
            %sign3A_561 = arith.extui %sign3A_560 : i1 to i32
            %sign3A_562 = arith.constant 0 : i32
            %sign3A_563 = arith.cmpi slt, %mul3A_109, %sign3A_562 : i32
            %sign3A_564 = arith.extui %sign3A_563 : i1 to i32
            %sign3A_565 = arith.subi %sign3A_561, %sign3A_564 : i32
            %sign3A_566 = arith.constant 0 : i32
            %sign3A_567 = arith.cmpi sgt, %jit3A_557, %sign3A_566 : i32
            %sign3A_568 = arith.extui %sign3A_567 : i1 to i32
            %sign3A_569 = arith.constant 0 : i32
            %sign3A_570 = arith.cmpi slt, %jit3A_557, %sign3A_569 : i32
            %sign3A_571 = arith.extui %sign3A_570 : i1 to i32
            %sign3A_572 = arith.subi %sign3A_568, %sign3A_571 : i32
            %ne3A_573 = arith.cmpi ne, %sign3A_565, %sign3A_572 : i32
            %rem3A_574 = arith.remsi %mul3A_109, %jit3A_557 : i32
            %ne3A_575 = arith.constant 0 : i32
            %ne3A_576 = arith.cmpi ne, %rem3A_574, %ne3A_575 : i32
            %and3A_577 = arith.andi %ne3A_573, %ne3A_576 : i1
            %sub3A_578 = arith.constant 1 : i32
            %sub3A_579 = arith.subi %div3A_558, %sub3A_578 : i32
            %select_n3A_580 = arith.select %and3A_577, %sub3A_579, %div3A_558 : i32
            %mul3A_581 = arith.constant 16 : i32
            %mul3A_582 = arith.muli %scan3A_157, %mul3A_581 : i32
            %add3A_583 = arith.constant 11 : i32
            %add3A_584 = arith.addi %mul3A_582, %add3A_583 : i32
            %mul3A_585 = arith.constant 16 : i32
            %mul3A_586 = arith.muli %add3A_584, %mul3A_585 : i32
            %add3A_587 = arith.addi %select_n3A_580, %mul3A_586 : i32
            %get3A_588 = arith.index_cast %add3A_587 : i32 to index
            %get3A_589 = tpu.vector_load %arg6[%get3A_588] {strides = array<i32>} : memref<16384xi32, #tpu.memory_space<vmem>>, vector<16xi32>,
            %bitcast3A_590 = vector.bitcast %get3A_589 : vector<16xi32> to vector<32xi16>
            %lt3A_591 = arith.cmpi slt, %bitcast3A_590, %pack3A : vector<32xi16>
            %all_reduce_population_count3A_592 = tpu.all_reduce %lt3A_591 {dim = 0 : i64, kind = #tpu.reduction_kind<sum>} : vector<32xi1> -> vector<16xi32>
            %add3A_593 = arith.addi %add3A_556, %all_reduce_population_count3A_592 : vector<16xi32>
            %jit3A_594 = arith.constant 2 : i32
            %div3A_595 = arith.divsi %mul3A_109, %jit3A_594 : i32
            %sign3A_596 = arith.constant 0 : i32
            %sign3A_597 = arith.cmpi sgt, %mul3A_109, %sign3A_596 : i32
            %sign3A_598 = arith.extui %sign3A_597 : i1 to i32
            %sign3A_599 = arith.constant 0 : i32
            %sign3A_600 = arith.cmpi slt, %mul3A_109, %sign3A_599 : i32
            %sign3A_601 = arith.extui %sign3A_600 : i1 to i32
            %sign3A_602 = arith.subi %sign3A_598, %sign3A_601 : i32
            %sign3A_603 = arith.constant 0 : i32
            %sign3A_604 = arith.cmpi sgt, %jit3A_594, %sign3A_603 : i32
            %sign3A_605 = arith.extui %sign3A_604 : i1 to i32
            %sign3A_606 = arith.constant 0 : i32
            %sign3A_607 = arith.cmpi slt, %jit3A_594, %sign3A_606 : i32
            %sign3A_608 = arith.extui %sign3A_607 : i1 to i32
            %sign3A_609 = arith.subi %sign3A_605, %sign3A_608 : i32
            %ne3A_610 = arith.cmpi ne, %sign3A_602, %sign3A_609 : i32
            %rem3A_611 = arith.remsi %mul3A_109, %jit3A_594 : i32
            %ne3A_612 = arith.constant 0 : i32
            %ne3A_613 = arith.cmpi ne, %rem3A_611, %ne3A_612 : i32
            %and3A_614 = arith.andi %ne3A_610, %ne3A_613 : i1
            %sub3A_615 = arith.constant 1 : i32
            %sub3A_616 = arith.subi %div3A_595, %sub3A_615 : i32
            %select_n3A_617 = arith.select %and3A_614, %sub3A_616, %div3A_595 : i32
            %mul3A_618 = arith.constant 16 : i32
            %mul3A_619 = arith.muli %scan3A_157, %mul3A_618 : i32
            %add3A_620 = arith.constant 12 : i32
            %add3A_621 = arith.addi %mul3A_619, %add3A_620 : i32
            %mul3A_622 = arith.constant 16 : i32
            %mul3A_623 = arith.muli %add3A_621, %mul3A_622 : i32
            %add3A_624 = arith.addi %select_n3A_617, %mul3A_623 : i32
            %get3A_625 = arith.index_cast %add3A_624 : i32 to index
            %get3A_626 = tpu.vector_load %arg6[%get3A_625] {strides = array<i32>} : memref<16384xi32, #tpu.memory_space<vmem>>, vector<16xi32>,
            %bitcast3A_627 = vector.bitcast %get3A_626 : vector<16xi32> to vector<32xi16>
            %lt3A_628 = arith.cmpi slt, %bitcast3A_627, %pack3A : vector<32xi16>
            %all_reduce_population_count3A_629 = tpu.all_reduce %lt3A_628 {dim = 0 : i64, kind = #tpu.reduction_kind<sum>} : vector<32xi1> -> vector<16xi32>
            %add3A_630 = arith.addi %add3A_593, %all_reduce_population_count3A_629 : vector<16xi32>
            %jit3A_631 = arith.constant 2 : i32
            %div3A_632 = arith.divsi %mul3A_109, %jit3A_631 : i32
            %sign3A_633 = arith.constant 0 : i32
            %sign3A_634 = arith.cmpi sgt, %mul3A_109, %sign3A_633 : i32
            %sign3A_635 = arith.extui %sign3A_634 : i1 to i32
            %sign3A_636 = arith.constant 0 : i32
            %sign3A_637 = arith.cmpi slt, %mul3A_109, %sign3A_636 : i32
            %sign3A_638 = arith.extui %sign3A_637 : i1 to i32
            %sign3A_639 = arith.subi %sign3A_635, %sign3A_638 : i32
            %sign3A_640 = arith.constant 0 : i32
            %sign3A_641 = arith.cmpi sgt, %jit3A_631, %sign3A_640 : i32
            %sign3A_642 = arith.extui %sign3A_641 : i1 to i32
            %sign3A_643 = arith.constant 0 : i32
            %sign3A_644 = arith.cmpi slt, %jit3A_631, %sign3A_643 : i32
            %sign3A_645 = arith.extui %sign3A_644 : i1 to i32
            %sign3A_646 = arith.subi %sign3A_642, %sign3A_645 : i32
            %ne3A_647 = arith.cmpi ne, %sign3A_639, %sign3A_646 : i32
            %rem3A_648 = arith.remsi %mul3A_109, %jit3A_631 : i32
            %ne3A_649 = arith.constant 0 : i32
            %ne3A_650 = arith.cmpi ne, %rem3A_648, %ne3A_649 : i32
            %and3A_651 = arith.andi %ne3A_647, %ne3A_650 : i1
            %sub3A_652 = arith.constant 1 : i32
            %sub3A_653 = arith.subi %div3A_632, %sub3A_652 : i32
            %select_n3A_654 = arith.select %and3A_651, %sub3A_653, %div3A_632 : i32
            %mul3A_655 = arith.constant 16 : i32
            %mul3A_656 = arith.muli %scan3A_157, %mul3A_655 : i32
            %add3A_657 = arith.constant 13 : i32
            %add3A_658 = arith.addi %mul3A_656, %add3A_657 : i32
            %mul3A_659 = arith.constant 16 : i32
            %mul3A_660 = arith.muli %add3A_658, %mul3A_659 : i32
            %add3A_661 = arith.addi %select_n3A_654, %mul3A_660 : i32
            %get3A_662 = arith.index_cast %add3A_661 : i32 to index
            %get3A_663 = tpu.vector_load %arg6[%get3A_662] {strides = array<i32>} : memref<16384xi32, #tpu.memory_space<vmem>>, vector<16xi32>,
            %bitcast3A_664 = vector.bitcast %get3A_663 : vector<16xi32> to vector<32xi16>
            %lt3A_665 = arith.cmpi slt, %bitcast3A_664, %pack3A : vector<32xi16>
            %all_reduce_population_count3A_666 = tpu.all_reduce %lt3A_665 {dim = 0 : i64, kind = #tpu.reduction_kind<sum>} : vector<32xi1> -> vector<16xi32>
            %add3A_667 = arith.addi %add3A_630, %all_reduce_population_count3A_666 : vector<16xi32>
            %jit3A_668 = arith.constant 2 : i32
            %div3A_669 = arith.divsi %mul3A_109, %jit3A_668 : i32
            %sign3A_670 = arith.constant 0 : i32
            %sign3A_671 = arith.cmpi sgt, %mul3A_109, %sign3A_670 : i32
            %sign3A_672 = arith.extui %sign3A_671 : i1 to i32
            %sign3A_673 = arith.constant 0 : i32
            %sign3A_674 = arith.cmpi slt, %mul3A_109, %sign3A_673 : i32
            %sign3A_675 = arith.extui %sign3A_674 : i1 to i32
            %sign3A_676 = arith.subi %sign3A_672, %sign3A_675 : i32
            %sign3A_677 = arith.constant 0 : i32
            %sign3A_678 = arith.cmpi sgt, %jit3A_668, %sign3A_677 : i32
            %sign3A_679 = arith.extui %sign3A_678 : i1 to i32
            %sign3A_680 = arith.constant 0 : i32
            %sign3A_681 = arith.cmpi slt, %jit3A_668, %sign3A_680 : i32
            %sign3A_682 = arith.extui %sign3A_681 : i1 to i32
            %sign3A_683 = arith.subi %sign3A_679, %sign3A_682 : i32
            %ne3A_684 = arith.cmpi ne, %sign3A_676, %sign3A_683 : i32
            %rem3A_685 = arith.remsi %mul3A_109, %jit3A_668 : i32
            %ne3A_686 = arith.constant 0 : i32
            %ne3A_687 = arith.cmpi ne, %rem3A_685, %ne3A_686 : i32
            %and3A_688 = arith.andi %ne3A_684, %ne3A_687 : i1
            %sub3A_689 = arith.constant 1 : i32
            %sub3A_690 = arith.subi %div3A_669, %sub3A_689 : i32
            %select_n3A_691 = arith.select %and3A_688, %sub3A_690, %div3A_669 : i32
            %mul3A_692 = arith.constant 16 : i32
            %mul3A_693 = arith.muli %scan3A_157, %mul3A_692 : i32
            %add3A_694 = arith.constant 14 : i32
            %add3A_695 = arith.addi %mul3A_693, %add3A_694 : i32
            %mul3A_696 = arith.constant 16 : i32
            %mul3A_697 = arith.muli %add3A_695, %mul3A_696 : i32
            %add3A_698 = arith.addi %select_n3A_691, %mul3A_697 : i32
            %get3A_699 = arith.index_cast %add3A_698 : i32 to index
            %get3A_700 = tpu.vector_load %arg6[%get3A_699] {strides = array<i32>} : memref<16384xi32, #tpu.memory_space<vmem>>, vector<16xi32>,
            %bitcast3A_701 = vector.bitcast %get3A_700 : vector<16xi32> to vector<32xi16>
            %lt3A_702 = arith.cmpi slt, %bitcast3A_701, %pack3A : vector<32xi16>
            %all_reduce_population_count3A_703 = tpu.all_reduce %lt3A_702 {dim = 0 : i64, kind = #tpu.reduction_kind<sum>} : vector<32xi1> -> vector<16xi32>
            %add3A_704 = arith.addi %add3A_667, %all_reduce_population_count3A_703 : vector<16xi32>
            %jit3A_705 = arith.constant 2 : i32
            %div3A_706 = arith.divsi %mul3A_109, %jit3A_705 : i32
            %sign3A_707 = arith.constant 0 : i32
            %sign3A_708 = arith.cmpi sgt, %mul3A_109, %sign3A_707 : i32
            %sign3A_709 = arith.extui %sign3A_708 : i1 to i32
            %sign3A_710 = arith.constant 0 : i32
            %sign3A_711 = arith.cmpi slt, %mul3A_109, %sign3A_710 : i32
            %sign3A_712 = arith.extui %sign3A_711 : i1 to i32
            %sign3A_713 = arith.subi %sign3A_709, %sign3A_712 : i32
            %sign3A_714 = arith.constant 0 : i32
            %sign3A_715 = arith.cmpi sgt, %jit3A_705, %sign3A_714 : i32
            %sign3A_716 = arith.extui %sign3A_715 : i1 to i32
            %sign3A_717 = arith.constant 0 : i32
            %sign3A_718 = arith.cmpi slt, %jit3A_705, %sign3A_717 : i32
            %sign3A_719 = arith.extui %sign3A_718 : i1 to i32
            %sign3A_720 = arith.subi %sign3A_716, %sign3A_719 : i32
            %ne3A_721 = arith.cmpi ne, %sign3A_713, %sign3A_720 : i32
            %rem3A_722 = arith.remsi %mul3A_109, %jit3A_705 : i32
            %ne3A_723 = arith.constant 0 : i32
            %ne3A_724 = arith.cmpi ne, %rem3A_722, %ne3A_723 : i32
            %and3A_725 = arith.andi %ne3A_721, %ne3A_724 : i1
            %sub3A_726 = arith.constant 1 : i32
            %sub3A_727 = arith.subi %div3A_706, %sub3A_726 : i32
            %select_n3A_728 = arith.select %and3A_725, %sub3A_727, %div3A_706 : i32
            %mul3A_729 = arith.constant 16 : i32
            %mul3A_730 = arith.muli %scan3A_157, %mul3A_729 : i32
            %add3A_731 = arith.constant 15 : i32
            %add3A_732 = arith.addi %mul3A_730, %add3A_731 : i32
            %mul3A_733 = arith.constant 16 : i32
            %mul3A_734 = arith.muli %add3A_732, %mul3A_733 : i32
            %add3A_735 = arith.addi %select_n3A_728, %mul3A_734 : i32
            %get3A_736 = arith.index_cast %add3A_735 : i32 to index
            %get3A_737 = tpu.vector_load %arg6[%get3A_736] {strides = array<i32>} : memref<16384xi32, #tpu.memory_space<vmem>>, vector<16xi32>,
            %bitcast3A_738 = vector.bitcast %get3A_737 : vector<16xi32> to vector<32xi16>
            %lt3A_739 = arith.cmpi slt, %bitcast3A_738, %pack3A : vector<32xi16>
            %all_reduce_population_count3A_740 = tpu.all_reduce %lt3A_739 {dim = 0 : i64, kind = #tpu.reduction_kind<sum>} : vector<32xi1> -> vector<16xi32>
            %add3A_741 = arith.addi %add3A_704, %all_reduce_population_count3A_740 : vector<16xi32>
            scf.yield %add3A_741 : vector<16xi32>
          }
          %scan3A_155 = arith.constant 4 : i32
          %add3A_156 = arith.addi %scan3A_124, %scan3A_154 : vector<16xi32>
          %le3A = arith.cmpi sle, %add3A_156, %broadcast_in_dim3A_5 : vector<16xi32>
          %select_n3A = arith.select %le3A, %or3A_143, %scan3A_139 : vector<16xi1>, vector<16xi32>
          scf.yield %select_n3A : vector<16xi32>
        }
        %scan3A_133 = arith.constant 16 : i32
        %shift_left3A = arith.constant 16 : i32
        %shift_left3A_134 = vector.broadcast %shift_left3A : i32 to vector<16xi32>
        %shift_left3A_135 = arith.shli %scan3A_116, %shift_left3A_134 : vector<16xi32>
        %or3A = arith.ori %shift_left3A_135, %scan3A_132 : vector<16xi32>
        %swap3A = arith.index_cast %scan3A_106 : i32 to index
        %swap3A_136 = tpu.vector_load %arg7[%swap3A] masked %eq3A_9 {strides = array<i32>} : memref<32xi32, #tpu.memory_space<vmem>>, vector<16xi32>, vector<16xi1>
        tpu.vector_store %arg7[%swap3A], %or3A masked %eq3A_9 {strides = array<i32>} : memref<32xi32, #tpu.memory_space<vmem>>, vector<16xi32>, vector<16xi1>
        %scan3A_137 = arith.constant 0 : i32
        scf.yield %scan3A_137 : i32
      }
      %scan3A_90 = arith.constant 16 : i32
      %mul3A_91 = arith.constant 256 : i32
      %mul3A_92 = arith.muli %add3A, %mul3A_91 : i32
      %mul3A_93 = arith.constant 16 : i32
      %mul3A_94 = arith.muli %add3A_71, %mul3A_93 : i32
      %add3A_95 = arith.addi %mul3A_92, %mul3A_94 : i32
      "tpu.region"() ({
        %run_scoped3A = tpu.sem_alloc : memref<!tpu.dma_semaphore, #tpu.memory_space<semaphore_mem>>
        %dma_start3A_106 = arith.constant 0 : i32
        %dma_start3A_107 = tpu.memref_slice %arg7[%dma_start3A_106] : memref<32xi32, #tpu.memory_space<vmem>> -> memref<16xi32, #tpu.memory_space<vmem>>
        %dma_start3A_108 = tpu.memref_slice %arg3[%add3A_95] : memref<8192xi32, #tpu.memory_space<hbm>> -> memref<16xi32, #tpu.memory_space<hbm>>
        %dma_start3A_109 = tpu.memref_slice %arg3[%add3A_95] : memref<8192xi32, #tpu.memory_space<hbm>> -> memref<16xi32, #tpu.memory_space<hbm>>
        %dma_start3A_110 = arith.constant 0 : i32
        %dma_start3A_111 = tpu.memref_slice %arg7[%dma_start3A_110] : memref<32xi32, #tpu.memory_space<vmem>> -> memref<16xi32, #tpu.memory_space<vmem>>
        tpu.enqueue_dma source(%dma_start3A_111 : memref<16xi32, #tpu.memory_space<vmem>>) target(%dma_start3A_109 : memref<16xi32, #tpu.memory_space<hbm>>) target_semaphore(%run_scoped3A : memref<!tpu.dma_semaphore, #tpu.memory_space<semaphore_mem>>)
        %dma_wait3A_112 = arith.constant 0 : i32
        %dma_wait3A_113 = tpu.memref_slice %arg7[%dma_wait3A_112] : memref<32xi32, #tpu.memory_space<vmem>> -> memref<16xi32, #tpu.memory_space<vmem>>
        %dma_wait3A_114 = tpu.memref_slice %arg3[%add3A_95] : memref<8192xi32, #tpu.memory_space<hbm>> -> memref<16xi32, #tpu.memory_space<hbm>>
        %dma_wait3A_115 = tpu.memref_slice %arg3[%add3A_95] : memref<8192xi32, #tpu.memory_space<hbm>> -> memref<16xi32, #tpu.memory_space<hbm>>
        %dma_wait3A_116 = arith.constant 0 : i32
        %dma_wait3A_117 = tpu.memref_slice %arg7[%dma_wait3A_116] : memref<32xi32, #tpu.memory_space<vmem>> -> memref<16xi32, #tpu.memory_space<vmem>>
        tpu.wait_dma2 semaphore(%run_scoped3A : memref<!tpu.dma_semaphore, #tpu.memory_space<semaphore_mem>>) src(%dma_wait3A_117 : memref<16xi32, #tpu.memory_space<vmem>>) dst(%dma_wait3A_115 : memref<16xi32, #tpu.memory_space<hbm>>)
        tpu.yield
      }) : () -> ()
      %add3A_96 = arith.constant 2 : i32
      %add3A_97 = arith.addi %add3A_71, %add3A_96 : i32
      %min3A_98 = arith.constant 15 : i32
      %min3A_99 = arith.minsi %add3A_97, %min3A_98 : i32
      %mul3A_100 = arith.constant 32768 : i32
      %mul3A_101 = arith.muli %min3A_99, %mul3A_100 : i32
      %add3A_102 = arith.addi %mul3A_4, %mul3A_101 : i32
      %dma_start3A_103 = tpu.memref_slice %arg2[%add3A_102] : memref<16777216xf32, #tpu.memory_space<hbm>> -> memref<32768xf32, #tpu.memory_space<hbm>>
      %dma_start3A_104 = tpu.memref_slice %arg2[%add3A_102] : memref<16777216xf32, #tpu.memory_space<hbm>> -> memref<32768xf32, #tpu.memory_space<hbm>>
      tpu.enqueue_dma source(%dma_start3A_104 : memref<32768xf32, #tpu.memory_space<hbm>>) target(%arg5 : memref<32768xf32, #tpu.memory_space<vmem>>) target_semaphore(%arg9 : memref<!tpu.dma_semaphore, #tpu.memory_space<semaphore_mem>>)
      %scan3A_105 = arith.constant 0 : i32
      scf.yield %scan3A_105 : i32
    }
    %scan3A_22 = arith.constant 8 : i32
    %add3A_23 = arith.constant 0 : i32
    %add3A_24 = arith.addi %mul3A_4, %add3A_23 : i32
    %dma_wait3A = tpu.memref_slice %arg2[%add3A_24] : memref<16777216xf32, #tpu.memory_space<hbm>> -> memref<32768xf32, #tpu.memory_space<hbm>>
    %dma_wait3A_25 = tpu.memref_slice %arg2[%add3A_24] : memref<16777216xf32, #tpu.memory_space<hbm>> -> memref<32768xf32, #tpu.memory_space<hbm>>
    tpu.wait_dma2 semaphore(%arg8 : memref<!tpu.dma_semaphore, #tpu.memory_space<semaphore_mem>>) src(%dma_wait3A_25 : memref<32768xf32, #tpu.memory_space<hbm>>) dst(%arg4 : memref<32768xf32, #tpu.memory_space<vmem>>)
    %add3A_26 = arith.constant 0 : i32
    %add3A_27 = arith.addi %mul3A_4, %add3A_26 : i32
    %dma_wait3A_28 = tpu.memref_slice %arg2[%add3A_27] : memref<16777216xf32, #tpu.memory_space<hbm>> -> memref<32768xf32, #tpu.memory_space<hbm>>
    %dma_wait3A_29 = tpu.memref_slice %arg2[%add3A_27] : memref<16777216xf32, #tpu.memory_space<hbm>> -> memref<32768xf32, #tpu.memory_space<hbm>>
    tpu.wait_dma2 semaphore(%arg9 : memref<!tpu.dma_semaphore, #tpu.memory_space<semaphore_mem>>) src(%dma_wait3A_29 : memref<32768xf32, #tpu.memory_space<hbm>>) dst(%arg5 : memref<32768xf32, #tpu.memory_space<vmem>>)
    return
  }
}

module attributes {stable_mosaic.version = 14 : i64} {
  func.func @_tc_mask_kernel(%arg0: i32, %arg1: i32, %arg2: memref<1x512x2048xf32, #tpu.memory_space<vmem>>, %arg3: memref<1x512x1xi32, #tpu.memory_space<vmem>>, %arg4: memref<1x512x2048xf32, #tpu.memory_space<vmem>>) attributes {dimension_semantics = [#tpu.dimension_semantics<arbitrary>, #tpu.dimension_semantics<arbitrary>], iteration_bounds = array<i64: 4, 4>, scalar_prefetch = 0 : i64, scratch_operands = 0 : i64, tpu.core_type = #tpu.core_type<tc>, window_params = [{transform_indices = @transform_0, window_bounds = array<i64: 1, 512, 2048>}, {transform_indices = @transform_1, window_bounds = array<i64: 1, 512, 1>}, {transform_indices = @transform_2, window_bounds = array<i64: 1, 512, 2048>}]} {
    %get3A = arith.constant 0 : index
    %get3A_0 = arith.constant 0 : index
    %get3A_1 = arith.constant 0 : index
    %get3A_2 = vector.load %arg2[%get3A, %get3A_0, %get3A_1] : memref<1x512x2048xf32, #tpu.memory_space<vmem>>, vector<1x512x2048xf32>
    %bitcast_convert_type3A = tpu.bitcast %get3A_2 : vector<1x512x2048xf32> -> vector<1x512x2048xi32>
    %and3A = arith.constant 2147483647 : i32
    %and3A_3 = vector.broadcast %and3A : i32 to vector<1x512x2048xi32>
    %and3A_4 = arith.andi %bitcast_convert_type3A, %and3A_3 : vector<1x512x2048xi32>
    %get3A_5 = arith.constant 0 : index
    %get3A_6 = arith.constant 0 : index
    %get3A_7 = arith.constant 0 : index
    %get3A_8 = vector.load %arg3[%get3A_5, %get3A_6, %get3A_7] : memref<1x512x1xi32, #tpu.memory_space<vmem>>, vector<1x512x1xi32>
    %ge3A = vector.broadcast %get3A_8 : vector<1x512x1xi32> to vector<1x512x2048xi32>
    %ge3A_9 = arith.cmpi sge, %and3A_4, %ge3A : vector<1x512x2048xi32>
    %jit3A = arith.constant 0.000000e+00 : f32
    %broadcast_in_dim3A = vector.broadcast %jit3A : f32 to vector<1x512x2048xf32>
    %select_n3A = arith.select %ge3A_9, %get3A_2, %broadcast_in_dim3A : vector<1x512x2048xi1>, vector<1x512x2048xf32>
    %swap3A = arith.constant 0 : index
    %swap3A_10 = arith.constant 0 : index
    %swap3A_11 = arith.constant 0 : index
    %swap3A_12 = vector.load %arg4[%swap3A, %swap3A_10, %swap3A_11] : memref<1x512x2048xf32, #tpu.memory_space<vmem>>, vector<1x512x2048xf32>
    tpu.vector_store %arg4[%swap3A, %swap3A_10, %swap3A_11], %select_n3A {strides = array<i32>} : memref<1x512x2048xf32, #tpu.memory_space<vmem>>, vector<1x512x2048xf32>,
    return
  }
  func.func @transform_0(%arg0: i32, %arg1: i32) -> (i32, i32, i32) {
    %c0_i32 = arith.constant 0 : i32
    %c0_i32_0 = arith.constant 0 : i32
    return %arg0, %arg1, %c0_i32 : i32, i32, i32
  }
  func.func @transform_1(%arg0: i32, %arg1: i32) -> (i32, i32, i32) {
    %c0_i32 = arith.constant 0 : i32
    %c0_i32_0 = arith.constant 0 : i32
    return %arg0, %arg1, %c0_i32 : i32, i32, i32
  }
  func.func @transform_2(%arg0: i32, %arg1: i32) -> (i32, i32, i32) {
    %c0_i32 = arith.constant 0 : i32
    %c0_i32_0 = arith.constant 0 : i32
    return %arg0, %arg1, %c0_i32 : i32, i32, i32
  }
}

</mosaic_0001>

<sc_bundles>
// kernel: kernel.4.cloned.1.call-start
scs
__scs_entry_jumppad:
0x0: {  	(pc) =	sbr.rel $0x88, $3  }
0x1: {  	(tag) =	ssettag $0x0;
	lr =	simm.s32 $0x1  }
0x2: {  	[smem:$0x3FA0] =	sst lr;
	_ =	strace $0xD0000000  }
0x3: {  	_ = 	snop  }
0x4: {  	_ = 	snop  }
0x5: {  	_ = 	snop  }
0x6: {  	_ = 	snop  }
0x7: {  	_ = 	snop  }
__scs_overlays_trampoline_lowered:
0x8: {  	[smem:$0x3FAF] =	sst s0  }
0x9: {  	[smem:$0x3FB0] =	sst s1  }
0xa: {  	[smem:$0x3FB1] =	sst s2  }
0xb: {  	[smem:$0x3FB2] =	sst s3  }
0xc: {  	[smem:$0x3FB3] =	sst s4  }
0xd: {  	[smem:$0x3FB4] =	sst s5  }
0xe: {  	[smem:$0x3FB5] =	sst s6  }
0xf: {  	[smem:$0x3FB6] =	sst s7  }
0x10: {  	[smem:$0x3FB7] =	sst s8  }
0x11: {  	[smem:$0x3FB8] =	sst s9;
	s0 =	simm.s32 @!p0 $0x0  }
0x12: {  	s1 =	sld [smem:$0x3F9E];
	s0 =	simm.s32 @p0 $0x1  }
0x13: {  	[smem:$0x3FB9] =	sst s0;
	s0 =	simm.s32 @!p1 $0x0  }
0x14: {  	s2 =	sld [smem:$0x3F9D];
	s0 =	simm.s32 @p1 $0x1  }
0x15: {  	[smem:$0x3FBA] =	sst s0;
	s0 =	simm.s32 @!p2 $0x0  }
0x16: {  	s3 =	sld [smem:$0x3FDB];
	s0 =	simm.s32 @p2 $0x1  }
0x17: {  	s4 =	simm.s32 $0x1BF5;
	[smem:$0x3FBC] =	sst s0  }
0x18: {  	s0 =	sld [smem:$0x3F9F];
	_ =	swait.ge [sflag:s4], $0x0  }
0x19: {  	s7 =	sld [smem:$0x3FA0]  }
0x1a: {  	s8 =	sadd.s32 $0xFFFFE003, lr  }
0x1b: {  	s9 =	sadd.s32 $0xFFFFFEF7, lr;
	s5 =	simm.s32 $0xFFFFFFFF;
	p2 =	slt.u32 s8, $0xFFFFF086  }
0x1c: {  	p1 =	slt.u32 s9, $0xF7A;
	s5 =	simm.s32 @!p2 $0x0  }
0x1d: {  	s5 =	simm.s32 @p1 $0x1;
	p0 =	seq.s32 s7, s2  }
0x1e: {  	s7 =	smul.u32 @!p0 $0xF7A, s2;
	p2 =	seq.s32 @!p0 s5, $0x0  }
0x1f: {  	s9 =	smul.u32 $0xF7A, s1;
	s8 =	simm.s32 @!p0 $0x1BF5;
	p2 =	por !p2, p0  }
0x20: {  	[sflag:s8] =	ssyncset.s32 @!p0 $0xFFFFF086;
	s6 =	sadd.s32 @!p0 s3, s7;
	s7 =	simm.s32 @!p0 $0x108  }
0x21: {  	s3 =	sadd.s32 s3, s9;
	s6 =	sadd.s32 @!p0 $0x88, s6;
	s7 =	simm.s32 @p2 $0x1082  }
0x22: {  	[simem:s7], [sflag:s8] =	dma.local @!p0 [hbm:s6], $0xF7A  }
0x23: {  	s9 =	sor.u32 $0xD0000000, s2;
	s6 =	simm.s32 $0x108;
	_ =	swait.ge @!p0 [sflag:s8], $0x0  }
0x24: {  	s3 =	sadd.s32 $0x88, s3;
	s6 =	simm.s32 @!p1 $0x1082;
	[sflag:s4] =	ssyncset.s32 $0xFFFFF086  }
0x25: {  	[simem:s6], [sflag:s4] =	dma.local [hbm:s3], $0xF7A  }
0x26: {  	[smem:$0x3FA0] =	sst s1;
	(tag) =	ssettag s2;
	_ =	strace s9  }
0x27: {  	s1 =	sld [smem:$0x3FB0]  }
0x28: {  	s2 =	sld [smem:$0x3FB1]  }
0x29: {  	s4 =	sld [smem:$0x3FB3]  }
0x2a: {  	p0 =	seq.s32 s5, $0x0;
	s5 =	sld [smem:$0x3FB4]  }
0x2b: {  	s6 =	sld [smem:$0x3FB5]  }
0x2c: {  	s7 =	sld [smem:$0x3FB6]  }
0x2d: {  	s3 =	simm.s32 $0x108;
	s8 =	sld [smem:$0x3FB7]  }
0x2e: {  	s3 =	simm.s32 @!p0 $0x1082;
	s9 =	sld [smem:$0x3FB8]  }
0x2f: {  	lr =	sadd.s32 s0, s3;
	s0 =	sld [smem:$0x3FAF]  }
0x30: {  	s3 =	sld [smem:$0x3FB2]  }
0x31: {  	[smem:$0x3FBB] =	sst s10  }
0x32: {  	s10 =	sld [smem:$0x3FB9];
	_ =	sdelay $0x3  }
0x33: {  	p0 =	seq.s32 s10, $0x1;
	s10 =	sld [smem:$0x3FBB];
	_ =	sdelay $0x3  }
0x34: {  	[smem:$0x3FBB] =	sst s10  }
0x35: {  	s10 =	sld [smem:$0x3FBA];
	_ =	sdelay $0x3  }
0x36: {  	p1 =	seq.s32 s10, $0x1;
	s10 =	sld [smem:$0x3FBB];
	_ =	sdelay $0x3  }
0x37: {  	[smem:$0x3FBB] =	sst s10  }
0x38: {  	s10 =	sld [smem:$0x3FBC]  }
0x39: {  	_ = 	snop;
	(pc) =	sbr.ind lr, $3  }
0x3a: {  	_ = 	snop  }
0x3b: {  	_ = 	snop  }
0x3c: {  	p2 =	seq.s32 s10, $0x1;
	s10 =	sld [smem:$0x3FBB]  }
0x3d: {  	_ =	shalt  }
0x3e: {  	_ =	shalt  }
0x3f: {  	_ =	shalt  }
0x40: {  	_ =	shalt  }
0x41: {  	_ =	shalt  }
0x42: {  	_ =	shalt  }
0x43: {  	_ =	shalt  }
0x44: {  	_ =	shalt  }
0x45: {  	_ =	shalt  }
0x46: {  	_ =	shalt  }
0x47: {  	_ =	shalt  }
0x48: {  	_ =	shalt  }
0x49: {  	_ =	shalt  }
0x4a: {  	_ =	shalt  }
0x4b: {  	_ =	shalt  }
0x4c: {  	_ =	shalt  }
0x4d: {  	_ =	shalt  }
0x4e: {  	_ =	shalt  }
0x4f: {  	_ =	shalt  }
0x50: {  	_ =	shalt  }
0x51: {  	_ =	shalt  }
0x52: {  	_ =	shalt  }
0x53: {  	_ =	shalt  }
0x54: {  	_ =	shalt  }
0x55: {  	_ =	shalt  }
0x56: {  	_ =	shalt  }
0x57: {  	_ =	shalt  }
0x58: {  	_ =	shalt  }
0x59: {  	_ =	shalt  }
0x5a: {  	_ =	shalt  }
0x5b: {  	_ =	shalt  }
0x5c: {  	_ =	shalt  }
0x5d: {  	_ =	shalt  }
0x5e: {  	_ =	shalt  }
0x5f: {  	_ =	shalt  }
0x60: {  	_ =	shalt  }
0x61: {  	_ =	shalt  }
0x62: {  	_ =	shalt  }
0x63: {  	_ =	shalt  }
0x64: {  	_ =	shalt  }
0x65: {  	_ =	shalt  }
0x66: {  	_ =	shalt  }
0x67: {  	_ =	shalt  }
0x68: {  	_ =	shalt  }
0x69: {  	_ =	shalt  }
0x6a: {  	_ =	shalt  }
0x6b: {  	_ =	shalt  }
0x6c: {  	_ =	shalt  }
0x6d: {  	_ =	shalt  }
0x6e: {  	_ =	shalt  }
0x6f: {  	_ =	shalt  }
0x70: {  	_ =	shalt  }
0x71: {  	_ =	shalt  }
0x72: {  	_ =	shalt  }
0x73: {  	_ =	shalt  }
0x74: {  	_ =	shalt  }
0x75: {  	_ =	shalt  }
0x76: {  	_ =	shalt  }
0x77: {  	_ =	shalt  }
0x78: {  	_ =	shalt  }
0x79: {  	_ =	shalt  }
0x7a: {  	_ =	shalt  }
0x7b: {  	_ =	shalt  }
0x7c: {  	_ =	shalt  }
0x7d: {  	_ =	shalt  }
0x7e: {  	_ =	shalt  }
0x7f: {  	_ =	shalt  }
0x80: {  	_ =	shalt  }
0x81: {  	_ =	shalt  }
0x82: {  	_ =	shalt  }
0x83: {  	_ =	shalt  }
0x84: {  	_ =	shalt  }
0x85: {  	_ =	shalt  }
0x86: {  	_ =	shalt  }
0x87: {  	_ =	shalt  }
.Lfunc_end0:
.L_simem_size_0:
called_computation.1_lowered:
.L_overlay_start_0:
0x88: {  	s2 =	sld [smem:$0x3FD9]  }
0x89: {  	s3 =	sld [smem:$0x3FFE];
	_ =	sdelay $0x1  }
0x8a: {  	s1 =	srdreg.scid  }
0x8b: {  	s0 =	sand.u32 $0x1, s1  }
0x8c: {  	s17 =	sshll.u32 s0, $0xA;
	s2 =	sadd.s32 s3, s2  }
0x8d: {  	s2 =	sadd.s32 s2, s17  }
0x8e: {  	[smem:$0x3FC7] =	sst s2  }
0x8f: {  	_ = 	snop  }
0x90: {  	s2 =	sld [smem:$0x3FD0];
	(tm) =	ssettm $0x1  }
0x91: {  	s18 =	sld [smem:$0x3FFB];
	_ =	sdelay $0x3  }
0x92: {  	_ =	strace s18  }
0x93: {  	s3 =	sld [smem:$0x3FFC];
	_ =	sdelay $0x3  }
0x94: {  	_ =	strace s3  }
0x95: {  	s3 =	sld [smem:$0x3FFD];
	_ =	sdelay $0x3  }
0x96: {  	_ =	strace s3  }
0x97: {  	_ =	strace $0x8FFFFFFF  }
0x98: {  	s19 =	sld [smem:$0x3FDB];
	_ =	sdelay $0x1  }
0x99: {  	s4 =	simm.s32 $_scs_section_size  }
0x9a: {  	s5 =	simm.s32 $_size__tile_overlayer_lowered;
	s6 =	simm.s32 $_tile_overlayer_lowered  }
0x9b: {  	s22 =	simm.s32 $0x1BFF;
	s21 =	sshll.u32 s6, $0x1;
	s3 =	sadd.s32 s4, s19  }
0x9c: {  	s7 =	simm.s32 $0x0;
	s20 =	sshll.u32 s5, $0x1;
	s5 =	sadd.s32 s21, s3  }
0x9d: {  	[timem:s7], [sflag:s22] =	dma.local [hbm:s5], s20  }
0x9e: {  	_ =	swait.ge [sflag:s22], s20  }
0x9f: {  	s4 =	ssub.s32 $0x0, s20;
	[sflag:s22] =	ssyncset.done $0x0  }
0xa0: {  	[sflag:s22] =	ssyncadd.s32 s4;
	_ =	sdelay $0x1  }
0xa1: {  	s23 =	simm.s32 $0x1B8B  }
0xa2: {  	_ =	swait.ge [sflag:s23], $0x1  }
0xa3: {  	[sflag:s23] =	ssyncset.done $0x0  }
0xa4: {  	s25 =	simm.s32 $0x1B8E;
	s24 =	sld [smem:$0x3FFE];
	[sflag:s23] =	ssyncadd.s32 $0xFFFFFFFF  }
0xa5: {  	s26 =	simm.s32 $execute0_lowered;
	[smem:$0x3FD2] =	sst s25  }
0xa6: {  	s5 =	sshll.u32 s26, $0x1;
	_ =	strace $0x80000049;
	[dreg:$0x1] =	wrdreg $0xFFFFFFFF  }
0xa7: {  	s28 =	simm.s32 $_size_execute0_lowered;
	s3 =	sadd.s32 s3, s5;
	[dreg:$0x0] =	wrdreg $0x0  }
0xa8: {  	s5 =	sshll.u32 s28, $0x1;
	[dreg:$0x2] =	wrdreg s3  }
0xa9: {  	[dreg:$0x3] =	wrdreg s5  }
0xaa: {  	[dreg:$0x4] =	wrdreg $0xC0  }
0xab: {  	_ =	task [dreg:s7], $0x5FFFF  }
0xac: {  	[dreg:$0x1] =	wrdreg $0xFFFFFFFF  }
0xad: {  	[dreg:$0x0] =	wrdreg $0x60  }
0xae: {  	[dreg:$0x2] =	wrdreg s2  }
0xaf: {  	[dreg:$0x3] =	wrdreg s24  }
0xb0: {  	[dreg:$0x4] =	wrdreg $0x9  }
0xb1: {  	_ =	task.clear_ibuf [dreg:s7], $0x5FFFF;
	_ =	strace $0x90000049  }
0xb2: {  	s29 =	simm.s32 $0x9;
	_ =	strace $0x8000004B  }
0xb3: {  	_ =	swait.ge [sflag:s29], $0x1  }
0xb4: {  	[sflag:s29] =	ssyncadd.s32 $0xFFFFFFFF  }
0xb5: {  	_ =	strace $0x9000004B  }
0xb6: {  	_ =	sfence  }
0xb7: {  	s30 =	sld [smem:$0x0];
	_ =	sdelay $0x2  }
0xb8: {  	s31 =	sshll.u32 s1, $0xD;
	s1 =	sshrl.u32 s1, $0x2  }
0xb9: {  	s3 =	sand.u32 $0x4000, s31;
	s1 =	sadd.s32 s1, s30  }
0xba: {  	s0 =	sor.u32 s3, s0;
	s1 =	sshll.u32 s1, $0x11  }
0xbb: {  	s0 =	sor.u32 s1, s0  }
0xbc: {  	s0 =	sadd.s32 $0x8F2B, s0  }
0xbd: {  	[sflag:s0] =	ssyncadd.remote.s32 $0x1  }
0xbe: {  	_ =	sfence.sel $0xFFFF  }
0xbf: {  	[dreg:$0x0] =	wrdreg $0xFFFFFFFF;
	(pc) =	sbr.abs _section_cstart, $3  }
0xc0: {  	[dreg:$0x1] =	wrdreg $0xFFFFFFFF  }
0xc1: {  	_ =	task.clear_ibuf [dreg:s7], $0x2FFFF;
	_ =	strace $0x9FFFFFFF  }
0xc2: {  	(tm) =	ssettm $0x7FFFFFFF  }
0xc3: {  	_ =	shalt  }
tec
execute0_lowered:
.L_overlay_start_1:
0x0: {  	(tag) =	ssettag $0x1  }
0x1: {  	s1 =	rddreg [dreg:$0x0]  }
0x2: {  	s4 =	rddreg [dreg:$0x1]  }
0x3: {  	s0 =	rddreg [dreg:$0x2]  }
0x4: {  	s3 =	simm.s32 $0x0;
	s5 =	srdreg.scid;
	s2 =	stileid.u32  }
0x5: {  	s12 =	simm.s32 $0x8000;
	s13 =	simm.s32 $0x1;
	s14 =	simm.s32 $0x14000  }
0x6: {  	s15 =	simm.s32 $0x3;
	s16 =	simm.s32 $0x2;
	s17 =	simm.s32 $0x0  }
0x7: {  	[smem:$0x7FF] =	sst s3;
	s5 =	sand.u32 $0x1, s5;
	s6 =	sshll.u32 s2, $0x1  }
0x8: {  	s4 =	sadd.s32 $0x800, s4;
	s7 =	ssub.s32 $0x2, s5;
	s8 =	sor.u32 s5, s6  }
0x9: {  	_ =	strace $0x8000004A;
	s31 =	sshrl.u32 s7, $0x1;
	s6 =	sshll.u32 s8, $0x10  }
0xa: {  	s10 =	sshll.u32 s8, $0x13;
	s11 =	ssub.s32 s7, s31;
	s5 =	sadd.s32 s1, s6  }
0xb: {  	s7 =	sshll.u32 s8, $0x8;
	s8 =	sor.u32 $0x10000, s10;
	s10 =	sor.u32 $0x18000, s10  }
0xc: {  	v0 =	vimm.s32 $0x1;
	s6 =	sadd.s32 $0x1000, s5;
	s9 =	sor.u32 $0x10, s7;
	s11 =	smax.u32 s11, $0x1  }
.LBB2_1:
0xd: {  	[tilespmem:s3], [sflag:$0x1] =	stream.linear.gather [hbm4b:s5+s3], $0x8000, $0x38;
	[tilespmem:$0x14080] =	vst v63  }
0xe: {  	s18 =	simm.s32 $0x0  }
0xf: {  	[tilespmem:s12], [sflag:$0x2] =	stream.linear.gather [hbm4b:s6+s3], $0x8000, $0x38;
	[tilespmem:$0x14080] =	vst v63  }
.LBB2_2:
0x10: {  	_ =	swait.ge [sflag:s13], $0x8000  }
0x11: {  	[sflag:s13] =	ssyncset.done $0x0  }
0x12: {  	s19 =	simm.s32 $0x80;
	[sflag:s13] =	ssyncadd.s32 $0xFFFF8000  }
0x13: {  	v1 =	vld [tilespmem:s19+$0xFFFFFF80]  }
0x14: {  	v2 =	vld [tilespmem:s19+$0xFFFFFF90];
	_ =	sdelay $0x4  }
0x15: {  	v1 =	vshrl.u32 v1, $0x10;
	v2 =	vshrl.u32 v2, $0x10  }
0x16: {  	v1 =	vand.u32 $0x7FFF, v1;
	v2 =	vand.u32 $0x7FFF, v2  }
0x17: {  	s21 =	simm.s32 $0x0;
	v1 =	vpack.i.b32.b16 v2, v1  }
0x18: {  	[tilespmem:s21+$0x10000] =	vst v1  }
0x19: {  	v1 =	vld [tilespmem:s19+$0xFFFFFFA0]  }
0x1a: {  	v2 =	vld [tilespmem:s19+$0xFFFFFFB0];
	_ =	sdelay $0x4  }
0x1b: {  	v1 =	vshrl.u32 v1, $0x10;
	v2 =	vshrl.u32 v2, $0x10  }
0x1c: {  	v1 =	vand.u32 $0x7FFF, v1;
	v2 =	vand.u32 $0x7FFF, v2  }
0x1d: {  	v1 =	vpack.i.b32.b16 v2, v1  }
0x1e: {  	[tilespmem:s21+$0x10010] =	vst v1  }
0x1f: {  	v1 =	vld [tilespmem:s19+$0xFFFFFFC0]  }
0x20: {  	v2 =	vld [tilespmem:s19+$0xFFFFFFD0];
	_ =	sdelay $0x4  }
0x21: {  	v1 =	vshrl.u32 v1, $0x10;
	v2 =	vshrl.u32 v2, $0x10  }
0x22: {  	v1 =	vand.u32 $0x7FFF, v1;
	v2 =	vand.u32 $0x7FFF, v2  }
0x23: {  	v1 =	vpack.i.b32.b16 v2, v1  }
0x24: {  	[tilespmem:s21+$0x10020] =	vst v1  }
0x25: {  	v1 =	vld [tilespmem:s19+$0xFFFFFFE0]  }
0x26: {  	v2 =	vld [tilespmem:s19+$0xFFFFFFF0];
	_ =	sdelay $0x4  }
0x27: {  	v1 =	vshrl.u32 v1, $0x10;
	v2 =	vshrl.u32 v2, $0x10  }
0x28: {  	v1 =	vand.u32 $0x7FFF, v1;
	v2 =	vand.u32 $0x7FFF, v2  }
0x29: {  	v1 =	vpack.i.b32.b16 v2, v1  }
0x2a: {  	[tilespmem:s21+$0x10030] =	vst v1  }
0x2b: {  	v1 =	vld [tilespmem:s19+$0x0]  }
0x2c: {  	v2 =	vld [tilespmem:s19+$0x10];
	_ =	sdelay $0x4  }
0x2d: {  	v1 =	vshrl.u32 v1, $0x10;
	v2 =	vshrl.u32 v2, $0x10  }
0x2e: {  	v1 =	vand.u32 $0x7FFF, v1;
	v2 =	vand.u32 $0x7FFF, v2  }
0x2f: {  	v1 =	vpack.i.b32.b16 v2, v1  }
0x30: {  	[tilespmem:s21+$0x10040] =	vst v1  }
0x31: {  	v1 =	vld [tilespmem:s19+$0x20]  }
0x32: {  	v2 =	vld [tilespmem:s19+$0x30];
	_ =	sdelay $0x4  }
0x33: {  	v1 =	vshrl.u32 v1, $0x10;
	v2 =	vshrl.u32 v2, $0x10  }
0x34: {  	v1 =	vand.u32 $0x7FFF, v1;
	v2 =	vand.u32 $0x7FFF, v2  }
0x35: {  	v1 =	vpack.i.b32.b16 v2, v1  }
0x36: {  	[tilespmem:s21+$0x10050] =	vst v1  }
0x37: {  	v1 =	vld [tilespmem:s19+$0x40]  }
0x38: {  	v2 =	vld [tilespmem:s19+$0x50];
	_ =	sdelay $0x4  }
0x39: {  	v1 =	vshrl.u32 v1, $0x10;
	v2 =	vshrl.u32 v2, $0x10  }
0x3a: {  	v1 =	vand.u32 $0x7FFF, v1;
	v2 =	vand.u32 $0x7FFF, v2  }
0x3b: {  	v1 =	vpack.i.b32.b16 v2, v1  }
0x3c: {  	[tilespmem:s21+$0x10060] =	vst v1  }
0x3d: {  	v1 =	vld [tilespmem:s19+$0x60]  }
0x3e: {  	s20 =	simm.s32 $0x0;
	s22 =	simm.s32 $0x200;
	s23 =	simm.s32 $0x80;
	v2 =	vld [tilespmem:s19+$0x70]  }
.LBB2_3:
0x3f: {  	p0 =	sne.s32 s22, $0xFE00  }
0x40: {  	s23 =	sadd.s32 $0x100, s23;
	s24 =	smov.u32 s22;
	s22 =	sadd.s32 $0x200, s22  }
0x41: {  	_ =	sdelay $0x1  }
0x42: {  	v1 =	vshrl.u32 v1, $0x10  }
0x43: {  	v1 =	vand.u32 $0x7FFF, v1;
	v2 =	vshrl.u32 v2, $0x10  }
0x44: {  	v2 =	vand.u32 $0x7FFF, v2  }
0x45: {  	v1 =	vpack.i.b32.b16 v2, v1  }
0x46: {  	[tilespmem:s21+$0x10070] =	vst v1  }
0x47: {  	v1 =	vld [tilespmem:s23+$0xFFFFFF80]  }
0x48: {  	v2 =	vld [tilespmem:s23+$0xFFFFFF90];
	_ =	sdelay $0x3  }
0x49: {  	v1 =	vshrl.u32 v1, $0x10  }
0x4a: {  	v2 =	vshrl.u32 v2, $0x10  }
0x4b: {  	v1 =	vand.u32 $0x7FFF, v1;
	v2 =	vand.u32 $0x7FFF, v2  }
0x4c: {  	s21 =	sshra.s32 s24, $0x2;
	v1 =	vpack.i.b32.b16 v2, v1  }
0x4d: {  	[tilespmem:s21+$0x10000] =	vst v1  }
0x4e: {  	v1 =	vld [tilespmem:s23+$0xFFFFFFA0]  }
0x4f: {  	v2 =	vld [tilespmem:s23+$0xFFFFFFB0];
	_ =	sdelay $0x3  }
0x50: {  	v1 =	vshrl.u32 v1, $0x10  }
0x51: {  	v1 =	vand.u32 $0x7FFF, v1;
	v2 =	vshrl.u32 v2, $0x10  }
0x52: {  	v2 =	vand.u32 $0x7FFF, v2  }
0x53: {  	v1 =	vpack.i.b32.b16 v2, v1  }
0x54: {  	[tilespmem:s21+$0x10010] =	vst v1  }
0x55: {  	v1 =	vld [tilespmem:s23+$0xFFFFFFC0]  }
0x56: {  	v2 =	vld [tilespmem:s23+$0xFFFFFFD0];
	_ =	sdelay $0x3  }
0x57: {  	v1 =	vshrl.u32 v1, $0x10  }
0x58: {  	v1 =	vand.u32 $0x7FFF, v1;
	v2 =	vshrl.u32 v2, $0x10  }
0x59: {  	v2 =	vand.u32 $0x7FFF, v2  }
0x5a: {  	v1 =	vpack.i.b32.b16 v2, v1  }
0x5b: {  	[tilespmem:s21+$0x10020] =	vst v1  }
0x5c: {  	v1 =	vld [tilespmem:s23+$0xFFFFFFE0]  }
0x5d: {  	v2 =	vld [tilespmem:s23+$0xFFFFFFF0];
	_ =	sdelay $0x3  }
0x5e: {  	v1 =	vshrl.u32 v1, $0x10  }
0x5f: {  	v1 =	vand.u32 $0x7FFF, v1;
	v2 =	vshrl.u32 v2, $0x10  }
0x60: {  	v2 =	vand.u32 $0x7FFF, v2  }
0x61: {  	v1 =	vpack.i.b32.b16 v2, v1  }
0x62: {  	[tilespmem:s21+$0x10030] =	vst v1  }
0x63: {  	v1 =	vld [tilespmem:s23+$0x0]  }
0x64: {  	v2 =	vld [tilespmem:s23+$0x10];
	_ =	sdelay $0x3  }
0x65: {  	v1 =	vshrl.u32 v1, $0x10  }
0x66: {  	v1 =	vand.u32 $0x7FFF, v1;
	v2 =	vshrl.u32 v2, $0x10  }
0x67: {  	v2 =	vand.u32 $0x7FFF, v2  }
0x68: {  	v1 =	vpack.i.b32.b16 v2, v1  }
0x69: {  	[tilespmem:s21+$0x10040] =	vst v1  }
0x6a: {  	v1 =	vld [tilespmem:s23+$0x20]  }
0x6b: {  	v2 =	vld [tilespmem:s23+$0x30];
	_ =	sdelay $0x3  }
0x6c: {  	v1 =	vshrl.u32 v1, $0x10  }
0x6d: {  	v1 =	vand.u32 $0x7FFF, v1;
	v2 =	vshrl.u32 v2, $0x10  }
0x6e: {  	v2 =	vand.u32 $0x7FFF, v2  }
0x6f: {  	v1 =	vpack.i.b32.b16 v2, v1  }
0x70: {  	[tilespmem:s21+$0x10050] =	vst v1  }
0x71: {  	v1 =	vld [tilespmem:s23+$0x40]  }
0x72: {  	v2 =	vld [tilespmem:s23+$0x50];
	_ =	sdelay $0x3  }
0x73: {  	v1 =	vshrl.u32 v1, $0x10  }
0x74: {  	v1 =	vand.u32 $0x7FFF, v1;
	v2 =	vshrl.u32 v2, $0x10  }
.Ltmp0:
0x75: {  	v2 =	vand.u32 $0x7FFF, v2;
	(pc) =	sbr.rel @p0 .LBB2_3-.Ltmp0, $4  }
0x76: {  	v1 =	vpack.i.b32.b16 v2, v1  }
0x77: {  	[tilespmem:s21+$0x10060] =	vst v1  }
0x78: {  	v1 =	vld [tilespmem:s23+$0x60]  }
0x79: {  	v2 =	vld [tilespmem:s23+$0x70]  }
0x7a: {  	_ =	sdelay $0x3  }
0x7b: {  	v1 =	vshrl.u32 v1, $0x10;
	v2 =	vshrl.u32 v2, $0x10  }
0x7c: {  	v1 =	vand.u32 $0x7FFF, v1;
	v2 =	vand.u32 $0x7FFF, v2  }
0x7d: {  	v1 =	vpack.i.b32.b16 v2, v1  }
0x7e: {  	s22 =	simm.s32 $0x10070;
	[tilespmem:s21+$0x10070] =	vst v1;
	s21 =	simm.s32 $0x10080  }
.LBB2_5:
0x7f: {  	v2 =	vmov s21;
	_ =	sdelay $0x3  }
0x80: {  	s24 =	simm.s32 $0x0;
	v4 =	vimm.s32 $0x0;
	v1 =	vimm.s32 $0x0  }
.LBB2_6:
0x81: {  	_ =	sdelay $0x2  }
0x82: {  	s26 =	simm.s32 $0x0  }
0x83: {  	s23 =	ssub.s32 $0xE, s24;
	v6 =	vld.idx.msk [tilespmem:v2+s26+$0xFFFFFF80 ss:$0x1], $0xffff  }
0x84: {  	v3 =	vshll.u32 v0, s23;
	v7 =	vld.idx.msk [tilespmem:v2+s26+$0xFFFFFF90 ss:$0x1], $0xffff  }
0x85: {  	v8 =	vld.idx.msk [tilespmem:v2+s26+$0xFFFFFFA0 ss:$0x1], $0xffff;
	v3 =	vbroadcast v3, $0x0  }
0x86: {  	v9 =	vld.idx.msk [tilespmem:v2+s26+$0xFFFFFFB0 ss:$0x1], $0xffff  }
0x87: {  	v10 =	vld.idx.msk [tilespmem:v2+s26+$0xFFFFFFC0 ss:$0x1], $0xffff;
	v3 =	vor.u32 v1, v3  }
0x88: {  	v11 =	vld.idx.msk [tilespmem:v2+s26+$0xFFFFFFD0 ss:$0x1], $0xffff;
	v5 =	vpack.i.b32.b16 v3, v3  }
0x89: {  	v12 =	vld.idx.msk [tilespmem:v2+s26+$0xFFFFFFE0 ss:$0x1], $0xffff;
	vm0 =	vlt.s16 v6, v5  }
0x8a: {  	v13 =	vld.idx.msk [tilespmem:v2+s26+$0xFFFFFFF0 ss:$0x1], $0xffff;
	v6 =	vmpcnt.ones.xlane.b16 vm0;
	vm0 =	vlt.s16 v7, v5  }
0x8b: {  	v14 =	vld.idx.msk [tilespmem:v2+s26+$0x0 ss:$0x1], $0xffff;
	v7 =	vmpcnt.ones.xlane.b16 vm0;
	vm0 =	vlt.s16 v8, v5  }
0x8c: {  	v15 =	vld.idx.msk [tilespmem:v2+s26+$0x10 ss:$0x1], $0xffff;
	v6 =	vadd.s32 v4, v6;
	v8 =	vmpcnt.ones.xlane.b16 vm0;
	vm0 =	vlt.s16 v9, v5  }
0x8d: {  	v7 =	vadd.s32 v7, v6;
	v9 =	vmpcnt.ones.xlane.b16 vm0;
	vm0 =	vlt.s16 v10, v5;
	v6 =	vld.idx.msk [tilespmem:v2+s26+$0x20 ss:$0x1], $0xffff  }
0x8e: {  	v8 =	vadd.s32 v8, v7;
	v10 =	vmpcnt.ones.xlane.b16 vm0;
	vm0 =	vlt.s16 v11, v5;
	v7 =	vld.idx.msk [tilespmem:v2+s26+$0x30 ss:$0x1], $0xffff  }
0x8f: {  	v9 =	vadd.s32 v9, v8;
	v11 =	vmpcnt.ones.xlane.b16 vm0;
	vm0 =	vlt.s16 v12, v5;
	v8 =	vld.idx.msk [tilespmem:v2+s26+$0x40 ss:$0x1], $0xffff  }
0x90: {  	v10 =	vadd.s32 v10, v9;
	v16 =	vmpcnt.ones.xlane.b16 vm0;
	vm0 =	vlt.s16 v13, v5;
	v9 =	vld.idx.msk [tilespmem:v2+s26+$0x50 ss:$0x1], $0xffff  }
0x91: {  	v11 =	vadd.s32 v11, v10;
	v12 =	vmpcnt.ones.xlane.b16 vm0;
	vm0 =	vlt.s16 v14, v5;
	v10 =	vld.idx.msk [tilespmem:v2+s26+$0x60 ss:$0x1], $0xffff  }
0x92: {  	s25 =	simm.s32 $0x800;
	s23 =	simm.s32 $0x100;
	v14 =	vadd.s32 v16, v11;
	v13 =	vmpcnt.ones.xlane.b16 vm0;
	vm0 =	vlt.s16 v15, v5;
	v11 =	vld.idx.msk [tilespmem:v2+s26+$0x70 ss:$0x1], $0xffff  }
.LBB2_7:
0x93: {  	p0 =	sne.s32 s25, $0xC00;
	v15 =	vld.idx.msk [tilespmem:v2+s23+$0xFFFFFF80 ss:$0x1], $0xffff;
	v12 =	vadd.s32 v12, v14;
	v14 =	vmpcnt.ones.xlane.b16 vm0;
	vm0 =	vlt.s16 v6, v5  }
0x94: {  	v6 =	vld.idx.msk [tilespmem:v2+s23+$0xFFFFFF90 ss:$0x1], $0xffff;
	v12 =	vadd.s32 v13, v12;
	v13 =	vmpcnt.ones.xlane.b16 vm0;
	vm0 =	vlt.s16 v7, v5  }
0x95: {  	v7 =	vld.idx.msk [tilespmem:v2+s23+$0xFFFFFFA0 ss:$0x1], $0xffff;
	v12 =	vadd.s32 v14, v12;
	v14 =	vmpcnt.ones.xlane.b16 vm0;
	vm0 =	vlt.s16 v8, v5  }
0x96: {  	v8 =	vld.idx.msk [tilespmem:v2+s23+$0xFFFFFFB0 ss:$0x1], $0xffff;
	v12 =	vadd.s32 v13, v12;
	v13 =	vmpcnt.ones.xlane.b16 vm0;
	vm0 =	vlt.s16 v9, v5  }
0x97: {  	v9 =	vld.idx.msk [tilespmem:v2+s23+$0xFFFFFFC0 ss:$0x1], $0xffff;
	v12 =	vadd.s32 v14, v12;
	v14 =	vmpcnt.ones.xlane.b16 vm0;
	vm0 =	vlt.s16 v10, v5  }
0x98: {  	v10 =	vld.idx.msk [tilespmem:v2+s23+$0xFFFFFFD0 ss:$0x1], $0xffff;
	v12 =	vadd.s32 v13, v12;
	v13 =	vmpcnt.ones.xlane.b16 vm0;
	vm0 =	vlt.s16 v11, v5  }
0x99: {  	vm1 =	vlt.s16 v15, v5;
	v11 =	vld.idx.msk [tilespmem:v2+s23+$0xFFFFFFE0 ss:$0x1], $0xffff;
	v12 =	vadd.s32 v14, v12;
	v14 =	vmpcnt.ones.xlane.b16 vm0  }
0x9a: {  	v15 =	vmpcnt.ones.xlane.b16 vm1;
	vm0 =	vlt.s16 v6, v5;
	v16 =	vld.idx.msk [tilespmem:v2+s23+$0xFFFFFFF0 ss:$0x1], $0xffff;
	v6 =	vadd.s32 v13, v12  }
0x9b: {  	v12 =	vmpcnt.ones.xlane.b16 vm0;
	vm0 =	vlt.s16 v7, v5;
	v13 =	vld.idx.msk [tilespmem:v2+s23+$0x0 ss:$0x1], $0xffff;
	v6 =	vadd.s32 v14, v6  }
0x9c: {  	v7 =	vmpcnt.ones.xlane.b16 vm0;
	vm0 =	vlt.s16 v8, v5;
	v6 =	vadd.s32 v6, v15;
	v15 =	vld.idx.msk [tilespmem:v2+s23+$0x10 ss:$0x1], $0xffff  }
0x9d: {  	v8 =	vadd.s32 v12, v6;
	v12 =	vmpcnt.ones.xlane.b16 vm0;
	vm0 =	vlt.s16 v9, v5;
	v6 =	vld.idx.msk [tilespmem:v2+s23+$0x20 ss:$0x1], $0xffff  }
.Ltmp1:
0x9e: {  	v8 =	vadd.s32 v7, v8;
	v9 =	vmpcnt.ones.xlane.b16 vm0;
	vm0 =	vlt.s16 v10, v5;
	v7 =	vld.idx.msk [tilespmem:v2+s23+$0x30 ss:$0x1], $0xffff;
	(pc) =	sbr.rel @p0 .LBB2_7-.Ltmp1, $4  }
0x9f: {  	v10 =	vadd.s32 v12, v8;
	v12 =	vmpcnt.ones.xlane.b16 vm0;
	vm0 =	vlt.s16 v11, v5;
	v8 =	vld.idx.msk [tilespmem:v2+s23+$0x40 ss:$0x1], $0xffff  }
0xa0: {  	v10 =	vadd.s32 v9, v10;
	v11 =	vmpcnt.ones.xlane.b16 vm0;
	vm0 =	vlt.s16 v16, v5;
	v9 =	vld.idx.msk [tilespmem:v2+s23+$0x50 ss:$0x1], $0xffff  }
0xa1: {  	v14 =	vadd.s32 v12, v10;
	v12 =	vmpcnt.ones.xlane.b16 vm0;
	vm0 =	vlt.s16 v13, v5;
	v10 =	vld.idx.msk [tilespmem:v2+s23+$0x60 ss:$0x1], $0xffff  }
0xa2: {  	v14 =	vadd.s32 v11, v14;
	v13 =	vmpcnt.ones.xlane.b16 vm0;
	vm0 =	vlt.s16 v15, v5;
	v11 =	vld.idx.msk [tilespmem:v2+s23+$0x70 ss:$0x1], $0xffff;
	s23 =	sshra.s32 s25, $0x2;
	s25 =	sadd.s32 $0x400, s25  }
0xa3: {  	_ =	sdelay $0x2  }
0xa4: {  	v12 =	vadd.s32 v12, v14;
	v35 =	vmpcnt.ones.xlane.b16 vm0;
	vm6 =	vlt.s16 v6, v5  }
0xa5: {  	v6 =	vld.idx.msk [tilespmem:v2+s23+$0xFFFFFF80 ss:$0x1], $0xffff;
	vm7 =	vlt.s16 v7, v5;
	v12 =	vadd.s32 v13, v12;
	v36 =	vmpcnt.ones.xlane.b16 vm6  }
0xa6: {  	v7 =	vld.idx.msk [tilespmem:v2+s23+$0xFFFFFF90 ss:$0x1], $0xffff;
	v37 =	vmpcnt.ones.xlane.b16 vm7;
	vm8 =	vlt.s16 v8, v5;
	v12 =	vadd.s32 v35, v12  }
0xa7: {  	v38 =	vld.idx.msk [tilespmem:v2+s23+$0xFFFFFFA0 ss:$0x1], $0xffff;
	v39 =	vmpcnt.ones.xlane.b16 vm8;
	vm9 =	vlt.s16 v9, v5;
	v12 =	vadd.s32 v36, v12  }
0xa8: {  	v40 =	vld.idx.msk [tilespmem:v2+s23+$0xFFFFFFB0 ss:$0x1], $0xffff;
	v41 =	vmpcnt.ones.xlane.b16 vm9;
	vm10 =	vlt.s16 v10, v5;
	v12 =	vadd.s32 v37, v12  }
0xa9: {  	v42 =	vld.idx.msk [tilespmem:v2+s23+$0xFFFFFFC0 ss:$0x1], $0xffff;
	v43 =	vmpcnt.ones.xlane.b16 vm10;
	vm11 =	vlt.s16 v11, v5;
	v12 =	vadd.s32 v39, v12  }
0xaa: {  	v44 =	vld.idx.msk [tilespmem:v2+s23+$0xFFFFFFD0 ss:$0x1], $0xffff;
	vm1 =	vlt.s16 v6, v5;
	v45 =	vmpcnt.ones.xlane.b16 vm11;
	v6 =	vadd.s32 v41, v12  }
0xab: {  	v46 =	vld.idx.msk [tilespmem:v2+s23+$0xFFFFFFE0 ss:$0x1], $0xffff;
	vm12 =	vlt.s16 v7, v5;
	v15 =	vmpcnt.ones.xlane.b16 vm1;
	v6 =	vadd.s32 v43, v6  }
0xac: {  	v7 =	vld.idx.msk [tilespmem:v2+s23+$0xFFFFFFF0 ss:$0x1], $0xffff;
	vm13 =	vlt.s16 v38, v5;
	v47 =	vmpcnt.ones.xlane.b16 vm12;
	v6 =	vadd.s32 v45, v6  }
0xad: {  	v48 =	vld.idx.msk [tilespmem:v2+s23+$0x0 ss:$0x1], $0xffff;
	vm14 =	vlt.s16 v40, v5;
	v49 =	vmpcnt.ones.xlane.b16 vm13;
	v6 =	vadd.s32 v6, v15  }
0xae: {  	v50 =	vld.idx.msk [tilespmem:v2+s23+$0x10 ss:$0x1], $0xffff;
	vm15 =	vlt.s16 v42, v5;
	v51 =	vmpcnt.ones.xlane.b16 vm14;
	v6 =	vadd.s32 v47, v6  }
0xaf: {  	v52 =	vld.idx.msk [tilespmem:v2+s23+$0x20 ss:$0x1], $0xffff;
	vm4 =	vlt.s16 v44, v5;
	v53 =	vmpcnt.ones.xlane.b16 vm15;
	v6 =	vadd.s32 v49, v6  }
0xb0: {  	v54 =	vld.idx.msk [tilespmem:v2+s23+$0x30 ss:$0x1], $0xffff;
	vm5 =	vlt.s16 v46, v5;
	v55 =	vmpcnt.ones.xlane.b16 vm4;
	v6 =	vadd.s32 v51, v6  }
0xb1: {  	v56 =	vld.idx.msk [tilespmem:v2+s23+$0x40 ss:$0x1], $0xffff;
	v57 =	vmpcnt.ones.xlane.b16 vm5;
	vm6 =	vlt.s16 v7, v5;
	v6 =	vadd.s32 v53, v6  }
0xb2: {  	vm7 =	vlt.s16 v48, v5;
	v7 =	vld.idx.msk [tilespmem:v2+s23+$0x50 ss:$0x1], $0xffff;
	v58 =	vmpcnt.ones.xlane.b16 vm6;
	v6 =	vadd.s32 v55, v6  }
0xb3: {  	v59 =	vld.idx.msk [tilespmem:v2+s23+$0x60 ss:$0x1], $0xffff;
	vm8 =	vlt.s16 v50, v5;
	v60 =	vmpcnt.ones.xlane.b16 vm7;
	v6 =	vadd.s32 v57, v6  }
0xb4: {  	v61 =	vld.idx.msk [tilespmem:v2+s23+$0x70 ss:$0x1], $0xffff;
	vm9 =	vlt.s16 v52, v5;
	v62 =	vmpcnt.ones.xlane.b16 vm8;
	v6 =	vadd.s32 v58, v6  }
0xb5: {  	vm10 =	vlt.s16 v54, v5;
	v10 =	vmpcnt.ones.xlane.b16 vm9;
	v6 =	vadd.s32 v60, v6  }
0xb6: {  	vm11 =	vlt.s16 v56, v5;
	v11 =	vmpcnt.ones.xlane.b16 vm10;
	v6 =	vadd.s32 v62, v6  }
0xb7: {  	v63 =	vmpcnt.ones.xlane.b16 vm11;
	vm12 =	vlt.s16 v7, v5;
	v6 =	vadd.s32 v10, v6  }
0xb8: {  	s24 =	sadd.s32 $0x1, s24;
	vm13 =	vlt.s16 v59, v5;
	v7 =	vmpcnt.ones.xlane.b16 vm12;
	v6 =	vadd.s32 v11, v6  }
0xb9: {  	p0 =	sne.s32 s24, $0xF;
	vm14 =	vlt.s16 v61, v5;
	v8 =	vmpcnt.ones.xlane.b16 vm13;
	v6 =	vadd.s32 v63, v6  }
.Ltmp2:
0xba: {  	v5 =	vadd.s32 v7, v6;
	v6 =	vmpcnt.ones.xlane.b16 vm14;
	(pc) =	sbr.rel @p0 .LBB2_6-.Ltmp2, $4  }
0xbb: {  	v5 =	vadd.s32 v8, v5  }
0xbc: {  	v5 =	vadd.s32 v6, v5  }
0xbd: {  	vm15 =	vlt.s32 v5, $0x734  }
0xbe: {  	s23 =	simm.s32 $0x0;
	v1 =	vsel vm15, v3, v1;
	v3 =	vimm.s32 $0x0  }
0xbf: {  	v4 =	vld [tilespmem:s19+$0xFFFFFF90]  }
0xc0: {  	v5 =	vld [tilespmem:s19+$0xFFFFFF80];
	_ =	sdelay $0x3  }
0xc1: {  	v6 =	vshrl.u32 v4, $0x10  }
0xc2: {  	v4 =	vand.u32 $0xFFFF, v4;
	v7 =	vshrl.u32 v5, $0x10;
	v5 =	vand.u32 $0xFFFF, v5  }
0xc3: {  	v6 =	vand.u32 $0x7FFF, v6;
	v7 =	vand.u32 $0x7FFF, v7;
	v5 =	vxor.u32 $0x8000, v5  }
0xc4: {  	v4 =	vxor.u32 $0x8000, v4;
	vm0 =	veq.s32 v6, v1;
	vm1 =	veq.s32 v7, v1  }
0xc5: {  	v5 =	vnsel vm1, $0x7FFF, v5;
	v4 =	vnsel vm0, $0x7FFF, v4  }
0xc6: {  	s24 =	sadd.s32 $0x0, s22;
	v4 =	vpack.i.b32.b16 v4, v5  }
0xc7: {  	[tilespmem:s24+$0xFFFFFF90] =	vst v4  }
0xc8: {  	v4 =	vld [tilespmem:s19+$0xFFFFFFA0]  }
0xc9: {  	v5 =	vld [tilespmem:s19+$0xFFFFFFB0];
	_ =	sdelay $0x3  }
0xca: {  	v8 =	vshrl.u32 v4, $0x10  }
0xcb: {  	v9 =	vshrl.u32 v5, $0x10;
	v5 =	vand.u32 $0xFFFF, v5;
	v4 =	vand.u32 $0xFFFF, v4  }
0xcc: {  	v8 =	vand.u32 $0x7FFF, v8;
	v9 =	vand.u32 $0x7FFF, v9;
	v4 =	vxor.u32 $0x8000, v4  }
0xcd: {  	v5 =	vxor.u32 $0x8000, v5;
	vm0 =	veq.s32 v8, v1;
	vm1 =	veq.s32 v9, v1  }
0xce: {  	v4 =	vnsel vm0, $0x7FFF, v4;
	v5 =	vnsel vm1, $0x7FFF, v5  }
0xcf: {  	v4 =	vpack.i.b32.b16 v5, v4  }
0xd0: {  	[tilespmem:s24+$0xFFFFFFA0] =	vst v4  }
0xd1: {  	v4 =	vld [tilespmem:s19+$0xFFFFFFC0]  }
0xd2: {  	v5 =	vld [tilespmem:s19+$0xFFFFFFD0];
	_ =	sdelay $0x3  }
0xd3: {  	v10 =	vshrl.u32 v4, $0x10  }
0xd4: {  	v4 =	vand.u32 $0xFFFF, v4;
	v11 =	vshrl.u32 v5, $0x10;
	v5 =	vand.u32 $0xFFFF, v5  }
0xd5: {  	v10 =	vand.u32 $0x7FFF, v10;
	v11 =	vand.u32 $0x7FFF, v11;
	v4 =	vxor.u32 $0x8000, v4  }
0xd6: {  	v5 =	vxor.u32 $0x8000, v5;
	vm0 =	veq.s32 v10, v1;
	vm1 =	veq.s32 v11, v1  }
0xd7: {  	v4 =	vnsel vm0, $0x7FFF, v4;
	v5 =	vnsel vm1, $0x7FFF, v5  }
0xd8: {  	v4 =	vpack.i.b32.b16 v5, v4  }
0xd9: {  	[tilespmem:s24+$0xFFFFFFB0] =	vst v4  }
0xda: {  	v4 =	vld [tilespmem:s19+$0xFFFFFFE0]  }
0xdb: {  	v5 =	vld [tilespmem:s19+$0xFFFFFFF0];
	_ =	sdelay $0x4  }
0xdc: {  	vm0 =	vlt.s32 v7, v1;
	v12 =	vshrl.u32 v4, $0x10;
	v63 =	vshrl.u32 v5, $0x10  }
0xdd: {  	v5 =	vand.u32 $0xFFFF, v5;
	v4 =	vand.u32 $0xFFFF, v4;
	v7 =	vand.u32 $0x7FFF, v12  }
0xde: {  	v12 =	vand.u32 $0x7FFF, v63;
	v4 =	vxor.u32 $0x8000, v4;
	vm1 =	veq.s32 v7, v1  }
0xdf: {  	v5 =	vxor.u32 $0x8000, v5;
	v4 =	vnsel vm1, $0x7FFF, v4;
	vm1 =	veq.s32 v12, v1  }
0xe0: {  	v5 =	vnsel vm1, $0x7FFF, v5;
	vm1 =	vlt.s32 v6, v1;
	v6 =	vmpcnt.ones.xlane vm0  }
0xe1: {  	vm0 =	vlt.s32 v8, v1;
	v4 =	vpack.i.b32.b16 v5, v4;
	v5 =	vmpcnt.ones.xlane vm1  }
0xe2: {  	vm1 =	vlt.s32 v9, v1;
	[tilespmem:s24+$0xFFFFFFC0] =	vst v4;
	v4 =	vadd.s32 v3, v6;
	v6 =	vmpcnt.ones.xlane vm0  }
0xe3: {  	vm0 =	vlt.s32 v10, v1;
	v4 =	vadd.s32 v5, v4;
	v5 =	vmpcnt.ones.xlane vm1;
	v8 =	vld [tilespmem:s19+$0x0]  }
0xe4: {  	v10 =	vld [tilespmem:s19+$0x10];
	v4 =	vadd.s32 v6, v4;
	v6 =	vmpcnt.ones.xlane vm0;
	vm0 =	vlt.s32 v11, v1  }
0xe5: {  	v4 =	vadd.s32 v5, v4;
	v5 =	vmpcnt.ones.xlane vm0  }
0xe6: {  	vm0 =	vlt.s32 v7, v1;
	v4 =	vadd.s32 v6, v4  }
0xe7: {  	v4 =	vadd.s32 v5, v4;
	v5 =	vmpcnt.ones.xlane vm0  }
0xe8: {  	vm0 =	vlt.s32 v12, v1;
	v6 =	vshrl.u32 v8, $0x10;
	v8 =	vand.u32 $0xFFFF, v8  }
0xe9: {  	s26 =	simm.s32 $0x200;
	s28 =	smov.u32 s19;
	s25 =	smov.u32 s19;
	v9 =	vshrl.u32 v10, $0x10;
	v7 =	vand.u32 $0xFFFF, v10;
	v6 =	vand.u32 $0x7FFF, v6  }
.LBB2_10:
0xea: {  	p0 =	sne.s32 s26, $0xE00  }
0xeb: {  	v8 =	vxor.u32 $0x8000, v8;
	v9 =	vand.u32 $0x7FFF, v9;
	s28 =	sadd.s32 $0x100, s28;
	s29 =	smov.u32 s26;
	s26 =	sadd.s32 $0x200, s26  }
0xec: {  	vm1 =	veq.s32 v6, v1;
	v7 =	vxor.u32 $0x8000, v7;
	vm2 =	veq.s32 v9, v1  }
0xed: {  	v8 =	vnsel vm1, $0x7FFF, v8;
	v7 =	vnsel vm2, $0x7FFF, v7  }
0xee: {  	v7 =	vpack.i.b32.b16 v7, v8  }
0xef: {  	[tilespmem:s24+$0xFFFFFFD0] =	vst v7  }
0xf0: {  	v7 =	vld [tilespmem:s25+$0x20]  }
0xf1: {  	v8 =	vld [tilespmem:s25+$0x30]  }
0xf2: {  	v10 =	vmpcnt.ones.xlane vm0  }
0xf3: {  	v4 =	vadd.s32 v5, v4  }
0xf4: {  	vm0 =	vlt.s32 v9, v1;
	v4 =	vadd.s32 v10, v4  }
0xf5: {  	vm1 =	vlt.s32 v6, v1;
	v5 =	vshrl.u32 v7, $0x10;
	v6 =	vand.u32 $0xFFFF, v7  }
0xf6: {  	v5 =	vand.u32 $0x7FFF, v5;
	v7 =	vshrl.u32 v8, $0x10;
	v8 =	vand.u32 $0xFFFF, v8  }
0xf7: {  	vm2 =	veq.s32 v5, v1;
	v7 =	vand.u32 $0x7FFF, v7;
	v8 =	vxor.u32 $0x8000, v8  }
0xf8: {  	v6 =	vxor.u32 $0x8000, v6;
	vm4 =	vlt.s32 v5, v1;
	vm3 =	veq.s32 v7, v1  }
0xf9: {  	v5 =	vmpcnt.ones.xlane vm1;
	v6 =	vnsel vm2, $0x7FFF, v6;
	v8 =	vnsel vm3, $0x7FFF, v8  }
0xfa: {  	v9 =	vmpcnt.ones.xlane vm0;
	vm0 =	vlt.s32 v7, v1;
	v6 =	vpack.i.b32.b16 v8, v6  }
0xfb: {  	s29 =	sshra.s32 s29, $0x2;
	v4 =	vadd.s32 v5, v4;
	v5 =	vmpcnt.ones.xlane vm4;
	v7 =	vmpcnt.ones.xlane vm0;
	[tilespmem:s24+$0xFFFFFFE0] =	vst v6  }
0xfc: {  	s29 =	sadd.s32 s29, s22;
	v4 =	vadd.s32 v9, v4;
	v6 =	vld [tilespmem:s25+$0x40]  }
0xfd: {  	v4 =	vadd.s32 v5, v4;
	v5 =	vld [tilespmem:s25+$0x50]  }
0xfe: {  	v4 =	vadd.s32 v7, v4;
	_ =	sdelay $0x2  }
0xff: {  	v7 =	vshrl.u32 v6, $0x10;
	v6 =	vand.u32 $0xFFFF, v6  }
0x100: {  	v7 =	vand.u32 $0x7FFF, v7;
	v8 =	vshrl.u32 v5, $0x10;
	v5 =	vand.u32 $0xFFFF, v5  }
0x101: {  	vm0 =	veq.s32 v7, v1;
	v8 =	vand.u32 $0x7FFF, v8;
	v5 =	vxor.u32 $0x8000, v5  }
0x102: {  	v6 =	vxor.u32 $0x8000, v6;
	vm2 =	vlt.s32 v7, v1;
	vm1 =	veq.s32 v8, v1  }
0x103: {  	v6 =	vnsel vm0, $0x7FFF, v6;
	v7 =	vmpcnt.ones.xlane vm2;
	v5 =	vnsel vm1, $0x7FFF, v5  }
0x104: {  	vm0 =	vlt.s32 v8, v1;
	v5 =	vpack.i.b32.b16 v5, v6  }
0x105: {  	v6 =	vmpcnt.ones.xlane vm0;
	[tilespmem:s24+$0xFFFFFFF0] =	vst v5  }
0x106: {  	v5 =	vld [tilespmem:s25+$0x60]  }
0x107: {  	v8 =	vld [tilespmem:s25+$0x70];
	s25 =	smov.u32 s28;
	_ =	sdelay $0x3  }
0x108: {  	v4 =	vadd.s32 v7, v4;
	v7 =	vshrl.u32 v5, $0x10;
	v5 =	vand.u32 $0xFFFF, v5  }
0x109: {  	v5 =	vxor.u32 $0x8000, v5;
	v9 =	vshrl.u32 v8, $0x10;
	v8 =	vand.u32 $0xFFFF, v8  }
0x10a: {  	v7 =	vand.u32 $0x7FFF, v7;
	v9 =	vand.u32 $0x7FFF, v9;
	v8 =	vxor.u32 $0x8000, v8  }
0x10b: {  	vm0 =	veq.s32 v7, v1;
	vm2 =	vlt.s32 v7, v1;
	vm1 =	veq.s32 v9, v1  }
0x10c: {  	v5 =	vnsel vm0, $0x7FFF, v5;
	vm0 =	vlt.s32 v9, v1;
	v7 =	vnsel vm1, $0x7FFF, v8  }
0x10d: {  	v8 =	vmpcnt.ones.xlane vm2;
	v9 =	vmpcnt.ones.xlane vm0;
	v5 =	vpack.i.b32.b16 v7, v5  }
0x10e: {  	v4 =	vadd.s32 v6, v4;
	[tilespmem:s24+$0x0] =	vst v5;
	s24 =	smov.u32 s29  }
0x10f: {  	v4 =	vadd.s32 v8, v4;
	v5 =	vld [tilespmem:s28+$0xFFFFFF90]  }
0x110: {  	v4 =	vadd.s32 v9, v4;
	v6 =	vld [tilespmem:s28+$0xFFFFFF80];
	_ =	sdelay $0x3  }
0x111: {  	v7 =	vshrl.u32 v5, $0x10;
	v5 =	vand.u32 $0xFFFF, v5  }
0x112: {  	v8 =	vshrl.u32 v6, $0x10;
	v6 =	vand.u32 $0xFFFF, v6;
	v7 =	vand.u32 $0x7FFF, v7  }
0x113: {  	v8 =	vand.u32 $0x7FFF, v8;
	vm1 =	veq.s32 v7, v1;
	vm0 =	vlt.s32 v7, v1  }
0x114: {  	v5 =	vxor.u32 $0x8000, v5;
	v6 =	vxor.u32 $0x8000, v6;
	vm2 =	veq.s32 v8, v1  }
0x115: {  	v5 =	vnsel vm1, $0x7FFF, v5;
	vm1 =	vlt.s32 v8, v1;
	v6 =	vnsel vm2, $0x7FFF, v6  }
0x116: {  	v7 =	vmpcnt.ones.xlane vm1;
	v5 =	vpack.i.b32.b16 v5, v6  }
0x117: {  	[tilespmem:s24+$0xFFFFFF90] =	vst v5  }
0x118: {  	v4 =	vadd.s32 v4, v7;
	v5 =	vld [tilespmem:s28+$0xFFFFFFA0]  }
0x119: {  	v6 =	vld [tilespmem:s28+$0xFFFFFFB0];
	_ =	sdelay $0x3  }
0x11a: {  	v7 =	vshrl.u32 v5, $0x10  }
0x11b: {  	v7 =	vand.u32 $0x7FFF, v7;
	v8 =	vshrl.u32 v6, $0x10;
	v6 =	vand.u32 $0xFFFF, v6  }
0x11c: {  	v5 =	vand.u32 $0xFFFF, v5;
	vm1 =	veq.s32 v7, v1;
	v8 =	vand.u32 $0x7FFF, v8  }
0x11d: {  	v5 =	vxor.u32 $0x8000, v5;
	v6 =	vxor.u32 $0x8000, v6;
	vm2 =	veq.s32 v8, v1  }
0x11e: {  	v5 =	vnsel vm1, $0x7FFF, v5;
	vm1 =	vlt.s32 v7, v1;
	v6 =	vnsel vm2, $0x7FFF, v6  }
0x11f: {  	vm2 =	vlt.s32 v8, v1;
	v5 =	vpack.i.b32.b16 v6, v5  }
0x120: {  	[tilespmem:s24+$0xFFFFFFA0] =	vst v5  }
0x121: {  	v5 =	vld [tilespmem:s28+$0xFFFFFFC0]  }
0x122: {  	v6 =	vld [tilespmem:s28+$0xFFFFFFD0]  }
0x123: {  	v7 =	vmpcnt.ones.xlane vm0  }
0x124: {  	v8 =	vmpcnt.ones.xlane vm1  }
0x125: {  	v4 =	vadd.s32 v7, v4;
	v7 =	vmpcnt.ones.xlane vm2  }
0x126: {  	v4 =	vadd.s32 v8, v4;
	v8 =	vshrl.u32 v5, $0x10;
	v5 =	vand.u32 $0xFFFF, v5  }
0x127: {  	v8 =	vand.u32 $0x7FFF, v8;
	v9 =	vshrl.u32 v6, $0x10;
	v6 =	vand.u32 $0xFFFF, v6  }
0x128: {  	vm0 =	veq.s32 v8, v1;
	v9 =	vand.u32 $0x7FFF, v9;
	vm1 =	vlt.s32 v8, v1  }
0x129: {  	v5 =	vxor.u32 $0x8000, v5;
	v6 =	vxor.u32 $0x8000, v6;
	vm2 =	veq.s32 v9, v1  }
0x12a: {  	v5 =	vnsel vm0, $0x7FFF, v5;
	v8 =	vmpcnt.ones.xlane vm1;
	v6 =	vnsel vm2, $0x7FFF, v6  }
0x12b: {  	v4 =	vadd.s32 v7, v4;
	vm0 =	vlt.s32 v9, v1;
	v5 =	vpack.i.b32.b16 v6, v5  }
0x12c: {  	v4 =	vadd.s32 v8, v4;
	v6 =	vmpcnt.ones.xlane vm0;
	[tilespmem:s24+$0xFFFFFFB0] =	vst v5  }
0x12d: {  	v5 =	vld [tilespmem:s28+$0xFFFFFFE0]  }
0x12e: {  	v4 =	vadd.s32 v6, v4;
	v6 =	vld [tilespmem:s28+$0xFFFFFFF0];
	_ =	sdelay $0x3  }
0x12f: {  	v7 =	vshrl.u32 v5, $0x10  }
0x130: {  	v7 =	vand.u32 $0x7FFF, v7;
	v8 =	vshrl.u32 v6, $0x10;
	v6 =	vand.u32 $0xFFFF, v6  }
0x131: {  	v5 =	vand.u32 $0xFFFF, v5;
	vm0 =	veq.s32 v7, v1;
	v8 =	vand.u32 $0x7FFF, v8  }
0x132: {  	v5 =	vxor.u32 $0x8000, v5;
	v6 =	vxor.u32 $0x8000, v6;
	vm1 =	veq.s32 v8, v1  }
0x133: {  	v9 =	vnsel vm0, $0x7FFF, v5;
	vm0 =	vlt.s32 v7, v1;
	v6 =	vnsel vm1, $0x7FFF, v6  }
0x134: {  	v5 =	vmpcnt.ones.xlane vm0;
	vm0 =	vlt.s32 v8, v1;
	v6 =	vpack.i.b32.b16 v6, v9  }
0x135: {  	[tilespmem:s24+$0xFFFFFFC0] =	vst v6  }
0x136: {  	v6 =	vld [tilespmem:s28+$0x0]  }
0x137: {  	v7 =	vld [tilespmem:s28+$0x10]  }
.Ltmp3:
0x138: {  	(pc) =	sbr.rel @p0 .LBB2_10-.Ltmp3, $3  }
0x139: {  	_ =	sdelay $0x1  }
0x13a: {  	v9 =	vshrl.u32 v6, $0x10;
	v8 =	vand.u32 $0xFFFF, v6  }
0x13b: {  	v6 =	vand.u32 $0x7FFF, v9;
	v9 =	vshrl.u32 v7, $0x10;
	v7 =	vand.u32 $0xFFFF, v7  }
0x13c: {  	v8 =	vxor.u32 $0x8000, v8;
	v9 =	vand.u32 $0x7FFF, v9  }
0x13d: {  	vm1 =	veq.s32 v6, v1;
	v7 =	vxor.u32 $0x8000, v7;
	vm2 =	veq.s32 v9, v1  }
0x13e: {  	v8 =	vnsel vm1, $0x7FFF, v8;
	v7 =	vnsel vm2, $0x7FFF, v7  }
0x13f: {  	v7 =	vpack.i.b32.b16 v7, v8  }
0x140: {  	[tilespmem:s24+$0xFFFFFFD0] =	vst v7  }
0x141: {  	v7 =	vld [tilespmem:s25+$0x20]  }
0x142: {  	v60 =	vld [tilespmem:s25+$0x30];
	_ =	sdelay $0x3  }
0x143: {  	v10 =	vshrl.u32 v7, $0x10  }
0x144: {  	v7 =	vand.u32 $0xFFFF, v7;
	v11 =	vshrl.u32 v60, $0x10;
	v8 =	vand.u32 $0xFFFF, v60  }
0x145: {  	v10 =	vand.u32 $0x7FFF, v10;
	v11 =	vand.u32 $0x7FFF, v11;
	v8 =	vxor.u32 $0x8000, v8  }
0x146: {  	v7 =	vxor.u32 $0x8000, v7;
	vm14 =	veq.s32 v10, v1;
	vm15 =	veq.s32 v11, v1  }
0x147: {  	v7 =	vnsel vm14, $0x7FFF, v7;
	v8 =	vnsel vm15, $0x7FFF, v8  }
0x148: {  	v7 =	vpack.i.b32.b16 v8, v7  }
0x149: {  	[tilespmem:s24+$0xFFFFFFE0] =	vst v7  }
0x14a: {  	v7 =	vld [tilespmem:s25+$0x40]  }
0x14b: {  	v61 =	vld [tilespmem:s25+$0x50];
	_ =	sdelay $0x3  }
0x14c: {  	v12 =	vshrl.u32 v7, $0x10  }
0x14d: {  	v7 =	vand.u32 $0xFFFF, v7;
	v13 =	vshrl.u32 v61, $0x10;
	v8 =	vand.u32 $0xFFFF, v61  }
0x14e: {  	v12 =	vand.u32 $0x7FFF, v12;
	v13 =	vand.u32 $0x7FFF, v13;
	v8 =	vxor.u32 $0x8000, v8  }
0x14f: {  	v7 =	vxor.u32 $0x8000, v7;
	vm4 =	veq.s32 v12, v1;
	vm5 =	veq.s32 v13, v1  }
0x150: {  	v7 =	vnsel vm4, $0x7FFF, v7;
	v8 =	vnsel vm5, $0x7FFF, v8  }
0x151: {  	vm6 =	vlt.s32 v6, v1;
	v6 =	vmpcnt.ones.xlane vm0;
	v7 =	vpack.i.b32.b16 v8, v7  }
0x152: {  	v4 =	vadd.s32 v5, v4;
	vm7 =	vlt.s32 v9, v1;
	v5 =	vmpcnt.ones.xlane vm6;
	[tilespmem:s24+$0xFFFFFFF0] =	vst v7  }
0x153: {  	v4 =	vadd.s32 v6, v4;
	v6 =	vmpcnt.ones.xlane vm7;
	vm8 =	vlt.s32 v10, v1;
	v7 =	vld [tilespmem:s25+$0x60]  }
0x154: {  	v4 =	vadd.s32 v5, v4;
	vm9 =	vlt.s32 v11, v1;
	v5 =	vmpcnt.ones.xlane vm8;
	v62 =	vld [tilespmem:s25+$0x70]  }
0x155: {  	v4 =	vadd.s32 v6, v4;
	v6 =	vmpcnt.ones.xlane vm9;
	vm10 =	vlt.s32 v12, v1  }
0x156: {  	v4 =	vadd.s32 v5, v4;
	vm11 =	vlt.s32 v13, v1;
	v5 =	vmpcnt.ones.xlane vm10  }
0x157: {  	v4 =	vadd.s32 v6, v4;
	v6 =	vmpcnt.ones.xlane vm11  }
0x158: {  	v4 =	vadd.s32 v5, v4;
	v5 =	vshrl.u32 v7, $0x10;
	v7 =	vand.u32 $0xFFFF, v7  }
0x159: {  	v63 =	vshrl.u32 v62, $0x10;
	v8 =	vand.u32 $0xFFFF, v62;
	v7 =	vxor.u32 $0x8000, v7  }
0x15a: {  	v5 =	vand.u32 $0x7FFF, v5;
	v9 =	vand.u32 $0x7FFF, v63;
	v8 =	vxor.u32 $0x8000, v8  }
0x15b: {  	vm12 =	veq.s32 v5, v1;
	vm13 =	veq.s32 v9, v1;
	vm14 =	vlt.s32 v5, v1  }
0x15c: {  	vm15 =	vlt.s32 v9, v1;
	v5 =	vnsel vm12, $0x7FFF, v7;
	v7 =	vmpcnt.ones.xlane vm14  }
0x15d: {  	v4 =	vadd.s32 v6, v4;
	v8 =	vnsel vm13, $0x7FFF, v8;
	v9 =	vmpcnt.ones.xlane vm15  }
0x15e: {  	v5 =	vpack.i.b32.b16 v8, v5;
	v4 =	vadd.s32 v7, v4  }
0x15f: {  	[tilespmem:s24+$0x0] =	vst v5;
	v4 =	vadd.s32 v9, v4  }
.LBB2_12:
0x160: {  	_ =	sdelay $0x1  }
0x161: {  	s24 =	sxor.u32 $0xF, s23  }
0x162: {  	s26 =	simm.s32 $0x0;
	v5 =	vshll.u32 v0, s24  }
0x163: {  	v7 =	vld.idx.msk [tilespmem:v2+s26+$0xFFFFFF80 ss:$0x1], $0xffff;
	v5 =	vbroadcast v5, $0x0  }
0x164: {  	v8 =	vld.idx.msk [tilespmem:v2+s26+$0xFFFFFF90 ss:$0x1], $0xffff  }
0x165: {  	v9 =	vld.idx.msk [tilespmem:v2+s26+$0xFFFFFFA0 ss:$0x1], $0xffff;
	v5 =	vor.u32 v3, v5  }
0x166: {  	v10 =	vld.idx.msk [tilespmem:v2+s26+$0xFFFFFFB0 ss:$0x1], $0xffff;
	v6 =	vand.u32 $0xFFFF, v5  }
0x167: {  	v11 =	vld.idx.msk [tilespmem:v2+s26+$0xFFFFFFC0 ss:$0x1], $0xffff;
	v6 =	vxor.u32 $0x8000, v6  }
0x168: {  	v12 =	vld.idx.msk [tilespmem:v2+s26+$0xFFFFFFD0 ss:$0x1], $0xffff;
	v6 =	vpack.i.b32.b16 v6, v6  }
0x169: {  	v13 =	vld.idx.msk [tilespmem:v2+s26+$0xFFFFFFE0 ss:$0x1], $0xffff;
	vm0 =	vlt.s16 v7, v6  }
0x16a: {  	v14 =	vld.idx.msk [tilespmem:v2+s26+$0xFFFFFFF0 ss:$0x1], $0xffff;
	v7 =	vmpcnt.ones.xlane.b16 vm0;
	vm0 =	vlt.s16 v8, v6  }
0x16b: {  	v16 =	vld.idx.msk [tilespmem:v2+s26+$0x0 ss:$0x1], $0xffff;
	v8 =	vimm.s32 $0x0;
	v15 =	vmpcnt.ones.xlane.b16 vm0;
	vm0 =	vlt.s16 v9, v6  }
0x16c: {  	v17 =	vld.idx.msk [tilespmem:v2+s26+$0x10 ss:$0x1], $0xffff;
	v7 =	vadd.s32 v8, v7;
	v8 =	vmpcnt.ones.xlane.b16 vm0;
	vm0 =	vlt.s16 v10, v6  }
0x16d: {  	v9 =	vadd.s32 v15, v7;
	v10 =	vmpcnt.ones.xlane.b16 vm0;
	vm0 =	vlt.s16 v11, v6;
	v7 =	vld.idx.msk [tilespmem:v2+s26+$0x20 ss:$0x1], $0xffff  }
0x16e: {  	v9 =	vadd.s32 v8, v9;
	v11 =	vmpcnt.ones.xlane.b16 vm0;
	vm0 =	vlt.s16 v12, v6;
	v8 =	vld.idx.msk [tilespmem:v2+s26+$0x30 ss:$0x1], $0xffff  }
0x16f: {  	v10 =	vadd.s32 v10, v9;
	v12 =	vmpcnt.ones.xlane.b16 vm0;
	vm0 =	vlt.s16 v13, v6;
	v9 =	vld.idx.msk [tilespmem:v2+s26+$0x40 ss:$0x1], $0xffff  }
0x170: {  	v11 =	vadd.s32 v11, v10;
	v15 =	vmpcnt.ones.xlane.b16 vm0;
	vm0 =	vlt.s16 v14, v6;
	v10 =	vld.idx.msk [tilespmem:v2+s26+$0x50 ss:$0x1], $0xffff  }
0x171: {  	v12 =	vadd.s32 v12, v11;
	v13 =	vmpcnt.ones.xlane.b16 vm0;
	vm0 =	vlt.s16 v16, v6;
	v11 =	vld.idx.msk [tilespmem:v2+s26+$0x60 ss:$0x1], $0xffff  }
0x172: {  	s25 =	simm.s32 $0x800;
	s24 =	simm.s32 $0x100;
	v15 =	vadd.s32 v15, v12;
	v14 =	vmpcnt.ones.xlane.b16 vm0;
	vm0 =	vlt.s16 v17, v6;
	v12 =	vld.idx.msk [tilespmem:v2+s26+$0x70 ss:$0x1], $0xffff  }
.LBB2_13:
0x173: {  	p0 =	sne.s32 s25, $0xC00;
	v16 =	vld.idx.msk [tilespmem:v2+s24+$0xFFFFFF80 ss:$0x1], $0xffff;
	v13 =	vadd.s32 v13, v15;
	v15 =	vmpcnt.ones.xlane.b16 vm0;
	vm0 =	vlt.s16 v7, v6  }
0x174: {  	v7 =	vld.idx.msk [tilespmem:v2+s24+$0xFFFFFF90 ss:$0x1], $0xffff;
	v13 =	vadd.s32 v14, v13;
	v14 =	vmpcnt.ones.xlane.b16 vm0;
	vm0 =	vlt.s16 v8, v6  }
0x175: {  	v8 =	vld.idx.msk [tilespmem:v2+s24+$0xFFFFFFA0 ss:$0x1], $0xffff;
	v13 =	vadd.s32 v15, v13;
	v15 =	vmpcnt.ones.xlane.b16 vm0;
	vm0 =	vlt.s16 v9, v6  }
0x176: {  	v9 =	vld.idx.msk [tilespmem:v2+s24+$0xFFFFFFB0 ss:$0x1], $0xffff;
	v13 =	vadd.s32 v14, v13;
	v14 =	vmpcnt.ones.xlane.b16 vm0;
	vm0 =	vlt.s16 v10, v6  }
0x177: {  	v10 =	vld.idx.msk [tilespmem:v2+s24+$0xFFFFFFC0 ss:$0x1], $0xffff;
	v13 =	vadd.s32 v15, v13;
	v15 =	vmpcnt.ones.xlane.b16 vm0;
	vm0 =	vlt.s16 v11, v6  }
0x178: {  	v11 =	vld.idx.msk [tilespmem:v2+s24+$0xFFFFFFD0 ss:$0x1], $0xffff;
	v13 =	vadd.s32 v14, v13;
	v14 =	vmpcnt.ones.xlane.b16 vm0;
	vm0 =	vlt.s16 v12, v6  }
0x179: {  	vm1 =	vlt.s16 v16, v6;
	v12 =	vld.idx.msk [tilespmem:v2+s24+$0xFFFFFFE0 ss:$0x1], $0xffff;
	v13 =	vadd.s32 v15, v13;
	v15 =	vmpcnt.ones.xlane.b16 vm0  }
0x17a: {  	v16 =	vmpcnt.ones.xlane.b16 vm1;
	vm0 =	vlt.s16 v7, v6;
	v17 =	vld.idx.msk [tilespmem:v2+s24+$0xFFFFFFF0 ss:$0x1], $0xffff;
	v7 =	vadd.s32 v14, v13  }
0x17b: {  	v13 =	vmpcnt.ones.xlane.b16 vm0;
	vm0 =	vlt.s16 v8, v6;
	v14 =	vld.idx.msk [tilespmem:v2+s24+$0x0 ss:$0x1], $0xffff;
	v7 =	vadd.s32 v15, v7  }
0x17c: {  	v8 =	vmpcnt.ones.xlane.b16 vm0;
	vm0 =	vlt.s16 v9, v6;
	v7 =	vadd.s32 v7, v16;
	v16 =	vld.idx.msk [tilespmem:v2+s24+$0x10 ss:$0x1], $0xffff  }
0x17d: {  	v9 =	vadd.s32 v13, v7;
	v13 =	vmpcnt.ones.xlane.b16 vm0;
	vm0 =	vlt.s16 v10, v6;
	v7 =	vld.idx.msk [tilespmem:v2+s24+$0x20 ss:$0x1], $0xffff  }
.Ltmp4:
0x17e: {  	v9 =	vadd.s32 v8, v9;
	v10 =	vmpcnt.ones.xlane.b16 vm0;
	vm0 =	vlt.s16 v11, v6;
	v8 =	vld.idx.msk [tilespmem:v2+s24+$0x30 ss:$0x1], $0xffff;
	(pc) =	sbr.rel @p0 .LBB2_13-.Ltmp4, $4  }
0x17f: {  	v11 =	vadd.s32 v13, v9;
	v13 =	vmpcnt.ones.xlane.b16 vm0;
	vm0 =	vlt.s16 v12, v6;
	v9 =	vld.idx.msk [tilespmem:v2+s24+$0x40 ss:$0x1], $0xffff  }
0x180: {  	v11 =	vadd.s32 v10, v11;
	v12 =	vmpcnt.ones.xlane.b16 vm0;
	vm0 =	vlt.s16 v17, v6;
	v10 =	vld.idx.msk [tilespmem:v2+s24+$0x50 ss:$0x1], $0xffff  }
0x181: {  	v15 =	vadd.s32 v13, v11;
	v13 =	vmpcnt.ones.xlane.b16 vm0;
	vm0 =	vlt.s16 v14, v6;
	v11 =	vld.idx.msk [tilespmem:v2+s24+$0x60 ss:$0x1], $0xffff  }
0x182: {  	v15 =	vadd.s32 v12, v15;
	v14 =	vmpcnt.ones.xlane.b16 vm0;
	vm0 =	vlt.s16 v16, v6;
	v12 =	vld.idx.msk [tilespmem:v2+s24+$0x70 ss:$0x1], $0xffff;
	s24 =	sshra.s32 s25, $0x2;
	s25 =	sadd.s32 $0x400, s25  }
0x183: {  	_ =	sdelay $0x2  }
0x184: {  	v13 =	vadd.s32 v13, v15;
	v32 =	vmpcnt.ones.xlane.b16 vm0;
	vm6 =	vlt.s16 v7, v6  }
0x185: {  	v7 =	vld.idx.msk [tilespmem:v2+s24+$0xFFFFFF80 ss:$0x1], $0xffff;
	vm7 =	vlt.s16 v8, v6;
	v13 =	vadd.s32 v14, v13;
	v33 =	vmpcnt.ones.xlane.b16 vm6  }
0x186: {  	v34 =	vld.idx.msk [tilespmem:v2+s24+$0xFFFFFF90 ss:$0x1], $0xffff;
	v35 =	vmpcnt.ones.xlane.b16 vm7;
	vm8 =	vlt.s16 v9, v6;
	v13 =	vadd.s32 v32, v13  }
0x187: {  	v36 =	vld.idx.msk [tilespmem:v2+s24+$0xFFFFFFA0 ss:$0x1], $0xffff;
	v37 =	vmpcnt.ones.xlane.b16 vm8;
	vm9 =	vlt.s16 v10, v6;
	v13 =	vadd.s32 v33, v13  }
0x188: {  	v38 =	vld.idx.msk [tilespmem:v2+s24+$0xFFFFFFB0 ss:$0x1], $0xffff;
	v39 =	vmpcnt.ones.xlane.b16 vm9;
	vm10 =	vlt.s16 v11, v6;
	v13 =	vadd.s32 v35, v13  }
0x189: {  	v40 =	vld.idx.msk [tilespmem:v2+s24+$0xFFFFFFC0 ss:$0x1], $0xffff;
	v41 =	vmpcnt.ones.xlane.b16 vm10;
	vm11 =	vlt.s16 v12, v6;
	v13 =	vadd.s32 v37, v13  }
0x18a: {  	v42 =	vld.idx.msk [tilespmem:v2+s24+$0xFFFFFFD0 ss:$0x1], $0xffff;
	vm1 =	vlt.s16 v7, v6;
	v43 =	vmpcnt.ones.xlane.b16 vm11;
	v7 =	vadd.s32 v39, v13  }
0x18b: {  	v44 =	vld.idx.msk [tilespmem:v2+s24+$0xFFFFFFE0 ss:$0x1], $0xffff;
	vm12 =	vlt.s16 v34, v6;
	v16 =	vmpcnt.ones.xlane.b16 vm1;
	v7 =	vadd.s32 v41, v7  }
0x18c: {  	v45 =	vld.idx.msk [tilespmem:v2+s24+$0xFFFFFFF0 ss:$0x1], $0xffff;
	vm13 =	vlt.s16 v36, v6;
	v46 =	vmpcnt.ones.xlane.b16 vm12;
	v7 =	vadd.s32 v43, v7  }
0x18d: {  	v47 =	vld.idx.msk [tilespmem:v2+s24+$0x0 ss:$0x1], $0xffff;
	vm14 =	vlt.s16 v38, v6;
	v48 =	vmpcnt.ones.xlane.b16 vm13;
	v7 =	vadd.s32 v7, v16  }
0x18e: {  	v49 =	vld.idx.msk [tilespmem:v2+s24+$0x10 ss:$0x1], $0xffff;
	vm15 =	vlt.s16 v40, v6;
	v50 =	vmpcnt.ones.xlane.b16 vm14;
	v7 =	vadd.s32 v46, v7  }
0x18f: {  	v51 =	vld.idx.msk [tilespmem:v2+s24+$0x20 ss:$0x1], $0xffff;
	vm4 =	vlt.s16 v42, v6;
	v52 =	vmpcnt.ones.xlane.b16 vm15;
	v7 =	vadd.s32 v48, v7  }
0x190: {  	v53 =	vld.idx.msk [tilespmem:v2+s24+$0x30 ss:$0x1], $0xffff;
	vm5 =	vlt.s16 v44, v6;
	v54 =	vmpcnt.ones.xlane.b16 vm4;
	v7 =	vadd.s32 v50, v7  }
0x191: {  	v55 =	vld.idx.msk [tilespmem:v2+s24+$0x40 ss:$0x1], $0xffff;
	vm6 =	vlt.s16 v45, v6;
	v56 =	vmpcnt.ones.xlane.b16 vm5;
	v7 =	vadd.s32 v52, v7  }
0x192: {  	v57 =	vld.idx.msk [tilespmem:v2+s24+$0x50 ss:$0x1], $0xffff;
	vm7 =	vlt.s16 v47, v6;
	v58 =	vmpcnt.ones.xlane.b16 vm6;
	v7 =	vadd.s32 v54, v7  }
0x193: {  	v59 =	vld.idx.msk [tilespmem:v2+s24+$0x60 ss:$0x1], $0xffff;
	vm8 =	vlt.s16 v49, v6;
	v60 =	vmpcnt.ones.xlane.b16 vm7;
	v7 =	vadd.s32 v56, v7  }
0x194: {  	v61 =	vld.idx.msk [tilespmem:v2+s24+$0x70 ss:$0x1], $0xffff;
	vm9 =	vlt.s16 v51, v6;
	v62 =	vmpcnt.ones.xlane.b16 vm8;
	v7 =	vadd.s32 v58, v7  }
0x195: {  	vm10 =	vlt.s16 v53, v6;
	v11 =	vmpcnt.ones.xlane.b16 vm9;
	v7 =	vadd.s32 v60, v7  }
0x196: {  	vm11 =	vlt.s16 v55, v6;
	v12 =	vmpcnt.ones.xlane.b16 vm10;
	v7 =	vadd.s32 v62, v7  }
0x197: {  	v63 =	vmpcnt.ones.xlane.b16 vm11;
	vm12 =	vlt.s16 v57, v6;
	v7 =	vadd.s32 v11, v7  }
0x198: {  	vm13 =	vlt.s16 v59, v6;
	v8 =	vmpcnt.ones.xlane.b16 vm12;
	v7 =	vadd.s32 v12, v7  }
0x199: {  	s23 =	sadd.s32 $0x1, s23;
	vm14 =	vlt.s16 v61, v6;
	v9 =	vmpcnt.ones.xlane.b16 vm13;
	v7 =	vadd.s32 v63, v7  }
0x19a: {  	p0 =	sne.s32 s23, $0x10;
	v6 =	vadd.s32 v8, v7;
	v7 =	vmpcnt.ones.xlane.b16 vm14  }
.Ltmp5:
0x19b: {  	v6 =	vadd.s32 v9, v6;
	(pc) =	sbr.rel @p0 .LBB2_12-.Ltmp5, $4  }
0x19c: {  	v6 =	vadd.s32 v7, v6  }
0x19d: {  	v6 =	vadd.s32 v4, v6  }
0x19e: {  	vm15 =	vlt.s32 v6, $0x734  }
0x19f: {  	v3 =	vsel vm15, v5, v3  }
0x1a0: {  	v1 =	vshll.u32 v1, $0x10  }
0x1a1: {  	v1 =	vor.u32 v1, v3  }
0x1a2: {  	[tilespmem:s20+$0x14000] =	vst.msk $0x1, v1;
	s20 =	sadd.s32 $0x1, s20  }
0x1a3: {  	p0 =	sne.s32 s20, $0x10  }
.Ltmp6:
0x1a4: {  	_ = 	snop;
	(pc) =	sbr.rel @p0 .LBB2_5-.Ltmp6, $2  }
0x1a5: {  	_ =	sdelay $0x2  }
0x1a6: {  	s21 =	sadd.s32 $0x400, s21;
	s19 =	sadd.s32 $0x800, s19;
	s22 =	sadd.s32 $0x400, s22  }
0x1a7: {  	s20 =	sshll.u32 s18, $0x5  }
0x1a8: {  	s19 =	sor.u32 s7, s20  }
0x1a9: {  	s21 =	sshrl.u32 s19, $0x3;
	s19 =	sshll.u32 s18, $0x1  }
0x1aa: {  	s22 =	sadd.s32 s4, s21;
	s21 =	simm.s32 $0x0;
	s31 =	smin.u32 s19, $0xD  }
0x1ab: {  	[hbm4b:s22+s21] =	stream.linear.scatter [tilespmem:s14], [sflag:$0x3], $0x10, $0x38;
	[tilespmem:$0x14080] =	vst v63  }
0x1ac: {  	s22 =	sshll.u32 s31, $0xF  }
0x1ad: {  	_ =	swait.ge [sflag:s15], $0x10;
	s22 =	sadd.s32 s22, s8  }
0x1ae: {  	[sflag:s15] =	ssyncset.done $0x0;
	s22 =	sshrl.u32 s22, $0x3  }
0x1af: {  	[sflag:s15] =	ssyncadd.s32 $0xFFFFFFF0;
	s22 =	sadd.s32 s1, s22  }
0x1b0: {  	[tilespmem:s21], [sflag:$0x1] =	stream.linear.gather [hbm4b:s22+s21], $0x8000, $0x38;
	[tilespmem:$0x14080] =	vst v63  }
0x1b1: {  	_ =	swait.ge [sflag:s16], $0x8000  }
0x1b2: {  	[sflag:s16] =	ssyncset.done $0x0  }
0x1b3: {  	s22 =	simm.s32 $0x8080;
	[sflag:s16] =	ssyncadd.s32 $0xFFFF8000  }
0x1b4: {  	v1 =	vld [tilespmem:s22+$0xFFFFFF80]  }
0x1b5: {  	v2 =	vld [tilespmem:s22+$0xFFFFFF90];
	_ =	sdelay $0x4  }
0x1b6: {  	v1 =	vshrl.u32 v1, $0x10;
	v2 =	vshrl.u32 v2, $0x10  }
0x1b7: {  	v1 =	vand.u32 $0x7FFF, v1;
	v2 =	vand.u32 $0x7FFF, v2  }
0x1b8: {  	s23 =	simm.s32 $0x0;
	v1 =	vpack.i.b32.b16 v2, v1  }
0x1b9: {  	[tilespmem:s23+$0x10000] =	vst v1  }
0x1ba: {  	v1 =	vld [tilespmem:s22+$0xFFFFFFA0]  }
0x1bb: {  	v2 =	vld [tilespmem:s22+$0xFFFFFFB0];
	_ =	sdelay $0x4  }
0x1bc: {  	v1 =	vshrl.u32 v1, $0x10;
	v2 =	vshrl.u32 v2, $0x10  }
0x1bd: {  	v1 =	vand.u32 $0x7FFF, v1;
	v2 =	vand.u32 $0x7FFF, v2  }
0x1be: {  	v1 =	vpack.i.b32.b16 v2, v1  }
0x1bf: {  	[tilespmem:s23+$0x10010] =	vst v1  }
0x1c0: {  	v1 =	vld [tilespmem:s22+$0xFFFFFFC0]  }
0x1c1: {  	v2 =	vld [tilespmem:s22+$0xFFFFFFD0];
	_ =	sdelay $0x4  }
0x1c2: {  	v1 =	vshrl.u32 v1, $0x10;
	v2 =	vshrl.u32 v2, $0x10  }
0x1c3: {  	v1 =	vand.u32 $0x7FFF, v1;
	v2 =	vand.u32 $0x7FFF, v2  }
0x1c4: {  	v1 =	vpack.i.b32.b16 v2, v1  }
0x1c5: {  	[tilespmem:s23+$0x10020] =	vst v1  }
0x1c6: {  	v1 =	vld [tilespmem:s22+$0xFFFFFFE0]  }
0x1c7: {  	v2 =	vld [tilespmem:s22+$0xFFFFFFF0];
	_ =	sdelay $0x4  }
0x1c8: {  	v1 =	vshrl.u32 v1, $0x10;
	v2 =	vshrl.u32 v2, $0x10  }
0x1c9: {  	v1 =	vand.u32 $0x7FFF, v1;
	v2 =	vand.u32 $0x7FFF, v2  }
0x1ca: {  	v1 =	vpack.i.b32.b16 v2, v1  }
0x1cb: {  	[tilespmem:s23+$0x10030] =	vst v1  }
0x1cc: {  	v1 =	vld [tilespmem:s22+$0x0]  }
0x1cd: {  	v2 =	vld [tilespmem:s22+$0x10];
	_ =	sdelay $0x4  }
0x1ce: {  	v1 =	vshrl.u32 v1, $0x10;
	v2 =	vshrl.u32 v2, $0x10  }
0x1cf: {  	v1 =	vand.u32 $0x7FFF, v1;
	v2 =	vand.u32 $0x7FFF, v2  }
0x1d0: {  	v1 =	vpack.i.b32.b16 v2, v1  }
0x1d1: {  	[tilespmem:s23+$0x10040] =	vst v1  }
0x1d2: {  	v1 =	vld [tilespmem:s22+$0x20]  }
0x1d3: {  	v2 =	vld [tilespmem:s22+$0x30];
	_ =	sdelay $0x4  }
0x1d4: {  	v1 =	vshrl.u32 v1, $0x10;
	v2 =	vshrl.u32 v2, $0x10  }
0x1d5: {  	v1 =	vand.u32 $0x7FFF, v1;
	v2 =	vand.u32 $0x7FFF, v2  }
0x1d6: {  	v1 =	vpack.i.b32.b16 v2, v1  }
0x1d7: {  	[tilespmem:s23+$0x10050] =	vst v1  }
0x1d8: {  	v1 =	vld [tilespmem:s22+$0x40]  }
0x1d9: {  	v2 =	vld [tilespmem:s22+$0x50];
	_ =	sdelay $0x4  }
0x1da: {  	v1 =	vshrl.u32 v1, $0x10;
	v2 =	vshrl.u32 v2, $0x10  }
0x1db: {  	v1 =	vand.u32 $0x7FFF, v1;
	v2 =	vand.u32 $0x7FFF, v2  }
0x1dc: {  	v1 =	vpack.i.b32.b16 v2, v1  }
0x1dd: {  	[tilespmem:s23+$0x10060] =	vst v1  }
0x1de: {  	v1 =	vld [tilespmem:s22+$0x60]  }
0x1df: {  	s24 =	simm.s32 $0x200;
	s25 =	simm.s32 $0x8080;
	v2 =	vld [tilespmem:s22+$0x70]  }
.LBB2_17:
0x1e0: {  	p0 =	sne.s32 s24, $0xFE00  }
0x1e1: {  	s25 =	sadd.s32 $0x100, s25;
	s26 =	smov.u32 s24;
	s24 =	sadd.s32 $0x200, s24  }
0x1e2: {  	_ =	sdelay $0x1  }
0x1e3: {  	v1 =	vshrl.u32 v1, $0x10  }
0x1e4: {  	v1 =	vand.u32 $0x7FFF, v1;
	v2 =	vshrl.u32 v2, $0x10  }
0x1e5: {  	v2 =	vand.u32 $0x7FFF, v2  }
0x1e6: {  	v1 =	vpack.i.b32.b16 v2, v1  }
0x1e7: {  	[tilespmem:s23+$0x10070] =	vst v1  }
0x1e8: {  	v1 =	vld [tilespmem:s25+$0xFFFFFF80]  }
0x1e9: {  	v2 =	vld [tilespmem:s25+$0xFFFFFF90];
	_ =	sdelay $0x3  }
0x1ea: {  	v1 =	vshrl.u32 v1, $0x10  }
0x1eb: {  	v2 =	vshrl.u32 v2, $0x10  }
0x1ec: {  	v1 =	vand.u32 $0x7FFF, v1;
	v2 =	vand.u32 $0x7FFF, v2  }
0x1ed: {  	s23 =	sshra.s32 s26, $0x2;
	v1 =	vpack.i.b32.b16 v2, v1  }
0x1ee: {  	[tilespmem:s23+$0x10000] =	vst v1  }
0x1ef: {  	v1 =	vld [tilespmem:s25+$0xFFFFFFA0]  }
0x1f0: {  	v2 =	vld [tilespmem:s25+$0xFFFFFFB0];
	_ =	sdelay $0x3  }
0x1f1: {  	v1 =	vshrl.u32 v1, $0x10  }
0x1f2: {  	v1 =	vand.u32 $0x7FFF, v1;
	v2 =	vshrl.u32 v2, $0x10  }
0x1f3: {  	v2 =	vand.u32 $0x7FFF, v2  }
0x1f4: {  	v1 =	vpack.i.b32.b16 v2, v1  }
0x1f5: {  	[tilespmem:s23+$0x10010] =	vst v1  }
0x1f6: {  	v1 =	vld [tilespmem:s25+$0xFFFFFFC0]  }
0x1f7: {  	v2 =	vld [tilespmem:s25+$0xFFFFFFD0];
	_ =	sdelay $0x3  }
0x1f8: {  	v1 =	vshrl.u32 v1, $0x10  }
0x1f9: {  	v1 =	vand.u32 $0x7FFF, v1;
	v2 =	vshrl.u32 v2, $0x10  }
0x1fa: {  	v2 =	vand.u32 $0x7FFF, v2  }
0x1fb: {  	v1 =	vpack.i.b32.b16 v2, v1  }
0x1fc: {  	[tilespmem:s23+$0x10020] =	vst v1  }
0x1fd: {  	v1 =	vld [tilespmem:s25+$0xFFFFFFE0]  }
0x1fe: {  	v2 =	vld [tilespmem:s25+$0xFFFFFFF0];
	_ =	sdelay $0x3  }
0x1ff: {  	v1 =	vshrl.u32 v1, $0x10  }
0x200: {  	v1 =	vand.u32 $0x7FFF, v1;
	v2 =	vshrl.u32 v2, $0x10  }
0x201: {  	v2 =	vand.u32 $0x7FFF, v2  }
0x202: {  	v1 =	vpack.i.b32.b16 v2, v1  }
0x203: {  	[tilespmem:s23+$0x10030] =	vst v1  }
0x204: {  	v1 =	vld [tilespmem:s25+$0x0]  }
0x205: {  	v2 =	vld [tilespmem:s25+$0x10];
	_ =	sdelay $0x3  }
0x206: {  	v1 =	vshrl.u32 v1, $0x10  }
0x207: {  	v1 =	vand.u32 $0x7FFF, v1;
	v2 =	vshrl.u32 v2, $0x10  }
0x208: {  	v2 =	vand.u32 $0x7FFF, v2  }
0x209: {  	v1 =	vpack.i.b32.b16 v2, v1  }
0x20a: {  	[tilespmem:s23+$0x10040] =	vst v1  }
0x20b: {  	v1 =	vld [tilespmem:s25+$0x20]  }
0x20c: {  	v2 =	vld [tilespmem:s25+$0x30];
	_ =	sdelay $0x3  }
0x20d: {  	v1 =	vshrl.u32 v1, $0x10  }
0x20e: {  	v1 =	vand.u32 $0x7FFF, v1;
	v2 =	vshrl.u32 v2, $0x10  }
0x20f: {  	v2 =	vand.u32 $0x7FFF, v2  }
0x210: {  	v1 =	vpack.i.b32.b16 v2, v1  }
0x211: {  	[tilespmem:s23+$0x10050] =	vst v1  }
0x212: {  	v1 =	vld [tilespmem:s25+$0x40]  }
0x213: {  	v2 =	vld [tilespmem:s25+$0x50];
	_ =	sdelay $0x3  }
0x214: {  	v1 =	vshrl.u32 v1, $0x10  }
0x215: {  	v1 =	vand.u32 $0x7FFF, v1;
	v2 =	vshrl.u32 v2, $0x10  }
.Ltmp7:
0x216: {  	v2 =	vand.u32 $0x7FFF, v2;
	(pc) =	sbr.rel @p0 .LBB2_17-.Ltmp7, $4  }
0x217: {  	v1 =	vpack.i.b32.b16 v2, v1  }
0x218: {  	[tilespmem:s23+$0x10060] =	vst v1  }
0x219: {  	v1 =	vld [tilespmem:s25+$0x60]  }
0x21a: {  	v2 =	vld [tilespmem:s25+$0x70]  }
0x21b: {  	_ =	sdelay $0x3  }
0x21c: {  	v1 =	vshrl.u32 v1, $0x10;
	v2 =	vshrl.u32 v2, $0x10  }
0x21d: {  	v1 =	vand.u32 $0x7FFF, v1;
	v2 =	vand.u32 $0x7FFF, v2  }
0x21e: {  	v1 =	vpack.i.b32.b16 v2, v1  }
0x21f: {  	s24 =	simm.s32 $0x10070;
	[tilespmem:s23+$0x10070] =	vst v1;
	s23 =	simm.s32 $0x10080  }
.LBB2_19:
0x220: {  	v2 =	vmov s23;
	_ =	sdelay $0x3  }
0x221: {  	s26 =	simm.s32 $0x0;
	v4 =	vimm.s32 $0x0;
	v1 =	vimm.s32 $0x0  }
.LBB2_20:
0x222: {  	_ =	sdelay $0x2  }
0x223: {  	s29 =	simm.s32 $0x0  }
0x224: {  	s25 =	ssub.s32 $0xE, s26;
	v6 =	vld.idx.msk [tilespmem:v2+s29+$0xFFFFFF80 ss:$0x1], $0xffff  }
0x225: {  	v3 =	vshll.u32 v0, s25;
	v7 =	vld.idx.msk [tilespmem:v2+s29+$0xFFFFFF90 ss:$0x1], $0xffff  }
0x226: {  	v8 =	vld.idx.msk [tilespmem:v2+s29+$0xFFFFFFA0 ss:$0x1], $0xffff;
	v3 =	vbroadcast v3, $0x0  }
0x227: {  	v9 =	vld.idx.msk [tilespmem:v2+s29+$0xFFFFFFB0 ss:$0x1], $0xffff  }
0x228: {  	v10 =	vld.idx.msk [tilespmem:v2+s29+$0xFFFFFFC0 ss:$0x1], $0xffff;
	v3 =	vor.u32 v1, v3  }
0x229: {  	v11 =	vld.idx.msk [tilespmem:v2+s29+$0xFFFFFFD0 ss:$0x1], $0xffff;
	v5 =	vpack.i.b32.b16 v3, v3  }
0x22a: {  	v12 =	vld.idx.msk [tilespmem:v2+s29+$0xFFFFFFE0 ss:$0x1], $0xffff;
	vm0 =	vlt.s16 v6, v5  }
0x22b: {  	v13 =	vld.idx.msk [tilespmem:v2+s29+$0xFFFFFFF0 ss:$0x1], $0xffff;
	v6 =	vmpcnt.ones.xlane.b16 vm0;
	vm0 =	vlt.s16 v7, v5  }
0x22c: {  	v14 =	vld.idx.msk [tilespmem:v2+s29+$0x0 ss:$0x1], $0xffff;
	v7 =	vmpcnt.ones.xlane.b16 vm0;
	vm0 =	vlt.s16 v8, v5  }
0x22d: {  	v15 =	vld.idx.msk [tilespmem:v2+s29+$0x10 ss:$0x1], $0xffff;
	v6 =	vadd.s32 v4, v6;
	v8 =	vmpcnt.ones.xlane.b16 vm0;
	vm0 =	vlt.s16 v9, v5  }
0x22e: {  	v7 =	vadd.s32 v7, v6;
	v9 =	vmpcnt.ones.xlane.b16 vm0;
	vm0 =	vlt.s16 v10, v5;
	v6 =	vld.idx.msk [tilespmem:v2+s29+$0x20 ss:$0x1], $0xffff  }
0x22f: {  	v8 =	vadd.s32 v8, v7;
	v10 =	vmpcnt.ones.xlane.b16 vm0;
	vm0 =	vlt.s16 v11, v5;
	v7 =	vld.idx.msk [tilespmem:v2+s29+$0x30 ss:$0x1], $0xffff  }
0x230: {  	v9 =	vadd.s32 v9, v8;
	v11 =	vmpcnt.ones.xlane.b16 vm0;
	vm0 =	vlt.s16 v12, v5;
	v8 =	vld.idx.msk [tilespmem:v2+s29+$0x40 ss:$0x1], $0xffff  }
0x231: {  	v10 =	vadd.s32 v10, v9;
	v16 =	vmpcnt.ones.xlane.b16 vm0;
	vm0 =	vlt.s16 v13, v5;
	v9 =	vld.idx.msk [tilespmem:v2+s29+$0x50 ss:$0x1], $0xffff  }
0x232: {  	v11 =	vadd.s32 v11, v10;
	v12 =	vmpcnt.ones.xlane.b16 vm0;
	vm0 =	vlt.s16 v14, v5;
	v10 =	vld.idx.msk [tilespmem:v2+s29+$0x60 ss:$0x1], $0xffff  }
0x233: {  	s28 =	simm.s32 $0x800;
	s25 =	simm.s32 $0x100;
	v14 =	vadd.s32 v16, v11;
	v13 =	vmpcnt.ones.xlane.b16 vm0;
	vm0 =	vlt.s16 v15, v5;
	v11 =	vld.idx.msk [tilespmem:v2+s29+$0x70 ss:$0x1], $0xffff  }
.LBB2_21:
0x234: {  	p0 =	sne.s32 s28, $0xC00;
	v15 =	vld.idx.msk [tilespmem:v2+s25+$0xFFFFFF80 ss:$0x1], $0xffff;
	v12 =	vadd.s32 v12, v14;
	v14 =	vmpcnt.ones.xlane.b16 vm0;
	vm0 =	vlt.s16 v6, v5  }
0x235: {  	v6 =	vld.idx.msk [tilespmem:v2+s25+$0xFFFFFF90 ss:$0x1], $0xffff;
	v12 =	vadd.s32 v13, v12;
	v13 =	vmpcnt.ones.xlane.b16 vm0;
	vm0 =	vlt.s16 v7, v5  }
0x236: {  	v7 =	vld.idx.msk [tilespmem:v2+s25+$0xFFFFFFA0 ss:$0x1], $0xffff;
	v12 =	vadd.s32 v14, v12;
	v14 =	vmpcnt.ones.xlane.b16 vm0;
	vm0 =	vlt.s16 v8, v5  }
0x237: {  	v8 =	vld.idx.msk [tilespmem:v2+s25+$0xFFFFFFB0 ss:$0x1], $0xffff;
	v12 =	vadd.s32 v13, v12;
	v13 =	vmpcnt.ones.xlane.b16 vm0;
	vm0 =	vlt.s16 v9, v5  }
0x238: {  	v9 =	vld.idx.msk [tilespmem:v2+s25+$0xFFFFFFC0 ss:$0x1], $0xffff;
	v12 =	vadd.s32 v14, v12;
	v14 =	vmpcnt.ones.xlane.b16 vm0;
	vm0 =	vlt.s16 v10, v5  }
0x239: {  	v10 =	vld.idx.msk [tilespmem:v2+s25+$0xFFFFFFD0 ss:$0x1], $0xffff;
	v12 =	vadd.s32 v13, v12;
	v13 =	vmpcnt.ones.xlane.b16 vm0;
	vm0 =	vlt.s16 v11, v5  }
0x23a: {  	vm1 =	vlt.s16 v15, v5;
	v11 =	vld.idx.msk [tilespmem:v2+s25+$0xFFFFFFE0 ss:$0x1], $0xffff;
	v12 =	vadd.s32 v14, v12;
	v14 =	vmpcnt.ones.xlane.b16 vm0  }
0x23b: {  	v15 =	vmpcnt.ones.xlane.b16 vm1;
	vm0 =	vlt.s16 v6, v5;
	v16 =	vld.idx.msk [tilespmem:v2+s25+$0xFFFFFFF0 ss:$0x1], $0xffff;
	v6 =	vadd.s32 v13, v12  }
0x23c: {  	v12 =	vmpcnt.ones.xlane.b16 vm0;
	vm0 =	vlt.s16 v7, v5;
	v13 =	vld.idx.msk [tilespmem:v2+s25+$0x0 ss:$0x1], $0xffff;
	v6 =	vadd.s32 v14, v6  }
0x23d: {  	v7 =	vmpcnt.ones.xlane.b16 vm0;
	vm0 =	vlt.s16 v8, v5;
	v6 =	vadd.s32 v6, v15;
	v15 =	vld.idx.msk [tilespmem:v2+s25+$0x10 ss:$0x1], $0xffff  }
0x23e: {  	v8 =	vadd.s32 v12, v6;
	v12 =	vmpcnt.ones.xlane.b16 vm0;
	vm0 =	vlt.s16 v9, v5;
	v6 =	vld.idx.msk [tilespmem:v2+s25+$0x20 ss:$0x1], $0xffff  }
.Ltmp8:
0x23f: {  	v8 =	vadd.s32 v7, v8;
	v9 =	vmpcnt.ones.xlane.b16 vm0;
	vm0 =	vlt.s16 v10, v5;
	v7 =	vld.idx.msk [tilespmem:v2+s25+$0x30 ss:$0x1], $0xffff;
	(pc) =	sbr.rel @p0 .LBB2_21-.Ltmp8, $4  }
0x240: {  	v10 =	vadd.s32 v12, v8;
	v12 =	vmpcnt.ones.xlane.b16 vm0;
	vm0 =	vlt.s16 v11, v5;
	v8 =	vld.idx.msk [tilespmem:v2+s25+$0x40 ss:$0x1], $0xffff  }
0x241: {  	v10 =	vadd.s32 v9, v10;
	v11 =	vmpcnt.ones.xlane.b16 vm0;
	vm0 =	vlt.s16 v16, v5;
	v9 =	vld.idx.msk [tilespmem:v2+s25+$0x50 ss:$0x1], $0xffff  }
0x242: {  	v14 =	vadd.s32 v12, v10;
	v12 =	vmpcnt.ones.xlane.b16 vm0;
	vm0 =	vlt.s16 v13, v5;
	v10 =	vld.idx.msk [tilespmem:v2+s25+$0x60 ss:$0x1], $0xffff  }
0x243: {  	v14 =	vadd.s32 v11, v14;
	v13 =	vmpcnt.ones.xlane.b16 vm0;
	vm0 =	vlt.s16 v15, v5;
	v11 =	vld.idx.msk [tilespmem:v2+s25+$0x70 ss:$0x1], $0xffff;
	s25 =	sshra.s32 s28, $0x2;
	s28 =	sadd.s32 $0x400, s28  }
0x244: {  	_ =	sdelay $0x2  }
0x245: {  	v12 =	vadd.s32 v12, v14;
	v35 =	vmpcnt.ones.xlane.b16 vm0;
	vm6 =	vlt.s16 v6, v5  }
0x246: {  	v6 =	vld.idx.msk [tilespmem:v2+s25+$0xFFFFFF80 ss:$0x1], $0xffff;
	vm7 =	vlt.s16 v7, v5;
	v12 =	vadd.s32 v13, v12;
	v36 =	vmpcnt.ones.xlane.b16 vm6  }
0x247: {  	v7 =	vld.idx.msk [tilespmem:v2+s25+$0xFFFFFF90 ss:$0x1], $0xffff;
	v37 =	vmpcnt.ones.xlane.b16 vm7;
	vm8 =	vlt.s16 v8, v5;
	v12 =	vadd.s32 v35, v12  }
0x248: {  	v38 =	vld.idx.msk [tilespmem:v2+s25+$0xFFFFFFA0 ss:$0x1], $0xffff;
	v39 =	vmpcnt.ones.xlane.b16 vm8;
	vm9 =	vlt.s16 v9, v5;
	v12 =	vadd.s32 v36, v12  }
0x249: {  	v40 =	vld.idx.msk [tilespmem:v2+s25+$0xFFFFFFB0 ss:$0x1], $0xffff;
	v41 =	vmpcnt.ones.xlane.b16 vm9;
	vm10 =	vlt.s16 v10, v5;
	v12 =	vadd.s32 v37, v12  }
0x24a: {  	v42 =	vld.idx.msk [tilespmem:v2+s25+$0xFFFFFFC0 ss:$0x1], $0xffff;
	v43 =	vmpcnt.ones.xlane.b16 vm10;
	vm11 =	vlt.s16 v11, v5;
	v12 =	vadd.s32 v39, v12  }
0x24b: {  	v44 =	vld.idx.msk [tilespmem:v2+s25+$0xFFFFFFD0 ss:$0x1], $0xffff;
	vm1 =	vlt.s16 v6, v5;
	v45 =	vmpcnt.ones.xlane.b16 vm11;
	v6 =	vadd.s32 v41, v12  }
0x24c: {  	v46 =	vld.idx.msk [tilespmem:v2+s25+$0xFFFFFFE0 ss:$0x1], $0xffff;
	vm12 =	vlt.s16 v7, v5;
	v15 =	vmpcnt.ones.xlane.b16 vm1;
	v6 =	vadd.s32 v43, v6  }
0x24d: {  	v7 =	vld.idx.msk [tilespmem:v2+s25+$0xFFFFFFF0 ss:$0x1], $0xffff;
	vm13 =	vlt.s16 v38, v5;
	v47 =	vmpcnt.ones.xlane.b16 vm12;
	v6 =	vadd.s32 v45, v6  }
0x24e: {  	v48 =	vld.idx.msk [tilespmem:v2+s25+$0x0 ss:$0x1], $0xffff;
	vm14 =	vlt.s16 v40, v5;
	v49 =	vmpcnt.ones.xlane.b16 vm13;
	v6 =	vadd.s32 v6, v15  }
0x24f: {  	v50 =	vld.idx.msk [tilespmem:v2+s25+$0x10 ss:$0x1], $0xffff;
	vm15 =	vlt.s16 v42, v5;
	v51 =	vmpcnt.ones.xlane.b16 vm14;
	v6 =	vadd.s32 v47, v6  }
0x250: {  	v52 =	vld.idx.msk [tilespmem:v2+s25+$0x20 ss:$0x1], $0xffff;
	vm4 =	vlt.s16 v44, v5;
	v53 =	vmpcnt.ones.xlane.b16 vm15;
	v6 =	vadd.s32 v49, v6  }
0x251: {  	v54 =	vld.idx.msk [tilespmem:v2+s25+$0x30 ss:$0x1], $0xffff;
	vm5 =	vlt.s16 v46, v5;
	v55 =	vmpcnt.ones.xlane.b16 vm4;
	v6 =	vadd.s32 v51, v6  }
0x252: {  	v56 =	vld.idx.msk [tilespmem:v2+s25+$0x40 ss:$0x1], $0xffff;
	v57 =	vmpcnt.ones.xlane.b16 vm5;
	vm6 =	vlt.s16 v7, v5;
	v6 =	vadd.s32 v53, v6  }
0x253: {  	vm7 =	vlt.s16 v48, v5;
	v7 =	vld.idx.msk [tilespmem:v2+s25+$0x50 ss:$0x1], $0xffff;
	v58 =	vmpcnt.ones.xlane.b16 vm6;
	v6 =	vadd.s32 v55, v6  }
0x254: {  	v59 =	vld.idx.msk [tilespmem:v2+s25+$0x60 ss:$0x1], $0xffff;
	vm8 =	vlt.s16 v50, v5;
	v60 =	vmpcnt.ones.xlane.b16 vm7;
	v6 =	vadd.s32 v57, v6  }
0x255: {  	v61 =	vld.idx.msk [tilespmem:v2+s25+$0x70 ss:$0x1], $0xffff;
	vm9 =	vlt.s16 v52, v5;
	v62 =	vmpcnt.ones.xlane.b16 vm8;
	v6 =	vadd.s32 v58, v6  }
0x256: {  	vm10 =	vlt.s16 v54, v5;
	v10 =	vmpcnt.ones.xlane.b16 vm9;
	v6 =	vadd.s32 v60, v6  }
0x257: {  	vm11 =	vlt.s16 v56, v5;
	v11 =	vmpcnt.ones.xlane.b16 vm10;
	v6 =	vadd.s32 v62, v6  }
0x258: {  	v63 =	vmpcnt.ones.xlane.b16 vm11;
	vm12 =	vlt.s16 v7, v5;
	v6 =	vadd.s32 v10, v6  }
0x259: {  	s26 =	sadd.s32 $0x1, s26;
	vm13 =	vlt.s16 v59, v5;
	v7 =	vmpcnt.ones.xlane.b16 vm12;
	v6 =	vadd.s32 v11, v6  }
0x25a: {  	p0 =	sne.s32 s26, $0xF;
	vm14 =	vlt.s16 v61, v5;
	v8 =	vmpcnt.ones.xlane.b16 vm13;
	v6 =	vadd.s32 v63, v6  }
.Ltmp9:
0x25b: {  	v5 =	vadd.s32 v7, v6;
	v6 =	vmpcnt.ones.xlane.b16 vm14;
	(pc) =	sbr.rel @p0 .LBB2_20-.Ltmp9, $4  }
0x25c: {  	v5 =	vadd.s32 v8, v5  }
0x25d: {  	v5 =	vadd.s32 v6, v5  }
0x25e: {  	vm15 =	vlt.s32 v5, $0x734  }
0x25f: {  	s25 =	simm.s32 $0x0;
	v1 =	vsel vm15, v3, v1;
	v3 =	vimm.s32 $0x0  }
0x260: {  	v4 =	vld [tilespmem:s22+$0xFFFFFF90]  }
0x261: {  	v5 =	vld [tilespmem:s22+$0xFFFFFF80];
	_ =	sdelay $0x3  }
0x262: {  	v6 =	vshrl.u32 v4, $0x10  }
0x263: {  	v4 =	vand.u32 $0xFFFF, v4;
	v7 =	vshrl.u32 v5, $0x10;
	v5 =	vand.u32 $0xFFFF, v5  }
0x264: {  	v6 =	vand.u32 $0x7FFF, v6;
	v7 =	vand.u32 $0x7FFF, v7;
	v5 =	vxor.u32 $0x8000, v5  }
0x265: {  	v4 =	vxor.u32 $0x8000, v4;
	vm0 =	veq.s32 v6, v1;
	vm1 =	veq.s32 v7, v1  }
0x266: {  	v5 =	vnsel vm1, $0x7FFF, v5;
	v4 =	vnsel vm0, $0x7FFF, v4  }
0x267: {  	s26 =	sadd.s32 $0x0, s24;
	v4 =	vpack.i.b32.b16 v4, v5  }
0x268: {  	[tilespmem:s26+$0xFFFFFF90] =	vst v4  }
0x269: {  	v4 =	vld [tilespmem:s22+$0xFFFFFFA0]  }
0x26a: {  	v5 =	vld [tilespmem:s22+$0xFFFFFFB0];
	_ =	sdelay $0x3  }
0x26b: {  	v8 =	vshrl.u32 v4, $0x10  }
0x26c: {  	v9 =	vshrl.u32 v5, $0x10;
	v5 =	vand.u32 $0xFFFF, v5;
	v4 =	vand.u32 $0xFFFF, v4  }
0x26d: {  	v8 =	vand.u32 $0x7FFF, v8;
	v9 =	vand.u32 $0x7FFF, v9;
	v4 =	vxor.u32 $0x8000, v4  }
0x26e: {  	v5 =	vxor.u32 $0x8000, v5;
	vm0 =	veq.s32 v8, v1;
	vm1 =	veq.s32 v9, v1  }
0x26f: {  	v4 =	vnsel vm0, $0x7FFF, v4;
	v5 =	vnsel vm1, $0x7FFF, v5  }
0x270: {  	v4 =	vpack.i.b32.b16 v5, v4  }
0x271: {  	[tilespmem:s26+$0xFFFFFFA0] =	vst v4  }
0x272: {  	v4 =	vld [tilespmem:s22+$0xFFFFFFC0]  }
0x273: {  	v5 =	vld [tilespmem:s22+$0xFFFFFFD0];
	_ =	sdelay $0x3  }
0x274: {  	v10 =	vshrl.u32 v4, $0x10  }
0x275: {  	v4 =	vand.u32 $0xFFFF, v4;
	v11 =	vshrl.u32 v5, $0x10;
	v5 =	vand.u32 $0xFFFF, v5  }
0x276: {  	v10 =	vand.u32 $0x7FFF, v10;
	v11 =	vand.u32 $0x7FFF, v11;
	v4 =	vxor.u32 $0x8000, v4  }
0x277: {  	v5 =	vxor.u32 $0x8000, v5;
	vm0 =	veq.s32 v10, v1;
	vm1 =	veq.s32 v11, v1  }
0x278: {  	v4 =	vnsel vm0, $0x7FFF, v4;
	v5 =	vnsel vm1, $0x7FFF, v5  }
0x279: {  	v4 =	vpack.i.b32.b16 v5, v4  }
0x27a: {  	[tilespmem:s26+$0xFFFFFFB0] =	vst v4  }
0x27b: {  	v4 =	vld [tilespmem:s22+$0xFFFFFFE0]  }
0x27c: {  	v5 =	vld [tilespmem:s22+$0xFFFFFFF0];
	_ =	sdelay $0x4  }
0x27d: {  	vm0 =	vlt.s32 v7, v1;
	v12 =	vshrl.u32 v4, $0x10;
	v63 =	vshrl.u32 v5, $0x10  }
0x27e: {  	v5 =	vand.u32 $0xFFFF, v5;
	v4 =	vand.u32 $0xFFFF, v4;
	v7 =	vand.u32 $0x7FFF, v12  }
0x27f: {  	v12 =	vand.u32 $0x7FFF, v63;
	v4 =	vxor.u32 $0x8000, v4;
	vm1 =	veq.s32 v7, v1  }
0x280: {  	v5 =	vxor.u32 $0x8000, v5;
	v4 =	vnsel vm1, $0x7FFF, v4;
	vm1 =	veq.s32 v12, v1  }
0x281: {  	v5 =	vnsel vm1, $0x7FFF, v5;
	vm1 =	vlt.s32 v6, v1;
	v6 =	vmpcnt.ones.xlane vm0  }
0x282: {  	vm0 =	vlt.s32 v8, v1;
	v4 =	vpack.i.b32.b16 v5, v4;
	v5 =	vmpcnt.ones.xlane vm1  }
0x283: {  	vm1 =	vlt.s32 v9, v1;
	[tilespmem:s26+$0xFFFFFFC0] =	vst v4;
	v4 =	vadd.s32 v3, v6;
	v6 =	vmpcnt.ones.xlane vm0  }
0x284: {  	vm0 =	vlt.s32 v10, v1;
	v4 =	vadd.s32 v5, v4;
	v5 =	vmpcnt.ones.xlane vm1;
	v8 =	vld [tilespmem:s22+$0x0]  }
0x285: {  	v10 =	vld [tilespmem:s22+$0x10];
	v4 =	vadd.s32 v6, v4;
	v6 =	vmpcnt.ones.xlane vm0;
	vm0 =	vlt.s32 v11, v1  }
0x286: {  	v4 =	vadd.s32 v5, v4;
	v5 =	vmpcnt.ones.xlane vm0  }
0x287: {  	vm0 =	vlt.s32 v7, v1;
	v4 =	vadd.s32 v6, v4  }
0x288: {  	v4 =	vadd.s32 v5, v4;
	v5 =	vmpcnt.ones.xlane vm0  }
0x289: {  	vm0 =	vlt.s32 v12, v1;
	v6 =	vshrl.u32 v8, $0x10;
	v8 =	vand.u32 $0xFFFF, v8  }
0x28a: {  	s29 =	simm.s32 $0x200;
	s30 =	smov.u32 s22;
	s28 =	smov.u32 s22;
	v9 =	vshrl.u32 v10, $0x10;
	v7 =	vand.u32 $0xFFFF, v10;
	v6 =	vand.u32 $0x7FFF, v6  }
.LBB2_24:
0x28b: {  	p0 =	sne.s32 s29, $0xE00  }
0x28c: {  	v8 =	vxor.u32 $0x8000, v8;
	v9 =	vand.u32 $0x7FFF, v9;
	s30 =	sadd.s32 $0x100, s30;
	s31 =	smov.u32 s29;
	s29 =	sadd.s32 $0x200, s29  }
0x28d: {  	vm1 =	veq.s32 v6, v1;
	v7 =	vxor.u32 $0x8000, v7;
	vm2 =	veq.s32 v9, v1  }
0x28e: {  	v8 =	vnsel vm1, $0x7FFF, v8;
	v7 =	vnsel vm2, $0x7FFF, v7  }
0x28f: {  	v7 =	vpack.i.b32.b16 v7, v8  }
0x290: {  	[tilespmem:s26+$0xFFFFFFD0] =	vst v7  }
0x291: {  	v7 =	vld [tilespmem:s28+$0x20]  }
0x292: {  	v8 =	vld [tilespmem:s28+$0x30]  }
0x293: {  	v10 =	vmpcnt.ones.xlane vm0  }
0x294: {  	v4 =	vadd.s32 v5, v4  }
0x295: {  	vm0 =	vlt.s32 v9, v1;
	v4 =	vadd.s32 v10, v4  }
0x296: {  	vm1 =	vlt.s32 v6, v1;
	v5 =	vshrl.u32 v7, $0x10;
	v6 =	vand.u32 $0xFFFF, v7  }
0x297: {  	v5 =	vand.u32 $0x7FFF, v5;
	v7 =	vshrl.u32 v8, $0x10;
	v8 =	vand.u32 $0xFFFF, v8  }
0x298: {  	vm2 =	veq.s32 v5, v1;
	v7 =	vand.u32 $0x7FFF, v7;
	v8 =	vxor.u32 $0x8000, v8  }
0x299: {  	v6 =	vxor.u32 $0x8000, v6;
	vm4 =	vlt.s32 v5, v1;
	vm3 =	veq.s32 v7, v1  }
0x29a: {  	v5 =	vmpcnt.ones.xlane vm1;
	v6 =	vnsel vm2, $0x7FFF, v6;
	v8 =	vnsel vm3, $0x7FFF, v8  }
0x29b: {  	v9 =	vmpcnt.ones.xlane vm0;
	vm0 =	vlt.s32 v7, v1;
	v6 =	vpack.i.b32.b16 v8, v6  }
0x29c: {  	s31 =	sshra.s32 s31, $0x2;
	v4 =	vadd.s32 v5, v4;
	v5 =	vmpcnt.ones.xlane vm4;
	v7 =	vmpcnt.ones.xlane vm0;
	[tilespmem:s26+$0xFFFFFFE0] =	vst v6  }
0x29d: {  	s31 =	sadd.s32 s31, s24;
	v4 =	vadd.s32 v9, v4;
	v6 =	vld [tilespmem:s28+$0x40]  }
0x29e: {  	v4 =	vadd.s32 v5, v4;
	v5 =	vld [tilespmem:s28+$0x50]  }
0x29f: {  	v4 =	vadd.s32 v7, v4;
	_ =	sdelay $0x2  }
0x2a0: {  	v7 =	vshrl.u32 v6, $0x10;
	v6 =	vand.u32 $0xFFFF, v6  }
0x2a1: {  	v7 =	vand.u32 $0x7FFF, v7;
	v8 =	vshrl.u32 v5, $0x10;
	v5 =	vand.u32 $0xFFFF, v5  }
0x2a2: {  	vm0 =	veq.s32 v7, v1;
	v8 =	vand.u32 $0x7FFF, v8;
	v5 =	vxor.u32 $0x8000, v5  }
0x2a3: {  	v6 =	vxor.u32 $0x8000, v6;
	vm2 =	vlt.s32 v7, v1;
	vm1 =	veq.s32 v8, v1  }
0x2a4: {  	v6 =	vnsel vm0, $0x7FFF, v6;
	v7 =	vmpcnt.ones.xlane vm2;
	v5 =	vnsel vm1, $0x7FFF, v5  }
0x2a5: {  	vm0 =	vlt.s32 v8, v1;
	v5 =	vpack.i.b32.b16 v5, v6  }
0x2a6: {  	v6 =	vmpcnt.ones.xlane vm0;
	[tilespmem:s26+$0xFFFFFFF0] =	vst v5  }
0x2a7: {  	v5 =	vld [tilespmem:s28+$0x60]  }
0x2a8: {  	v8 =	vld [tilespmem:s28+$0x70];
	s28 =	smov.u32 s30;
	_ =	sdelay $0x3  }
0x2a9: {  	v4 =	vadd.s32 v7, v4;
	v7 =	vshrl.u32 v5, $0x10;
	v5 =	vand.u32 $0xFFFF, v5  }
0x2aa: {  	v5 =	vxor.u32 $0x8000, v5;
	v9 =	vshrl.u32 v8, $0x10;
	v8 =	vand.u32 $0xFFFF, v8  }
0x2ab: {  	v7 =	vand.u32 $0x7FFF, v7;
	v9 =	vand.u32 $0x7FFF, v9;
	v8 =	vxor.u32 $0x8000, v8  }
0x2ac: {  	vm0 =	veq.s32 v7, v1;
	vm2 =	vlt.s32 v7, v1;
	vm1 =	veq.s32 v9, v1  }
0x2ad: {  	v5 =	vnsel vm0, $0x7FFF, v5;
	vm0 =	vlt.s32 v9, v1;
	v7 =	vnsel vm1, $0x7FFF, v8  }
0x2ae: {  	v8 =	vmpcnt.ones.xlane vm2;
	v9 =	vmpcnt.ones.xlane vm0;
	v5 =	vpack.i.b32.b16 v7, v5  }
0x2af: {  	v4 =	vadd.s32 v6, v4;
	[tilespmem:s26+$0x0] =	vst v5;
	s26 =	smov.u32 s31  }
0x2b0: {  	v4 =	vadd.s32 v8, v4;
	v5 =	vld [tilespmem:s30+$0xFFFFFF90]  }
0x2b1: {  	v4 =	vadd.s32 v9, v4;
	v6 =	vld [tilespmem:s30+$0xFFFFFF80];
	_ =	sdelay $0x3  }
0x2b2: {  	v7 =	vshrl.u32 v5, $0x10;
	v5 =	vand.u32 $0xFFFF, v5  }
0x2b3: {  	v8 =	vshrl.u32 v6, $0x10;
	v6 =	vand.u32 $0xFFFF, v6;
	v7 =	vand.u32 $0x7FFF, v7  }
0x2b4: {  	v8 =	vand.u32 $0x7FFF, v8;
	vm1 =	veq.s32 v7, v1;
	vm0 =	vlt.s32 v7, v1  }
0x2b5: {  	v5 =	vxor.u32 $0x8000, v5;
	v6 =	vxor.u32 $0x8000, v6;
	vm2 =	veq.s32 v8, v1  }
0x2b6: {  	v5 =	vnsel vm1, $0x7FFF, v5;
	vm1 =	vlt.s32 v8, v1;
	v6 =	vnsel vm2, $0x7FFF, v6  }
0x2b7: {  	v7 =	vmpcnt.ones.xlane vm1;
	v5 =	vpack.i.b32.b16 v5, v6  }
0x2b8: {  	[tilespmem:s26+$0xFFFFFF90] =	vst v5  }
0x2b9: {  	v4 =	vadd.s32 v4, v7;
	v5 =	vld [tilespmem:s30+$0xFFFFFFA0]  }
0x2ba: {  	v6 =	vld [tilespmem:s30+$0xFFFFFFB0];
	_ =	sdelay $0x3  }
0x2bb: {  	v7 =	vshrl.u32 v5, $0x10  }
0x2bc: {  	v7 =	vand.u32 $0x7FFF, v7;
	v8 =	vshrl.u32 v6, $0x10;
	v6 =	vand.u32 $0xFFFF, v6  }
0x2bd: {  	v5 =	vand.u32 $0xFFFF, v5;
	vm1 =	veq.s32 v7, v1;
	v8 =	vand.u32 $0x7FFF, v8  }
0x2be: {  	v5 =	vxor.u32 $0x8000, v5;
	v6 =	vxor.u32 $0x8000, v6;
	vm2 =	veq.s32 v8, v1  }
0x2bf: {  	v5 =	vnsel vm1, $0x7FFF, v5;
	vm1 =	vlt.s32 v7, v1;
	v6 =	vnsel vm2, $0x7FFF, v6  }
0x2c0: {  	vm2 =	vlt.s32 v8, v1;
	v5 =	vpack.i.b32.b16 v6, v5  }
0x2c1: {  	[tilespmem:s26+$0xFFFFFFA0] =	vst v5  }
0x2c2: {  	v5 =	vld [tilespmem:s30+$0xFFFFFFC0]  }
0x2c3: {  	v6 =	vld [tilespmem:s30+$0xFFFFFFD0]  }
0x2c4: {  	v7 =	vmpcnt.ones.xlane vm0  }
0x2c5: {  	v8 =	vmpcnt.ones.xlane vm1  }
0x2c6: {  	v4 =	vadd.s32 v7, v4;
	v7 =	vmpcnt.ones.xlane vm2  }
0x2c7: {  	v4 =	vadd.s32 v8, v4;
	v8 =	vshrl.u32 v5, $0x10;
	v5 =	vand.u32 $0xFFFF, v5  }
0x2c8: {  	v8 =	vand.u32 $0x7FFF, v8;
	v9 =	vshrl.u32 v6, $0x10;
	v6 =	vand.u32 $0xFFFF, v6  }
0x2c9: {  	vm0 =	veq.s32 v8, v1;
	v9 =	vand.u32 $0x7FFF, v9;
	vm1 =	vlt.s32 v8, v1  }
0x2ca: {  	v5 =	vxor.u32 $0x8000, v5;
	v6 =	vxor.u32 $0x8000, v6;
	vm2 =	veq.s32 v9, v1  }
0x2cb: {  	v5 =	vnsel vm0, $0x7FFF, v5;
	v8 =	vmpcnt.ones.xlane vm1;
	v6 =	vnsel vm2, $0x7FFF, v6  }
0x2cc: {  	v4 =	vadd.s32 v7, v4;
	vm0 =	vlt.s32 v9, v1;
	v5 =	vpack.i.b32.b16 v6, v5  }
0x2cd: {  	v4 =	vadd.s32 v8, v4;
	v6 =	vmpcnt.ones.xlane vm0;
	[tilespmem:s26+$0xFFFFFFB0] =	vst v5  }
0x2ce: {  	v5 =	vld [tilespmem:s30+$0xFFFFFFE0]  }
0x2cf: {  	v4 =	vadd.s32 v6, v4;
	v6 =	vld [tilespmem:s30+$0xFFFFFFF0];
	_ =	sdelay $0x3  }
0x2d0: {  	v7 =	vshrl.u32 v5, $0x10  }
0x2d1: {  	v7 =	vand.u32 $0x7FFF, v7;
	v8 =	vshrl.u32 v6, $0x10;
	v6 =	vand.u32 $0xFFFF, v6  }
0x2d2: {  	v5 =	vand.u32 $0xFFFF, v5;
	vm0 =	veq.s32 v7, v1;
	v8 =	vand.u32 $0x7FFF, v8  }
0x2d3: {  	v5 =	vxor.u32 $0x8000, v5;
	v6 =	vxor.u32 $0x8000, v6;
	vm1 =	veq.s32 v8, v1  }
0x2d4: {  	v9 =	vnsel vm0, $0x7FFF, v5;
	vm0 =	vlt.s32 v7, v1;
	v6 =	vnsel vm1, $0x7FFF, v6  }
0x2d5: {  	v5 =	vmpcnt.ones.xlane vm0;
	vm0 =	vlt.s32 v8, v1;
	v6 =	vpack.i.b32.b16 v6, v9  }
0x2d6: {  	[tilespmem:s26+$0xFFFFFFC0] =	vst v6  }
0x2d7: {  	v6 =	vld [tilespmem:s30+$0x0]  }
0x2d8: {  	v7 =	vld [tilespmem:s30+$0x10]  }
.Ltmp10:
0x2d9: {  	(pc) =	sbr.rel @p0 .LBB2_24-.Ltmp10, $3  }
0x2da: {  	_ =	sdelay $0x1  }
0x2db: {  	v9 =	vshrl.u32 v6, $0x10;
	v8 =	vand.u32 $0xFFFF, v6  }
0x2dc: {  	v6 =	vand.u32 $0x7FFF, v9;
	v9 =	vshrl.u32 v7, $0x10;
	v7 =	vand.u32 $0xFFFF, v7  }
0x2dd: {  	v8 =	vxor.u32 $0x8000, v8;
	v9 =	vand.u32 $0x7FFF, v9  }
0x2de: {  	vm1 =	veq.s32 v6, v1;
	v7 =	vxor.u32 $0x8000, v7;
	vm2 =	veq.s32 v9, v1  }
0x2df: {  	v8 =	vnsel vm1, $0x7FFF, v8;
	v7 =	vnsel vm2, $0x7FFF, v7  }
0x2e0: {  	v7 =	vpack.i.b32.b16 v7, v8  }
0x2e1: {  	[tilespmem:s26+$0xFFFFFFD0] =	vst v7  }
0x2e2: {  	v7 =	vld [tilespmem:s28+$0x20]  }
0x2e3: {  	v60 =	vld [tilespmem:s28+$0x30];
	_ =	sdelay $0x3  }
0x2e4: {  	v10 =	vshrl.u32 v7, $0x10  }
0x2e5: {  	v7 =	vand.u32 $0xFFFF, v7;
	v11 =	vshrl.u32 v60, $0x10;
	v8 =	vand.u32 $0xFFFF, v60  }
0x2e6: {  	v10 =	vand.u32 $0x7FFF, v10;
	v11 =	vand.u32 $0x7FFF, v11;
	v8 =	vxor.u32 $0x8000, v8  }
0x2e7: {  	v7 =	vxor.u32 $0x8000, v7;
	vm14 =	veq.s32 v10, v1;
	vm15 =	veq.s32 v11, v1  }
0x2e8: {  	v7 =	vnsel vm14, $0x7FFF, v7;
	v8 =	vnsel vm15, $0x7FFF, v8  }
0x2e9: {  	v7 =	vpack.i.b32.b16 v8, v7  }
0x2ea: {  	[tilespmem:s26+$0xFFFFFFE0] =	vst v7  }
0x2eb: {  	v7 =	vld [tilespmem:s28+$0x40]  }
0x2ec: {  	v61 =	vld [tilespmem:s28+$0x50];
	_ =	sdelay $0x3  }
0x2ed: {  	v12 =	vshrl.u32 v7, $0x10  }
0x2ee: {  	v7 =	vand.u32 $0xFFFF, v7;
	v13 =	vshrl.u32 v61, $0x10;
	v8 =	vand.u32 $0xFFFF, v61  }
0x2ef: {  	v12 =	vand.u32 $0x7FFF, v12;
	v13 =	vand.u32 $0x7FFF, v13;
	v8 =	vxor.u32 $0x8000, v8  }
0x2f0: {  	v7 =	vxor.u32 $0x8000, v7;
	vm4 =	veq.s32 v12, v1;
	vm5 =	veq.s32 v13, v1  }
0x2f1: {  	v7 =	vnsel vm4, $0x7FFF, v7;
	v8 =	vnsel vm5, $0x7FFF, v8  }
0x2f2: {  	vm6 =	vlt.s32 v6, v1;
	v6 =	vmpcnt.ones.xlane vm0;
	v7 =	vpack.i.b32.b16 v8, v7  }
0x2f3: {  	v4 =	vadd.s32 v5, v4;
	vm7 =	vlt.s32 v9, v1;
	v5 =	vmpcnt.ones.xlane vm6;
	[tilespmem:s26+$0xFFFFFFF0] =	vst v7  }
0x2f4: {  	v4 =	vadd.s32 v6, v4;
	v6 =	vmpcnt.ones.xlane vm7;
	vm8 =	vlt.s32 v10, v1;
	v7 =	vld [tilespmem:s28+$0x60]  }
0x2f5: {  	v4 =	vadd.s32 v5, v4;
	vm9 =	vlt.s32 v11, v1;
	v5 =	vmpcnt.ones.xlane vm8;
	v62 =	vld [tilespmem:s28+$0x70]  }
0x2f6: {  	v4 =	vadd.s32 v6, v4;
	v6 =	vmpcnt.ones.xlane vm9;
	vm10 =	vlt.s32 v12, v1  }
0x2f7: {  	v4 =	vadd.s32 v5, v4;
	vm11 =	vlt.s32 v13, v1;
	v5 =	vmpcnt.ones.xlane vm10  }
0x2f8: {  	v4 =	vadd.s32 v6, v4;
	v6 =	vmpcnt.ones.xlane vm11  }
0x2f9: {  	v4 =	vadd.s32 v5, v4;
	v5 =	vshrl.u32 v7, $0x10;
	v7 =	vand.u32 $0xFFFF, v7  }
0x2fa: {  	v63 =	vshrl.u32 v62, $0x10;
	v8 =	vand.u32 $0xFFFF, v62;
	v7 =	vxor.u32 $0x8000, v7  }
0x2fb: {  	v5 =	vand.u32 $0x7FFF, v5;
	v9 =	vand.u32 $0x7FFF, v63;
	v8 =	vxor.u32 $0x8000, v8  }
0x2fc: {  	vm12 =	veq.s32 v5, v1;
	vm13 =	veq.s32 v9, v1;
	vm14 =	vlt.s32 v5, v1  }
0x2fd: {  	vm15 =	vlt.s32 v9, v1;
	v5 =	vnsel vm12, $0x7FFF, v7;
	v7 =	vmpcnt.ones.xlane vm14  }
0x2fe: {  	v4 =	vadd.s32 v6, v4;
	v8 =	vnsel vm13, $0x7FFF, v8;
	v9 =	vmpcnt.ones.xlane vm15  }
0x2ff: {  	v5 =	vpack.i.b32.b16 v8, v5;
	v4 =	vadd.s32 v7, v4  }
0x300: {  	[tilespmem:s26+$0x0] =	vst v5;
	v4 =	vadd.s32 v9, v4  }
.LBB2_26:
0x301: {  	_ =	sdelay $0x1  }
0x302: {  	s26 =	sxor.u32 $0xF, s25  }
0x303: {  	s29 =	simm.s32 $0x0;
	v5 =	vshll.u32 v0, s26  }
0x304: {  	v7 =	vld.idx.msk [tilespmem:v2+s29+$0xFFFFFF80 ss:$0x1], $0xffff;
	v5 =	vbroadcast v5, $0x0  }
0x305: {  	v8 =	vld.idx.msk [tilespmem:v2+s29+$0xFFFFFF90 ss:$0x1], $0xffff  }
0x306: {  	v9 =	vld.idx.msk [tilespmem:v2+s29+$0xFFFFFFA0 ss:$0x1], $0xffff;
	v5 =	vor.u32 v3, v5  }
0x307: {  	v10 =	vld.idx.msk [tilespmem:v2+s29+$0xFFFFFFB0 ss:$0x1], $0xffff;
	v6 =	vand.u32 $0xFFFF, v5  }
0x308: {  	v11 =	vld.idx.msk [tilespmem:v2+s29+$0xFFFFFFC0 ss:$0x1], $0xffff;
	v6 =	vxor.u32 $0x8000, v6  }
0x309: {  	v12 =	vld.idx.msk [tilespmem:v2+s29+$0xFFFFFFD0 ss:$0x1], $0xffff;
	v6 =	vpack.i.b32.b16 v6, v6  }
0x30a: {  	v13 =	vld.idx.msk [tilespmem:v2+s29+$0xFFFFFFE0 ss:$0x1], $0xffff;
	vm0 =	vlt.s16 v7, v6  }
0x30b: {  	v14 =	vld.idx.msk [tilespmem:v2+s29+$0xFFFFFFF0 ss:$0x1], $0xffff;
	v7 =	vmpcnt.ones.xlane.b16 vm0;
	vm0 =	vlt.s16 v8, v6  }
0x30c: {  	v16 =	vld.idx.msk [tilespmem:v2+s29+$0x0 ss:$0x1], $0xffff;
	v8 =	vimm.s32 $0x0;
	v15 =	vmpcnt.ones.xlane.b16 vm0;
	vm0 =	vlt.s16 v9, v6  }
0x30d: {  	v17 =	vld.idx.msk [tilespmem:v2+s29+$0x10 ss:$0x1], $0xffff;
	v7 =	vadd.s32 v8, v7;
	v8 =	vmpcnt.ones.xlane.b16 vm0;
	vm0 =	vlt.s16 v10, v6  }
0x30e: {  	v9 =	vadd.s32 v15, v7;
	v10 =	vmpcnt.ones.xlane.b16 vm0;
	vm0 =	vlt.s16 v11, v6;
	v7 =	vld.idx.msk [tilespmem:v2+s29+$0x20 ss:$0x1], $0xffff  }
0x30f: {  	v9 =	vadd.s32 v8, v9;
	v11 =	vmpcnt.ones.xlane.b16 vm0;
	vm0 =	vlt.s16 v12, v6;
	v8 =	vld.idx.msk [tilespmem:v2+s29+$0x30 ss:$0x1], $0xffff  }
0x310: {  	v10 =	vadd.s32 v10, v9;
	v12 =	vmpcnt.ones.xlane.b16 vm0;
	vm0 =	vlt.s16 v13, v6;
	v9 =	vld.idx.msk [tilespmem:v2+s29+$0x40 ss:$0x1], $0xffff  }
0x311: {  	v11 =	vadd.s32 v11, v10;
	v15 =	vmpcnt.ones.xlane.b16 vm0;
	vm0 =	vlt.s16 v14, v6;
	v10 =	vld.idx.msk [tilespmem:v2+s29+$0x50 ss:$0x1], $0xffff  }
0x312: {  	v12 =	vadd.s32 v12, v11;
	v13 =	vmpcnt.ones.xlane.b16 vm0;
	vm0 =	vlt.s16 v16, v6;
	v11 =	vld.idx.msk [tilespmem:v2+s29+$0x60 ss:$0x1], $0xffff  }
0x313: {  	s28 =	simm.s32 $0x800;
	s26 =	simm.s32 $0x100;
	v15 =	vadd.s32 v15, v12;
	v14 =	vmpcnt.ones.xlane.b16 vm0;
	vm0 =	vlt.s16 v17, v6;
	v12 =	vld.idx.msk [tilespmem:v2+s29+$0x70 ss:$0x1], $0xffff  }
.LBB2_27:
0x314: {  	p0 =	sne.s32 s28, $0xC00;
	v16 =	vld.idx.msk [tilespmem:v2+s26+$0xFFFFFF80 ss:$0x1], $0xffff;
	v13 =	vadd.s32 v13, v15;
	v15 =	vmpcnt.ones.xlane.b16 vm0;
	vm0 =	vlt.s16 v7, v6  }
0x315: {  	v7 =	vld.idx.msk [tilespmem:v2+s26+$0xFFFFFF90 ss:$0x1], $0xffff;
	v13 =	vadd.s32 v14, v13;
	v14 =	vmpcnt.ones.xlane.b16 vm0;
	vm0 =	vlt.s16 v8, v6  }
0x316: {  	v8 =	vld.idx.msk [tilespmem:v2+s26+$0xFFFFFFA0 ss:$0x1], $0xffff;
	v13 =	vadd.s32 v15, v13;
	v15 =	vmpcnt.ones.xlane.b16 vm0;
	vm0 =	vlt.s16 v9, v6  }
0x317: {  	v9 =	vld.idx.msk [tilespmem:v2+s26+$0xFFFFFFB0 ss:$0x1], $0xffff;
	v13 =	vadd.s32 v14, v13;
	v14 =	vmpcnt.ones.xlane.b16 vm0;
	vm0 =	vlt.s16 v10, v6  }
0x318: {  	v10 =	vld.idx.msk [tilespmem:v2+s26+$0xFFFFFFC0 ss:$0x1], $0xffff;
	v13 =	vadd.s32 v15, v13;
	v15 =	vmpcnt.ones.xlane.b16 vm0;
	vm0 =	vlt.s16 v11, v6  }
0x319: {  	v11 =	vld.idx.msk [tilespmem:v2+s26+$0xFFFFFFD0 ss:$0x1], $0xffff;
	v13 =	vadd.s32 v14, v13;
	v14 =	vmpcnt.ones.xlane.b16 vm0;
	vm0 =	vlt.s16 v12, v6  }
0x31a: {  	vm1 =	vlt.s16 v16, v6;
	v12 =	vld.idx.msk [tilespmem:v2+s26+$0xFFFFFFE0 ss:$0x1], $0xffff;
	v13 =	vadd.s32 v15, v13;
	v15 =	vmpcnt.ones.xlane.b16 vm0  }
0x31b: {  	v16 =	vmpcnt.ones.xlane.b16 vm1;
	vm0 =	vlt.s16 v7, v6;
	v17 =	vld.idx.msk [tilespmem:v2+s26+$0xFFFFFFF0 ss:$0x1], $0xffff;
	v7 =	vadd.s32 v14, v13  }
0x31c: {  	v13 =	vmpcnt.ones.xlane.b16 vm0;
	vm0 =	vlt.s16 v8, v6;
	v14 =	vld.idx.msk [tilespmem:v2+s26+$0x0 ss:$0x1], $0xffff;
	v7 =	vadd.s32 v15, v7  }
0x31d: {  	v8 =	vmpcnt.ones.xlane.b16 vm0;
	vm0 =	vlt.s16 v9, v6;
	v7 =	vadd.s32 v7, v16;
	v16 =	vld.idx.msk [tilespmem:v2+s26+$0x10 ss:$0x1], $0xffff  }
0x31e: {  	v9 =	vadd.s32 v13, v7;
	v13 =	vmpcnt.ones.xlane.b16 vm0;
	vm0 =	vlt.s16 v10, v6;
	v7 =	vld.idx.msk [tilespmem:v2+s26+$0x20 ss:$0x1], $0xffff  }
.Ltmp11:
0x31f: {  	v9 =	vadd.s32 v8, v9;
	v10 =	vmpcnt.ones.xlane.b16 vm0;
	vm0 =	vlt.s16 v11, v6;
	v8 =	vld.idx.msk [tilespmem:v2+s26+$0x30 ss:$0x1], $0xffff;
	(pc) =	sbr.rel @p0 .LBB2_27-.Ltmp11, $4  }
0x320: {  	v11 =	vadd.s32 v13, v9;
	v13 =	vmpcnt.ones.xlane.b16 vm0;
	vm0 =	vlt.s16 v12, v6;
	v9 =	vld.idx.msk [tilespmem:v2+s26+$0x40 ss:$0x1], $0xffff  }
0x321: {  	v11 =	vadd.s32 v10, v11;
	v12 =	vmpcnt.ones.xlane.b16 vm0;
	vm0 =	vlt.s16 v17, v6;
	v10 =	vld.idx.msk [tilespmem:v2+s26+$0x50 ss:$0x1], $0xffff  }
0x322: {  	v15 =	vadd.s32 v13, v11;
	v13 =	vmpcnt.ones.xlane.b16 vm0;
	vm0 =	vlt.s16 v14, v6;
	v11 =	vld.idx.msk [tilespmem:v2+s26+$0x60 ss:$0x1], $0xffff  }
0x323: {  	v15 =	vadd.s32 v12, v15;
	v14 =	vmpcnt.ones.xlane.b16 vm0;
	vm0 =	vlt.s16 v16, v6;
	v12 =	vld.idx.msk [tilespmem:v2+s26+$0x70 ss:$0x1], $0xffff;
	s26 =	sshra.s32 s28, $0x2;
	s28 =	sadd.s32 $0x400, s28  }
0x324: {  	_ =	sdelay $0x2  }
0x325: {  	v13 =	vadd.s32 v13, v15;
	v32 =	vmpcnt.ones.xlane.b16 vm0;
	vm6 =	vlt.s16 v7, v6  }
0x326: {  	v7 =	vld.idx.msk [tilespmem:v2+s26+$0xFFFFFF80 ss:$0x1], $0xffff;
	vm7 =	vlt.s16 v8, v6;
	v13 =	vadd.s32 v14, v13;
	v33 =	vmpcnt.ones.xlane.b16 vm6  }
0x327: {  	v34 =	vld.idx.msk [tilespmem:v2+s26+$0xFFFFFF90 ss:$0x1], $0xffff;
	v35 =	vmpcnt.ones.xlane.b16 vm7;
	vm8 =	vlt.s16 v9, v6;
	v13 =	vadd.s32 v32, v13  }
0x328: {  	v36 =	vld.idx.msk [tilespmem:v2+s26+$0xFFFFFFA0 ss:$0x1], $0xffff;
	v37 =	vmpcnt.ones.xlane.b16 vm8;
	vm9 =	vlt.s16 v10, v6;
	v13 =	vadd.s32 v33, v13  }
0x329: {  	v38 =	vld.idx.msk [tilespmem:v2+s26+$0xFFFFFFB0 ss:$0x1], $0xffff;
	v39 =	vmpcnt.ones.xlane.b16 vm9;
	vm10 =	vlt.s16 v11, v6;
	v13 =	vadd.s32 v35, v13  }
0x32a: {  	v40 =	vld.idx.msk [tilespmem:v2+s26+$0xFFFFFFC0 ss:$0x1], $0xffff;
	v41 =	vmpcnt.ones.xlane.b16 vm10;
	vm11 =	vlt.s16 v12, v6;
	v13 =	vadd.s32 v37, v13  }
0x32b: {  	v42 =	vld.idx.msk [tilespmem:v2+s26+$0xFFFFFFD0 ss:$0x1], $0xffff;
	vm1 =	vlt.s16 v7, v6;
	v43 =	vmpcnt.ones.xlane.b16 vm11;
	v7 =	vadd.s32 v39, v13  }
0x32c: {  	v44 =	vld.idx.msk [tilespmem:v2+s26+$0xFFFFFFE0 ss:$0x1], $0xffff;
	vm12 =	vlt.s16 v34, v6;
	v16 =	vmpcnt.ones.xlane.b16 vm1;
	v7 =	vadd.s32 v41, v7  }
0x32d: {  	v45 =	vld.idx.msk [tilespmem:v2+s26+$0xFFFFFFF0 ss:$0x1], $0xffff;
	vm13 =	vlt.s16 v36, v6;
	v46 =	vmpcnt.ones.xlane.b16 vm12;
	v7 =	vadd.s32 v43, v7  }
0x32e: {  	v47 =	vld.idx.msk [tilespmem:v2+s26+$0x0 ss:$0x1], $0xffff;
	vm14 =	vlt.s16 v38, v6;
	v48 =	vmpcnt.ones.xlane.b16 vm13;
	v7 =	vadd.s32 v7, v16  }
0x32f: {  	v49 =	vld.idx.msk [tilespmem:v2+s26+$0x10 ss:$0x1], $0xffff;
	vm15 =	vlt.s16 v40, v6;
	v50 =	vmpcnt.ones.xlane.b16 vm14;
	v7 =	vadd.s32 v46, v7  }
0x330: {  	v51 =	vld.idx.msk [tilespmem:v2+s26+$0x20 ss:$0x1], $0xffff;
	vm4 =	vlt.s16 v42, v6;
	v52 =	vmpcnt.ones.xlane.b16 vm15;
	v7 =	vadd.s32 v48, v7  }
0x331: {  	v53 =	vld.idx.msk [tilespmem:v2+s26+$0x30 ss:$0x1], $0xffff;
	vm5 =	vlt.s16 v44, v6;
	v54 =	vmpcnt.ones.xlane.b16 vm4;
	v7 =	vadd.s32 v50, v7  }
0x332: {  	v55 =	vld.idx.msk [tilespmem:v2+s26+$0x40 ss:$0x1], $0xffff;
	vm6 =	vlt.s16 v45, v6;
	v56 =	vmpcnt.ones.xlane.b16 vm5;
	v7 =	vadd.s32 v52, v7  }
0x333: {  	v57 =	vld.idx.msk [tilespmem:v2+s26+$0x50 ss:$0x1], $0xffff;
	vm7 =	vlt.s16 v47, v6;
	v58 =	vmpcnt.ones.xlane.b16 vm6;
	v7 =	vadd.s32 v54, v7  }
0x334: {  	v59 =	vld.idx.msk [tilespmem:v2+s26+$0x60 ss:$0x1], $0xffff;
	vm8 =	vlt.s16 v49, v6;
	v60 =	vmpcnt.ones.xlane.b16 vm7;
	v7 =	vadd.s32 v56, v7  }
0x335: {  	v61 =	vld.idx.msk [tilespmem:v2+s26+$0x70 ss:$0x1], $0xffff;
	vm9 =	vlt.s16 v51, v6;
	v62 =	vmpcnt.ones.xlane.b16 vm8;
	v7 =	vadd.s32 v58, v7  }
0x336: {  	vm10 =	vlt.s16 v53, v6;
	v11 =	vmpcnt.ones.xlane.b16 vm9;
	v7 =	vadd.s32 v60, v7  }
0x337: {  	vm11 =	vlt.s16 v55, v6;
	v12 =	vmpcnt.ones.xlane.b16 vm10;
	v7 =	vadd.s32 v62, v7  }
0x338: {  	v63 =	vmpcnt.ones.xlane.b16 vm11;
	vm12 =	vlt.s16 v57, v6;
	v7 =	vadd.s32 v11, v7  }
0x339: {  	vm13 =	vlt.s16 v59, v6;
	v8 =	vmpcnt.ones.xlane.b16 vm12;
	v7 =	vadd.s32 v12, v7  }
0x33a: {  	s25 =	sadd.s32 $0x1, s25;
	vm14 =	vlt.s16 v61, v6;
	v9 =	vmpcnt.ones.xlane.b16 vm13;
	v7 =	vadd.s32 v63, v7  }
0x33b: {  	p0 =	sne.s32 s25, $0x10;
	v6 =	vadd.s32 v8, v7;
	v7 =	vmpcnt.ones.xlane.b16 vm14  }
.Ltmp12:
0x33c: {  	v6 =	vadd.s32 v9, v6;
	(pc) =	sbr.rel @p0 .LBB2_26-.Ltmp12, $4  }
0x33d: {  	v6 =	vadd.s32 v7, v6  }
0x33e: {  	v6 =	vadd.s32 v4, v6  }
0x33f: {  	vm15 =	vlt.s32 v6, $0x734  }
0x340: {  	v3 =	vsel vm15, v5, v3  }
0x341: {  	v1 =	vshll.u32 v1, $0x10  }
0x342: {  	v1 =	vor.u32 v1, v3  }
0x343: {  	[tilespmem:s21+$0x14000] =	vst.msk $0x1, v1;
	s21 =	sadd.s32 $0x1, s21  }
0x344: {  	p0 =	sne.s32 s21, $0x10  }
.Ltmp13:
0x345: {  	_ = 	snop;
	(pc) =	sbr.rel @p0 .LBB2_19-.Ltmp13, $2  }
0x346: {  	_ =	sdelay $0x2  }
0x347: {  	s23 =	sadd.s32 $0x400, s23;
	s22 =	sadd.s32 $0x800, s22;
	s24 =	sadd.s32 $0x400, s24  }
0x348: {  	s20 =	sor.u32 s9, s20  }
0x349: {  	s18 =	sadd.s32 $0x1, s18;
	s20 =	sshrl.u32 s20, $0x3  }
0x34a: {  	s19 =	smin.u32 s19, $0xC;
	p0 =	sne.s32 s18, $0x8;
	s20 =	sadd.s32 s4, s20  }
0x34b: {  	[hbm4b:s20+s3] =	stream.linear.scatter [tilespmem:s14], [sflag:$0x3], $0x10, $0x38;
	[tilespmem:$0x14080] =	vst v63  }
.Ltmp14:
0x34c: {  	s19 =	sshll.u32 s19, $0xF;
	(pc) =	sbr.rel @p0 .LBB2_2-.Ltmp14, $4  }
0x34d: {  	s19 =	sadd.s32 s19, s10;
	_ =	swait.ge [sflag:s15], $0x10  }
0x34e: {  	s19 =	sshrl.u32 s19, $0x3;
	[sflag:s15] =	ssyncset.done $0x0  }
0x34f: {  	s19 =	sadd.s32 s1, s19;
	[sflag:s15] =	ssyncadd.s32 $0xFFFFFFF0  }
0x350: {  	[tilespmem:s12], [sflag:$0x2] =	stream.linear.gather [hbm4b:s19+s3], $0x8000, $0x38;
	[tilespmem:$0x14080] =	vst v63  }
0x351: {  	s17 =	sadd.s32 $0x1, s17  }
0x352: {  	_ =	swait.ge [sflag:s13], $0x8000;
	p0 =	sne.s32 s17, s11  }
.Ltmp15:
0x353: {  	[sflag:s13] =	ssyncset.done $0x0;
	(pc) =	sbr.rel @p0 .LBB2_1-.Ltmp15, $4  }
0x354: {  	[sflag:s13] =	ssyncadd.s32 $0xFFFF8000  }
0x355: {  	_ =	swait.ge [sflag:s16], $0x8000  }
0x356: {  	[sflag:s16] =	ssyncset.done $0x0  }
0x357: {  	[sflag:s16] =	ssyncadd.s32 $0xFFFF8000  }
0x358: {  	_ =	sfence.sel $0x180000  }
0x359: {  	[bflag:$0x0] =	sbarrier.arrive $0xFFFF  }
0x35a: {  	p0 =	sne.s32 s2, $0x0;
	_ =	strace $0x9000004A  }
0x35b: {  	s0 =	sadd.s32 @!p0 $0x100000, s0;
	[bflag:$0x2] =	sbarrier.arrive $0xFFFF  }
0x35c: {  	[sflag:s0] =	ssyncadd.tile.s32 @!p0 $0x1;
	_ =	shalt  }
.Lfunc_end2:
_tile_overlayer_lowered:
.L_overlay_start_2:
0x35d: {  	(tag) =	ssettag $0x2  }
0x35e: {  	s0 =	rddreg [dreg:$0x0];
	s2 =	stileid.u32  }
0x35f: {  	s1 =	rddreg [dreg:$0x1];
	p0 =	sne.s32 s2, $0x0  }
0x360: {  	s3 =	rddreg [dreg:$0x2];
	[bflag:$0x3] =	sbarrier.arrive $0xFFFF;
	s2 =	simm.s32 @!p0 $0x1C03  }
0x361: {  	[timem:s3], [sflag:s2] =	dma.local @!p0 [hbm:s0], s1  }
0x362: {  	s0 =	simm.s32 @!p0 $0x3  }
0x363: {  	_ =	swait.ge @!p0 [sflag:s0], s1  }
0x364: {  	s1 =	ssub.s32 @!p0 $0x0, s1;
	[sflag:s0] =	ssyncset.done @!p0 $0x0  }
0x365: {  	[sflag:s0] =	ssyncadd.s32 @!p0 s1  }
0x366: {  	[bflag:$0x3] =	sbarrier.arrive $0xFFFF  }
0x367: {  	_ =	shalt  }

// kernel: sparse-core-data-format-call.cloned.1.call-start
scs
called_computation_lowered:
.L_overlay_start_0:
0x0: {  	s2 =	sld [smem:$0x3FD9]  }
0x1: {  	s3 =	sld [smem:$0x3FFE];
	_ =	sdelay $0x1  }
0x2: {  	s1 =	srdreg.scid  }
0x3: {  	s0 =	sand.u32 $0x1, s1  }
0x4: {  	s19 =	sshll.u32 s0, $0xA;
	s2 =	sadd.s32 s3, s2  }
0x5: {  	s2 =	sadd.s32 s2, s19  }
0x6: {  	[smem:$0x3FC7] =	sst s2  }
0x7: {  	_ = 	snop  }
0x8: {  	s2 =	sld [smem:$0x3FC9]  }
0x9: {  	s20 =	sld [smem:$0x3FD0];
	(tm) =	ssettm $0x1  }
0xa: {  	s4 =	sld [smem:$0x3FFB];
	_ =	sdelay $0x3  }
0xb: {  	_ =	strace s4  }
0xc: {  	s4 =	sld [smem:$0x3FFC];
	_ =	sdelay $0x3  }
0xd: {  	_ =	strace s4  }
0xe: {  	s4 =	sld [smem:$0x3FFD];
	_ =	sdelay $0x3  }
0xf: {  	_ =	strace s4  }
0x10: {  	_ =	strace $0x8FFFFFFF  }
0x11: {  	s21 =	sld [smem:$0x3FDB];
	_ =	sdelay $0x1  }
0x12: {  	s5 =	simm.s32 $_scs_section_size  }
0x13: {  	s6 =	simm.s32 $_size__tile_overlayer_lowered;
	s7 =	simm.s32 $_tile_overlayer_lowered  }
0x14: {  	s24 =	simm.s32 $0x1BFF;
	s23 =	sshll.u32 s7, $0x1;
	s4 =	sadd.s32 s5, s21  }
0x15: {  	s8 =	simm.s32 $0x0;
	s22 =	sshll.u32 s6, $0x1;
	s6 =	sadd.s32 s23, s4  }
0x16: {  	[timem:s8], [sflag:s24] =	dma.local [hbm:s6], s22  }
0x17: {  	_ =	swait.ge [sflag:s24], s22  }
0x18: {  	s5 =	ssub.s32 $0x0, s22;
	[sflag:s24] =	ssyncset.done $0x0  }
0x19: {  	[sflag:s24] =	ssyncadd.s32 s5;
	_ =	sdelay $0x1  }
0x1a: {  	s25 =	simm.s32 $0x1B8B  }
0x1b: {  	_ =	swait.ge [sflag:s25], $0x1  }
0x1c: {  	[sflag:s25] =	ssyncset.done $0x0  }
0x1d: {  	s26 =	simm.s32 $0x1B8E;
	[sflag:s25] =	ssyncadd.s32 $0xFFFFFFFF  }
0x1e: {  	s27 =	simm.s32 $execute0_lowered;
	[smem:$0x3FD2] =	sst s26  }
0x1f: {  	s5 =	sshll.u32 s27, $0x1;
	_ =	strace $0x80000046;
	[dreg:$0x1] =	wrdreg $0xFFFFFFFF  }
0x20: {  	s28 =	simm.s32 $_size_execute0_lowered;
	s4 =	sadd.s32 s4, s5;
	[dreg:$0x0] =	wrdreg $0x0  }
0x21: {  	s5 =	sshll.u32 s28, $0x1;
	[dreg:$0x2] =	wrdreg s4  }
0x22: {  	[dreg:$0x3] =	wrdreg s5  }
0x23: {  	[dreg:$0x4] =	wrdreg $0xC0  }
0x24: {  	_ =	task [dreg:s8], $0x5FFFF  }
0x25: {  	[dreg:$0x1] =	wrdreg $0xFFFFFFFF  }
0x26: {  	[dreg:$0x0] =	wrdreg $0x60  }
0x27: {  	[dreg:$0x2] =	wrdreg s2  }
0x28: {  	[dreg:$0x3] =	wrdreg s20  }
0x29: {  	[dreg:$0x4] =	wrdreg $0x9  }
0x2a: {  	_ =	task.clear_ibuf [dreg:s8], $0x5FFFF;
	_ =	strace $0x90000046  }
0x2b: {  	s29 =	simm.s32 $0x9;
	_ =	strace $0x80000048  }
0x2c: {  	_ =	swait.ge [sflag:s29], $0x1  }
0x2d: {  	[sflag:s29] =	ssyncadd.s32 $0xFFFFFFFF  }
0x2e: {  	_ =	strace $0x90000048  }
0x2f: {  	_ =	sfence  }
0x30: {  	s30 =	sld [smem:$0x0];
	_ =	sdelay $0x2  }
0x31: {  	s31 =	sshll.u32 s1, $0xD;
	s1 =	sshrl.u32 s1, $0x2  }
0x32: {  	s3 =	sand.u32 $0x4000, s31;
	s1 =	sadd.s32 s1, s30  }
0x33: {  	s0 =	sor.u32 s3, s0;
	s1 =	sshll.u32 s1, $0x11  }
0x34: {  	s0 =	sor.u32 s1, s0  }
0x35: {  	s0 =	sadd.s32 $0x8F2B, s0  }
0x36: {  	[sflag:s0] =	ssyncadd.remote.s32 $0x1  }
0x37: {  	_ =	sfence.sel $0xFFFF  }
0x38: {  	[dreg:$0x0] =	wrdreg $0xFFFFFFFF;
	(pc) =	sbr.abs _section_cstart, $3  }
0x39: {  	[dreg:$0x1] =	wrdreg $0xFFFFFFFF  }
0x3a: {  	_ =	task.clear_ibuf [dreg:s8], $0x2FFFF;
	_ =	strace $0x9FFFFFFF  }
0x3b: {  	(tm) =	ssettm $0x7FFFFFFF  }
tec
execute0_lowered:
.L_overlay_start_1:
0x0: {  	(tag) =	ssettag $0x1  }
0x1: {  	s2 =	rddreg [dreg:$0x0]  }
0x2: {  	s3 =	rddreg [dreg:$0x1]  }
0x3: {  	s0 =	rddreg [dreg:$0x2];
	s4 =	srdreg.scid  }
.Ltmp0:
0x4: {  	_ =	strace $0x80000047;
	s1 =	stileid.u32;
	(pc) =	sbr.rel .LBB1_1-.Ltmp0, $4  }
0x5: {  	s6 =	simm.s32 $0x2;
	p0 =	por $0x0, $0x0;
	s5 =	sshll.u32 s4, $0x4  }
0x6: {  	s9 =	simm.s32 $0x0;
	s4 =	simm.s32 $0x1;
	s5 =	sand.u32 $0x10, s5  }
0x7: {  	s7 =	simm.s32 $0x0;
	[sflag:s4] =	ssyncpa.u1 $0x0;
	s5 =	sor.u32 s1, s5  }
0x8: {  	[sflag:s6] =	ssyncpa.u1 $0x0;
	s6 =	simm.s32 $0x0;
	s8 =	smov.u32 s5  }
.LBB1_7:
0x9: {  	s11 =	sadd.s32 $0x20, s8  }
0xa: {  	p1 =	slt.u32 s7, $0x2;
	s7 =	sadd.s32 $0x1, s7;
	p2 =	sgt.s32 s11, $0x3FF  }
0xb: {  	s11 =	smov.u32 @p2 s5;
	p2 =	sne.s32 s7, $0x22  }
.Ltmp1:
0xc: {  	_ = 	snop;
	(pc) =	sbr.rel @!p2 .LBB1_8-.Ltmp1, $4  }
0xd: {  	s10 =	simm.s32 @!p1 $0x2  }
0xe: {  	_ =	swait.ge @!p1 [sflag:s10], $0x4000  }
0xf: {  	s9 =	smov.u32 s8;
	[sflag:s10] =	ssyncset.done @!p1 $0x0  }
0x10: {  	p0 =	por !p0, !p0;
	s8 =	smov.u32 s11;
	[sflag:s10] =	ssyncadd.s32 @!p1 $0xFFFFC000  }
.LBB1_1:
0x11: {  	p1 =	sgt.u32 s7, $0x1F  }
0x12: {  	s10 =	sxor.u32 @!p1 $0xFFFFFFFF, s7  }
0x13: {  	s11 =	sshll.u32 @!p1 s8, $0xB;
	s10 =	sshll.u32 @!p1 s10, $0xE  }
0x14: {  	s12 =	simm.s32 @!p1 $0x0;
	s11 =	sadd.s32 @!p1 s2, s11;
	s10 =	sand.u32 @!p1 $0x4000, s10  }
0x15: {  	[tilespmem:s10], [sflag:$0x1] =	stream.linear.gather @!p1 [hbm4b:s11+s12], $0x4000, $0x38;
	[tilespmem:$0x10000] =	vst v63  }
0x16: {  	p1 =	seq.s32 s7, $0x0  }
0x17: {  	p2 =	seq.s32 @!p1 s7, $0x21  }
0x18: {  	p1 =	por p1, p2  }
.Ltmp2:
0x19: {  	_ = 	snop;
	(pc) =	sbr.rel @p1 .LBB1_7-.Ltmp2, $1  }
0x1a: {  	_ =	sdelay $0x3  }
0x1b: {  	s10 =	simm.s32 $0x1;
	_ =	swait.ge [sflag:s4], $0x4000;
	s12 =	sshll.u32 s7, $0xE  }
0x1c: {  	s13 =	simm.s32 $0x0;
	s10 =	simm.s32 @!p0 $0x0;
	[sflag:s4] =	ssyncset.done $0x0  }
0x1d: {  	s12 =	sand.u32 $0x4000, s12;
	s11 =	sshll.u32 s10, $0xE;
	[sflag:s4] =	ssyncadd.s32 $0xFFFFC000  }
0x1e: {  	s12 =	sor.u32 $0x8000, s12;
	s10 =	sor.u32 $0x8040, s11;
	s11 =	sor.u32 $0x40, s11  }
.LBB1_3:
0x1f: {  	v0 =	vmov s11;
	_ =	sdelay $0x3  }
0x20: {  	s15 =	simm.s32 $0x0  }
0x21: {  	v6 =	vld.idx.msk [tilespmem:v0+s15+$0x30 ss:$0x1], $0xffff  }
0x22: {  	v7 =	vld.idx.msk [tilespmem:v0+s15+$0xFFFFFFC0 ss:$0x1], $0xffff  }
0x23: {  	v5 =	vld.idx.msk [tilespmem:v0+s15+$0xFFFFFFD0 ss:$0x1], $0xffff  }
0x24: {  	v4 =	vld.idx.msk [tilespmem:v0+s15+$0xFFFFFFE0 ss:$0x1], $0xffff  }
0x25: {  	v3 =	vld.idx.msk [tilespmem:v0+s15+$0xFFFFFFF0 ss:$0x1], $0xffff  }
0x26: {  	v1 =	vld.idx.msk [tilespmem:v0+s15+$0x0 ss:$0x1], $0xffff  }
0x27: {  	v2 =	vld.idx.msk [tilespmem:v0+s15+$0x10 ss:$0x1], $0xffff;
	[tilespmem:s10+$0x30] =	vst v6  }
0x28: {  	s14 =	simm.s32 $0x80;
	s16 =	simm.s32 $0x400;
	[tilespmem:s10+$0xFFFFFFC0] =	vst v7;
	v6 =	vld.idx.msk [tilespmem:v0+s15+$0x20 ss:$0x1], $0xffff;
	s15 =	smov.u32 s10  }
.LBB1_4:
0x29: {  	p1 =	sne.s32 s16, $0xE00;
	v7 =	vld.idx.msk [tilespmem:v0+s14+$0x30 ss:$0x1], $0xffff;
	[tilespmem:s15+$0xFFFFFFD0] =	vst v5  }
0x2a: {  	v8 =	vld.idx.msk [tilespmem:v0+s14+$0xFFFFFFC0 ss:$0x1], $0xffff;
	[tilespmem:s15+$0xFFFFFFE0] =	vst v4  }
0x2b: {  	v5 =	vld.idx.msk [tilespmem:v0+s14+$0xFFFFFFD0 ss:$0x1], $0xffff;
	[tilespmem:s15+$0xFFFFFFF0] =	vst v3  }
.Ltmp3:
0x2c: {  	v4 =	vld.idx.msk [tilespmem:v0+s14+$0xFFFFFFE0 ss:$0x1], $0xffff;
	[tilespmem:s15+$0x0] =	vst v1;
	(pc) =	sbr.rel @p1 .LBB1_4-.Ltmp3, $4  }
0x2d: {  	v3 =	vld.idx.msk [tilespmem:v0+s14+$0xFFFFFFF0 ss:$0x1], $0xffff;
	[tilespmem:s15+$0x10] =	vst v2  }
0x2e: {  	v1 =	vld.idx.msk [tilespmem:v0+s14+$0x0 ss:$0x1], $0xffff;
	[tilespmem:s15+$0x20] =	vst v6;
	s15 =	sadd.s32 $0x800, s15  }
0x2f: {  	v2 =	vld.idx.msk [tilespmem:v0+s14+$0x10 ss:$0x1], $0xffff;
	[tilespmem:s15+$0x30] =	vst v7  }
0x30: {  	[tilespmem:s15+$0xFFFFFFC0] =	vst v8;
	v6 =	vld.idx.msk [tilespmem:v0+s14+$0x20 ss:$0x1], $0xffff;
	s14 =	sshra.s32 s16, $0x2;
	s16 =	sadd.s32 $0x200, s16  }
0x31: {  	_ =	sdelay $0x2  }
0x32: {  	[tilespmem:s15+$0xFFFFFFD0] =	vst v5  }
0x33: {  	v56 =	vld.idx.msk [tilespmem:v0+s14+$0x30 ss:$0x1], $0xffff;
	[tilespmem:s15+$0xFFFFFFE0] =	vst v4  }
0x34: {  	v57 =	vld.idx.msk [tilespmem:v0+s14+$0xFFFFFFC0 ss:$0x1], $0xffff;
	[tilespmem:s15+$0xFFFFFFF0] =	vst v3  }
0x35: {  	v58 =	vld.idx.msk [tilespmem:v0+s14+$0xFFFFFFD0 ss:$0x1], $0xffff;
	[tilespmem:s15+$0x0] =	vst v1  }
0x36: {  	v59 =	vld.idx.msk [tilespmem:v0+s14+$0xFFFFFFE0 ss:$0x1], $0xffff;
	[tilespmem:s15+$0x10] =	vst v2  }
0x37: {  	v60 =	vld.idx.msk [tilespmem:v0+s14+$0xFFFFFFF0 ss:$0x1], $0xffff;
	s31 =	sadd.s32 $0x800, s15;
	[tilespmem:s15+$0x20] =	vst v6  }
0x38: {  	v61 =	vld.idx.msk [tilespmem:v0+s14+$0x0 ss:$0x1], $0xffff;
	[tilespmem:s31+$0x30] =	vst v56  }
0x39: {  	v62 =	vld.idx.msk [tilespmem:v0+s14+$0x10 ss:$0x1], $0xffff;
	s13 =	sadd.s32 $0x1, s13;
	[tilespmem:s31+$0xFFFFFFC0] =	vst v57  }
0x3a: {  	v63 =	vld.idx.msk [tilespmem:v0+s14+$0x20 ss:$0x1], $0xffff;
	p1 =	sne.s32 s13, $0x10;
	[tilespmem:s31+$0xFFFFFFD0] =	vst v58  }
.Ltmp4:
0x3b: {  	[tilespmem:s31+$0xFFFFFFE0] =	vst v59;
	(pc) =	sbr.rel @p1 .LBB1_3-.Ltmp4, $4  }
0x3c: {  	[tilespmem:s31+$0xFFFFFFF0] =	vst v60  }
0x3d: {  	[tilespmem:s31+$0x0] =	vst v61  }
0x3e: {  	[tilespmem:s31+$0x10] =	vst v62  }
0x3f: {  	s10 =	sadd.s32 $0x80, s10;
	s11 =	sadd.s32 $0x400, s11;
	[tilespmem:s31+$0x20] =	vst v63  }
.Ltmp5:
0x40: {  	(pc) =	sbr.rel .LBB1_7-.Ltmp5, $4  }
0x41: {  	_ = 	snop  }
0x42: {  	s9 =	sshll.u32 s9, $0xB  }
0x43: {  	s9 =	sadd.s32 s3, s9  }
0x44: {  	[hbm4b:s9+s6] =	stream.linear.scatter [tilespmem:s12], [sflag:$0x2], $0x4000, $0x38;
	[tilespmem:$0x10000] =	vst v63  }
.LBB1_8:
0x45: {  	_ =	sfence.sel $0x180000  }
0x46: {  	s2 =	simm.s32 $0x1;
	[bflag:$0x0] =	sbarrier.arrive $0xFFFF  }
0x47: {  	s31 =	simm.s32 $0x2;
	[sflag:s2] =	ssyncpa.u1 $0x1  }
0x48: {  	[sflag:s31] =	ssyncpa.u1 $0x1  }
0x49: {  	p0 =	sne.s32 s1, $0x0;
	_ =	strace $0x90000047  }
0x4a: {  	s0 =	sadd.s32 @!p0 $0x100000, s0;
	[bflag:$0x2] =	sbarrier.arrive $0xFFFF  }
0x4b: {  	[sflag:s0] =	ssyncadd.tile.s32 @!p0 $0x1;
	_ =	shalt  }
.Lfunc_end1:
_tile_overlayer_lowered:
.L_overlay_start_2:
0x4c: {  	(tag) =	ssettag $0x2  }
0x4d: {  	s0 =	rddreg [dreg:$0x0];
	s2 =	stileid.u32  }
0x4e: {  	s1 =	rddreg [dreg:$0x1];
	p0 =	sne.s32 s2, $0x0  }
0x4f: {  	s3 =	rddreg [dreg:$0x2];
	[bflag:$0x3] =	sbarrier.arrive $0xFFFF;
	s2 =	simm.s32 @!p0 $0x1C01  }
0x50: {  	[timem:s3], [sflag:s2] =	dma.local @!p0 [hbm:s0], s1  }
0x51: {  	s0 =	simm.s32 @!p0 $0x1  }
0x52: {  	_ =	swait.ge @!p0 [sflag:s0], s1  }
0x53: {  	s1 =	ssub.s32 @!p0 $0x0, s1;
	[sflag:s0] =	ssyncset.done @!p0 $0x0  }
0x54: {  	[sflag:s0] =	ssyncadd.s32 @!p0 s1  }
0x55: {  	[bflag:$0x3] =	sbarrier.arrive $0xFFFF  }
0x56: {  	_ =	shalt  }

</sc_bundles>
